<compile_context>
chip_gen: v7x
topology: tpu7x:2x2x1
jax: 0.10.2.dev20260603
libtpu: 0.0.44.dev20260713+nightly
codegen_flags: <defaults>
</compile_context>

<pallas_src>
import functools

import jax
import jax.numpy as jnp
from jax import lax
from jax.experimental import pallas as pl
from jax.experimental.pallas import tpu as pltpu
from jax.experimental.pallas import tpu_sc as plsc

N = 10000
K = 32
D = 128
L = 16
NC = 2
NS = 16
NW = NC * NS
NPW = (N + NW - 1) // NW
DJ = D // L
B = 8
NSTREAM = 4
BS = B // NSTREAM
NBUF = 2

P_LEN = 272


def _tec_kernel(nb_hbm, self_hbm, par_hbm, out_hbm,
                par_v, nb_buf, self_buf, pmat_v, w_v, out_v,
                nbsem0, nbsem1, ssem0, ssem1, osem0, osem1):
    nbsem = (nbsem0, nbsem1)
    ssem = (ssem0, ssem1)
    osem = (osem0, osem1)
    wid = lax.axis_index("c") * NS + lax.axis_index("s")
    base = wid * NPW
    count = jnp.minimum(NPW, N - base)
    nblk = (count + B - 1) >> 3
    last_s = base + count - B

    pltpu.sync_copy(par_hbm, par_v)
    wt = [par_v[pl.ds(j * L, L)] for j in range(DJ)]
    wh = [par_v[pl.ds(D + j * L, L)] for j in range(DJ)]
    tail = par_v[pl.ds(2 * D, L)]
    bt = tail[0]
    bh = tail[1]
    lanes = lax.iota(jnp.int32, L)

    def start_of(blk):
        return jnp.minimum(base + blk * B, last_s)

    def fetch(blk, b):
        s = start_of(blk)
        for q in range(NSTREAM):
            pltpu.async_copy(nb_hbm.at[pl.ds(s + q * BS, BS)],
                             nb_buf.at[b, pl.ds(q * BS, BS)], nbsem[b])
        pltpu.async_copy(self_hbm.at[pl.ds(s, B)], self_buf.at[b], ssem[b])

    def wait_fetch(blk, b):
        s = start_of(blk)
        for q in range(NSTREAM):
            pltpu.make_async_copy(nb_hbm.at[pl.ds(s + q * BS, BS)],
                                  nb_buf.at[b, pl.ds(q * BS, BS)],
                                  nbsem[b]).wait()
        pltpu.make_async_copy(self_hbm.at[pl.ds(s, B)], self_buf.at[b],
                              ssem[b]).wait()

    def drain_out(b):
        pltpu.make_async_copy(out_v.at[b], out_hbm.at[pl.ds(base, B)],
                              osem[b]).wait()

    for b in range(NBUF):
        fetch(b, b)

    def compute_block(b):
        @pl.loop(0, B)
        def _node(i):
            @pl.loop(0, K, unroll=4)
            def _logit(k):
                a0 = nb_buf[b, i, k, pl.ds(0, L)] * wt[0]
                a1 = nb_buf[b, i, k, pl.ds(L, L)] * wt[1]
                for j in range(2, DJ, 2):
                    a0 = a0 + nb_buf[b, i, k, pl.ds(j * L, L)] * wt[j]
                    a1 = a1 + nb_buf[b, i, k,
                                     pl.ds((j + 1) * L, L)] * wt[j + 1]
                pmat_v[i, k, :] = a0 + a1

            s0 = self_buf[b, i, 0, pl.ds(0, L)] * wh[0]
            s1 = self_buf[b, i, 0, pl.ds(L, L)] * wh[1]
            for j in range(2, DJ, 2):
                s0 = s0 + self_buf[b, i, 0, pl.ds(j * L, L)] * wh[j]
                s1 = s1 + self_buf[b, i, 0, pl.ds((j + 1) * L, L)] * wh[j + 1]
            c = jnp.sum(s0 + s1) + bh + bt

            irow = jnp.broadcast_to(i, (L,)).astype(jnp.int32)
            g0 = [None] * 4
            g1 = [None] * 4
            for l in range(L):
                col = jnp.full((L,), l, jnp.int32)
                t0 = plsc.load_gather(pmat_v, [irow, lanes, col])
                t1 = plsc.load_gather(pmat_v, [irow, lanes + L, col])
                if l < 4:
                    g0[l] = t0
                    g1[l] = t1
                else:
                    g0[l % 4] = g0[l % 4] + t0
                    g1[l % 4] = g1[l % 4] + t1
            att0 = (g0[0] + g0[1]) + (g0[2] + g0[3]) + c
            att1 = (g1[0] + g1[1]) + (g1[2] + g1[3]) + c

            att0 = jnp.where(att0 >= 0.0, att0, att0 * 0.2)
            att1 = jnp.where(att1 >= 0.0, att1, att1 * 0.2)
            m = jnp.max(jnp.maximum(att0, att1))
            e0 = jnp.exp(att0 - m)
            e1 = jnp.exp(att1 - m)
            ssum = jnp.broadcast_to(jnp.sum(e0 + e1), (L,))
            w_v[i, pl.ds(0, L)] = e0 / ssum
            w_v[i, pl.ds(L, L)] = e1 / ssum

            zeros = jnp.zeros((L,), jnp.float32)

            def wsum(k, out):
                wk = plsc.load_gather(w_v, [irow, jnp.broadcast_to(k, (L,))])
                return tuple(out[j] + wk * nb_buf[b, i, k, pl.ds(j * L, L)]
                             for j in range(DJ))

            out = lax.fori_loop(0, K, wsum, (zeros,) * DJ, unroll=4)
            for j in range(DJ):
                out_v[b, i, 0, pl.ds(j * L, L)] = out[j]

    @pl.loop(0, nblk, step=NBUF)
    def _blocks(g):
        for b in range(NBUF):
            blk = g + b

            @pl.when(blk < nblk)
            def _():
                s = start_of(blk)
                wait_fetch(blk, b)

                @pl.when(blk >= NBUF)
                def _():
                    drain_out(b)

                compute_block(b)

                @pl.when(blk + NBUF < nblk)
                def _():
                    fetch(blk + NBUF, b)

                pltpu.async_copy(out_v.at[b], out_hbm.at[pl.ds(s, B)],
                                 osem[b])

    for b in range(NBUF):
        @pl.when(nblk > b)
        def _():
            drain_out(b)


@jax.jit
def _sc_agg(neighbor_vectors, self_vector, params):
    mesh = plsc.VectorSubcoreMesh(core_axis_name="c", subcore_axis_name="s")
    f = pl.kernel(
        _tec_kernel,
        mesh=mesh,
        compiler_params=pltpu.CompilerParams(needs_layout_passes=False),
        out_type=jax.ShapeDtypeStruct((N, 1, D), jnp.float32),
        scratch_types=[
            pltpu.VMEM((P_LEN,), jnp.float32),
            pltpu.VMEM((NBUF, B, K, D), jnp.float32),
            pltpu.VMEM((NBUF, B, 1, D), jnp.float32),
            pltpu.VMEM((B, K, L), jnp.float32),
            pltpu.VMEM((B, K), jnp.float32),
            pltpu.VMEM((NBUF, B, 1, D), jnp.float32),
            pltpu.SemaphoreType.DMA,
            pltpu.SemaphoreType.DMA,
            pltpu.SemaphoreType.DMA,
            pltpu.SemaphoreType.DMA,
            pltpu.SemaphoreType.DMA,
            pltpu.SemaphoreType.DMA,
        ],
    )
    return f(neighbor_vectors, self_vector.reshape(N, 1, D),
             params).reshape(N, D)


def kernel(neighbor_vectors, self_vector, Wh, bh, Wt, bt):
    params = jnp.concatenate([
        Wt.reshape(-1), Wh.reshape(-1), bt.reshape(-1), bh.reshape(-1),
        jnp.zeros((P_LEN - 2 * D - 2,), jnp.float32),
    ])
    return _sc_agg(neighbor_vectors, self_vector, params)

# --- scband reference (transcript-rebuilt; emitter-appended) ---
"""Pipeline reference for scband-feat-aggregator-63419487092908 (READ-ONLY COPY).

The authoritative reference and input builder live on the scoring server;
editing this copy changes nothing except your own understanding.
"""

import jax, jax.numpy as jnp
import numpy as np

N = 10000
K = 32
D = 128

def setup_inputs(seed: int = 0) -> dict:
    key = jax.random.key(seed)
    k1, k2, k3, k4, k5, k6 = jax.random.split(key, 6)
    neighbor_vectors = jax.random.normal(k1, (N, K, D), dtype=jnp.float32)
    self_vector = jax.random.normal(k2, (N, D), dtype=jnp.float32)
    # nn.Linear(emb_size, 1) params: weight [1, D], bias [1]
    bound = 1.0 / np.sqrt(D)
    Wh = jax.random.uniform(k3, (1, D), dtype=jnp.float32, minval=-bound, maxval=bound)
    bh = jax.random.uniform(k4, (1,), dtype=jnp.float32, minval=-bound, maxval=bound)
    Wt = jax.random.uniform(k5, (1, D), dtype=jnp.float32, minval=-bound, maxval=bound)
    bt = jax.random.uniform(k6, (1,), dtype=jnp.float32, minval=-bound, maxval=bound)
    return {"neighbor_vectors": neighbor_vectors, "self_vector": self_vector,
            "Wh": Wh, "bh": bh, "Wt": Wt, "bt": bt}

def leaky_relu(x, slope=0.2):
    return jnp.where(x >= 0, x, slope * x)

def reference(neighbor_vectors, self_vector, Wh, bh, Wt, bt):
    # use_weight=False -> att_weight is identity
    sv = self_vector[:, None, :]                      # [N, 1, D]
    att_h = sv @ Wh.T + bh                            # [N, 1, 1]
    att_t = neighbor_vectors @ Wt.T + bt              # [N, K, 1]
    att = jnp.squeeze(att_h + att_t, axis=-1)         # [N, K]
    att = leaky_relu(att, 0.2)
    att = jax.nn.softmax(att, axis=-1)                # softmax over neighbors
    att = att[..., None]                              # [N, K, 1]
    output = jnp.sum(att * neighbor_vectors, axis=-2) # [N, D]
    return output

if __name__ == "__main__":
    import jax
    _d = setup_inputs()
    print(jax.jit(kernel)(*tuple(_d.values())))

</pallas_src>

<mosaic_0001>
#map = affine_map<(d0, d1) -> (0, 0, 0)>
#map1 = affine_map<(d0, d1) -> (0)>
module attributes {stable_mosaic.version = 14 : i64} {
  func.func @_tec_kernel(%arg0: i32, %arg1: i32, %arg2: memref<10000x32x128xf32, #tpu.memory_space<hbm>>, %arg3: memref<10000x1x128xf32, #tpu.memory_space<hbm>>, %arg4: memref<272xf32, #tpu.memory_space<hbm>>, %arg5: memref<10000x1x128xf32, #tpu.memory_space<hbm>>, %arg6: memref<272xf32, #tpu.memory_space<vmem>>, %arg7: memref<2x8x32x128xf32, #tpu.memory_space<vmem>>, %arg8: memref<2x8x1x128xf32, #tpu.memory_space<vmem>>, %arg9: memref<8x32x16xf32, #tpu.memory_space<vmem>>, %arg10: memref<8x32xf32, #tpu.memory_space<vmem>>, %arg11: memref<2x8x1x128xf32, #tpu.memory_space<vmem>>, %arg12: memref<!tpu.dma_semaphore, #tpu.memory_space<semaphore_mem>>, %arg13: memref<!tpu.dma_semaphore, #tpu.memory_space<semaphore_mem>>, %arg14: memref<!tpu.dma_semaphore, #tpu.memory_space<semaphore_mem>>, %arg15: memref<!tpu.dma_semaphore, #tpu.memory_space<semaphore_mem>>, %arg16: memref<!tpu.dma_semaphore, #tpu.memory_space<semaphore_mem>>, %arg17: memref<!tpu.dma_semaphore, #tpu.memory_space<semaphore_mem>>) attributes {dimension_semantics = [#tpu.dimension_semantics<core_parallel>, #tpu.dimension_semantics<subcore_parallel>], iteration_bounds = array<i64: 2, 16>, scalar_prefetch = 0 : i64, scratch_operands = 12 : i64, tpu.core_type = #tpu.core_type<sc_vector_subcore>, window_params = [{transform_indices = #map}, {transform_indices = #map}, {transform_indices = #map1}, {transform_indices = #map}]} {
    %mul3A = arith.constant 16 : i32
    %mul3A_0 = arith.muli %arg0, %mul3A : i32
    %add3A = arith.addi %mul3A_0, %arg1 : i32
    %mul3A_1 = arith.constant 313 : i32
    %mul3A_2 = arith.muli %add3A, %mul3A_1 : i32
    %sub3A = arith.constant 10000 : i32
    %sub3A_3 = arith.subi %sub3A, %mul3A_2 : i32
    %min3A = arith.constant 313 : i32
    %min3A_4 = arith.minsi %min3A, %sub3A_3 : i32
    %add3A_5 = arith.constant 8 : i32
    %add3A_6 = arith.addi %min3A_4, %add3A_5 : i32
    %sub3A_7 = arith.constant 1 : i32
    %sub3A_8 = arith.subi %add3A_6, %sub3A_7 : i32
    %shift_right_arithmetic3A = arith.constant 3 : i32
    %shift_right_arithmetic3A_9 = arith.shrsi %sub3A_8, %shift_right_arithmetic3A : i32
    %add3A_10 = arith.addi %mul3A_2, %min3A_4 : i32
    %sub3A_11 = arith.constant 8 : i32
    %sub3A_12 = arith.subi %add3A_10, %sub3A_11 : i32
    "tpu.region"() ({
      %run_scoped3A = tpu.sem_alloc : memref<!tpu.dma_semaphore, #tpu.memory_space<semaphore_mem>>
      tpu.enqueue_dma source(%arg4 : memref<272xf32, #tpu.memory_space<hbm>>) target(%arg6 : memref<272xf32, #tpu.memory_space<vmem>>) target_semaphore(%run_scoped3A : memref<!tpu.dma_semaphore, #tpu.memory_space<semaphore_mem>>)
      tpu.wait_dma2 semaphore(%run_scoped3A : memref<!tpu.dma_semaphore, #tpu.memory_space<semaphore_mem>>) src(%arg4 : memref<272xf32, #tpu.memory_space<hbm>>) dst(%arg6 : memref<272xf32, #tpu.memory_space<vmem>>)
      tpu.yield
    }) : () -> ()
    %get3A = arith.constant 0 : index
    %get3A_13 = tpu.vector_load %arg6[%get3A] {strides = array<i32>} : memref<272xf32, #tpu.memory_space<vmem>>, vector<16xf32>,
    %get3A_14 = arith.constant 16 : index
    %get3A_15 = tpu.vector_load %arg6[%get3A_14] {strides = array<i32>} : memref<272xf32, #tpu.memory_space<vmem>>, vector<16xf32>,
    %get3A_16 = arith.constant 32 : index
    %get3A_17 = tpu.vector_load %arg6[%get3A_16] {strides = array<i32>} : memref<272xf32, #tpu.memory_space<vmem>>, vector<16xf32>,
    %get3A_18 = arith.constant 48 : index
    %get3A_19 = tpu.vector_load %arg6[%get3A_18] {strides = array<i32>} : memref<272xf32, #tpu.memory_space<vmem>>, vector<16xf32>,
    %get3A_20 = arith.constant 64 : index
    %get3A_21 = tpu.vector_load %arg6[%get3A_20] {strides = array<i32>} : memref<272xf32, #tpu.memory_space<vmem>>, vector<16xf32>,
    %get3A_22 = arith.constant 80 : index
    %get3A_23 = tpu.vector_load %arg6[%get3A_22] {strides = array<i32>} : memref<272xf32, #tpu.memory_space<vmem>>, vector<16xf32>,
    %get3A_24 = arith.constant 96 : index
    %get3A_25 = tpu.vector_load %arg6[%get3A_24] {strides = array<i32>} : memref<272xf32, #tpu.memory_space<vmem>>, vector<16xf32>,
    %get3A_26 = arith.constant 112 : index
    %get3A_27 = tpu.vector_load %arg6[%get3A_26] {strides = array<i32>} : memref<272xf32, #tpu.memory_space<vmem>>, vector<16xf32>,
    %get3A_28 = arith.constant 128 : index
    %get3A_29 = tpu.vector_load %arg6[%get3A_28] {strides = array<i32>} : memref<272xf32, #tpu.memory_space<vmem>>, vector<16xf32>,
    %get3A_30 = arith.constant 144 : index
    %get3A_31 = tpu.vector_load %arg6[%get3A_30] {strides = array<i32>} : memref<272xf32, #tpu.memory_space<vmem>>, vector<16xf32>,
    %get3A_32 = arith.constant 160 : index
    %get3A_33 = tpu.vector_load %arg6[%get3A_32] {strides = array<i32>} : memref<272xf32, #tpu.memory_space<vmem>>, vector<16xf32>,
    %get3A_34 = arith.constant 176 : index
    %get3A_35 = tpu.vector_load %arg6[%get3A_34] {strides = array<i32>} : memref<272xf32, #tpu.memory_space<vmem>>, vector<16xf32>,
    %get3A_36 = arith.constant 192 : index
    %get3A_37 = tpu.vector_load %arg6[%get3A_36] {strides = array<i32>} : memref<272xf32, #tpu.memory_space<vmem>>, vector<16xf32>,
    %get3A_38 = arith.constant 208 : index
    %get3A_39 = tpu.vector_load %arg6[%get3A_38] {strides = array<i32>} : memref<272xf32, #tpu.memory_space<vmem>>, vector<16xf32>,
    %get3A_40 = arith.constant 224 : index
    %get3A_41 = tpu.vector_load %arg6[%get3A_40] {strides = array<i32>} : memref<272xf32, #tpu.memory_space<vmem>>, vector<16xf32>,
    %get3A_42 = arith.constant 240 : index
    %get3A_43 = tpu.vector_load %arg6[%get3A_42] {strides = array<i32>} : memref<272xf32, #tpu.memory_space<vmem>>, vector<16xf32>,
    %get3A_44 = arith.constant 256 : index
    %get3A_45 = tpu.vector_load %arg6[%get3A_44] {strides = array<i32>} : memref<272xf32, #tpu.memory_space<vmem>>, vector<16xf32>,
    %slice3A = vector.extract_strided_slice %get3A_45 {offsets = [0], sizes = [1], strides = [1]} : vector<16xf32> to vector<1xf32>
    %squeeze3A = vector.extract %slice3A[0] : f32 from vector<1xf32>
    %slice3A_46 = vector.extract_strided_slice %get3A_45 {offsets = [1], sizes = [1], strides = [1]} : vector<16xf32> to vector<1xf32>
    %squeeze3A_47 = vector.extract %slice3A_46[0] : f32 from vector<1xf32>
    %iota3A = tpu.iota {dimensions = array<i32: 0>} : vector<16xi32>
    %add3A_48 = arith.constant 0 : i32
    %add3A_49 = arith.addi %mul3A_2, %add3A_48 : i32
    %min3A_50 = arith.minsi %add3A_49, %sub3A_12 : i32
    %add3A_51 = arith.constant 0 : i32
    %add3A_52 = arith.addi %min3A_50, %add3A_51 : i32
    %dma_start3A = arith.constant 0 : i32
    %dma_start3A_53 = arith.constant 0 : i32
    %dma_start3A_54 = arith.constant 0 : i32
    %dma_start3A_55 = arith.constant 0 : i32
    %dma_start3A_56 = tpu.memref_slice %arg7[%dma_start3A, %dma_start3A_53, %dma_start3A_54, %dma_start3A_55] : memref<2x8x32x128xf32, #tpu.memory_space<vmem>> -> memref<1x2x32x128xf32, #tpu.memory_space<vmem>>
    %dma_start3A_57 = tpu.memref_squeeze %dma_start3A_56 : memref<1x2x32x128xf32, #tpu.memory_space<vmem>> -> memref<2x32x128xf32, #tpu.memory_space<vmem>>
    %dma_start3A_58 = arith.constant 0 : i32
    %dma_start3A_59 = arith.constant 0 : i32
    %dma_start3A_60 = tpu.memref_slice %arg2[%add3A_52, %dma_start3A_58, %dma_start3A_59] : memref<10000x32x128xf32, #tpu.memory_space<hbm>> -> memref<2x32x128xf32, #tpu.memory_space<hbm>>
    %dma_start3A_61 = arith.constant 0 : i32
    %dma_start3A_62 = arith.constant 0 : i32
    %dma_start3A_63 = arith.constant 0 : i32
    %dma_start3A_64 = tpu.memref_slice %arg7[%dma_start3A, %dma_start3A_61, %dma_start3A_62, %dma_start3A_63] : memref<2x8x32x128xf32, #tpu.memory_space<vmem>> -> memref<1x2x32x128xf32, #tpu.memory_space<vmem>>
    %dma_start3A_65 = tpu.memref_squeeze %dma_start3A_64 : memref<1x2x32x128xf32, #tpu.memory_space<vmem>> -> memref<2x32x128xf32, #tpu.memory_space<vmem>>
    %dma_start3A_66 = arith.constant 0 : i32
    %dma_start3A_67 = arith.constant 0 : i32
    %dma_start3A_68 = tpu.memref_slice %arg2[%add3A_52, %dma_start3A_66, %dma_start3A_67] : memref<10000x32x128xf32, #tpu.memory_space<hbm>> -> memref<2x32x128xf32, #tpu.memory_space<hbm>>
    tpu.enqueue_dma source(%dma_start3A_68 : memref<2x32x128xf32, #tpu.memory_space<hbm>>) target(%dma_start3A_65 : memref<2x32x128xf32, #tpu.memory_space<vmem>>) target_semaphore(%arg12 : memref<!tpu.dma_semaphore, #tpu.memory_space<semaphore_mem>>)
    %add3A_69 = arith.constant 2 : i32
    %add3A_70 = arith.addi %min3A_50, %add3A_69 : i32
    %dma_start3A_71 = arith.constant 0 : i32
    %dma_start3A_72 = arith.constant 2 : i32
    %dma_start3A_73 = arith.constant 0 : i32
    %dma_start3A_74 = arith.constant 0 : i32
    %dma_start3A_75 = tpu.memref_slice %arg7[%dma_start3A_71, %dma_start3A_72, %dma_start3A_73, %dma_start3A_74] : memref<2x8x32x128xf32, #tpu.memory_space<vmem>> -> memref<1x2x32x128xf32, #tpu.memory_space<vmem>>
    %dma_start3A_76 = tpu.memref_squeeze %dma_start3A_75 : memref<1x2x32x128xf32, #tpu.memory_space<vmem>> -> memref<2x32x128xf32, #tpu.memory_space<vmem>>
    %dma_start3A_77 = arith.constant 0 : i32
    %dma_start3A_78 = arith.constant 0 : i32
    %dma_start3A_79 = tpu.memref_slice %arg2[%add3A_70, %dma_start3A_77, %dma_start3A_78] : memref<10000x32x128xf32, #tpu.memory_space<hbm>> -> memref<2x32x128xf32, #tpu.memory_space<hbm>>
    %dma_start3A_80 = arith.constant 2 : i32
    %dma_start3A_81 = arith.constant 0 : i32
    %dma_start3A_82 = arith.constant 0 : i32
    %dma_start3A_83 = tpu.memref_slice %arg7[%dma_start3A_71, %dma_start3A_80, %dma_start3A_81, %dma_start3A_82] : memref<2x8x32x128xf32, #tpu.memory_space<vmem>> -> memref<1x2x32x128xf32, #tpu.memory_space<vmem>>
    %dma_start3A_84 = tpu.memref_squeeze %dma_start3A_83 : memref<1x2x32x128xf32, #tpu.memory_space<vmem>> -> memref<2x32x128xf32, #tpu.memory_space<vmem>>
    %dma_start3A_85 = arith.constant 0 : i32
    %dma_start3A_86 = arith.constant 0 : i32
    %dma_start3A_87 = tpu.memref_slice %arg2[%add3A_70, %dma_start3A_85, %dma_start3A_86] : memref<10000x32x128xf32, #tpu.memory_space<hbm>> -> memref<2x32x128xf32, #tpu.memory_space<hbm>>
    tpu.enqueue_dma source(%dma_start3A_87 : memref<2x32x128xf32, #tpu.memory_space<hbm>>) target(%dma_start3A_84 : memref<2x32x128xf32, #tpu.memory_space<vmem>>) target_semaphore(%arg12 : memref<!tpu.dma_semaphore, #tpu.memory_space<semaphore_mem>>)
    %add3A_88 = arith.constant 4 : i32
    %add3A_89 = arith.addi %min3A_50, %add3A_88 : i32
    %dma_start3A_90 = arith.constant 0 : i32
    %dma_start3A_91 = arith.constant 4 : i32
    %dma_start3A_92 = arith.constant 0 : i32
    %dma_start3A_93 = arith.constant 0 : i32
    %dma_start3A_94 = tpu.memref_slice %arg7[%dma_start3A_90, %dma_start3A_91, %dma_start3A_92, %dma_start3A_93] : memref<2x8x32x128xf32, #tpu.memory_space<vmem>> -> memref<1x2x32x128xf32, #tpu.memory_space<vmem>>
    %dma_start3A_95 = tpu.memref_squeeze %dma_start3A_94 : memref<1x2x32x128xf32, #tpu.memory_space<vmem>> -> memref<2x32x128xf32, #tpu.memory_space<vmem>>
    %dma_start3A_96 = arith.constant 0 : i32
    %dma_start3A_97 = arith.constant 0 : i32
    %dma_start3A_98 = tpu.memref_slice %arg2[%add3A_89, %dma_start3A_96, %dma_start3A_97] : memref<10000x32x128xf32, #tpu.memory_space<hbm>> -> memref<2x32x128xf32, #tpu.memory_space<hbm>>
    %dma_start3A_99 = arith.constant 4 : i32
    %dma_start3A_100 = arith.constant 0 : i32
    %dma_start3A_101 = arith.constant 0 : i32
    %dma_start3A_102 = tpu.memref_slice %arg7[%dma_start3A_90, %dma_start3A_99, %dma_start3A_100, %dma_start3A_101] : memref<2x8x32x128xf32, #tpu.memory_space<vmem>> -> memref<1x2x32x128xf32, #tpu.memory_space<vmem>>
    %dma_start3A_103 = tpu.memref_squeeze %dma_start3A_102 : memref<1x2x32x128xf32, #tpu.memory_space<vmem>> -> memref<2x32x128xf32, #tpu.memory_space<vmem>>
    %dma_start3A_104 = arith.constant 0 : i32
    %dma_start3A_105 = arith.constant 0 : i32
    %dma_start3A_106 = tpu.memref_slice %arg2[%add3A_89, %dma_start3A_104, %dma_start3A_105] : memref<10000x32x128xf32, #tpu.memory_space<hbm>> -> memref<2x32x128xf32, #tpu.memory_space<hbm>>
    tpu.enqueue_dma source(%dma_start3A_106 : memref<2x32x128xf32, #tpu.memory_space<hbm>>) target(%dma_start3A_103 : memref<2x32x128xf32, #tpu.memory_space<vmem>>) target_semaphore(%arg12 : memref<!tpu.dma_semaphore, #tpu.memory_space<semaphore_mem>>)
    %add3A_107 = arith.constant 6 : i32
    %add3A_108 = arith.addi %min3A_50, %add3A_107 : i32
    %dma_start3A_109 = arith.constant 0 : i32
    %dma_start3A_110 = arith.constant 6 : i32
    %dma_start3A_111 = arith.constant 0 : i32
    %dma_start3A_112 = arith.constant 0 : i32
    %dma_start3A_113 = tpu.memref_slice %arg7[%dma_start3A_109, %dma_start3A_110, %dma_start3A_111, %dma_start3A_112] : memref<2x8x32x128xf32, #tpu.memory_space<vmem>> -> memref<1x2x32x128xf32, #tpu.memory_space<vmem>>
    %dma_start3A_114 = tpu.memref_squeeze %dma_start3A_113 : memref<1x2x32x128xf32, #tpu.memory_space<vmem>> -> memref<2x32x128xf32, #tpu.memory_space<vmem>>
    %dma_start3A_115 = arith.constant 0 : i32
    %dma_start3A_116 = arith.constant 0 : i32
    %dma_start3A_117 = tpu.memref_slice %arg2[%add3A_108, %dma_start3A_115, %dma_start3A_116] : memref<10000x32x128xf32, #tpu.memory_space<hbm>> -> memref<2x32x128xf32, #tpu.memory_space<hbm>>
    %dma_start3A_118 = arith.constant 6 : i32
    %dma_start3A_119 = arith.constant 0 : i32
    %dma_start3A_120 = arith.constant 0 : i32
    %dma_start3A_121 = tpu.memref_slice %arg7[%dma_start3A_109, %dma_start3A_118, %dma_start3A_119, %dma_start3A_120] : memref<2x8x32x128xf32, #tpu.memory_space<vmem>> -> memref<1x2x32x128xf32, #tpu.memory_space<vmem>>
    %dma_start3A_122 = tpu.memref_squeeze %dma_start3A_121 : memref<1x2x32x128xf32, #tpu.memory_space<vmem>> -> memref<2x32x128xf32, #tpu.memory_space<vmem>>
    %dma_start3A_123 = arith.constant 0 : i32
    %dma_start3A_124 = arith.constant 0 : i32
    %dma_start3A_125 = tpu.memref_slice %arg2[%add3A_108, %dma_start3A_123, %dma_start3A_124] : memref<10000x32x128xf32, #tpu.memory_space<hbm>> -> memref<2x32x128xf32, #tpu.memory_space<hbm>>
    tpu.enqueue_dma source(%dma_start3A_125 : memref<2x32x128xf32, #tpu.memory_space<hbm>>) target(%dma_start3A_122 : memref<2x32x128xf32, #tpu.memory_space<vmem>>) target_semaphore(%arg12 : memref<!tpu.dma_semaphore, #tpu.memory_space<semaphore_mem>>)
    %dma_start3A_126 = arith.constant 0 : i32
    %dma_start3A_127 = arith.constant 0 : i32
    %dma_start3A_128 = arith.constant 0 : i32
    %dma_start3A_129 = arith.constant 0 : i32
    %dma_start3A_130 = tpu.memref_slice %arg8[%dma_start3A_126, %dma_start3A_127, %dma_start3A_128, %dma_start3A_129] : memref<2x8x1x128xf32, #tpu.memory_space<vmem>> -> memref<1x8x1x128xf32, #tpu.memory_space<vmem>>
    %dma_start3A_131 = tpu.memref_squeeze %dma_start3A_130 : memref<1x8x1x128xf32, #tpu.memory_space<vmem>> -> memref<8x1x128xf32, #tpu.memory_space<vmem>>
    %dma_start3A_132 = arith.constant 0 : i32
    %dma_start3A_133 = arith.constant 0 : i32
    %dma_start3A_134 = tpu.memref_slice %arg3[%min3A_50, %dma_start3A_132, %dma_start3A_133] : memref<10000x1x128xf32, #tpu.memory_space<hbm>> -> memref<8x1x128xf32, #tpu.memory_space<hbm>>
    %dma_start3A_135 = arith.constant 0 : i32
    %dma_start3A_136 = arith.constant 0 : i32
    %dma_start3A_137 = arith.constant 0 : i32
    %dma_start3A_138 = tpu.memref_slice %arg8[%dma_start3A_126, %dma_start3A_135, %dma_start3A_136, %dma_start3A_137] : memref<2x8x1x128xf32, #tpu.memory_space<vmem>> -> memref<1x8x1x128xf32, #tpu.memory_space<vmem>>
    %dma_start3A_139 = tpu.memref_squeeze %dma_start3A_138 : memref<1x8x1x128xf32, #tpu.memory_space<vmem>> -> memref<8x1x128xf32, #tpu.memory_space<vmem>>
    %dma_start3A_140 = arith.constant 0 : i32
    %dma_start3A_141 = arith.constant 0 : i32
    %dma_start3A_142 = tpu.memref_slice %arg3[%min3A_50, %dma_start3A_140, %dma_start3A_141] : memref<10000x1x128xf32, #tpu.memory_space<hbm>> -> memref<8x1x128xf32, #tpu.memory_space<hbm>>
    tpu.enqueue_dma source(%dma_start3A_142 : memref<8x1x128xf32, #tpu.memory_space<hbm>>) target(%dma_start3A_139 : memref<8x1x128xf32, #tpu.memory_space<vmem>>) target_semaphore(%arg14 : memref<!tpu.dma_semaphore, #tpu.memory_space<semaphore_mem>>)
    %add3A_143 = arith.constant 8 : i32
    %add3A_144 = arith.addi %mul3A_2, %add3A_143 : i32
    %min3A_145 = arith.minsi %add3A_144, %sub3A_12 : i32
    %add3A_146 = arith.constant 0 : i32
    %add3A_147 = arith.addi %min3A_145, %add3A_146 : i32
    %dma_start3A_148 = arith.constant 1 : i32
    %dma_start3A_149 = arith.constant 0 : i32
    %dma_start3A_150 = arith.constant 0 : i32
    %dma_start3A_151 = arith.constant 0 : i32
    %dma_start3A_152 = tpu.memref_slice %arg7[%dma_start3A_148, %dma_start3A_149, %dma_start3A_150, %dma_start3A_151] : memref<2x8x32x128xf32, #tpu.memory_space<vmem>> -> memref<1x2x32x128xf32, #tpu.memory_space<vmem>>
    %dma_start3A_153 = tpu.memref_squeeze %dma_start3A_152 : memref<1x2x32x128xf32, #tpu.memory_space<vmem>> -> memref<2x32x128xf32, #tpu.memory_space<vmem>>
    %dma_start3A_154 = arith.constant 0 : i32
    %dma_start3A_155 = arith.constant 0 : i32
    %dma_start3A_156 = tpu.memref_slice %arg2[%add3A_147, %dma_start3A_154, %dma_start3A_155] : memref<10000x32x128xf32, #tpu.memory_space<hbm>> -> memref<2x32x128xf32, #tpu.memory_space<hbm>>
    %dma_start3A_157 = arith.constant 0 : i32
    %dma_start3A_158 = arith.constant 0 : i32
    %dma_start3A_159 = arith.constant 0 : i32
    %dma_start3A_160 = tpu.memref_slice %arg7[%dma_start3A_148, %dma_start3A_157, %dma_start3A_158, %dma_start3A_159] : memref<2x8x32x128xf32, #tpu.memory_space<vmem>> -> memref<1x2x32x128xf32, #tpu.memory_space<vmem>>
    %dma_start3A_161 = tpu.memref_squeeze %dma_start3A_160 : memref<1x2x32x128xf32, #tpu.memory_space<vmem>> -> memref<2x32x128xf32, #tpu.memory_space<vmem>>
    %dma_start3A_162 = arith.constant 0 : i32
    %dma_start3A_163 = arith.constant 0 : i32
    %dma_start3A_164 = tpu.memref_slice %arg2[%add3A_147, %dma_start3A_162, %dma_start3A_163] : memref<10000x32x128xf32, #tpu.memory_space<hbm>> -> memref<2x32x128xf32, #tpu.memory_space<hbm>>
    tpu.enqueue_dma source(%dma_start3A_164 : memref<2x32x128xf32, #tpu.memory_space<hbm>>) target(%dma_start3A_161 : memref<2x32x128xf32, #tpu.memory_space<vmem>>) target_semaphore(%arg13 : memref<!tpu.dma_semaphore, #tpu.memory_space<semaphore_mem>>)
    %add3A_165 = arith.constant 2 : i32
    %add3A_166 = arith.addi %min3A_145, %add3A_165 : i32
    %dma_start3A_167 = arith.constant 1 : i32
    %dma_start3A_168 = arith.constant 2 : i32
    %dma_start3A_169 = arith.constant 0 : i32
    %dma_start3A_170 = arith.constant 0 : i32
    %dma_start3A_171 = tpu.memref_slice %arg7[%dma_start3A_167, %dma_start3A_168, %dma_start3A_169, %dma_start3A_170] : memref<2x8x32x128xf32, #tpu.memory_space<vmem>> -> memref<1x2x32x128xf32, #tpu.memory_space<vmem>>
    %dma_start3A_172 = tpu.memref_squeeze %dma_start3A_171 : memref<1x2x32x128xf32, #tpu.memory_space<vmem>> -> memref<2x32x128xf32, #tpu.memory_space<vmem>>
    %dma_start3A_173 = arith.constant 0 : i32
    %dma_start3A_174 = arith.constant 0 : i32
    %dma_start3A_175 = tpu.memref_slice %arg2[%add3A_166, %dma_start3A_173, %dma_start3A_174] : memref<10000x32x128xf32, #tpu.memory_space<hbm>> -> memref<2x32x128xf32, #tpu.memory_space<hbm>>
    %dma_start3A_176 = arith.constant 2 : i32
    %dma_start3A_177 = arith.constant 0 : i32
    %dma_start3A_178 = arith.constant 0 : i32
    %dma_start3A_179 = tpu.memref_slice %arg7[%dma_start3A_167, %dma_start3A_176, %dma_start3A_177, %dma_start3A_178] : memref<2x8x32x128xf32, #tpu.memory_space<vmem>> -> memref<1x2x32x128xf32, #tpu.memory_space<vmem>>
    %dma_start3A_180 = tpu.memref_squeeze %dma_start3A_179 : memref<1x2x32x128xf32, #tpu.memory_space<vmem>> -> memref<2x32x128xf32, #tpu.memory_space<vmem>>
    %dma_start3A_181 = arith.constant 0 : i32
    %dma_start3A_182 = arith.constant 0 : i32
    %dma_start3A_183 = tpu.memref_slice %arg2[%add3A_166, %dma_start3A_181, %dma_start3A_182] : memref<10000x32x128xf32, #tpu.memory_space<hbm>> -> memref<2x32x128xf32, #tpu.memory_space<hbm>>
    tpu.enqueue_dma source(%dma_start3A_183 : memref<2x32x128xf32, #tpu.memory_space<hbm>>) target(%dma_start3A_180 : memref<2x32x128xf32, #tpu.memory_space<vmem>>) target_semaphore(%arg13 : memref<!tpu.dma_semaphore, #tpu.memory_space<semaphore_mem>>)
    %add3A_184 = arith.constant 4 : i32
    %add3A_185 = arith.addi %min3A_145, %add3A_184 : i32
    %dma_start3A_186 = arith.constant 1 : i32
    %dma_start3A_187 = arith.constant 4 : i32
    %dma_start3A_188 = arith.constant 0 : i32
    %dma_start3A_189 = arith.constant 0 : i32
    %dma_start3A_190 = tpu.memref_slice %arg7[%dma_start3A_186, %dma_start3A_187, %dma_start3A_188, %dma_start3A_189] : memref<2x8x32x128xf32, #tpu.memory_space<vmem>> -> memref<1x2x32x128xf32, #tpu.memory_space<vmem>>
    %dma_start3A_191 = tpu.memref_squeeze %dma_start3A_190 : memref<1x2x32x128xf32, #tpu.memory_space<vmem>> -> memref<2x32x128xf32, #tpu.memory_space<vmem>>
    %dma_start3A_192 = arith.constant 0 : i32
    %dma_start3A_193 = arith.constant 0 : i32
    %dma_start3A_194 = tpu.memref_slice %arg2[%add3A_185, %dma_start3A_192, %dma_start3A_193] : memref<10000x32x128xf32, #tpu.memory_space<hbm>> -> memref<2x32x128xf32, #tpu.memory_space<hbm>>
    %dma_start3A_195 = arith.constant 4 : i32
    %dma_start3A_196 = arith.constant 0 : i32
    %dma_start3A_197 = arith.constant 0 : i32
    %dma_start3A_198 = tpu.memref_slice %arg7[%dma_start3A_186, %dma_start3A_195, %dma_start3A_196, %dma_start3A_197] : memref<2x8x32x128xf32, #tpu.memory_space<vmem>> -> memref<1x2x32x128xf32, #tpu.memory_space<vmem>>
    %dma_start3A_199 = tpu.memref_squeeze %dma_start3A_198 : memref<1x2x32x128xf32, #tpu.memory_space<vmem>> -> memref<2x32x128xf32, #tpu.memory_space<vmem>>
    %dma_start3A_200 = arith.constant 0 : i32
    %dma_start3A_201 = arith.constant 0 : i32
    %dma_start3A_202 = tpu.memref_slice %arg2[%add3A_185, %dma_start3A_200, %dma_start3A_201] : memref<10000x32x128xf32, #tpu.memory_space<hbm>> -> memref<2x32x128xf32, #tpu.memory_space<hbm>>
    tpu.enqueue_dma source(%dma_start3A_202 : memref<2x32x128xf32, #tpu.memory_space<hbm>>) target(%dma_start3A_199 : memref<2x32x128xf32, #tpu.memory_space<vmem>>) target_semaphore(%arg13 : memref<!tpu.dma_semaphore, #tpu.memory_space<semaphore_mem>>)
    %add3A_203 = arith.constant 6 : i32
    %add3A_204 = arith.addi %min3A_145, %add3A_203 : i32
    %dma_start3A_205 = arith.constant 1 : i32
    %dma_start3A_206 = arith.constant 6 : i32
    %dma_start3A_207 = arith.constant 0 : i32
    %dma_start3A_208 = arith.constant 0 : i32
    %dma_start3A_209 = tpu.memref_slice %arg7[%dma_start3A_205, %dma_start3A_206, %dma_start3A_207, %dma_start3A_208] : memref<2x8x32x128xf32, #tpu.memory_space<vmem>> -> memref<1x2x32x128xf32, #tpu.memory_space<vmem>>
    %dma_start3A_210 = tpu.memref_squeeze %dma_start3A_209 : memref<1x2x32x128xf32, #tpu.memory_space<vmem>> -> memref<2x32x128xf32, #tpu.memory_space<vmem>>
    %dma_start3A_211 = arith.constant 0 : i32
    %dma_start3A_212 = arith.constant 0 : i32
    %dma_start3A_213 = tpu.memref_slice %arg2[%add3A_204, %dma_start3A_211, %dma_start3A_212] : memref<10000x32x128xf32, #tpu.memory_space<hbm>> -> memref<2x32x128xf32, #tpu.memory_space<hbm>>
    %dma_start3A_214 = arith.constant 6 : i32
    %dma_start3A_215 = arith.constant 0 : i32
    %dma_start3A_216 = arith.constant 0 : i32
    %dma_start3A_217 = tpu.memref_slice %arg7[%dma_start3A_205, %dma_start3A_214, %dma_start3A_215, %dma_start3A_216] : memref<2x8x32x128xf32, #tpu.memory_space<vmem>> -> memref<1x2x32x128xf32, #tpu.memory_space<vmem>>
    %dma_start3A_218 = tpu.memref_squeeze %dma_start3A_217 : memref<1x2x32x128xf32, #tpu.memory_space<vmem>> -> memref<2x32x128xf32, #tpu.memory_space<vmem>>
    %dma_start3A_219 = arith.constant 0 : i32
    %dma_start3A_220 = arith.constant 0 : i32
    %dma_start3A_221 = tpu.memref_slice %arg2[%add3A_204, %dma_start3A_219, %dma_start3A_220] : memref<10000x32x128xf32, #tpu.memory_space<hbm>> -> memref<2x32x128xf32, #tpu.memory_space<hbm>>
    tpu.enqueue_dma source(%dma_start3A_221 : memref<2x32x128xf32, #tpu.memory_space<hbm>>) target(%dma_start3A_218 : memref<2x32x128xf32, #tpu.memory_space<vmem>>) target_semaphore(%arg13 : memref<!tpu.dma_semaphore, #tpu.memory_space<semaphore_mem>>)
    %dma_start3A_222 = arith.constant 1 : i32
    %dma_start3A_223 = arith.constant 0 : i32
    %dma_start3A_224 = arith.constant 0 : i32
    %dma_start3A_225 = arith.constant 0 : i32
    %dma_start3A_226 = tpu.memref_slice %arg8[%dma_start3A_222, %dma_start3A_223, %dma_start3A_224, %dma_start3A_225] : memref<2x8x1x128xf32, #tpu.memory_space<vmem>> -> memref<1x8x1x128xf32, #tpu.memory_space<vmem>>
    %dma_start3A_227 = tpu.memref_squeeze %dma_start3A_226 : memref<1x8x1x128xf32, #tpu.memory_space<vmem>> -> memref<8x1x128xf32, #tpu.memory_space<vmem>>
    %dma_start3A_228 = arith.constant 0 : i32
    %dma_start3A_229 = arith.constant 0 : i32
    %dma_start3A_230 = tpu.memref_slice %arg3[%min3A_145, %dma_start3A_228, %dma_start3A_229] : memref<10000x1x128xf32, #tpu.memory_space<hbm>> -> memref<8x1x128xf32, #tpu.memory_space<hbm>>
    %dma_start3A_231 = arith.constant 0 : i32
    %dma_start3A_232 = arith.constant 0 : i32
    %dma_start3A_233 = arith.constant 0 : i32
    %dma_start3A_234 = tpu.memref_slice %arg8[%dma_start3A_222, %dma_start3A_231, %dma_start3A_232, %dma_start3A_233] : memref<2x8x1x128xf32, #tpu.memory_space<vmem>> -> memref<1x8x1x128xf32, #tpu.memory_space<vmem>>
    %dma_start3A_235 = tpu.memref_squeeze %dma_start3A_234 : memref<1x8x1x128xf32, #tpu.memory_space<vmem>> -> memref<8x1x128xf32, #tpu.memory_space<vmem>>
    %dma_start3A_236 = arith.constant 0 : i32
    %dma_start3A_237 = arith.constant 0 : i32
    %dma_start3A_238 = tpu.memref_slice %arg3[%min3A_145, %dma_start3A_236, %dma_start3A_237] : memref<10000x1x128xf32, #tpu.memory_space<hbm>> -> memref<8x1x128xf32, #tpu.memory_space<hbm>>
    tpu.enqueue_dma source(%dma_start3A_238 : memref<8x1x128xf32, #tpu.memory_space<hbm>>) target(%dma_start3A_235 : memref<8x1x128xf32, #tpu.memory_space<vmem>>) target_semaphore(%arg15 : memref<!tpu.dma_semaphore, #tpu.memory_space<semaphore_mem>>)
    %sub3A_239 = arith.constant 0 : i32
    %sub3A_240 = arith.subi %shift_right_arithmetic3A_9, %sub3A_239 : i32
    %sub3A_241 = arith.constant 2 : i32
    %sub3A_242 = arith.constant 1 : i32
    %sub3A_243 = arith.subi %sub3A_241, %sub3A_242 : i32
    %add3A_244 = arith.addi %sub3A_240, %sub3A_243 : i32
    %div3A = arith.constant 2 : i32
    %div3A_245 = arith.divsi %add3A_244, %div3A : i32
    %while3A = arith.constant 2 : i32
    %while3A_246 = arith.constant 0 : i32
    %while3A_247 = arith.constant 0 : i32
    %while3A_248 = arith.subi %div3A_245, %while3A_247 : i32
    %while3A_249 = arith.addi %while3A_247, %while3A_248 : i32
    %while3A_250 = arith.constant 1 : i32
    %while3A_251 = arith.divsi %while3A_248, %while3A_250 : i32
    %while3A_252 = arith.muli %while3A_251, %while3A_250 : i32
    %while3A_253 = arith.addi %while3A_247, %while3A_252 : i32
    %while3A_254 = arith.constant 1 : i32
    scf.for %while3A_263 = %while3A_247 to %while3A_253 step %while3A_254  : i32 {
      %mul3A_264 = arith.muli %while3A_263, %while3A : i32
      %add3A_265 = arith.addi %while3A_246, %mul3A_264 : i32
      %add3A_266 = arith.constant 0 : i32
      %add3A_267 = arith.addi %add3A_265, %add3A_266 : i32
      %lt3A = arith.cmpi slt, %add3A_267, %shift_right_arithmetic3A_9 : i32
      %convert_element_type3A_268 = arith.extui %lt3A : i1 to i32
      %cond3A_269 = arith.constant 0 : i32
      %cond3A_270 = arith.cmpi ne, %convert_element_type3A_268, %cond3A_269 : i32
      scf.if %cond3A_270 {
        %mul3A_277 = arith.constant 8 : i32
        %mul3A_278 = arith.muli %add3A_267, %mul3A_277 : i32
        %add3A_279 = arith.addi %mul3A_2, %mul3A_278 : i32
        %min3A_280 = arith.minsi %add3A_279, %sub3A_12 : i32
        %mul3A_281 = arith.constant 8 : i32
        %mul3A_282 = arith.muli %add3A_267, %mul3A_281 : i32
        %add3A_283 = arith.addi %mul3A_2, %mul3A_282 : i32
        %min3A_284 = arith.minsi %add3A_283, %sub3A_12 : i32
        %add3A_285 = arith.constant 0 : i32
        %add3A_286 = arith.addi %min3A_284, %add3A_285 : i32
        %dma_wait3A = arith.constant 0 : i32
        %dma_wait3A_287 = arith.constant 0 : i32
        %dma_wait3A_288 = arith.constant 0 : i32
        %dma_wait3A_289 = arith.constant 0 : i32
        %dma_wait3A_290 = tpu.memref_slice %arg7[%dma_wait3A, %dma_wait3A_287, %dma_wait3A_288, %dma_wait3A_289] : memref<2x8x32x128xf32, #tpu.memory_space<vmem>> -> memref<1x2x32x128xf32, #tpu.memory_space<vmem>>
        %dma_wait3A_291 = tpu.memref_squeeze %dma_wait3A_290 : memref<1x2x32x128xf32, #tpu.memory_space<vmem>> -> memref<2x32x128xf32, #tpu.memory_space<vmem>>
        %dma_wait3A_292 = arith.constant 0 : i32
        %dma_wait3A_293 = arith.constant 0 : i32
        %dma_wait3A_294 = tpu.memref_slice %arg2[%add3A_286, %dma_wait3A_292, %dma_wait3A_293] : memref<10000x32x128xf32, #tpu.memory_space<hbm>> -> memref<2x32x128xf32, #tpu.memory_space<hbm>>
        %dma_wait3A_295 = arith.constant 0 : i32
        %dma_wait3A_296 = arith.constant 0 : i32
        %dma_wait3A_297 = arith.constant 0 : i32
        %dma_wait3A_298 = tpu.memref_slice %arg7[%dma_wait3A, %dma_wait3A_295, %dma_wait3A_296, %dma_wait3A_297] : memref<2x8x32x128xf32, #tpu.memory_space<vmem>> -> memref<1x2x32x128xf32, #tpu.memory_space<vmem>>
        %dma_wait3A_299 = tpu.memref_squeeze %dma_wait3A_298 : memref<1x2x32x128xf32, #tpu.memory_space<vmem>> -> memref<2x32x128xf32, #tpu.memory_space<vmem>>
        %dma_wait3A_300 = arith.constant 0 : i32
        %dma_wait3A_301 = arith.constant 0 : i32
        %dma_wait3A_302 = tpu.memref_slice %arg2[%add3A_286, %dma_wait3A_300, %dma_wait3A_301] : memref<10000x32x128xf32, #tpu.memory_space<hbm>> -> memref<2x32x128xf32, #tpu.memory_space<hbm>>
        tpu.wait_dma2 semaphore(%arg12 : memref<!tpu.dma_semaphore, #tpu.memory_space<semaphore_mem>>) src(%dma_wait3A_302 : memref<2x32x128xf32, #tpu.memory_space<hbm>>) dst(%dma_wait3A_299 : memref<2x32x128xf32, #tpu.memory_space<vmem>>)
        %add3A_303 = arith.constant 2 : i32
        %add3A_304 = arith.addi %min3A_284, %add3A_303 : i32
        %dma_wait3A_305 = arith.constant 0 : i32
        %dma_wait3A_306 = arith.constant 2 : i32
        %dma_wait3A_307 = arith.constant 0 : i32
        %dma_wait3A_308 = arith.constant 0 : i32
        %dma_wait3A_309 = tpu.memref_slice %arg7[%dma_wait3A_305, %dma_wait3A_306, %dma_wait3A_307, %dma_wait3A_308] : memref<2x8x32x128xf32, #tpu.memory_space<vmem>> -> memref<1x2x32x128xf32, #tpu.memory_space<vmem>>
        %dma_wait3A_310 = tpu.memref_squeeze %dma_wait3A_309 : memref<1x2x32x128xf32, #tpu.memory_space<vmem>> -> memref<2x32x128xf32, #tpu.memory_space<vmem>>
        %dma_wait3A_311 = arith.constant 0 : i32
        %dma_wait3A_312 = arith.constant 0 : i32
        %dma_wait3A_313 = tpu.memref_slice %arg2[%add3A_304, %dma_wait3A_311, %dma_wait3A_312] : memref<10000x32x128xf32, #tpu.memory_space<hbm>> -> memref<2x32x128xf32, #tpu.memory_space<hbm>>
        %dma_wait3A_314 = arith.constant 2 : i32
        %dma_wait3A_315 = arith.constant 0 : i32
        %dma_wait3A_316 = arith.constant 0 : i32
        %dma_wait3A_317 = tpu.memref_slice %arg7[%dma_wait3A_305, %dma_wait3A_314, %dma_wait3A_315, %dma_wait3A_316] : memref<2x8x32x128xf32, #tpu.memory_space<vmem>> -> memref<1x2x32x128xf32, #tpu.memory_space<vmem>>
        %dma_wait3A_318 = tpu.memref_squeeze %dma_wait3A_317 : memref<1x2x32x128xf32, #tpu.memory_space<vmem>> -> memref<2x32x128xf32, #tpu.memory_space<vmem>>
        %dma_wait3A_319 = arith.constant 0 : i32
        %dma_wait3A_320 = arith.constant 0 : i32
        %dma_wait3A_321 = tpu.memref_slice %arg2[%add3A_304, %dma_wait3A_319, %dma_wait3A_320] : memref<10000x32x128xf32, #tpu.memory_space<hbm>> -> memref<2x32x128xf32, #tpu.memory_space<hbm>>
        tpu.wait_dma2 semaphore(%arg12 : memref<!tpu.dma_semaphore, #tpu.memory_space<semaphore_mem>>) src(%dma_wait3A_321 : memref<2x32x128xf32, #tpu.memory_space<hbm>>) dst(%dma_wait3A_318 : memref<2x32x128xf32, #tpu.memory_space<vmem>>)
        %add3A_322 = arith.constant 4 : i32
        %add3A_323 = arith.addi %min3A_284, %add3A_322 : i32
        %dma_wait3A_324 = arith.constant 0 : i32
        %dma_wait3A_325 = arith.constant 4 : i32
        %dma_wait3A_326 = arith.constant 0 : i32
        %dma_wait3A_327 = arith.constant 0 : i32
        %dma_wait3A_328 = tpu.memref_slice %arg7[%dma_wait3A_324, %dma_wait3A_325, %dma_wait3A_326, %dma_wait3A_327] : memref<2x8x32x128xf32, #tpu.memory_space<vmem>> -> memref<1x2x32x128xf32, #tpu.memory_space<vmem>>
        %dma_wait3A_329 = tpu.memref_squeeze %dma_wait3A_328 : memref<1x2x32x128xf32, #tpu.memory_space<vmem>> -> memref<2x32x128xf32, #tpu.memory_space<vmem>>
        %dma_wait3A_330 = arith.constant 0 : i32
        %dma_wait3A_331 = arith.constant 0 : i32
        %dma_wait3A_332 = tpu.memref_slice %arg2[%add3A_323, %dma_wait3A_330, %dma_wait3A_331] : memref<10000x32x128xf32, #tpu.memory_space<hbm>> -> memref<2x32x128xf32, #tpu.memory_space<hbm>>
        %dma_wait3A_333 = arith.constant 4 : i32
        %dma_wait3A_334 = arith.constant 0 : i32
        %dma_wait3A_335 = arith.constant 0 : i32
        %dma_wait3A_336 = tpu.memref_slice %arg7[%dma_wait3A_324, %dma_wait3A_333, %dma_wait3A_334, %dma_wait3A_335] : memref<2x8x32x128xf32, #tpu.memory_space<vmem>> -> memref<1x2x32x128xf32, #tpu.memory_space<vmem>>
        %dma_wait3A_337 = tpu.memref_squeeze %dma_wait3A_336 : memref<1x2x32x128xf32, #tpu.memory_space<vmem>> -> memref<2x32x128xf32, #tpu.memory_space<vmem>>
        %dma_wait3A_338 = arith.constant 0 : i32
        %dma_wait3A_339 = arith.constant 0 : i32
        %dma_wait3A_340 = tpu.memref_slice %arg2[%add3A_323, %dma_wait3A_338, %dma_wait3A_339] : memref<10000x32x128xf32, #tpu.memory_space<hbm>> -> memref<2x32x128xf32, #tpu.memory_space<hbm>>
        tpu.wait_dma2 semaphore(%arg12 : memref<!tpu.dma_semaphore, #tpu.memory_space<semaphore_mem>>) src(%dma_wait3A_340 : memref<2x32x128xf32, #tpu.memory_space<hbm>>) dst(%dma_wait3A_337 : memref<2x32x128xf32, #tpu.memory_space<vmem>>)
        %add3A_341 = arith.constant 6 : i32
        %add3A_342 = arith.addi %min3A_284, %add3A_341 : i32
        %dma_wait3A_343 = arith.constant 0 : i32
        %dma_wait3A_344 = arith.constant 6 : i32
        %dma_wait3A_345 = arith.constant 0 : i32
        %dma_wait3A_346 = arith.constant 0 : i32
        %dma_wait3A_347 = tpu.memref_slice %arg7[%dma_wait3A_343, %dma_wait3A_344, %dma_wait3A_345, %dma_wait3A_346] : memref<2x8x32x128xf32, #tpu.memory_space<vmem>> -> memref<1x2x32x128xf32, #tpu.memory_space<vmem>>
        %dma_wait3A_348 = tpu.memref_squeeze %dma_wait3A_347 : memref<1x2x32x128xf32, #tpu.memory_space<vmem>> -> memref<2x32x128xf32, #tpu.memory_space<vmem>>
        %dma_wait3A_349 = arith.constant 0 : i32
        %dma_wait3A_350 = arith.constant 0 : i32
        %dma_wait3A_351 = tpu.memref_slice %arg2[%add3A_342, %dma_wait3A_349, %dma_wait3A_350] : memref<10000x32x128xf32, #tpu.memory_space<hbm>> -> memref<2x32x128xf32, #tpu.memory_space<hbm>>
        %dma_wait3A_352 = arith.constant 6 : i32
        %dma_wait3A_353 = arith.constant 0 : i32
        %dma_wait3A_354 = arith.constant 0 : i32
        %dma_wait3A_355 = tpu.memref_slice %arg7[%dma_wait3A_343, %dma_wait3A_352, %dma_wait3A_353, %dma_wait3A_354] : memref<2x8x32x128xf32, #tpu.memory_space<vmem>> -> memref<1x2x32x128xf32, #tpu.memory_space<vmem>>
        %dma_wait3A_356 = tpu.memref_squeeze %dma_wait3A_355 : memref<1x2x32x128xf32, #tpu.memory_space<vmem>> -> memref<2x32x128xf32, #tpu.memory_space<vmem>>
        %dma_wait3A_357 = arith.constant 0 : i32
        %dma_wait3A_358 = arith.constant 0 : i32
        %dma_wait3A_359 = tpu.memref_slice %arg2[%add3A_342, %dma_wait3A_357, %dma_wait3A_358] : memref<10000x32x128xf32, #tpu.memory_space<hbm>> -> memref<2x32x128xf32, #tpu.memory_space<hbm>>
        tpu.wait_dma2 semaphore(%arg12 : memref<!tpu.dma_semaphore, #tpu.memory_space<semaphore_mem>>) src(%dma_wait3A_359 : memref<2x32x128xf32, #tpu.memory_space<hbm>>) dst(%dma_wait3A_356 : memref<2x32x128xf32, #tpu.memory_space<vmem>>)
        %dma_wait3A_360 = arith.constant 0 : i32
        %dma_wait3A_361 = arith.constant 0 : i32
        %dma_wait3A_362 = arith.constant 0 : i32
        %dma_wait3A_363 = arith.constant 0 : i32
        %dma_wait3A_364 = tpu.memref_slice %arg8[%dma_wait3A_360, %dma_wait3A_361, %dma_wait3A_362, %dma_wait3A_363] : memref<2x8x1x128xf32, #tpu.memory_space<vmem>> -> memref<1x8x1x128xf32, #tpu.memory_space<vmem>>
        %dma_wait3A_365 = tpu.memref_squeeze %dma_wait3A_364 : memref<1x8x1x128xf32, #tpu.memory_space<vmem>> -> memref<8x1x128xf32, #tpu.memory_space<vmem>>
        %dma_wait3A_366 = arith.constant 0 : i32
        %dma_wait3A_367 = arith.constant 0 : i32
        %dma_wait3A_368 = tpu.memref_slice %arg3[%min3A_284, %dma_wait3A_366, %dma_wait3A_367] : memref<10000x1x128xf32, #tpu.memory_space<hbm>> -> memref<8x1x128xf32, #tpu.memory_space<hbm>>
        %dma_wait3A_369 = arith.constant 0 : i32
        %dma_wait3A_370 = arith.constant 0 : i32
        %dma_wait3A_371 = arith.constant 0 : i32
        %dma_wait3A_372 = tpu.memref_slice %arg8[%dma_wait3A_360, %dma_wait3A_369, %dma_wait3A_370, %dma_wait3A_371] : memref<2x8x1x128xf32, #tpu.memory_space<vmem>> -> memref<1x8x1x128xf32, #tpu.memory_space<vmem>>
        %dma_wait3A_373 = tpu.memref_squeeze %dma_wait3A_372 : memref<1x8x1x128xf32, #tpu.memory_space<vmem>> -> memref<8x1x128xf32, #tpu.memory_space<vmem>>
        %dma_wait3A_374 = arith.constant 0 : i32
        %dma_wait3A_375 = arith.constant 0 : i32
        %dma_wait3A_376 = tpu.memref_slice %arg3[%min3A_284, %dma_wait3A_374, %dma_wait3A_375] : memref<10000x1x128xf32, #tpu.memory_space<hbm>> -> memref<8x1x128xf32, #tpu.memory_space<hbm>>
        tpu.wait_dma2 semaphore(%arg14 : memref<!tpu.dma_semaphore, #tpu.memory_space<semaphore_mem>>) src(%dma_wait3A_376 : memref<8x1x128xf32, #tpu.memory_space<hbm>>) dst(%dma_wait3A_373 : memref<8x1x128xf32, #tpu.memory_space<vmem>>)
        %ge3A = arith.constant 2 : i32
        %ge3A_377 = arith.cmpi sge, %add3A_267, %ge3A : i32
        %convert_element_type3A_378 = arith.extui %ge3A_377 : i1 to i32
        %cond3A_379 = arith.constant 0 : i32
        %cond3A_380 = arith.cmpi ne, %convert_element_type3A_378, %cond3A_379 : i32
        scf.if %cond3A_380 {
          %dma_wait3A_408 = arith.constant 0 : i32
          %dma_wait3A_409 = arith.constant 0 : i32
          %dma_wait3A_410 = arith.constant 0 : i32
          %dma_wait3A_411 = arith.constant 0 : i32
          %dma_wait3A_412 = tpu.memref_slice %arg11[%dma_wait3A_408, %dma_wait3A_409, %dma_wait3A_410, %dma_wait3A_411] : memref<2x8x1x128xf32, #tpu.memory_space<vmem>> -> memref<1x8x1x128xf32, #tpu.memory_space<vmem>>
          %dma_wait3A_413 = tpu.memref_squeeze %dma_wait3A_412 : memref<1x8x1x128xf32, #tpu.memory_space<vmem>> -> memref<8x1x128xf32, #tpu.memory_space<vmem>>
          %dma_wait3A_414 = arith.constant 0 : i32
          %dma_wait3A_415 = arith.constant 0 : i32
          %dma_wait3A_416 = tpu.memref_slice %arg5[%mul3A_2, %dma_wait3A_414, %dma_wait3A_415] : memref<10000x1x128xf32, #tpu.memory_space<hbm>> -> memref<8x1x128xf32, #tpu.memory_space<hbm>>
          %dma_wait3A_417 = arith.constant 0 : i32
          %dma_wait3A_418 = arith.constant 0 : i32
          %dma_wait3A_419 = tpu.memref_slice %arg5[%mul3A_2, %dma_wait3A_417, %dma_wait3A_418] : memref<10000x1x128xf32, #tpu.memory_space<hbm>> -> memref<8x1x128xf32, #tpu.memory_space<hbm>>
          %dma_wait3A_420 = arith.constant 0 : i32
          %dma_wait3A_421 = arith.constant 0 : i32
          %dma_wait3A_422 = arith.constant 0 : i32
          %dma_wait3A_423 = tpu.memref_slice %arg11[%dma_wait3A_408, %dma_wait3A_420, %dma_wait3A_421, %dma_wait3A_422] : memref<2x8x1x128xf32, #tpu.memory_space<vmem>> -> memref<1x8x1x128xf32, #tpu.memory_space<vmem>>
          %dma_wait3A_424 = tpu.memref_squeeze %dma_wait3A_423 : memref<1x8x1x128xf32, #tpu.memory_space<vmem>> -> memref<8x1x128xf32, #tpu.memory_space<vmem>>
          tpu.wait_dma2 semaphore(%arg16 : memref<!tpu.dma_semaphore, #tpu.memory_space<semaphore_mem>>) src(%dma_wait3A_424 : memref<8x1x128xf32, #tpu.memory_space<vmem>>) dst(%dma_wait3A_419 : memref<8x1x128xf32, #tpu.memory_space<hbm>>)
        } else {
        }
        %scan3A = arith.constant 0 : i32
        %scan3A_381 = arith.constant 8 : i32
        %scan3A_382 = arith.addi %scan3A, %scan3A_381 : i32
        %scan3A_383 = arith.constant 1 : i32
        scf.for %scan3A_408 = %scan3A to %scan3A_382 step %scan3A_383  : i32 {
          %mul3A_409 = arith.constant 1 : i32
          %mul3A_410 = arith.muli %scan3A_408, %mul3A_409 : i32
          %add3A_411 = arith.constant 0 : i32
          %add3A_412 = arith.addi %add3A_411, %mul3A_410 : i32
          %scan3A_413 = arith.constant 0 : i32
          %scan3A_414 = arith.constant 32 : i32
          %scan3A_415 = arith.addi %scan3A_413, %scan3A_414 : i32
          %scan3A_416 = arith.constant 4 : i32
          scf.for %scan3A_737 = %scan3A_413 to %scan3A_415 step %scan3A_416  : i32 {
            %mul3A_738 = arith.constant 1 : i32
            %mul3A_739 = arith.muli %scan3A_737, %mul3A_738 : i32
            %add3A_740 = arith.constant 0 : i32
            %add3A_741 = arith.addi %add3A_740, %mul3A_739 : i32
            %get3A_742 = arith.constant 0 : i32
            %get3A_743 = arith.index_cast %get3A_742 : i32 to index
            %get3A_744 = arith.index_cast %add3A_412 : i32 to index
            %get3A_745 = arith.index_cast %add3A_741 : i32 to index
            %get3A_746 = arith.constant 0 : index
            %get3A_747 = tpu.vector_load %arg7[%get3A_743, %get3A_744, %get3A_745, %get3A_746] {strides = array<i32>} : memref<2x8x32x128xf32, #tpu.memory_space<vmem>>, vector<16xf32>,
            %mul3A_748 = arith.mulf %get3A_747, %get3A_13 : vector<16xf32>
            %get3A_749 = arith.constant 0 : i32
            %get3A_750 = arith.index_cast %get3A_749 : i32 to index
            %get3A_751 = arith.index_cast %add3A_412 : i32 to index
            %get3A_752 = arith.index_cast %add3A_741 : i32 to index
            %get3A_753 = arith.constant 16 : index
            %get3A_754 = tpu.vector_load %arg7[%get3A_750, %get3A_751, %get3A_752, %get3A_753] {strides = array<i32>} : memref<2x8x32x128xf32, #tpu.memory_space<vmem>>, vector<16xf32>,
            %mul3A_755 = arith.mulf %get3A_754, %get3A_15 : vector<16xf32>
            %get3A_756 = arith.constant 0 : i32
            %get3A_757 = arith.index_cast %get3A_756 : i32 to index
            %get3A_758 = arith.index_cast %add3A_412 : i32 to index
            %get3A_759 = arith.index_cast %add3A_741 : i32 to index
            %get3A_760 = arith.constant 32 : index
            %get3A_761 = tpu.vector_load %arg7[%get3A_757, %get3A_758, %get3A_759, %get3A_760] {strides = array<i32>} : memref<2x8x32x128xf32, #tpu.memory_space<vmem>>, vector<16xf32>,
            %mul3A_762 = arith.mulf %get3A_761, %get3A_17 : vector<16xf32>
            %add3A_763 = arith.addf %mul3A_748, %mul3A_762 : vector<16xf32>
            %get3A_764 = arith.constant 0 : i32
            %get3A_765 = arith.index_cast %get3A_764 : i32 to index
            %get3A_766 = arith.index_cast %add3A_412 : i32 to index
            %get3A_767 = arith.index_cast %add3A_741 : i32 to index
            %get3A_768 = arith.constant 48 : index
            %get3A_769 = tpu.vector_load %arg7[%get3A_765, %get3A_766, %get3A_767, %get3A_768] {strides = array<i32>} : memref<2x8x32x128xf32, #tpu.memory_space<vmem>>, vector<16xf32>,
            %mul3A_770 = arith.mulf %get3A_769, %get3A_19 : vector<16xf32>
            %add3A_771 = arith.addf %mul3A_755, %mul3A_770 : vector<16xf32>
            %get3A_772 = arith.constant 0 : i32
            %get3A_773 = arith.index_cast %get3A_772 : i32 to index
            %get3A_774 = arith.index_cast %add3A_412 : i32 to index
            %get3A_775 = arith.index_cast %add3A_741 : i32 to index
            %get3A_776 = arith.constant 64 : index
            %get3A_777 = tpu.vector_load %arg7[%get3A_773, %get3A_774, %get3A_775, %get3A_776] {strides = array<i32>} : memref<2x8x32x128xf32, #tpu.memory_space<vmem>>, vector<16xf32>,
            %mul3A_778 = arith.mulf %get3A_777, %get3A_21 : vector<16xf32>
            %add3A_779 = arith.addf %add3A_763, %mul3A_778 : vector<16xf32>
            %get3A_780 = arith.constant 0 : i32
            %get3A_781 = arith.index_cast %get3A_780 : i32 to index
            %get3A_782 = arith.index_cast %add3A_412 : i32 to index
            %get3A_783 = arith.index_cast %add3A_741 : i32 to index
            %get3A_784 = arith.constant 80 : index
            %get3A_785 = tpu.vector_load %arg7[%get3A_781, %get3A_782, %get3A_783, %get3A_784] {strides = array<i32>} : memref<2x8x32x128xf32, #tpu.memory_space<vmem>>, vector<16xf32>,
            %mul3A_786 = arith.mulf %get3A_785, %get3A_23 : vector<16xf32>
            %add3A_787 = arith.addf %add3A_771, %mul3A_786 : vector<16xf32>
            %get3A_788 = arith.constant 0 : i32
            %get3A_789 = arith.index_cast %get3A_788 : i32 to index
            %get3A_790 = arith.index_cast %add3A_412 : i32 to index
            %get3A_791 = arith.index_cast %add3A_741 : i32 to index
            %get3A_792 = arith.constant 96 : index
            %get3A_793 = tpu.vector_load %arg7[%get3A_789, %get3A_790, %get3A_791, %get3A_792] {strides = array<i32>} : memref<2x8x32x128xf32, #tpu.memory_space<vmem>>, vector<16xf32>,
            %mul3A_794 = arith.mulf %get3A_793, %get3A_25 : vector<16xf32>
            %add3A_795 = arith.addf %add3A_779, %mul3A_794 : vector<16xf32>
            %get3A_796 = arith.constant 0 : i32
            %get3A_797 = arith.index_cast %get3A_796 : i32 to index
            %get3A_798 = arith.index_cast %add3A_412 : i32 to index
            %get3A_799 = arith.index_cast %add3A_741 : i32 to index
            %get3A_800 = arith.constant 112 : index
            %get3A_801 = tpu.vector_load %arg7[%get3A_797, %get3A_798, %get3A_799, %get3A_800] {strides = array<i32>} : memref<2x8x32x128xf32, #tpu.memory_space<vmem>>, vector<16xf32>,
            %mul3A_802 = arith.mulf %get3A_801, %get3A_27 : vector<16xf32>
            %add3A_803 = arith.addf %add3A_787, %mul3A_802 : vector<16xf32>
            %add3A_804 = arith.addf %add3A_795, %add3A_803 : vector<16xf32>
            %swap3A_805 = arith.index_cast %add3A_412 : i32 to index
            %swap3A_806 = arith.index_cast %add3A_741 : i32 to index
            %swap3A_807 = arith.constant 0 : index
            %swap3A_808 = tpu.vector_load %arg9[%swap3A_805, %swap3A_806, %swap3A_807] {strides = array<i32>} : memref<8x32x16xf32, #tpu.memory_space<vmem>>, vector<16xf32>,
            tpu.vector_store %arg9[%swap3A_805, %swap3A_806, %swap3A_807], %add3A_804 {strides = array<i32>} : memref<8x32x16xf32, #tpu.memory_space<vmem>>, vector<16xf32>,
            %scan3A_809 = arith.constant 1 : i32
            %scan3A_810 = arith.addi %scan3A_737, %scan3A_809 : i32
            %mul3A_811 = arith.constant 1 : i32
            %mul3A_812 = arith.muli %scan3A_810, %mul3A_811 : i32
            %add3A_813 = arith.constant 0 : i32
            %add3A_814 = arith.addi %add3A_813, %mul3A_812 : i32
            %get3A_815 = arith.constant 0 : i32
            %get3A_816 = arith.index_cast %get3A_815 : i32 to index
            %get3A_817 = arith.index_cast %add3A_412 : i32 to index
            %get3A_818 = arith.index_cast %add3A_814 : i32 to index
            %get3A_819 = arith.constant 0 : index
            %get3A_820 = tpu.vector_load %arg7[%get3A_816, %get3A_817, %get3A_818, %get3A_819] {strides = array<i32>} : memref<2x8x32x128xf32, #tpu.memory_space<vmem>>, vector<16xf32>,
            %mul3A_821 = arith.mulf %get3A_820, %get3A_13 : vector<16xf32>
            %get3A_822 = arith.constant 0 : i32
            %get3A_823 = arith.index_cast %get3A_822 : i32 to index
            %get3A_824 = arith.index_cast %add3A_412 : i32 to index
            %get3A_825 = arith.index_cast %add3A_814 : i32 to index
            %get3A_826 = arith.constant 16 : index
            %get3A_827 = tpu.vector_load %arg7[%get3A_823, %get3A_824, %get3A_825, %get3A_826] {strides = array<i32>} : memref<2x8x32x128xf32, #tpu.memory_space<vmem>>, vector<16xf32>,
            %mul3A_828 = arith.mulf %get3A_827, %get3A_15 : vector<16xf32>
            %get3A_829 = arith.constant 0 : i32
            %get3A_830 = arith.index_cast %get3A_829 : i32 to index
            %get3A_831 = arith.index_cast %add3A_412 : i32 to index
            %get3A_832 = arith.index_cast %add3A_814 : i32 to index
            %get3A_833 = arith.constant 32 : index
            %get3A_834 = tpu.vector_load %arg7[%get3A_830, %get3A_831, %get3A_832, %get3A_833] {strides = array<i32>} : memref<2x8x32x128xf32, #tpu.memory_space<vmem>>, vector<16xf32>,
            %mul3A_835 = arith.mulf %get3A_834, %get3A_17 : vector<16xf32>
            %add3A_836 = arith.addf %mul3A_821, %mul3A_835 : vector<16xf32>
            %get3A_837 = arith.constant 0 : i32
            %get3A_838 = arith.index_cast %get3A_837 : i32 to index
            %get3A_839 = arith.index_cast %add3A_412 : i32 to index
            %get3A_840 = arith.index_cast %add3A_814 : i32 to index
            %get3A_841 = arith.constant 48 : index
            %get3A_842 = tpu.vector_load %arg7[%get3A_838, %get3A_839, %get3A_840, %get3A_841] {strides = array<i32>} : memref<2x8x32x128xf32, #tpu.memory_space<vmem>>, vector<16xf32>,
            %mul3A_843 = arith.mulf %get3A_842, %get3A_19 : vector<16xf32>
            %add3A_844 = arith.addf %mul3A_828, %mul3A_843 : vector<16xf32>
            %get3A_845 = arith.constant 0 : i32
            %get3A_846 = arith.index_cast %get3A_845 : i32 to index
            %get3A_847 = arith.index_cast %add3A_412 : i32 to index
            %get3A_848 = arith.index_cast %add3A_814 : i32 to index
            %get3A_849 = arith.constant 64 : index
            %get3A_850 = tpu.vector_load %arg7[%get3A_846, %get3A_847, %get3A_848, %get3A_849] {strides = array<i32>} : memref<2x8x32x128xf32, #tpu.memory_space<vmem>>, vector<16xf32>,
            %mul3A_851 = arith.mulf %get3A_850, %get3A_21 : vector<16xf32>
            %add3A_852 = arith.addf %add3A_836, %mul3A_851 : vector<16xf32>
            %get3A_853 = arith.constant 0 : i32
            %get3A_854 = arith.index_cast %get3A_853 : i32 to index
            %get3A_855 = arith.index_cast %add3A_412 : i32 to index
            %get3A_856 = arith.index_cast %add3A_814 : i32 to index
            %get3A_857 = arith.constant 80 : index
            %get3A_858 = tpu.vector_load %arg7[%get3A_854, %get3A_855, %get3A_856, %get3A_857] {strides = array<i32>} : memref<2x8x32x128xf32, #tpu.memory_space<vmem>>, vector<16xf32>,
            %mul3A_859 = arith.mulf %get3A_858, %get3A_23 : vector<16xf32>
            %add3A_860 = arith.addf %add3A_844, %mul3A_859 : vector<16xf32>
            %get3A_861 = arith.constant 0 : i32
            %get3A_862 = arith.index_cast %get3A_861 : i32 to index
            %get3A_863 = arith.index_cast %add3A_412 : i32 to index
            %get3A_864 = arith.index_cast %add3A_814 : i32 to index
            %get3A_865 = arith.constant 96 : index
            %get3A_866 = tpu.vector_load %arg7[%get3A_862, %get3A_863, %get3A_864, %get3A_865] {strides = array<i32>} : memref<2x8x32x128xf32, #tpu.memory_space<vmem>>, vector<16xf32>,
            %mul3A_867 = arith.mulf %get3A_866, %get3A_25 : vector<16xf32>
            %add3A_868 = arith.addf %add3A_852, %mul3A_867 : vector<16xf32>
            %get3A_869 = arith.constant 0 : i32
            %get3A_870 = arith.index_cast %get3A_869 : i32 to index
            %get3A_871 = arith.index_cast %add3A_412 : i32 to index
            %get3A_872 = arith.index_cast %add3A_814 : i32 to index
            %get3A_873 = arith.constant 112 : index
            %get3A_874 = tpu.vector_load %arg7[%get3A_870, %get3A_871, %get3A_872, %get3A_873] {strides = array<i32>} : memref<2x8x32x128xf32, #tpu.memory_space<vmem>>, vector<16xf32>,
            %mul3A_875 = arith.mulf %get3A_874, %get3A_27 : vector<16xf32>
            %add3A_876 = arith.addf %add3A_860, %mul3A_875 : vector<16xf32>
            %add3A_877 = arith.addf %add3A_868, %add3A_876 : vector<16xf32>
            %swap3A_878 = arith.index_cast %add3A_412 : i32 to index
            %swap3A_879 = arith.index_cast %add3A_814 : i32 to index
            %swap3A_880 = arith.constant 0 : index
            %swap3A_881 = tpu.vector_load %arg9[%swap3A_878, %swap3A_879, %swap3A_880] {strides = array<i32>} : memref<8x32x16xf32, #tpu.memory_space<vmem>>, vector<16xf32>,
            tpu.vector_store %arg9[%swap3A_878, %swap3A_879, %swap3A_880], %add3A_877 {strides = array<i32>} : memref<8x32x16xf32, #tpu.memory_space<vmem>>, vector<16xf32>,
            %scan3A_882 = arith.constant 2 : i32
            %scan3A_883 = arith.addi %scan3A_737, %scan3A_882 : i32
            %mul3A_884 = arith.constant 1 : i32
            %mul3A_885 = arith.muli %scan3A_883, %mul3A_884 : i32
            %add3A_886 = arith.constant 0 : i32
            %add3A_887 = arith.addi %add3A_886, %mul3A_885 : i32
            %get3A_888 = arith.constant 0 : i32
            %get3A_889 = arith.index_cast %get3A_888 : i32 to index
            %get3A_890 = arith.index_cast %add3A_412 : i32 to index
            %get3A_891 = arith.index_cast %add3A_887 : i32 to index
            %get3A_892 = arith.constant 0 : index
            %get3A_893 = tpu.vector_load %arg7[%get3A_889, %get3A_890, %get3A_891, %get3A_892] {strides = array<i32>} : memref<2x8x32x128xf32, #tpu.memory_space<vmem>>, vector<16xf32>,
            %mul3A_894 = arith.mulf %get3A_893, %get3A_13 : vector<16xf32>
            %get3A_895 = arith.constant 0 : i32
            %get3A_896 = arith.index_cast %get3A_895 : i32 to index
            %get3A_897 = arith.index_cast %add3A_412 : i32 to index
            %get3A_898 = arith.index_cast %add3A_887 : i32 to index
            %get3A_899 = arith.constant 16 : index
            %get3A_900 = tpu.vector_load %arg7[%get3A_896, %get3A_897, %get3A_898, %get3A_899] {strides = array<i32>} : memref<2x8x32x128xf32, #tpu.memory_space<vmem>>, vector<16xf32>,
            %mul3A_901 = arith.mulf %get3A_900, %get3A_15 : vector<16xf32>
            %get3A_902 = arith.constant 0 : i32
            %get3A_903 = arith.index_cast %get3A_902 : i32 to index
            %get3A_904 = arith.index_cast %add3A_412 : i32 to index
            %get3A_905 = arith.index_cast %add3A_887 : i32 to index
            %get3A_906 = arith.constant 32 : index
            %get3A_907 = tpu.vector_load %arg7[%get3A_903, %get3A_904, %get3A_905, %get3A_906] {strides = array<i32>} : memref<2x8x32x128xf32, #tpu.memory_space<vmem>>, vector<16xf32>,
            %mul3A_908 = arith.mulf %get3A_907, %get3A_17 : vector<16xf32>
            %add3A_909 = arith.addf %mul3A_894, %mul3A_908 : vector<16xf32>
            %get3A_910 = arith.constant 0 : i32
            %get3A_911 = arith.index_cast %get3A_910 : i32 to index
            %get3A_912 = arith.index_cast %add3A_412 : i32 to index
            %get3A_913 = arith.index_cast %add3A_887 : i32 to index
            %get3A_914 = arith.constant 48 : index
            %get3A_915 = tpu.vector_load %arg7[%get3A_911, %get3A_912, %get3A_913, %get3A_914] {strides = array<i32>} : memref<2x8x32x128xf32, #tpu.memory_space<vmem>>, vector<16xf32>,
            %mul3A_916 = arith.mulf %get3A_915, %get3A_19 : vector<16xf32>
            %add3A_917 = arith.addf %mul3A_901, %mul3A_916 : vector<16xf32>
            %get3A_918 = arith.constant 0 : i32
            %get3A_919 = arith.index_cast %get3A_918 : i32 to index
            %get3A_920 = arith.index_cast %add3A_412 : i32 to index
            %get3A_921 = arith.index_cast %add3A_887 : i32 to index
            %get3A_922 = arith.constant 64 : index
            %get3A_923 = tpu.vector_load %arg7[%get3A_919, %get3A_920, %get3A_921, %get3A_922] {strides = array<i32>} : memref<2x8x32x128xf32, #tpu.memory_space<vmem>>, vector<16xf32>,
            %mul3A_924 = arith.mulf %get3A_923, %get3A_21 : vector<16xf32>
            %add3A_925 = arith.addf %add3A_909, %mul3A_924 : vector<16xf32>
            %get3A_926 = arith.constant 0 : i32
            %get3A_927 = arith.index_cast %get3A_926 : i32 to index
            %get3A_928 = arith.index_cast %add3A_412 : i32 to index
            %get3A_929 = arith.index_cast %add3A_887 : i32 to index
            %get3A_930 = arith.constant 80 : index
            %get3A_931 = tpu.vector_load %arg7[%get3A_927, %get3A_928, %get3A_929, %get3A_930] {strides = array<i32>} : memref<2x8x32x128xf32, #tpu.memory_space<vmem>>, vector<16xf32>,
            %mul3A_932 = arith.mulf %get3A_931, %get3A_23 : vector<16xf32>
            %add3A_933 = arith.addf %add3A_917, %mul3A_932 : vector<16xf32>
            %get3A_934 = arith.constant 0 : i32
            %get3A_935 = arith.index_cast %get3A_934 : i32 to index
            %get3A_936 = arith.index_cast %add3A_412 : i32 to index
            %get3A_937 = arith.index_cast %add3A_887 : i32 to index
            %get3A_938 = arith.constant 96 : index
            %get3A_939 = tpu.vector_load %arg7[%get3A_935, %get3A_936, %get3A_937, %get3A_938] {strides = array<i32>} : memref<2x8x32x128xf32, #tpu.memory_space<vmem>>, vector<16xf32>,
            %mul3A_940 = arith.mulf %get3A_939, %get3A_25 : vector<16xf32>
            %add3A_941 = arith.addf %add3A_925, %mul3A_940 : vector<16xf32>
            %get3A_942 = arith.constant 0 : i32
            %get3A_943 = arith.index_cast %get3A_942 : i32 to index
            %get3A_944 = arith.index_cast %add3A_412 : i32 to index
            %get3A_945 = arith.index_cast %add3A_887 : i32 to index
            %get3A_946 = arith.constant 112 : index
            %get3A_947 = tpu.vector_load %arg7[%get3A_943, %get3A_944, %get3A_945, %get3A_946] {strides = array<i32>} : memref<2x8x32x128xf32, #tpu.memory_space<vmem>>, vector<16xf32>,
            %mul3A_948 = arith.mulf %get3A_947, %get3A_27 : vector<16xf32>
            %add3A_949 = arith.addf %add3A_933, %mul3A_948 : vector<16xf32>
            %add3A_950 = arith.addf %add3A_941, %add3A_949 : vector<16xf32>
            %swap3A_951 = arith.index_cast %add3A_412 : i32 to index
            %swap3A_952 = arith.index_cast %add3A_887 : i32 to index
            %swap3A_953 = arith.constant 0 : index
            %swap3A_954 = tpu.vector_load %arg9[%swap3A_951, %swap3A_952, %swap3A_953] {strides = array<i32>} : memref<8x32x16xf32, #tpu.memory_space<vmem>>, vector<16xf32>,
            tpu.vector_store %arg9[%swap3A_951, %swap3A_952, %swap3A_953], %add3A_950 {strides = array<i32>} : memref<8x32x16xf32, #tpu.memory_space<vmem>>, vector<16xf32>,
            %scan3A_955 = arith.constant 3 : i32
            %scan3A_956 = arith.addi %scan3A_737, %scan3A_955 : i32
            %mul3A_957 = arith.constant 1 : i32
            %mul3A_958 = arith.muli %scan3A_956, %mul3A_957 : i32
            %add3A_959 = arith.constant 0 : i32
            %add3A_960 = arith.addi %add3A_959, %mul3A_958 : i32
            %get3A_961 = arith.constant 0 : i32
            %get3A_962 = arith.index_cast %get3A_961 : i32 to index
            %get3A_963 = arith.index_cast %add3A_412 : i32 to index
            %get3A_964 = arith.index_cast %add3A_960 : i32 to index
            %get3A_965 = arith.constant 0 : index
            %get3A_966 = tpu.vector_load %arg7[%get3A_962, %get3A_963, %get3A_964, %get3A_965] {strides = array<i32>} : memref<2x8x32x128xf32, #tpu.memory_space<vmem>>, vector<16xf32>,
            %mul3A_967 = arith.mulf %get3A_966, %get3A_13 : vector<16xf32>
            %get3A_968 = arith.constant 0 : i32
            %get3A_969 = arith.index_cast %get3A_968 : i32 to index
            %get3A_970 = arith.index_cast %add3A_412 : i32 to index
            %get3A_971 = arith.index_cast %add3A_960 : i32 to index
            %get3A_972 = arith.constant 16 : index
            %get3A_973 = tpu.vector_load %arg7[%get3A_969, %get3A_970, %get3A_971, %get3A_972] {strides = array<i32>} : memref<2x8x32x128xf32, #tpu.memory_space<vmem>>, vector<16xf32>,
            %mul3A_974 = arith.mulf %get3A_973, %get3A_15 : vector<16xf32>
            %get3A_975 = arith.constant 0 : i32
            %get3A_976 = arith.index_cast %get3A_975 : i32 to index
            %get3A_977 = arith.index_cast %add3A_412 : i32 to index
            %get3A_978 = arith.index_cast %add3A_960 : i32 to index
            %get3A_979 = arith.constant 32 : index
            %get3A_980 = tpu.vector_load %arg7[%get3A_976, %get3A_977, %get3A_978, %get3A_979] {strides = array<i32>} : memref<2x8x32x128xf32, #tpu.memory_space<vmem>>, vector<16xf32>,
            %mul3A_981 = arith.mulf %get3A_980, %get3A_17 : vector<16xf32>
            %add3A_982 = arith.addf %mul3A_967, %mul3A_981 : vector<16xf32>
            %get3A_983 = arith.constant 0 : i32
            %get3A_984 = arith.index_cast %get3A_983 : i32 to index
            %get3A_985 = arith.index_cast %add3A_412 : i32 to index
            %get3A_986 = arith.index_cast %add3A_960 : i32 to index
            %get3A_987 = arith.constant 48 : index
            %get3A_988 = tpu.vector_load %arg7[%get3A_984, %get3A_985, %get3A_986, %get3A_987] {strides = array<i32>} : memref<2x8x32x128xf32, #tpu.memory_space<vmem>>, vector<16xf32>,
            %mul3A_989 = arith.mulf %get3A_988, %get3A_19 : vector<16xf32>
            %add3A_990 = arith.addf %mul3A_974, %mul3A_989 : vector<16xf32>
            %get3A_991 = arith.constant 0 : i32
            %get3A_992 = arith.index_cast %get3A_991 : i32 to index
            %get3A_993 = arith.index_cast %add3A_412 : i32 to index
            %get3A_994 = arith.index_cast %add3A_960 : i32 to index
            %get3A_995 = arith.constant 64 : index
            %get3A_996 = tpu.vector_load %arg7[%get3A_992, %get3A_993, %get3A_994, %get3A_995] {strides = array<i32>} : memref<2x8x32x128xf32, #tpu.memory_space<vmem>>, vector<16xf32>,
            %mul3A_997 = arith.mulf %get3A_996, %get3A_21 : vector<16xf32>
            %add3A_998 = arith.addf %add3A_982, %mul3A_997 : vector<16xf32>
            %get3A_999 = arith.constant 0 : i32
            %get3A_1000 = arith.index_cast %get3A_999 : i32 to index
            %get3A_1001 = arith.index_cast %add3A_412 : i32 to index
            %get3A_1002 = arith.index_cast %add3A_960 : i32 to index
            %get3A_1003 = arith.constant 80 : index
            %get3A_1004 = tpu.vector_load %arg7[%get3A_1000, %get3A_1001, %get3A_1002, %get3A_1003] {strides = array<i32>} : memref<2x8x32x128xf32, #tpu.memory_space<vmem>>, vector<16xf32>,
            %mul3A_1005 = arith.mulf %get3A_1004, %get3A_23 : vector<16xf32>
            %add3A_1006 = arith.addf %add3A_990, %mul3A_1005 : vector<16xf32>
            %get3A_1007 = arith.constant 0 : i32
            %get3A_1008 = arith.index_cast %get3A_1007 : i32 to index
            %get3A_1009 = arith.index_cast %add3A_412 : i32 to index
            %get3A_1010 = arith.index_cast %add3A_960 : i32 to index
            %get3A_1011 = arith.constant 96 : index
            %get3A_1012 = tpu.vector_load %arg7[%get3A_1008, %get3A_1009, %get3A_1010, %get3A_1011] {strides = array<i32>} : memref<2x8x32x128xf32, #tpu.memory_space<vmem>>, vector<16xf32>,
            %mul3A_1013 = arith.mulf %get3A_1012, %get3A_25 : vector<16xf32>
            %add3A_1014 = arith.addf %add3A_998, %mul3A_1013 : vector<16xf32>
            %get3A_1015 = arith.constant 0 : i32
            %get3A_1016 = arith.index_cast %get3A_1015 : i32 to index
            %get3A_1017 = arith.index_cast %add3A_412 : i32 to index
            %get3A_1018 = arith.index_cast %add3A_960 : i32 to index
            %get3A_1019 = arith.constant 112 : index
            %get3A_1020 = tpu.vector_load %arg7[%get3A_1016, %get3A_1017, %get3A_1018, %get3A_1019] {strides = array<i32>} : memref<2x8x32x128xf32, #tpu.memory_space<vmem>>, vector<16xf32>,
            %mul3A_1021 = arith.mulf %get3A_1020, %get3A_27 : vector<16xf32>
            %add3A_1022 = arith.addf %add3A_1006, %mul3A_1021 : vector<16xf32>
            %add3A_1023 = arith.addf %add3A_1014, %add3A_1022 : vector<16xf32>
            %swap3A_1024 = arith.index_cast %add3A_412 : i32 to index
            %swap3A_1025 = arith.index_cast %add3A_960 : i32 to index
            %swap3A_1026 = arith.constant 0 : index
            %swap3A_1027 = tpu.vector_load %arg9[%swap3A_1024, %swap3A_1025, %swap3A_1026] {strides = array<i32>} : memref<8x32x16xf32, #tpu.memory_space<vmem>>, vector<16xf32>,
            tpu.vector_store %arg9[%swap3A_1024, %swap3A_1025, %swap3A_1026], %add3A_1023 {strides = array<i32>} : memref<8x32x16xf32, #tpu.memory_space<vmem>>, vector<16xf32>,
          }
          %scan3A_417 = arith.constant 32 : i32
          %get3A_418 = arith.constant 0 : i32
          %get3A_419 = arith.constant 0 : i32
          %get3A_420 = arith.index_cast %get3A_418 : i32 to index
          %get3A_421 = arith.index_cast %add3A_412 : i32 to index
          %get3A_422 = arith.index_cast %get3A_419 : i32 to index
          %get3A_423 = arith.constant 0 : index
          %get3A_424 = tpu.vector_load %arg8[%get3A_420, %get3A_421, %get3A_422, %get3A_423] {strides = array<i32>} : memref<2x8x1x128xf32, #tpu.memory_space<vmem>>, vector<16xf32>,
          %mul3A_425 = arith.mulf %get3A_424, %get3A_29 : vector<16xf32>
          %get3A_426 = arith.constant 0 : i32
          %get3A_427 = arith.constant 0 : i32
          %get3A_428 = arith.index_cast %get3A_426 : i32 to index
          %get3A_429 = arith.index_cast %add3A_412 : i32 to index
          %get3A_430 = arith.index_cast %get3A_427 : i32 to index
          %get3A_431 = arith.constant 16 : index
          %get3A_432 = tpu.vector_load %arg8[%get3A_428, %get3A_429, %get3A_430, %get3A_431] {strides = array<i32>} : memref<2x8x1x128xf32, #tpu.memory_space<vmem>>, vector<16xf32>,
          %mul3A_433 = arith.mulf %get3A_432, %get3A_31 : vector<16xf32>
          %get3A_434 = arith.constant 0 : i32
          %get3A_435 = arith.constant 0 : i32
          %get3A_436 = arith.index_cast %get3A_434 : i32 to index
          %get3A_437 = arith.index_cast %add3A_412 : i32 to index
          %get3A_438 = arith.index_cast %get3A_435 : i32 to index
          %get3A_439 = arith.constant 32 : index
          %get3A_440 = tpu.vector_load %arg8[%get3A_436, %get3A_437, %get3A_438, %get3A_439] {strides = array<i32>} : memref<2x8x1x128xf32, #tpu.memory_space<vmem>>, vector<16xf32>,
          %mul3A_441 = arith.mulf %get3A_440, %get3A_33 : vector<16xf32>
          %add3A_442 = arith.addf %mul3A_425, %mul3A_441 : vector<16xf32>
          %get3A_443 = arith.constant 0 : i32
          %get3A_444 = arith.constant 0 : i32
          %get3A_445 = arith.index_cast %get3A_443 : i32 to index
          %get3A_446 = arith.index_cast %add3A_412 : i32 to index
          %get3A_447 = arith.index_cast %get3A_444 : i32 to index
          %get3A_448 = arith.constant 48 : index
          %get3A_449 = tpu.vector_load %arg8[%get3A_445, %get3A_446, %get3A_447, %get3A_448] {strides = array<i32>} : memref<2x8x1x128xf32, #tpu.memory_space<vmem>>, vector<16xf32>,
          %mul3A_450 = arith.mulf %get3A_449, %get3A_35 : vector<16xf32>
          %add3A_451 = arith.addf %mul3A_433, %mul3A_450 : vector<16xf32>
          %get3A_452 = arith.constant 0 : i32
          %get3A_453 = arith.constant 0 : i32
          %get3A_454 = arith.index_cast %get3A_452 : i32 to index
          %get3A_455 = arith.index_cast %add3A_412 : i32 to index
          %get3A_456 = arith.index_cast %get3A_453 : i32 to index
          %get3A_457 = arith.constant 64 : index
          %get3A_458 = tpu.vector_load %arg8[%get3A_454, %get3A_455, %get3A_456, %get3A_457] {strides = array<i32>} : memref<2x8x1x128xf32, #tpu.memory_space<vmem>>, vector<16xf32>,
          %mul3A_459 = arith.mulf %get3A_458, %get3A_37 : vector<16xf32>
          %add3A_460 = arith.addf %add3A_442, %mul3A_459 : vector<16xf32>
          %get3A_461 = arith.constant 0 : i32
          %get3A_462 = arith.constant 0 : i32
          %get3A_463 = arith.index_cast %get3A_461 : i32 to index
          %get3A_464 = arith.index_cast %add3A_412 : i32 to index
          %get3A_465 = arith.index_cast %get3A_462 : i32 to index
          %get3A_466 = arith.constant 80 : index
          %get3A_467 = tpu.vector_load %arg8[%get3A_463, %get3A_464, %get3A_465, %get3A_466] {strides = array<i32>} : memref<2x8x1x128xf32, #tpu.memory_space<vmem>>, vector<16xf32>,
          %mul3A_468 = arith.mulf %get3A_467, %get3A_39 : vector<16xf32>
          %add3A_469 = arith.addf %add3A_451, %mul3A_468 : vector<16xf32>
          %get3A_470 = arith.constant 0 : i32
          %get3A_471 = arith.constant 0 : i32
          %get3A_472 = arith.index_cast %get3A_470 : i32 to index
          %get3A_473 = arith.index_cast %add3A_412 : i32 to index
          %get3A_474 = arith.index_cast %get3A_471 : i32 to index
          %get3A_475 = arith.constant 96 : index
          %get3A_476 = tpu.vector_load %arg8[%get3A_472, %get3A_473, %get3A_474, %get3A_475] {strides = array<i32>} : memref<2x8x1x128xf32, #tpu.memory_space<vmem>>, vector<16xf32>,
          %mul3A_477 = arith.mulf %get3A_476, %get3A_41 : vector<16xf32>
          %add3A_478 = arith.addf %add3A_460, %mul3A_477 : vector<16xf32>
          %get3A_479 = arith.constant 0 : i32
          %get3A_480 = arith.constant 0 : i32
          %get3A_481 = arith.index_cast %get3A_479 : i32 to index
          %get3A_482 = arith.index_cast %add3A_412 : i32 to index
          %get3A_483 = arith.index_cast %get3A_480 : i32 to index
          %get3A_484 = arith.constant 112 : index
          %get3A_485 = tpu.vector_load %arg8[%get3A_481, %get3A_482, %get3A_483, %get3A_484] {strides = array<i32>} : memref<2x8x1x128xf32, #tpu.memory_space<vmem>>, vector<16xf32>,
          %mul3A_486 = arith.mulf %get3A_485, %get3A_43 : vector<16xf32>
          %add3A_487 = arith.addf %add3A_469, %mul3A_486 : vector<16xf32>
          %add3A_488 = arith.addf %add3A_478, %add3A_487 : vector<16xf32>
          %reduce_sum3A = arith.constant true
          %reduce_sum3A_489 = vector.broadcast %reduce_sum3A : i1 to vector<16xi1>
          %reduce_sum3A_490 = tpu.scan <sum>, %add3A_488 masked %reduce_sum3A_489 : vector<16xf32>, vector<16xi1> -> vector<16xf32>
          %reduce_sum3A_491 = vector.extract %reduce_sum3A_490[15] : f32 from vector<16xf32>
          %add3A_492 = arith.addf %reduce_sum3A_491, %squeeze3A_47 : f32
          %add3A_493 = arith.addf %add3A_492, %squeeze3A : f32
          %broadcast_in_dim3A = vector.broadcast %add3A_412 : i32 to vector<16xi32>
          %broadcast_in_dim3A_494 = arith.constant 0 : i32
          %broadcast_in_dim3A_495 = vector.broadcast %broadcast_in_dim3A_494 : i32 to vector<16xi32>
          %gather3A = tpu.vector_load_idx %arg9[%broadcast_in_dim3A, %iota3A, %broadcast_in_dim3A_495] : memref<8x32x16xf32, #tpu.memory_space<vmem>>[vector<16xi32>, vector<16xi32>, vector<16xi32>], vector<16xf32>,
          %add3A_496 = arith.constant 16 : i32
          %add3A_497 = vector.broadcast %add3A_496 : i32 to vector<16xi32>
          %add3A_498 = arith.addi %iota3A, %add3A_497 : vector<16xi32>
          %gather3A_499 = tpu.vector_load_idx %arg9[%broadcast_in_dim3A, %add3A_498, %broadcast_in_dim3A_495] : memref<8x32x16xf32, #tpu.memory_space<vmem>>[vector<16xi32>, vector<16xi32>, vector<16xi32>], vector<16xf32>,
          %broadcast_in_dim3A_500 = arith.constant 1 : i32
          %broadcast_in_dim3A_501 = vector.broadcast %broadcast_in_dim3A_500 : i32 to vector<16xi32>
          %gather3A_502 = tpu.vector_load_idx %arg9[%broadcast_in_dim3A, %iota3A, %broadcast_in_dim3A_501] : memref<8x32x16xf32, #tpu.memory_space<vmem>>[vector<16xi32>, vector<16xi32>, vector<16xi32>], vector<16xf32>,
          %add3A_503 = arith.constant 16 : i32
          %add3A_504 = vector.broadcast %add3A_503 : i32 to vector<16xi32>
          %add3A_505 = arith.addi %iota3A, %add3A_504 : vector<16xi32>
          %gather3A_506 = tpu.vector_load_idx %arg9[%broadcast_in_dim3A, %add3A_505, %broadcast_in_dim3A_501] : memref<8x32x16xf32, #tpu.memory_space<vmem>>[vector<16xi32>, vector<16xi32>, vector<16xi32>], vector<16xf32>,
          %broadcast_in_dim3A_507 = arith.constant 2 : i32
          %broadcast_in_dim3A_508 = vector.broadcast %broadcast_in_dim3A_507 : i32 to vector<16xi32>
          %gather3A_509 = tpu.vector_load_idx %arg9[%broadcast_in_dim3A, %iota3A, %broadcast_in_dim3A_508] : memref<8x32x16xf32, #tpu.memory_space<vmem>>[vector<16xi32>, vector<16xi32>, vector<16xi32>], vector<16xf32>,
          %add3A_510 = arith.constant 16 : i32
          %add3A_511 = vector.broadcast %add3A_510 : i32 to vector<16xi32>
          %add3A_512 = arith.addi %iota3A, %add3A_511 : vector<16xi32>
          %gather3A_513 = tpu.vector_load_idx %arg9[%broadcast_in_dim3A, %add3A_512, %broadcast_in_dim3A_508] : memref<8x32x16xf32, #tpu.memory_space<vmem>>[vector<16xi32>, vector<16xi32>, vector<16xi32>], vector<16xf32>,
          %broadcast_in_dim3A_514 = arith.constant 3 : i32
          %broadcast_in_dim3A_515 = vector.broadcast %broadcast_in_dim3A_514 : i32 to vector<16xi32>
          %gather3A_516 = tpu.vector_load_idx %arg9[%broadcast_in_dim3A, %iota3A, %broadcast_in_dim3A_515] : memref<8x32x16xf32, #tpu.memory_space<vmem>>[vector<16xi32>, vector<16xi32>, vector<16xi32>], vector<16xf32>,
          %add3A_517 = arith.constant 16 : i32
          %add3A_518 = vector.broadcast %add3A_517 : i32 to vector<16xi32>
          %add3A_519 = arith.addi %iota3A, %add3A_518 : vector<16xi32>
          %gather3A_520 = tpu.vector_load_idx %arg9[%broadcast_in_dim3A, %add3A_519, %broadcast_in_dim3A_515] : memref<8x32x16xf32, #tpu.memory_space<vmem>>[vector<16xi32>, vector<16xi32>, vector<16xi32>], vector<16xf32>,
          %broadcast_in_dim3A_521 = arith.constant 4 : i32
          %broadcast_in_dim3A_522 = vector.broadcast %broadcast_in_dim3A_521 : i32 to vector<16xi32>
          %gather3A_523 = tpu.vector_load_idx %arg9[%broadcast_in_dim3A, %iota3A, %broadcast_in_dim3A_522] : memref<8x32x16xf32, #tpu.memory_space<vmem>>[vector<16xi32>, vector<16xi32>, vector<16xi32>], vector<16xf32>,
          %add3A_524 = arith.constant 16 : i32
          %add3A_525 = vector.broadcast %add3A_524 : i32 to vector<16xi32>
          %add3A_526 = arith.addi %iota3A, %add3A_525 : vector<16xi32>
          %gather3A_527 = tpu.vector_load_idx %arg9[%broadcast_in_dim3A, %add3A_526, %broadcast_in_dim3A_522] : memref<8x32x16xf32, #tpu.memory_space<vmem>>[vector<16xi32>, vector<16xi32>, vector<16xi32>], vector<16xf32>,
          %add3A_528 = arith.addf %gather3A, %gather3A_523 : vector<16xf32>
          %add3A_529 = arith.addf %gather3A_499, %gather3A_527 : vector<16xf32>
          %broadcast_in_dim3A_530 = arith.constant 5 : i32
          %broadcast_in_dim3A_531 = vector.broadcast %broadcast_in_dim3A_530 : i32 to vector<16xi32>
          %gather3A_532 = tpu.vector_load_idx %arg9[%broadcast_in_dim3A, %iota3A, %broadcast_in_dim3A_531] : memref<8x32x16xf32, #tpu.memory_space<vmem>>[vector<16xi32>, vector<16xi32>, vector<16xi32>], vector<16xf32>,
          %add3A_533 = arith.constant 16 : i32
          %add3A_534 = vector.broadcast %add3A_533 : i32 to vector<16xi32>
          %add3A_535 = arith.addi %iota3A, %add3A_534 : vector<16xi32>
          %gather3A_536 = tpu.vector_load_idx %arg9[%broadcast_in_dim3A, %add3A_535, %broadcast_in_dim3A_531] : memref<8x32x16xf32, #tpu.memory_space<vmem>>[vector<16xi32>, vector<16xi32>, vector<16xi32>], vector<16xf32>,
          %add3A_537 = arith.addf %gather3A_502, %gather3A_532 : vector<16xf32>
          %add3A_538 = arith.addf %gather3A_506, %gather3A_536 : vector<16xf32>
          %broadcast_in_dim3A_539 = arith.constant 6 : i32
          %broadcast_in_dim3A_540 = vector.broadcast %broadcast_in_dim3A_539 : i32 to vector<16xi32>
          %gather3A_541 = tpu.vector_load_idx %arg9[%broadcast_in_dim3A, %iota3A, %broadcast_in_dim3A_540] : memref<8x32x16xf32, #tpu.memory_space<vmem>>[vector<16xi32>, vector<16xi32>, vector<16xi32>], vector<16xf32>,
          %add3A_542 = arith.constant 16 : i32
          %add3A_543 = vector.broadcast %add3A_542 : i32 to vector<16xi32>
          %add3A_544 = arith.addi %iota3A, %add3A_543 : vector<16xi32>
          %gather3A_545 = tpu.vector_load_idx %arg9[%broadcast_in_dim3A, %add3A_544, %broadcast_in_dim3A_540] : memref<8x32x16xf32, #tpu.memory_space<vmem>>[vector<16xi32>, vector<16xi32>, vector<16xi32>], vector<16xf32>,
          %add3A_546 = arith.addf %gather3A_509, %gather3A_541 : vector<16xf32>
          %add3A_547 = arith.addf %gather3A_513, %gather3A_545 : vector<16xf32>
          %broadcast_in_dim3A_548 = arith.constant 7 : i32
          %broadcast_in_dim3A_549 = vector.broadcast %broadcast_in_dim3A_548 : i32 to vector<16xi32>
          %gather3A_550 = tpu.vector_load_idx %arg9[%broadcast_in_dim3A, %iota3A, %broadcast_in_dim3A_549] : memref<8x32x16xf32, #tpu.memory_space<vmem>>[vector<16xi32>, vector<16xi32>, vector<16xi32>], vector<16xf32>,
          %add3A_551 = arith.constant 16 : i32
          %add3A_552 = vector.broadcast %add3A_551 : i32 to vector<16xi32>
          %add3A_553 = arith.addi %iota3A, %add3A_552 : vector<16xi32>
          %gather3A_554 = tpu.vector_load_idx %arg9[%broadcast_in_dim3A, %add3A_553, %broadcast_in_dim3A_549] : memref<8x32x16xf32, #tpu.memory_space<vmem>>[vector<16xi32>, vector<16xi32>, vector<16xi32>], vector<16xf32>,
          %add3A_555 = arith.addf %gather3A_516, %gather3A_550 : vector<16xf32>
          %add3A_556 = arith.addf %gather3A_520, %gather3A_554 : vector<16xf32>
          %broadcast_in_dim3A_557 = arith.constant 8 : i32
          %broadcast_in_dim3A_558 = vector.broadcast %broadcast_in_dim3A_557 : i32 to vector<16xi32>
          %gather3A_559 = tpu.vector_load_idx %arg9[%broadcast_in_dim3A, %iota3A, %broadcast_in_dim3A_558] : memref<8x32x16xf32, #tpu.memory_space<vmem>>[vector<16xi32>, vector<16xi32>, vector<16xi32>], vector<16xf32>,
          %add3A_560 = arith.constant 16 : i32
          %add3A_561 = vector.broadcast %add3A_560 : i32 to vector<16xi32>
          %add3A_562 = arith.addi %iota3A, %add3A_561 : vector<16xi32>
          %gather3A_563 = tpu.vector_load_idx %arg9[%broadcast_in_dim3A, %add3A_562, %broadcast_in_dim3A_558] : memref<8x32x16xf32, #tpu.memory_space<vmem>>[vector<16xi32>, vector<16xi32>, vector<16xi32>], vector<16xf32>,
          %add3A_564 = arith.addf %add3A_528, %gather3A_559 : vector<16xf32>
          %add3A_565 = arith.addf %add3A_529, %gather3A_563 : vector<16xf32>
          %broadcast_in_dim3A_566 = arith.constant 9 : i32
          %broadcast_in_dim3A_567 = vector.broadcast %broadcast_in_dim3A_566 : i32 to vector<16xi32>
          %gather3A_568 = tpu.vector_load_idx %arg9[%broadcast_in_dim3A, %iota3A, %broadcast_in_dim3A_567] : memref<8x32x16xf32, #tpu.memory_space<vmem>>[vector<16xi32>, vector<16xi32>, vector<16xi32>], vector<16xf32>,
          %add3A_569 = arith.constant 16 : i32
          %add3A_570 = vector.broadcast %add3A_569 : i32 to vector<16xi32>
          %add3A_571 = arith.addi %iota3A, %add3A_570 : vector<16xi32>
          %gather3A_572 = tpu.vector_load_idx %arg9[%broadcast_in_dim3A, %add3A_571, %broadcast_in_dim3A_567] : memref<8x32x16xf32, #tpu.memory_space<vmem>>[vector<16xi32>, vector<16xi32>, vector<16xi32>], vector<16xf32>,
          %add3A_573 = arith.addf %add3A_537, %gather3A_568 : vector<16xf32>
          %add3A_574 = arith.addf %add3A_538, %gather3A_572 : vector<16xf32>
          %broadcast_in_dim3A_575 = arith.constant 10 : i32
          %broadcast_in_dim3A_576 = vector.broadcast %broadcast_in_dim3A_575 : i32 to vector<16xi32>
          %gather3A_577 = tpu.vector_load_idx %arg9[%broadcast_in_dim3A, %iota3A, %broadcast_in_dim3A_576] : memref<8x32x16xf32, #tpu.memory_space<vmem>>[vector<16xi32>, vector<16xi32>, vector<16xi32>], vector<16xf32>,
          %add3A_578 = arith.constant 16 : i32
          %add3A_579 = vector.broadcast %add3A_578 : i32 to vector<16xi32>
          %add3A_580 = arith.addi %iota3A, %add3A_579 : vector<16xi32>
          %gather3A_581 = tpu.vector_load_idx %arg9[%broadcast_in_dim3A, %add3A_580, %broadcast_in_dim3A_576] : memref<8x32x16xf32, #tpu.memory_space<vmem>>[vector<16xi32>, vector<16xi32>, vector<16xi32>], vector<16xf32>,
          %add3A_582 = arith.addf %add3A_546, %gather3A_577 : vector<16xf32>
          %add3A_583 = arith.addf %add3A_547, %gather3A_581 : vector<16xf32>
          %broadcast_in_dim3A_584 = arith.constant 11 : i32
          %broadcast_in_dim3A_585 = vector.broadcast %broadcast_in_dim3A_584 : i32 to vector<16xi32>
          %gather3A_586 = tpu.vector_load_idx %arg9[%broadcast_in_dim3A, %iota3A, %broadcast_in_dim3A_585] : memref<8x32x16xf32, #tpu.memory_space<vmem>>[vector<16xi32>, vector<16xi32>, vector<16xi32>], vector<16xf32>,
          %add3A_587 = arith.constant 16 : i32
          %add3A_588 = vector.broadcast %add3A_587 : i32 to vector<16xi32>
          %add3A_589 = arith.addi %iota3A, %add3A_588 : vector<16xi32>
          %gather3A_590 = tpu.vector_load_idx %arg9[%broadcast_in_dim3A, %add3A_589, %broadcast_in_dim3A_585] : memref<8x32x16xf32, #tpu.memory_space<vmem>>[vector<16xi32>, vector<16xi32>, vector<16xi32>], vector<16xf32>,
          %add3A_591 = arith.addf %add3A_555, %gather3A_586 : vector<16xf32>
          %add3A_592 = arith.addf %add3A_556, %gather3A_590 : vector<16xf32>
          %broadcast_in_dim3A_593 = arith.constant 12 : i32
          %broadcast_in_dim3A_594 = vector.broadcast %broadcast_in_dim3A_593 : i32 to vector<16xi32>
          %gather3A_595 = tpu.vector_load_idx %arg9[%broadcast_in_dim3A, %iota3A, %broadcast_in_dim3A_594] : memref<8x32x16xf32, #tpu.memory_space<vmem>>[vector<16xi32>, vector<16xi32>, vector<16xi32>], vector<16xf32>,
          %add3A_596 = arith.constant 16 : i32
          %add3A_597 = vector.broadcast %add3A_596 : i32 to vector<16xi32>
          %add3A_598 = arith.addi %iota3A, %add3A_597 : vector<16xi32>
          %gather3A_599 = tpu.vector_load_idx %arg9[%broadcast_in_dim3A, %add3A_598, %broadcast_in_dim3A_594] : memref<8x32x16xf32, #tpu.memory_space<vmem>>[vector<16xi32>, vector<16xi32>, vector<16xi32>], vector<16xf32>,
          %add3A_600 = arith.addf %add3A_564, %gather3A_595 : vector<16xf32>
          %add3A_601 = arith.addf %add3A_565, %gather3A_599 : vector<16xf32>
          %broadcast_in_dim3A_602 = arith.constant 13 : i32
          %broadcast_in_dim3A_603 = vector.broadcast %broadcast_in_dim3A_602 : i32 to vector<16xi32>
          %gather3A_604 = tpu.vector_load_idx %arg9[%broadcast_in_dim3A, %iota3A, %broadcast_in_dim3A_603] : memref<8x32x16xf32, #tpu.memory_space<vmem>>[vector<16xi32>, vector<16xi32>, vector<16xi32>], vector<16xf32>,
          %add3A_605 = arith.constant 16 : i32
          %add3A_606 = vector.broadcast %add3A_605 : i32 to vector<16xi32>
          %add3A_607 = arith.addi %iota3A, %add3A_606 : vector<16xi32>
          %gather3A_608 = tpu.vector_load_idx %arg9[%broadcast_in_dim3A, %add3A_607, %broadcast_in_dim3A_603] : memref<8x32x16xf32, #tpu.memory_space<vmem>>[vector<16xi32>, vector<16xi32>, vector<16xi32>], vector<16xf32>,
          %add3A_609 = arith.addf %add3A_573, %gather3A_604 : vector<16xf32>
          %add3A_610 = arith.addf %add3A_574, %gather3A_608 : vector<16xf32>
          %broadcast_in_dim3A_611 = arith.constant 14 : i32
          %broadcast_in_dim3A_612 = vector.broadcast %broadcast_in_dim3A_611 : i32 to vector<16xi32>
          %gather3A_613 = tpu.vector_load_idx %arg9[%broadcast_in_dim3A, %iota3A, %broadcast_in_dim3A_612] : memref<8x32x16xf32, #tpu.memory_space<vmem>>[vector<16xi32>, vector<16xi32>, vector<16xi32>], vector<16xf32>,
          %add3A_614 = arith.constant 16 : i32
          %add3A_615 = vector.broadcast %add3A_614 : i32 to vector<16xi32>
          %add3A_616 = arith.addi %iota3A, %add3A_615 : vector<16xi32>
          %gather3A_617 = tpu.vector_load_idx %arg9[%broadcast_in_dim3A, %add3A_616, %broadcast_in_dim3A_612] : memref<8x32x16xf32, #tpu.memory_space<vmem>>[vector<16xi32>, vector<16xi32>, vector<16xi32>], vector<16xf32>,
          %add3A_618 = arith.addf %add3A_582, %gather3A_613 : vector<16xf32>
          %add3A_619 = arith.addf %add3A_583, %gather3A_617 : vector<16xf32>
          %broadcast_in_dim3A_620 = arith.constant 15 : i32
          %broadcast_in_dim3A_621 = vector.broadcast %broadcast_in_dim3A_620 : i32 to vector<16xi32>
          %gather3A_622 = tpu.vector_load_idx %arg9[%broadcast_in_dim3A, %iota3A, %broadcast_in_dim3A_621] : memref<8x32x16xf32, #tpu.memory_space<vmem>>[vector<16xi32>, vector<16xi32>, vector<16xi32>], vector<16xf32>,
          %add3A_623 = arith.constant 16 : i32
          %add3A_624 = vector.broadcast %add3A_623 : i32 to vector<16xi32>
          %add3A_625 = arith.addi %iota3A, %add3A_624 : vector<16xi32>
          %gather3A_626 = tpu.vector_load_idx %arg9[%broadcast_in_dim3A, %add3A_625, %broadcast_in_dim3A_621] : memref<8x32x16xf32, #tpu.memory_space<vmem>>[vector<16xi32>, vector<16xi32>, vector<16xi32>], vector<16xf32>,
          %add3A_627 = arith.addf %add3A_591, %gather3A_622 : vector<16xf32>
          %add3A_628 = arith.addf %add3A_592, %gather3A_626 : vector<16xf32>
          %add3A_629 = arith.addf %add3A_600, %add3A_609 : vector<16xf32>
          %add3A_630 = arith.addf %add3A_618, %add3A_627 : vector<16xf32>
          %add3A_631 = arith.addf %add3A_629, %add3A_630 : vector<16xf32>
          %add3A_632 = vector.broadcast %add3A_493 : f32 to vector<16xf32>
          %add3A_633 = arith.addf %add3A_631, %add3A_632 : vector<16xf32>
          %add3A_634 = arith.addf %add3A_601, %add3A_610 : vector<16xf32>
          %add3A_635 = arith.addf %add3A_619, %add3A_628 : vector<16xf32>
          %add3A_636 = arith.addf %add3A_634, %add3A_635 : vector<16xf32>
          %add3A_637 = vector.broadcast %add3A_493 : f32 to vector<16xf32>
          %add3A_638 = arith.addf %add3A_636, %add3A_637 : vector<16xf32>
          %ge3A_639 = arith.constant 0.000000e+00 : f32
          %ge3A_640 = vector.broadcast %ge3A_639 : f32 to vector<16xf32>
          %ge3A_641 = arith.cmpf oge, %add3A_633, %ge3A_640 : vector<16xf32>
          %mul3A_642 = arith.constant 2.000000e-01 : f32
          %mul3A_643 = vector.broadcast %mul3A_642 : f32 to vector<16xf32>
          %mul3A_644 = arith.mulf %add3A_633, %mul3A_643 : vector<16xf32>
          %select_n3A = arith.select %ge3A_641, %add3A_633, %mul3A_644 : vector<16xi1>, vector<16xf32>
          %ge3A_645 = arith.constant 0.000000e+00 : f32
          %ge3A_646 = vector.broadcast %ge3A_645 : f32 to vector<16xf32>
          %ge3A_647 = arith.cmpf oge, %add3A_638, %ge3A_646 : vector<16xf32>
          %mul3A_648 = arith.constant 2.000000e-01 : f32
          %mul3A_649 = vector.broadcast %mul3A_648 : f32 to vector<16xf32>
          %mul3A_650 = arith.mulf %add3A_638, %mul3A_649 : vector<16xf32>
          %select_n3A_651 = arith.select %ge3A_647, %add3A_638, %mul3A_650 : vector<16xi1>, vector<16xf32>
          %max3A = arith.maximumf %select_n3A, %select_n3A_651 : vector<16xf32>
          %reduce_max3A = arith.constant true
          %reduce_max3A_652 = vector.broadcast %reduce_max3A : i1 to vector<16xi1>
          %reduce_max3A_653 = tpu.scan <max>, %max3A masked %reduce_max3A_652 : vector<16xf32>, vector<16xi1> -> vector<16xf32>
          %reduce_max3A_654 = vector.extract %reduce_max3A_653[15] : f32 from vector<16xf32>
          %sub3A_655 = vector.broadcast %reduce_max3A_654 : f32 to vector<16xf32>
          %sub3A_656 = arith.subf %select_n3A, %sub3A_655 : vector<16xf32>
          %exp3A = math.exp %sub3A_656 : vector<16xf32>
          %sub3A_657 = vector.broadcast %reduce_max3A_654 : f32 to vector<16xf32>
          %sub3A_658 = arith.subf %select_n3A_651, %sub3A_657 : vector<16xf32>
          %exp3A_659 = math.exp %sub3A_658 : vector<16xf32>
          %add3A_660 = arith.addf %exp3A, %exp3A_659 : vector<16xf32>
          %reduce_sum3A_661 = arith.constant true
          %reduce_sum3A_662 = vector.broadcast %reduce_sum3A_661 : i1 to vector<16xi1>
          %reduce_sum3A_663 = tpu.scan <sum>, %add3A_660 masked %reduce_sum3A_662 : vector<16xf32>, vector<16xi1> -> vector<16xf32>
          %reduce_sum3A_664 = vector.extract %reduce_sum3A_663[15] : f32 from vector<16xf32>
          %broadcast_in_dim3A_665 = vector.broadcast %reduce_sum3A_664 : f32 to vector<16xf32>
          %div3A_666 = arith.divf %exp3A, %broadcast_in_dim3A_665 : vector<16xf32>
          %swap3A = arith.index_cast %add3A_412 : i32 to index
          %swap3A_667 = arith.constant 0 : index
          %swap3A_668 = tpu.vector_load %arg10[%swap3A, %swap3A_667] {strides = array<i32>} : memref<8x32xf32, #tpu.memory_space<vmem>>, vector<16xf32>,
          tpu.vector_store %arg10[%swap3A, %swap3A_667], %div3A_666 {strides = array<i32>} : memref<8x32xf32, #tpu.memory_space<vmem>>, vector<16xf32>,
          %div3A_669 = arith.divf %exp3A_659, %broadcast_in_dim3A_665 : vector<16xf32>
          %swap3A_670 = arith.index_cast %add3A_412 : i32 to index
          %swap3A_671 = arith.constant 16 : index
          %swap3A_672 = tpu.vector_load %arg10[%swap3A_670, %swap3A_671] {strides = array<i32>} : memref<8x32xf32, #tpu.memory_space<vmem>>, vector<16xf32>,
          tpu.vector_store %arg10[%swap3A_670, %swap3A_671], %div3A_669 {strides = array<i32>} : memref<8x32xf32, #tpu.memory_space<vmem>>, vector<16xf32>,
          %broadcast_in_dim3A_673 = arith.constant 0.000000e+00 : f32
          %broadcast_in_dim3A_674 = vector.broadcast %broadcast_in_dim3A_673 : f32 to vector<16xf32>
          %scan3A_675 = arith.constant 0 : i32
          %scan3A_676 = arith.constant 32 : i32
          %scan3A_677 = arith.addi %scan3A_675, %scan3A_676 : i32
          %scan3A_678 = arith.constant 4 : i32
          %scan3A_679:8 = scf.for %scan3A_737 = %scan3A_675 to %scan3A_677 step %scan3A_678 iter_args(%scan3A_738 = %broadcast_in_dim3A_674, %scan3A_739 = %broadcast_in_dim3A_674, %scan3A_740 = %broadcast_in_dim3A_674, %scan3A_741 = %broadcast_in_dim3A_674, %scan3A_742 = %broadcast_in_dim3A_674, %scan3A_743 = %broadcast_in_dim3A_674, %scan3A_744 = %broadcast_in_dim3A_674, %scan3A_745 = %broadcast_in_dim3A_674) -> (vector<16xf32>, vector<16xf32>, vector<16xf32>, vector<16xf32>, vector<16xf32>, vector<16xf32>, vector<16xf32>, vector<16xf32>)  : i32 {
            %broadcast_in_dim3A_746 = vector.broadcast %scan3A_737 : i32 to vector<16xi32>
            %gather3A_747 = tpu.vector_load_idx %arg10[%broadcast_in_dim3A, %broadcast_in_dim3A_746] : memref<8x32xf32, #tpu.memory_space<vmem>>[vector<16xi32>, vector<16xi32>], vector<16xf32>,
            %get3A_748 = arith.constant 0 : i32
            %get3A_749 = arith.index_cast %get3A_748 : i32 to index
            %get3A_750 = arith.index_cast %add3A_412 : i32 to index
            %get3A_751 = arith.index_cast %scan3A_737 : i32 to index
            %get3A_752 = arith.constant 0 : index
            %get3A_753 = tpu.vector_load %arg7[%get3A_749, %get3A_750, %get3A_751, %get3A_752] {strides = array<i32>} : memref<2x8x32x128xf32, #tpu.memory_space<vmem>>, vector<16xf32>,
            %mul3A_754 = arith.mulf %gather3A_747, %get3A_753 : vector<16xf32>
            %add3A_755 = arith.addf %scan3A_738, %mul3A_754 : vector<16xf32>
            %get3A_756 = arith.constant 0 : i32
            %get3A_757 = arith.index_cast %get3A_756 : i32 to index
            %get3A_758 = arith.index_cast %add3A_412 : i32 to index
            %get3A_759 = arith.index_cast %scan3A_737 : i32 to index
            %get3A_760 = arith.constant 16 : index
            %get3A_761 = tpu.vector_load %arg7[%get3A_757, %get3A_758, %get3A_759, %get3A_760] {strides = array<i32>} : memref<2x8x32x128xf32, #tpu.memory_space<vmem>>, vector<16xf32>,
            %mul3A_762 = arith.mulf %gather3A_747, %get3A_761 : vector<16xf32>
            %add3A_763 = arith.addf %scan3A_739, %mul3A_762 : vector<16xf32>
            %get3A_764 = arith.constant 0 : i32
            %get3A_765 = arith.index_cast %get3A_764 : i32 to index
            %get3A_766 = arith.index_cast %add3A_412 : i32 to index
            %get3A_767 = arith.index_cast %scan3A_737 : i32 to index
            %get3A_768 = arith.constant 32 : index
            %get3A_769 = tpu.vector_load %arg7[%get3A_765, %get3A_766, %get3A_767, %get3A_768] {strides = array<i32>} : memref<2x8x32x128xf32, #tpu.memory_space<vmem>>, vector<16xf32>,
            %mul3A_770 = arith.mulf %gather3A_747, %get3A_769 : vector<16xf32>
            %add3A_771 = arith.addf %scan3A_740, %mul3A_770 : vector<16xf32>
            %get3A_772 = arith.constant 0 : i32
            %get3A_773 = arith.index_cast %get3A_772 : i32 to index
            %get3A_774 = arith.index_cast %add3A_412 : i32 to index
            %get3A_775 = arith.index_cast %scan3A_737 : i32 to index
            %get3A_776 = arith.constant 48 : index
            %get3A_777 = tpu.vector_load %arg7[%get3A_773, %get3A_774, %get3A_775, %get3A_776] {strides = array<i32>} : memref<2x8x32x128xf32, #tpu.memory_space<vmem>>, vector<16xf32>,
            %mul3A_778 = arith.mulf %gather3A_747, %get3A_777 : vector<16xf32>
            %add3A_779 = arith.addf %scan3A_741, %mul3A_778 : vector<16xf32>
            %get3A_780 = arith.constant 0 : i32
            %get3A_781 = arith.index_cast %get3A_780 : i32 to index
            %get3A_782 = arith.index_cast %add3A_412 : i32 to index
            %get3A_783 = arith.index_cast %scan3A_737 : i32 to index
            %get3A_784 = arith.constant 64 : index
            %get3A_785 = tpu.vector_load %arg7[%get3A_781, %get3A_782, %get3A_783, %get3A_784] {strides = array<i32>} : memref<2x8x32x128xf32, #tpu.memory_space<vmem>>, vector<16xf32>,
            %mul3A_786 = arith.mulf %gather3A_747, %get3A_785 : vector<16xf32>
            %add3A_787 = arith.addf %scan3A_742, %mul3A_786 : vector<16xf32>
            %get3A_788 = arith.constant 0 : i32
            %get3A_789 = arith.index_cast %get3A_788 : i32 to index
            %get3A_790 = arith.index_cast %add3A_412 : i32 to index
            %get3A_791 = arith.index_cast %scan3A_737 : i32 to index
            %get3A_792 = arith.constant 80 : index
            %get3A_793 = tpu.vector_load %arg7[%get3A_789, %get3A_790, %get3A_791, %get3A_792] {strides = array<i32>} : memref<2x8x32x128xf32, #tpu.memory_space<vmem>>, vector<16xf32>,
            %mul3A_794 = arith.mulf %gather3A_747, %get3A_793 : vector<16xf32>
            %add3A_795 = arith.addf %scan3A_743, %mul3A_794 : vector<16xf32>
            %get3A_796 = arith.constant 0 : i32
            %get3A_797 = arith.index_cast %get3A_796 : i32 to index
            %get3A_798 = arith.index_cast %add3A_412 : i32 to index
            %get3A_799 = arith.index_cast %scan3A_737 : i32 to index
            %get3A_800 = arith.constant 96 : index
            %get3A_801 = tpu.vector_load %arg7[%get3A_797, %get3A_798, %get3A_799, %get3A_800] {strides = array<i32>} : memref<2x8x32x128xf32, #tpu.memory_space<vmem>>, vector<16xf32>,
            %mul3A_802 = arith.mulf %gather3A_747, %get3A_801 : vector<16xf32>
            %add3A_803 = arith.addf %scan3A_744, %mul3A_802 : vector<16xf32>
            %get3A_804 = arith.constant 0 : i32
            %get3A_805 = arith.index_cast %get3A_804 : i32 to index
            %get3A_806 = arith.index_cast %add3A_412 : i32 to index
            %get3A_807 = arith.index_cast %scan3A_737 : i32 to index
            %get3A_808 = arith.constant 112 : index
            %get3A_809 = tpu.vector_load %arg7[%get3A_805, %get3A_806, %get3A_807, %get3A_808] {strides = array<i32>} : memref<2x8x32x128xf32, #tpu.memory_space<vmem>>, vector<16xf32>,
            %mul3A_810 = arith.mulf %gather3A_747, %get3A_809 : vector<16xf32>
            %add3A_811 = arith.addf %scan3A_745, %mul3A_810 : vector<16xf32>
            %scan3A_812 = arith.constant 1 : i32
            %scan3A_813 = arith.addi %scan3A_737, %scan3A_812 : i32
            %broadcast_in_dim3A_814 = vector.broadcast %scan3A_813 : i32 to vector<16xi32>
            %gather3A_815 = tpu.vector_load_idx %arg10[%broadcast_in_dim3A, %broadcast_in_dim3A_814] : memref<8x32xf32, #tpu.memory_space<vmem>>[vector<16xi32>, vector<16xi32>], vector<16xf32>,
            %get3A_816 = arith.constant 0 : i32
            %get3A_817 = arith.index_cast %get3A_816 : i32 to index
            %get3A_818 = arith.index_cast %add3A_412 : i32 to index
            %get3A_819 = arith.index_cast %scan3A_813 : i32 to index
            %get3A_820 = arith.constant 0 : index
            %get3A_821 = tpu.vector_load %arg7[%get3A_817, %get3A_818, %get3A_819, %get3A_820] {strides = array<i32>} : memref<2x8x32x128xf32, #tpu.memory_space<vmem>>, vector<16xf32>,
            %mul3A_822 = arith.mulf %gather3A_815, %get3A_821 : vector<16xf32>
            %add3A_823 = arith.addf %add3A_755, %mul3A_822 : vector<16xf32>
            %get3A_824 = arith.constant 0 : i32
            %get3A_825 = arith.index_cast %get3A_824 : i32 to index
            %get3A_826 = arith.index_cast %add3A_412 : i32 to index
            %get3A_827 = arith.index_cast %scan3A_813 : i32 to index
            %get3A_828 = arith.constant 16 : index
            %get3A_829 = tpu.vector_load %arg7[%get3A_825, %get3A_826, %get3A_827, %get3A_828] {strides = array<i32>} : memref<2x8x32x128xf32, #tpu.memory_space<vmem>>, vector<16xf32>,
            %mul3A_830 = arith.mulf %gather3A_815, %get3A_829 : vector<16xf32>
            %add3A_831 = arith.addf %add3A_763, %mul3A_830 : vector<16xf32>
            %get3A_832 = arith.constant 0 : i32
            %get3A_833 = arith.index_cast %get3A_832 : i32 to index
            %get3A_834 = arith.index_cast %add3A_412 : i32 to index
            %get3A_835 = arith.index_cast %scan3A_813 : i32 to index
            %get3A_836 = arith.constant 32 : index
            %get3A_837 = tpu.vector_load %arg7[%get3A_833, %get3A_834, %get3A_835, %get3A_836] {strides = array<i32>} : memref<2x8x32x128xf32, #tpu.memory_space<vmem>>, vector<16xf32>,
            %mul3A_838 = arith.mulf %gather3A_815, %get3A_837 : vector<16xf32>
            %add3A_839 = arith.addf %add3A_771, %mul3A_838 : vector<16xf32>
            %get3A_840 = arith.constant 0 : i32
            %get3A_841 = arith.index_cast %get3A_840 : i32 to index
            %get3A_842 = arith.index_cast %add3A_412 : i32 to index
            %get3A_843 = arith.index_cast %scan3A_813 : i32 to index
            %get3A_844 = arith.constant 48 : index
            %get3A_845 = tpu.vector_load %arg7[%get3A_841, %get3A_842, %get3A_843, %get3A_844] {strides = array<i32>} : memref<2x8x32x128xf32, #tpu.memory_space<vmem>>, vector<16xf32>,
            %mul3A_846 = arith.mulf %gather3A_815, %get3A_845 : vector<16xf32>
            %add3A_847 = arith.addf %add3A_779, %mul3A_846 : vector<16xf32>
            %get3A_848 = arith.constant 0 : i32
            %get3A_849 = arith.index_cast %get3A_848 : i32 to index
            %get3A_850 = arith.index_cast %add3A_412 : i32 to index
            %get3A_851 = arith.index_cast %scan3A_813 : i32 to index
            %get3A_852 = arith.constant 64 : index
            %get3A_853 = tpu.vector_load %arg7[%get3A_849, %get3A_850, %get3A_851, %get3A_852] {strides = array<i32>} : memref<2x8x32x128xf32, #tpu.memory_space<vmem>>, vector<16xf32>,
            %mul3A_854 = arith.mulf %gather3A_815, %get3A_853 : vector<16xf32>
            %add3A_855 = arith.addf %add3A_787, %mul3A_854 : vector<16xf32>
            %get3A_856 = arith.constant 0 : i32
            %get3A_857 = arith.index_cast %get3A_856 : i32 to index
            %get3A_858 = arith.index_cast %add3A_412 : i32 to index
            %get3A_859 = arith.index_cast %scan3A_813 : i32 to index
            %get3A_860 = arith.constant 80 : index
            %get3A_861 = tpu.vector_load %arg7[%get3A_857, %get3A_858, %get3A_859, %get3A_860] {strides = array<i32>} : memref<2x8x32x128xf32, #tpu.memory_space<vmem>>, vector<16xf32>,
            %mul3A_862 = arith.mulf %gather3A_815, %get3A_861 : vector<16xf32>
            %add3A_863 = arith.addf %add3A_795, %mul3A_862 : vector<16xf32>
            %get3A_864 = arith.constant 0 : i32
            %get3A_865 = arith.index_cast %get3A_864 : i32 to index
            %get3A_866 = arith.index_cast %add3A_412 : i32 to index
            %get3A_867 = arith.index_cast %scan3A_813 : i32 to index
            %get3A_868 = arith.constant 96 : index
            %get3A_869 = tpu.vector_load %arg7[%get3A_865, %get3A_866, %get3A_867, %get3A_868] {strides = array<i32>} : memref<2x8x32x128xf32, #tpu.memory_space<vmem>>, vector<16xf32>,
            %mul3A_870 = arith.mulf %gather3A_815, %get3A_869 : vector<16xf32>
            %add3A_871 = arith.addf %add3A_803, %mul3A_870 : vector<16xf32>
            %get3A_872 = arith.constant 0 : i32
            %get3A_873 = arith.index_cast %get3A_872 : i32 to index
            %get3A_874 = arith.index_cast %add3A_412 : i32 to index
            %get3A_875 = arith.index_cast %scan3A_813 : i32 to index
            %get3A_876 = arith.constant 112 : index
            %get3A_877 = tpu.vector_load %arg7[%get3A_873, %get3A_874, %get3A_875, %get3A_876] {strides = array<i32>} : memref<2x8x32x128xf32, #tpu.memory_space<vmem>>, vector<16xf32>,
            %mul3A_878 = arith.mulf %gather3A_815, %get3A_877 : vector<16xf32>
            %add3A_879 = arith.addf %add3A_811, %mul3A_878 : vector<16xf32>
            %scan3A_880 = arith.constant 2 : i32
            %scan3A_881 = arith.addi %scan3A_737, %scan3A_880 : i32
            %broadcast_in_dim3A_882 = vector.broadcast %scan3A_881 : i32 to vector<16xi32>
            %gather3A_883 = tpu.vector_load_idx %arg10[%broadcast_in_dim3A, %broadcast_in_dim3A_882] : memref<8x32xf32, #tpu.memory_space<vmem>>[vector<16xi32>, vector<16xi32>], vector<16xf32>,
            %get3A_884 = arith.constant 0 : i32
            %get3A_885 = arith.index_cast %get3A_884 : i32 to index
            %get3A_886 = arith.index_cast %add3A_412 : i32 to index
            %get3A_887 = arith.index_cast %scan3A_881 : i32 to index
            %get3A_888 = arith.constant 0 : index
            %get3A_889 = tpu.vector_load %arg7[%get3A_885, %get3A_886, %get3A_887, %get3A_888] {strides = array<i32>} : memref<2x8x32x128xf32, #tpu.memory_space<vmem>>, vector<16xf32>,
            %mul3A_890 = arith.mulf %gather3A_883, %get3A_889 : vector<16xf32>
            %add3A_891 = arith.addf %add3A_823, %mul3A_890 : vector<16xf32>
            %get3A_892 = arith.constant 0 : i32
            %get3A_893 = arith.index_cast %get3A_892 : i32 to index
            %get3A_894 = arith.index_cast %add3A_412 : i32 to index
            %get3A_895 = arith.index_cast %scan3A_881 : i32 to index
            %get3A_896 = arith.constant 16 : index
            %get3A_897 = tpu.vector_load %arg7[%get3A_893, %get3A_894, %get3A_895, %get3A_896] {strides = array<i32>} : memref<2x8x32x128xf32, #tpu.memory_space<vmem>>, vector<16xf32>,
            %mul3A_898 = arith.mulf %gather3A_883, %get3A_897 : vector<16xf32>
            %add3A_899 = arith.addf %add3A_831, %mul3A_898 : vector<16xf32>
            %get3A_900 = arith.constant 0 : i32
            %get3A_901 = arith.index_cast %get3A_900 : i32 to index
            %get3A_902 = arith.index_cast %add3A_412 : i32 to index
            %get3A_903 = arith.index_cast %scan3A_881 : i32 to index
            %get3A_904 = arith.constant 32 : index
            %get3A_905 = tpu.vector_load %arg7[%get3A_901, %get3A_902, %get3A_903, %get3A_904] {strides = array<i32>} : memref<2x8x32x128xf32, #tpu.memory_space<vmem>>, vector<16xf32>,
            %mul3A_906 = arith.mulf %gather3A_883, %get3A_905 : vector<16xf32>
            %add3A_907 = arith.addf %add3A_839, %mul3A_906 : vector<16xf32>
            %get3A_908 = arith.constant 0 : i32
            %get3A_909 = arith.index_cast %get3A_908 : i32 to index
            %get3A_910 = arith.index_cast %add3A_412 : i32 to index
            %get3A_911 = arith.index_cast %scan3A_881 : i32 to index
            %get3A_912 = arith.constant 48 : index
            %get3A_913 = tpu.vector_load %arg7[%get3A_909, %get3A_910, %get3A_911, %get3A_912] {strides = array<i32>} : memref<2x8x32x128xf32, #tpu.memory_space<vmem>>, vector<16xf32>,
            %mul3A_914 = arith.mulf %gather3A_883, %get3A_913 : vector<16xf32>
            %add3A_915 = arith.addf %add3A_847, %mul3A_914 : vector<16xf32>
            %get3A_916 = arith.constant 0 : i32
            %get3A_917 = arith.index_cast %get3A_916 : i32 to index
            %get3A_918 = arith.index_cast %add3A_412 : i32 to index
            %get3A_919 = arith.index_cast %scan3A_881 : i32 to index
            %get3A_920 = arith.constant 64 : index
            %get3A_921 = tpu.vector_load %arg7[%get3A_917, %get3A_918, %get3A_919, %get3A_920] {strides = array<i32>} : memref<2x8x32x128xf32, #tpu.memory_space<vmem>>, vector<16xf32>,
            %mul3A_922 = arith.mulf %gather3A_883, %get3A_921 : vector<16xf32>
            %add3A_923 = arith.addf %add3A_855, %mul3A_922 : vector<16xf32>
            %get3A_924 = arith.constant 0 : i32
            %get3A_925 = arith.index_cast %get3A_924 : i32 to index
            %get3A_926 = arith.index_cast %add3A_412 : i32 to index
            %get3A_927 = arith.index_cast %scan3A_881 : i32 to index
            %get3A_928 = arith.constant 80 : index
            %get3A_929 = tpu.vector_load %arg7[%get3A_925, %get3A_926, %get3A_927, %get3A_928] {strides = array<i32>} : memref<2x8x32x128xf32, #tpu.memory_space<vmem>>, vector<16xf32>,
            %mul3A_930 = arith.mulf %gather3A_883, %get3A_929 : vector<16xf32>
            %add3A_931 = arith.addf %add3A_863, %mul3A_930 : vector<16xf32>
            %get3A_932 = arith.constant 0 : i32
            %get3A_933 = arith.index_cast %get3A_932 : i32 to index
            %get3A_934 = arith.index_cast %add3A_412 : i32 to index
            %get3A_935 = arith.index_cast %scan3A_881 : i32 to index
            %get3A_936 = arith.constant 96 : index
            %get3A_937 = tpu.vector_load %arg7[%get3A_933, %get3A_934, %get3A_935, %get3A_936] {strides = array<i32>} : memref<2x8x32x128xf32, #tpu.memory_space<vmem>>, vector<16xf32>,
            %mul3A_938 = arith.mulf %gather3A_883, %get3A_937 : vector<16xf32>
            %add3A_939 = arith.addf %add3A_871, %mul3A_938 : vector<16xf32>
            %get3A_940 = arith.constant 0 : i32
            %get3A_941 = arith.index_cast %get3A_940 : i32 to index
            %get3A_942 = arith.index_cast %add3A_412 : i32 to index
            %get3A_943 = arith.index_cast %scan3A_881 : i32 to index
            %get3A_944 = arith.constant 112 : index
            %get3A_945 = tpu.vector_load %arg7[%get3A_941, %get3A_942, %get3A_943, %get3A_944] {strides = array<i32>} : memref<2x8x32x128xf32, #tpu.memory_space<vmem>>, vector<16xf32>,
            %mul3A_946 = arith.mulf %gather3A_883, %get3A_945 : vector<16xf32>
            %add3A_947 = arith.addf %add3A_879, %mul3A_946 : vector<16xf32>
            %scan3A_948 = arith.constant 3 : i32
            %scan3A_949 = arith.addi %scan3A_737, %scan3A_948 : i32
            %broadcast_in_dim3A_950 = vector.broadcast %scan3A_949 : i32 to vector<16xi32>
            %gather3A_951 = tpu.vector_load_idx %arg10[%broadcast_in_dim3A, %broadcast_in_dim3A_950] : memref<8x32xf32, #tpu.memory_space<vmem>>[vector<16xi32>, vector<16xi32>], vector<16xf32>,
            %get3A_952 = arith.constant 0 : i32
            %get3A_953 = arith.index_cast %get3A_952 : i32 to index
            %get3A_954 = arith.index_cast %add3A_412 : i32 to index
            %get3A_955 = arith.index_cast %scan3A_949 : i32 to index
            %get3A_956 = arith.constant 0 : index
            %get3A_957 = tpu.vector_load %arg7[%get3A_953, %get3A_954, %get3A_955, %get3A_956] {strides = array<i32>} : memref<2x8x32x128xf32, #tpu.memory_space<vmem>>, vector<16xf32>,
            %mul3A_958 = arith.mulf %gather3A_951, %get3A_957 : vector<16xf32>
            %add3A_959 = arith.addf %add3A_891, %mul3A_958 : vector<16xf32>
            %get3A_960 = arith.constant 0 : i32
            %get3A_961 = arith.index_cast %get3A_960 : i32 to index
            %get3A_962 = arith.index_cast %add3A_412 : i32 to index
            %get3A_963 = arith.index_cast %scan3A_949 : i32 to index
            %get3A_964 = arith.constant 16 : index
            %get3A_965 = tpu.vector_load %arg7[%get3A_961, %get3A_962, %get3A_963, %get3A_964] {strides = array<i32>} : memref<2x8x32x128xf32, #tpu.memory_space<vmem>>, vector<16xf32>,
            %mul3A_966 = arith.mulf %gather3A_951, %get3A_965 : vector<16xf32>
            %add3A_967 = arith.addf %add3A_899, %mul3A_966 : vector<16xf32>
            %get3A_968 = arith.constant 0 : i32
            %get3A_969 = arith.index_cast %get3A_968 : i32 to index
            %get3A_970 = arith.index_cast %add3A_412 : i32 to index
            %get3A_971 = arith.index_cast %scan3A_949 : i32 to index
            %get3A_972 = arith.constant 32 : index
            %get3A_973 = tpu.vector_load %arg7[%get3A_969, %get3A_970, %get3A_971, %get3A_972] {strides = array<i32>} : memref<2x8x32x128xf32, #tpu.memory_space<vmem>>, vector<16xf32>,
            %mul3A_974 = arith.mulf %gather3A_951, %get3A_973 : vector<16xf32>
            %add3A_975 = arith.addf %add3A_907, %mul3A_974 : vector<16xf32>
            %get3A_976 = arith.constant 0 : i32
            %get3A_977 = arith.index_cast %get3A_976 : i32 to index
            %get3A_978 = arith.index_cast %add3A_412 : i32 to index
            %get3A_979 = arith.index_cast %scan3A_949 : i32 to index
            %get3A_980 = arith.constant 48 : index
            %get3A_981 = tpu.vector_load %arg7[%get3A_977, %get3A_978, %get3A_979, %get3A_980] {strides = array<i32>} : memref<2x8x32x128xf32, #tpu.memory_space<vmem>>, vector<16xf32>,
            %mul3A_982 = arith.mulf %gather3A_951, %get3A_981 : vector<16xf32>
            %add3A_983 = arith.addf %add3A_915, %mul3A_982 : vector<16xf32>
            %get3A_984 = arith.constant 0 : i32
            %get3A_985 = arith.index_cast %get3A_984 : i32 to index
            %get3A_986 = arith.index_cast %add3A_412 : i32 to index
            %get3A_987 = arith.index_cast %scan3A_949 : i32 to index
            %get3A_988 = arith.constant 64 : index
            %get3A_989 = tpu.vector_load %arg7[%get3A_985, %get3A_986, %get3A_987, %get3A_988] {strides = array<i32>} : memref<2x8x32x128xf32, #tpu.memory_space<vmem>>, vector<16xf32>,
            %mul3A_990 = arith.mulf %gather3A_951, %get3A_989 : vector<16xf32>
            %add3A_991 = arith.addf %add3A_923, %mul3A_990 : vector<16xf32>
            %get3A_992 = arith.constant 0 : i32
            %get3A_993 = arith.index_cast %get3A_992 : i32 to index
            %get3A_994 = arith.index_cast %add3A_412 : i32 to index
            %get3A_995 = arith.index_cast %scan3A_949 : i32 to index
            %get3A_996 = arith.constant 80 : index
            %get3A_997 = tpu.vector_load %arg7[%get3A_993, %get3A_994, %get3A_995, %get3A_996] {strides = array<i32>} : memref<2x8x32x128xf32, #tpu.memory_space<vmem>>, vector<16xf32>,
            %mul3A_998 = arith.mulf %gather3A_951, %get3A_997 : vector<16xf32>
            %add3A_999 = arith.addf %add3A_931, %mul3A_998 : vector<16xf32>
            %get3A_1000 = arith.constant 0 : i32
            %get3A_1001 = arith.index_cast %get3A_1000 : i32 to index
            %get3A_1002 = arith.index_cast %add3A_412 : i32 to index
            %get3A_1003 = arith.index_cast %scan3A_949 : i32 to index
            %get3A_1004 = arith.constant 96 : index
            %get3A_1005 = tpu.vector_load %arg7[%get3A_1001, %get3A_1002, %get3A_1003, %get3A_1004] {strides = array<i32>} : memref<2x8x32x128xf32, #tpu.memory_space<vmem>>, vector<16xf32>,
            %mul3A_1006 = arith.mulf %gather3A_951, %get3A_1005 : vector<16xf32>
            %add3A_1007 = arith.addf %add3A_939, %mul3A_1006 : vector<16xf32>
            %get3A_1008 = arith.constant 0 : i32
            %get3A_1009 = arith.index_cast %get3A_1008 : i32 to index
            %get3A_1010 = arith.index_cast %add3A_412 : i32 to index
            %get3A_1011 = arith.index_cast %scan3A_949 : i32 to index
            %get3A_1012 = arith.constant 112 : index
            %get3A_1013 = tpu.vector_load %arg7[%get3A_1009, %get3A_1010, %get3A_1011, %get3A_1012] {strides = array<i32>} : memref<2x8x32x128xf32, #tpu.memory_space<vmem>>, vector<16xf32>,
            %mul3A_1014 = arith.mulf %gather3A_951, %get3A_1013 : vector<16xf32>
            %add3A_1015 = arith.addf %add3A_947, %mul3A_1014 : vector<16xf32>
            scf.yield %add3A_959, %add3A_967, %add3A_975, %add3A_983, %add3A_991, %add3A_999, %add3A_1007, %add3A_1015 : vector<16xf32>, vector<16xf32>, vector<16xf32>, vector<16xf32>, vector<16xf32>, vector<16xf32>, vector<16xf32>, vector<16xf32>
          }
          %scan3A_680 = arith.constant 32 : i32
          %swap3A_681 = arith.constant 0 : i32
          %swap3A_682 = arith.constant 0 : i32
          %swap3A_683 = arith.index_cast %swap3A_681 : i32 to index
          %swap3A_684 = arith.index_cast %add3A_412 : i32 to index
          %swap3A_685 = arith.index_cast %swap3A_682 : i32 to index
          %swap3A_686 = arith.constant 0 : index
          %swap3A_687 = tpu.vector_load %arg11[%swap3A_683, %swap3A_684, %swap3A_685, %swap3A_686] {strides = array<i32>} : memref<2x8x1x128xf32, #tpu.memory_space<vmem>>, vector<16xf32>,
          tpu.vector_store %arg11[%swap3A_683, %swap3A_684, %swap3A_685, %swap3A_686], %scan3A_679#0 {strides = array<i32>} : memref<2x8x1x128xf32, #tpu.memory_space<vmem>>, vector<16xf32>,
          %swap3A_688 = arith.constant 0 : i32
          %swap3A_689 = arith.constant 0 : i32
          %swap3A_690 = arith.index_cast %swap3A_688 : i32 to index
          %swap3A_691 = arith.index_cast %add3A_412 : i32 to index
          %swap3A_692 = arith.index_cast %swap3A_689 : i32 to index
          %swap3A_693 = arith.constant 16 : index
          %swap3A_694 = tpu.vector_load %arg11[%swap3A_690, %swap3A_691, %swap3A_692, %swap3A_693] {strides = array<i32>} : memref<2x8x1x128xf32, #tpu.memory_space<vmem>>, vector<16xf32>,
          tpu.vector_store %arg11[%swap3A_690, %swap3A_691, %swap3A_692, %swap3A_693], %scan3A_679#1 {strides = array<i32>} : memref<2x8x1x128xf32, #tpu.memory_space<vmem>>, vector<16xf32>,
          %swap3A_695 = arith.constant 0 : i32
          %swap3A_696 = arith.constant 0 : i32
          %swap3A_697 = arith.index_cast %swap3A_695 : i32 to index
          %swap3A_698 = arith.index_cast %add3A_412 : i32 to index
          %swap3A_699 = arith.index_cast %swap3A_696 : i32 to index
          %swap3A_700 = arith.constant 32 : index
          %swap3A_701 = tpu.vector_load %arg11[%swap3A_697, %swap3A_698, %swap3A_699, %swap3A_700] {strides = array<i32>} : memref<2x8x1x128xf32, #tpu.memory_space<vmem>>, vector<16xf32>,
          tpu.vector_store %arg11[%swap3A_697, %swap3A_698, %swap3A_699, %swap3A_700], %scan3A_679#2 {strides = array<i32>} : memref<2x8x1x128xf32, #tpu.memory_space<vmem>>, vector<16xf32>,
          %swap3A_702 = arith.constant 0 : i32
          %swap3A_703 = arith.constant 0 : i32
          %swap3A_704 = arith.index_cast %swap3A_702 : i32 to index
          %swap3A_705 = arith.index_cast %add3A_412 : i32 to index
          %swap3A_706 = arith.index_cast %swap3A_703 : i32 to index
          %swap3A_707 = arith.constant 48 : index
          %swap3A_708 = tpu.vector_load %arg11[%swap3A_704, %swap3A_705, %swap3A_706, %swap3A_707] {strides = array<i32>} : memref<2x8x1x128xf32, #tpu.memory_space<vmem>>, vector<16xf32>,
          tpu.vector_store %arg11[%swap3A_704, %swap3A_705, %swap3A_706, %swap3A_707], %scan3A_679#3 {strides = array<i32>} : memref<2x8x1x128xf32, #tpu.memory_space<vmem>>, vector<16xf32>,
          %swap3A_709 = arith.constant 0 : i32
          %swap3A_710 = arith.constant 0 : i32
          %swap3A_711 = arith.index_cast %swap3A_709 : i32 to index
          %swap3A_712 = arith.index_cast %add3A_412 : i32 to index
          %swap3A_713 = arith.index_cast %swap3A_710 : i32 to index
          %swap3A_714 = arith.constant 64 : index
          %swap3A_715 = tpu.vector_load %arg11[%swap3A_711, %swap3A_712, %swap3A_713, %swap3A_714] {strides = array<i32>} : memref<2x8x1x128xf32, #tpu.memory_space<vmem>>, vector<16xf32>,
          tpu.vector_store %arg11[%swap3A_711, %swap3A_712, %swap3A_713, %swap3A_714], %scan3A_679#4 {strides = array<i32>} : memref<2x8x1x128xf32, #tpu.memory_space<vmem>>, vector<16xf32>,
          %swap3A_716 = arith.constant 0 : i32
          %swap3A_717 = arith.constant 0 : i32
          %swap3A_718 = arith.index_cast %swap3A_716 : i32 to index
          %swap3A_719 = arith.index_cast %add3A_412 : i32 to index
          %swap3A_720 = arith.index_cast %swap3A_717 : i32 to index
          %swap3A_721 = arith.constant 80 : index
          %swap3A_722 = tpu.vector_load %arg11[%swap3A_718, %swap3A_719, %swap3A_720, %swap3A_721] {strides = array<i32>} : memref<2x8x1x128xf32, #tpu.memory_space<vmem>>, vector<16xf32>,
          tpu.vector_store %arg11[%swap3A_718, %swap3A_719, %swap3A_720, %swap3A_721], %scan3A_679#5 {strides = array<i32>} : memref<2x8x1x128xf32, #tpu.memory_space<vmem>>, vector<16xf32>,
          %swap3A_723 = arith.constant 0 : i32
          %swap3A_724 = arith.constant 0 : i32
          %swap3A_725 = arith.index_cast %swap3A_723 : i32 to index
          %swap3A_726 = arith.index_cast %add3A_412 : i32 to index
          %swap3A_727 = arith.index_cast %swap3A_724 : i32 to index
          %swap3A_728 = arith.constant 96 : index
          %swap3A_729 = tpu.vector_load %arg11[%swap3A_725, %swap3A_726, %swap3A_727, %swap3A_728] {strides = array<i32>} : memref<2x8x1x128xf32, #tpu.memory_space<vmem>>, vector<16xf32>,
          tpu.vector_store %arg11[%swap3A_725, %swap3A_726, %swap3A_727, %swap3A_728], %scan3A_679#6 {strides = array<i32>} : memref<2x8x1x128xf32, #tpu.memory_space<vmem>>, vector<16xf32>,
          %swap3A_730 = arith.constant 0 : i32
          %swap3A_731 = arith.constant 0 : i32
          %swap3A_732 = arith.index_cast %swap3A_730 : i32 to index
          %swap3A_733 = arith.index_cast %add3A_412 : i32 to index
          %swap3A_734 = arith.index_cast %swap3A_731 : i32 to index
          %swap3A_735 = arith.constant 112 : index
          %swap3A_736 = tpu.vector_load %arg11[%swap3A_732, %swap3A_733, %swap3A_734, %swap3A_735] {strides = array<i32>} : memref<2x8x1x128xf32, #tpu.memory_space<vmem>>, vector<16xf32>,
          tpu.vector_store %arg11[%swap3A_732, %swap3A_733, %swap3A_734, %swap3A_735], %scan3A_679#7 {strides = array<i32>} : memref<2x8x1x128xf32, #tpu.memory_space<vmem>>, vector<16xf32>,
        }
        %scan3A_384 = arith.constant 8 : i32
        %add3A_385 = arith.constant 2 : i32
        %add3A_386 = arith.addi %add3A_267, %add3A_385 : i32
        %lt3A_387 = arith.cmpi slt, %add3A_386, %shift_right_arithmetic3A_9 : i32
        %convert_element_type3A_388 = arith.extui %lt3A_387 : i1 to i32
        %cond3A_389 = arith.constant 0 : i32
        %cond3A_390 = arith.cmpi ne, %convert_element_type3A_388, %cond3A_389 : i32
        scf.if %cond3A_390 {
          %add3A_408 = arith.constant 2 : i32
          %add3A_409 = arith.addi %add3A_267, %add3A_408 : i32
          %mul3A_410 = arith.constant 8 : i32
          %mul3A_411 = arith.muli %add3A_409, %mul3A_410 : i32
          %add3A_412 = arith.addi %mul3A_2, %mul3A_411 : i32
          %min3A_413 = arith.minsi %add3A_412, %sub3A_12 : i32
          %add3A_414 = arith.constant 0 : i32
          %add3A_415 = arith.addi %min3A_413, %add3A_414 : i32
          %dma_start3A_416 = arith.constant 0 : i32
          %dma_start3A_417 = arith.constant 0 : i32
          %dma_start3A_418 = arith.constant 0 : i32
          %dma_start3A_419 = arith.constant 0 : i32
          %dma_start3A_420 = tpu.memref_slice %arg7[%dma_start3A_416, %dma_start3A_417, %dma_start3A_418, %dma_start3A_419] : memref<2x8x32x128xf32, #tpu.memory_space<vmem>> -> memref<1x2x32x128xf32, #tpu.memory_space<vmem>>
          %dma_start3A_421 = tpu.memref_squeeze %dma_start3A_420 : memref<1x2x32x128xf32, #tpu.memory_space<vmem>> -> memref<2x32x128xf32, #tpu.memory_space<vmem>>
          %dma_start3A_422 = arith.constant 0 : i32
          %dma_start3A_423 = arith.constant 0 : i32
          %dma_start3A_424 = tpu.memref_slice %arg2[%add3A_415, %dma_start3A_422, %dma_start3A_423] : memref<10000x32x128xf32, #tpu.memory_space<hbm>> -> memref<2x32x128xf32, #tpu.memory_space<hbm>>
          %dma_start3A_425 = arith.constant 0 : i32
          %dma_start3A_426 = arith.constant 0 : i32
          %dma_start3A_427 = arith.constant 0 : i32
          %dma_start3A_428 = tpu.memref_slice %arg7[%dma_start3A_416, %dma_start3A_425, %dma_start3A_426, %dma_start3A_427] : memref<2x8x32x128xf32, #tpu.memory_space<vmem>> -> memref<1x2x32x128xf32, #tpu.memory_space<vmem>>
          %dma_start3A_429 = tpu.memref_squeeze %dma_start3A_428 : memref<1x2x32x128xf32, #tpu.memory_space<vmem>> -> memref<2x32x128xf32, #tpu.memory_space<vmem>>
          %dma_start3A_430 = arith.constant 0 : i32
          %dma_start3A_431 = arith.constant 0 : i32
          %dma_start3A_432 = tpu.memref_slice %arg2[%add3A_415, %dma_start3A_430, %dma_start3A_431] : memref<10000x32x128xf32, #tpu.memory_space<hbm>> -> memref<2x32x128xf32, #tpu.memory_space<hbm>>
          tpu.enqueue_dma source(%dma_start3A_432 : memref<2x32x128xf32, #tpu.memory_space<hbm>>) target(%dma_start3A_429 : memref<2x32x128xf32, #tpu.memory_space<vmem>>) target_semaphore(%arg12 : memref<!tpu.dma_semaphore, #tpu.memory_space<semaphore_mem>>)
          %add3A_433 = arith.constant 2 : i32
          %add3A_434 = arith.addi %min3A_413, %add3A_433 : i32
          %dma_start3A_435 = arith.constant 0 : i32
          %dma_start3A_436 = arith.constant 2 : i32
          %dma_start3A_437 = arith.constant 0 : i32
          %dma_start3A_438 = arith.constant 0 : i32
          %dma_start3A_439 = tpu.memref_slice %arg7[%dma_start3A_435, %dma_start3A_436, %dma_start3A_437, %dma_start3A_438] : memref<2x8x32x128xf32, #tpu.memory_space<vmem>> -> memref<1x2x32x128xf32, #tpu.memory_space<vmem>>
          %dma_start3A_440 = tpu.memref_squeeze %dma_start3A_439 : memref<1x2x32x128xf32, #tpu.memory_space<vmem>> -> memref<2x32x128xf32, #tpu.memory_space<vmem>>
          %dma_start3A_441 = arith.constant 0 : i32
          %dma_start3A_442 = arith.constant 0 : i32
          %dma_start3A_443 = tpu.memref_slice %arg2[%add3A_434, %dma_start3A_441, %dma_start3A_442] : memref<10000x32x128xf32, #tpu.memory_space<hbm>> -> memref<2x32x128xf32, #tpu.memory_space<hbm>>
          %dma_start3A_444 = arith.constant 2 : i32
          %dma_start3A_445 = arith.constant 0 : i32
          %dma_start3A_446 = arith.constant 0 : i32
          %dma_start3A_447 = tpu.memref_slice %arg7[%dma_start3A_435, %dma_start3A_444, %dma_start3A_445, %dma_start3A_446] : memref<2x8x32x128xf32, #tpu.memory_space<vmem>> -> memref<1x2x32x128xf32, #tpu.memory_space<vmem>>
          %dma_start3A_448 = tpu.memref_squeeze %dma_start3A_447 : memref<1x2x32x128xf32, #tpu.memory_space<vmem>> -> memref<2x32x128xf32, #tpu.memory_space<vmem>>
          %dma_start3A_449 = arith.constant 0 : i32
          %dma_start3A_450 = arith.constant 0 : i32
          %dma_start3A_451 = tpu.memref_slice %arg2[%add3A_434, %dma_start3A_449, %dma_start3A_450] : memref<10000x32x128xf32, #tpu.memory_space<hbm>> -> memref<2x32x128xf32, #tpu.memory_space<hbm>>
          tpu.enqueue_dma source(%dma_start3A_451 : memref<2x32x128xf32, #tpu.memory_space<hbm>>) target(%dma_start3A_448 : memref<2x32x128xf32, #tpu.memory_space<vmem>>) target_semaphore(%arg12 : memref<!tpu.dma_semaphore, #tpu.memory_space<semaphore_mem>>)
          %add3A_452 = arith.constant 4 : i32
          %add3A_453 = arith.addi %min3A_413, %add3A_452 : i32
          %dma_start3A_454 = arith.constant 0 : i32
          %dma_start3A_455 = arith.constant 4 : i32
          %dma_start3A_456 = arith.constant 0 : i32
          %dma_start3A_457 = arith.constant 0 : i32
          %dma_start3A_458 = tpu.memref_slice %arg7[%dma_start3A_454, %dma_start3A_455, %dma_start3A_456, %dma_start3A_457] : memref<2x8x32x128xf32, #tpu.memory_space<vmem>> -> memref<1x2x32x128xf32, #tpu.memory_space<vmem>>
          %dma_start3A_459 = tpu.memref_squeeze %dma_start3A_458 : memref<1x2x32x128xf32, #tpu.memory_space<vmem>> -> memref<2x32x128xf32, #tpu.memory_space<vmem>>
          %dma_start3A_460 = arith.constant 0 : i32
          %dma_start3A_461 = arith.constant 0 : i32
          %dma_start3A_462 = tpu.memref_slice %arg2[%add3A_453, %dma_start3A_460, %dma_start3A_461] : memref<10000x32x128xf32, #tpu.memory_space<hbm>> -> memref<2x32x128xf32, #tpu.memory_space<hbm>>
          %dma_start3A_463 = arith.constant 4 : i32
          %dma_start3A_464 = arith.constant 0 : i32
          %dma_start3A_465 = arith.constant 0 : i32
          %dma_start3A_466 = tpu.memref_slice %arg7[%dma_start3A_454, %dma_start3A_463, %dma_start3A_464, %dma_start3A_465] : memref<2x8x32x128xf32, #tpu.memory_space<vmem>> -> memref<1x2x32x128xf32, #tpu.memory_space<vmem>>
          %dma_start3A_467 = tpu.memref_squeeze %dma_start3A_466 : memref<1x2x32x128xf32, #tpu.memory_space<vmem>> -> memref<2x32x128xf32, #tpu.memory_space<vmem>>
          %dma_start3A_468 = arith.constant 0 : i32
          %dma_start3A_469 = arith.constant 0 : i32
          %dma_start3A_470 = tpu.memref_slice %arg2[%add3A_453, %dma_start3A_468, %dma_start3A_469] : memref<10000x32x128xf32, #tpu.memory_space<hbm>> -> memref<2x32x128xf32, #tpu.memory_space<hbm>>
          tpu.enqueue_dma source(%dma_start3A_470 : memref<2x32x128xf32, #tpu.memory_space<hbm>>) target(%dma_start3A_467 : memref<2x32x128xf32, #tpu.memory_space<vmem>>) target_semaphore(%arg12 : memref<!tpu.dma_semaphore, #tpu.memory_space<semaphore_mem>>)
          %add3A_471 = arith.constant 6 : i32
          %add3A_472 = arith.addi %min3A_413, %add3A_471 : i32
          %dma_start3A_473 = arith.constant 0 : i32
          %dma_start3A_474 = arith.constant 6 : i32
          %dma_start3A_475 = arith.constant 0 : i32
          %dma_start3A_476 = arith.constant 0 : i32
          %dma_start3A_477 = tpu.memref_slice %arg7[%dma_start3A_473, %dma_start3A_474, %dma_start3A_475, %dma_start3A_476] : memref<2x8x32x128xf32, #tpu.memory_space<vmem>> -> memref<1x2x32x128xf32, #tpu.memory_space<vmem>>
          %dma_start3A_478 = tpu.memref_squeeze %dma_start3A_477 : memref<1x2x32x128xf32, #tpu.memory_space<vmem>> -> memref<2x32x128xf32, #tpu.memory_space<vmem>>
          %dma_start3A_479 = arith.constant 0 : i32
          %dma_start3A_480 = arith.constant 0 : i32
          %dma_start3A_481 = tpu.memref_slice %arg2[%add3A_472, %dma_start3A_479, %dma_start3A_480] : memref<10000x32x128xf32, #tpu.memory_space<hbm>> -> memref<2x32x128xf32, #tpu.memory_space<hbm>>
          %dma_start3A_482 = arith.constant 6 : i32
          %dma_start3A_483 = arith.constant 0 : i32
          %dma_start3A_484 = arith.constant 0 : i32
          %dma_start3A_485 = tpu.memref_slice %arg7[%dma_start3A_473, %dma_start3A_482, %dma_start3A_483, %dma_start3A_484] : memref<2x8x32x128xf32, #tpu.memory_space<vmem>> -> memref<1x2x32x128xf32, #tpu.memory_space<vmem>>
          %dma_start3A_486 = tpu.memref_squeeze %dma_start3A_485 : memref<1x2x32x128xf32, #tpu.memory_space<vmem>> -> memref<2x32x128xf32, #tpu.memory_space<vmem>>
          %dma_start3A_487 = arith.constant 0 : i32
          %dma_start3A_488 = arith.constant 0 : i32
          %dma_start3A_489 = tpu.memref_slice %arg2[%add3A_472, %dma_start3A_487, %dma_start3A_488] : memref<10000x32x128xf32, #tpu.memory_space<hbm>> -> memref<2x32x128xf32, #tpu.memory_space<hbm>>
          tpu.enqueue_dma source(%dma_start3A_489 : memref<2x32x128xf32, #tpu.memory_space<hbm>>) target(%dma_start3A_486 : memref<2x32x128xf32, #tpu.memory_space<vmem>>) target_semaphore(%arg12 : memref<!tpu.dma_semaphore, #tpu.memory_space<semaphore_mem>>)
          %dma_start3A_490 = arith.constant 0 : i32
          %dma_start3A_491 = arith.constant 0 : i32
          %dma_start3A_492 = arith.constant 0 : i32
          %dma_start3A_493 = arith.constant 0 : i32
          %dma_start3A_494 = tpu.memref_slice %arg8[%dma_start3A_490, %dma_start3A_491, %dma_start3A_492, %dma_start3A_493] : memref<2x8x1x128xf32, #tpu.memory_space<vmem>> -> memref<1x8x1x128xf32, #tpu.memory_space<vmem>>
          %dma_start3A_495 = tpu.memref_squeeze %dma_start3A_494 : memref<1x8x1x128xf32, #tpu.memory_space<vmem>> -> memref<8x1x128xf32, #tpu.memory_space<vmem>>
          %dma_start3A_496 = arith.constant 0 : i32
          %dma_start3A_497 = arith.constant 0 : i32
          %dma_start3A_498 = tpu.memref_slice %arg3[%min3A_413, %dma_start3A_496, %dma_start3A_497] : memref<10000x1x128xf32, #tpu.memory_space<hbm>> -> memref<8x1x128xf32, #tpu.memory_space<hbm>>
          %dma_start3A_499 = arith.constant 0 : i32
          %dma_start3A_500 = arith.constant 0 : i32
          %dma_start3A_501 = arith.constant 0 : i32
          %dma_start3A_502 = tpu.memref_slice %arg8[%dma_start3A_490, %dma_start3A_499, %dma_start3A_500, %dma_start3A_501] : memref<2x8x1x128xf32, #tpu.memory_space<vmem>> -> memref<1x8x1x128xf32, #tpu.memory_space<vmem>>
          %dma_start3A_503 = tpu.memref_squeeze %dma_start3A_502 : memref<1x8x1x128xf32, #tpu.memory_space<vmem>> -> memref<8x1x128xf32, #tpu.memory_space<vmem>>
          %dma_start3A_504 = arith.constant 0 : i32
          %dma_start3A_505 = arith.constant 0 : i32
          %dma_start3A_506 = tpu.memref_slice %arg3[%min3A_413, %dma_start3A_504, %dma_start3A_505] : memref<10000x1x128xf32, #tpu.memory_space<hbm>> -> memref<8x1x128xf32, #tpu.memory_space<hbm>>
          tpu.enqueue_dma source(%dma_start3A_506 : memref<8x1x128xf32, #tpu.memory_space<hbm>>) target(%dma_start3A_503 : memref<8x1x128xf32, #tpu.memory_space<vmem>>) target_semaphore(%arg14 : memref<!tpu.dma_semaphore, #tpu.memory_space<semaphore_mem>>)
        } else {
        }
        %dma_start3A_391 = arith.constant 0 : i32
        %dma_start3A_392 = arith.constant 0 : i32
        %dma_start3A_393 = arith.constant 0 : i32
        %dma_start3A_394 = arith.constant 0 : i32
        %dma_start3A_395 = tpu.memref_slice %arg11[%dma_start3A_391, %dma_start3A_392, %dma_start3A_393, %dma_start3A_394] : memref<2x8x1x128xf32, #tpu.memory_space<vmem>> -> memref<1x8x1x128xf32, #tpu.memory_space<vmem>>
        %dma_start3A_396 = tpu.memref_squeeze %dma_start3A_395 : memref<1x8x1x128xf32, #tpu.memory_space<vmem>> -> memref<8x1x128xf32, #tpu.memory_space<vmem>>
        %dma_start3A_397 = arith.constant 0 : i32
        %dma_start3A_398 = arith.constant 0 : i32
        %dma_start3A_399 = tpu.memref_slice %arg5[%min3A_280, %dma_start3A_397, %dma_start3A_398] : memref<10000x1x128xf32, #tpu.memory_space<hbm>> -> memref<8x1x128xf32, #tpu.memory_space<hbm>>
        %dma_start3A_400 = arith.constant 0 : i32
        %dma_start3A_401 = arith.constant 0 : i32
        %dma_start3A_402 = tpu.memref_slice %arg5[%min3A_280, %dma_start3A_400, %dma_start3A_401] : memref<10000x1x128xf32, #tpu.memory_space<hbm>> -> memref<8x1x128xf32, #tpu.memory_space<hbm>>
        %dma_start3A_403 = arith.constant 0 : i32
        %dma_start3A_404 = arith.constant 0 : i32
        %dma_start3A_405 = arith.constant 0 : i32
        %dma_start3A_406 = tpu.memref_slice %arg11[%dma_start3A_391, %dma_start3A_403, %dma_start3A_404, %dma_start3A_405] : memref<2x8x1x128xf32, #tpu.memory_space<vmem>> -> memref<1x8x1x128xf32, #tpu.memory_space<vmem>>
        %dma_start3A_407 = tpu.memref_squeeze %dma_start3A_406 : memref<1x8x1x128xf32, #tpu.memory_space<vmem>> -> memref<8x1x128xf32, #tpu.memory_space<vmem>>
        tpu.enqueue_dma source(%dma_start3A_407 : memref<8x1x128xf32, #tpu.memory_space<vmem>>) target(%dma_start3A_402 : memref<8x1x128xf32, #tpu.memory_space<hbm>>) target_semaphore(%arg16 : memref<!tpu.dma_semaphore, #tpu.memory_space<semaphore_mem>>)
      } else {
      }
      %add3A_271 = arith.constant 1 : i32
      %add3A_272 = arith.addi %add3A_265, %add3A_271 : i32
      %lt3A_273 = arith.cmpi slt, %add3A_272, %shift_right_arithmetic3A_9 : i32
      %convert_element_type3A_274 = arith.extui %lt3A_273 : i1 to i32
      %cond3A_275 = arith.constant 0 : i32
      %cond3A_276 = arith.cmpi ne, %convert_element_type3A_274, %cond3A_275 : i32
      scf.if %cond3A_276 {
        %mul3A_277 = arith.constant 8 : i32
        %mul3A_278 = arith.muli %add3A_272, %mul3A_277 : i32
        %add3A_279 = arith.addi %mul3A_2, %mul3A_278 : i32
        %min3A_280 = arith.minsi %add3A_279, %sub3A_12 : i32
        %mul3A_281 = arith.constant 8 : i32
        %mul3A_282 = arith.muli %add3A_272, %mul3A_281 : i32
        %add3A_283 = arith.addi %mul3A_2, %mul3A_282 : i32
        %min3A_284 = arith.minsi %add3A_283, %sub3A_12 : i32
        %add3A_285 = arith.constant 0 : i32
        %add3A_286 = arith.addi %min3A_284, %add3A_285 : i32
        %dma_wait3A = arith.constant 1 : i32
        %dma_wait3A_287 = arith.constant 0 : i32
        %dma_wait3A_288 = arith.constant 0 : i32
        %dma_wait3A_289 = arith.constant 0 : i32
        %dma_wait3A_290 = tpu.memref_slice %arg7[%dma_wait3A, %dma_wait3A_287, %dma_wait3A_288, %dma_wait3A_289] : memref<2x8x32x128xf32, #tpu.memory_space<vmem>> -> memref<1x2x32x128xf32, #tpu.memory_space<vmem>>
        %dma_wait3A_291 = tpu.memref_squeeze %dma_wait3A_290 : memref<1x2x32x128xf32, #tpu.memory_space<vmem>> -> memref<2x32x128xf32, #tpu.memory_space<vmem>>
        %dma_wait3A_292 = arith.constant 0 : i32
        %dma_wait3A_293 = arith.constant 0 : i32
        %dma_wait3A_294 = tpu.memref_slice %arg2[%add3A_286, %dma_wait3A_292, %dma_wait3A_293] : memref<10000x32x128xf32, #tpu.memory_space<hbm>> -> memref<2x32x128xf32, #tpu.memory_space<hbm>>
        %dma_wait3A_295 = arith.constant 0 : i32
        %dma_wait3A_296 = arith.constant 0 : i32
        %dma_wait3A_297 = arith.constant 0 : i32
        %dma_wait3A_298 = tpu.memref_slice %arg7[%dma_wait3A, %dma_wait3A_295, %dma_wait3A_296, %dma_wait3A_297] : memref<2x8x32x128xf32, #tpu.memory_space<vmem>> -> memref<1x2x32x128xf32, #tpu.memory_space<vmem>>
        %dma_wait3A_299 = tpu.memref_squeeze %dma_wait3A_298 : memref<1x2x32x128xf32, #tpu.memory_space<vmem>> -> memref<2x32x128xf32, #tpu.memory_space<vmem>>
        %dma_wait3A_300 = arith.constant 0 : i32
        %dma_wait3A_301 = arith.constant 0 : i32
        %dma_wait3A_302 = tpu.memref_slice %arg2[%add3A_286, %dma_wait3A_300, %dma_wait3A_301] : memref<10000x32x128xf32, #tpu.memory_space<hbm>> -> memref<2x32x128xf32, #tpu.memory_space<hbm>>
        tpu.wait_dma2 semaphore(%arg13 : memref<!tpu.dma_semaphore, #tpu.memory_space<semaphore_mem>>) src(%dma_wait3A_302 : memref<2x32x128xf32, #tpu.memory_space<hbm>>) dst(%dma_wait3A_299 : memref<2x32x128xf32, #tpu.memory_space<vmem>>)
        %add3A_303 = arith.constant 2 : i32
        %add3A_304 = arith.addi %min3A_284, %add3A_303 : i32
        %dma_wait3A_305 = arith.constant 1 : i32
        %dma_wait3A_306 = arith.constant 2 : i32
        %dma_wait3A_307 = arith.constant 0 : i32
        %dma_wait3A_308 = arith.constant 0 : i32
        %dma_wait3A_309 = tpu.memref_slice %arg7[%dma_wait3A_305, %dma_wait3A_306, %dma_wait3A_307, %dma_wait3A_308] : memref<2x8x32x128xf32, #tpu.memory_space<vmem>> -> memref<1x2x32x128xf32, #tpu.memory_space<vmem>>
        %dma_wait3A_310 = tpu.memref_squeeze %dma_wait3A_309 : memref<1x2x32x128xf32, #tpu.memory_space<vmem>> -> memref<2x32x128xf32, #tpu.memory_space<vmem>>
        %dma_wait3A_311 = arith.constant 0 : i32
        %dma_wait3A_312 = arith.constant 0 : i32
        %dma_wait3A_313 = tpu.memref_slice %arg2[%add3A_304, %dma_wait3A_311, %dma_wait3A_312] : memref<10000x32x128xf32, #tpu.memory_space<hbm>> -> memref<2x32x128xf32, #tpu.memory_space<hbm>>
        %dma_wait3A_314 = arith.constant 2 : i32
        %dma_wait3A_315 = arith.constant 0 : i32
        %dma_wait3A_316 = arith.constant 0 : i32
        %dma_wait3A_317 = tpu.memref_slice %arg7[%dma_wait3A_305, %dma_wait3A_314, %dma_wait3A_315, %dma_wait3A_316] : memref<2x8x32x128xf32, #tpu.memory_space<vmem>> -> memref<1x2x32x128xf32, #tpu.memory_space<vmem>>
        %dma_wait3A_318 = tpu.memref_squeeze %dma_wait3A_317 : memref<1x2x32x128xf32, #tpu.memory_space<vmem>> -> memref<2x32x128xf32, #tpu.memory_space<vmem>>
        %dma_wait3A_319 = arith.constant 0 : i32
        %dma_wait3A_320 = arith.constant 0 : i32
        %dma_wait3A_321 = tpu.memref_slice %arg2[%add3A_304, %dma_wait3A_319, %dma_wait3A_320] : memref<10000x32x128xf32, #tpu.memory_space<hbm>> -> memref<2x32x128xf32, #tpu.memory_space<hbm>>
        tpu.wait_dma2 semaphore(%arg13 : memref<!tpu.dma_semaphore, #tpu.memory_space<semaphore_mem>>) src(%dma_wait3A_321 : memref<2x32x128xf32, #tpu.memory_space<hbm>>) dst(%dma_wait3A_318 : memref<2x32x128xf32, #tpu.memory_space<vmem>>)
        %add3A_322 = arith.constant 4 : i32
        %add3A_323 = arith.addi %min3A_284, %add3A_322 : i32
        %dma_wait3A_324 = arith.constant 1 : i32
        %dma_wait3A_325 = arith.constant 4 : i32
        %dma_wait3A_326 = arith.constant 0 : i32
        %dma_wait3A_327 = arith.constant 0 : i32
        %dma_wait3A_328 = tpu.memref_slice %arg7[%dma_wait3A_324, %dma_wait3A_325, %dma_wait3A_326, %dma_wait3A_327] : memref<2x8x32x128xf32, #tpu.memory_space<vmem>> -> memref<1x2x32x128xf32, #tpu.memory_space<vmem>>
        %dma_wait3A_329 = tpu.memref_squeeze %dma_wait3A_328 : memref<1x2x32x128xf32, #tpu.memory_space<vmem>> -> memref<2x32x128xf32, #tpu.memory_space<vmem>>
        %dma_wait3A_330 = arith.constant 0 : i32
        %dma_wait3A_331 = arith.constant 0 : i32
        %dma_wait3A_332 = tpu.memref_slice %arg2[%add3A_323, %dma_wait3A_330, %dma_wait3A_331] : memref<10000x32x128xf32, #tpu.memory_space<hbm>> -> memref<2x32x128xf32, #tpu.memory_space<hbm>>
        %dma_wait3A_333 = arith.constant 4 : i32
        %dma_wait3A_334 = arith.constant 0 : i32
        %dma_wait3A_335 = arith.constant 0 : i32
        %dma_wait3A_336 = tpu.memref_slice %arg7[%dma_wait3A_324, %dma_wait3A_333, %dma_wait3A_334, %dma_wait3A_335] : memref<2x8x32x128xf32, #tpu.memory_space<vmem>> -> memref<1x2x32x128xf32, #tpu.memory_space<vmem>>
        %dma_wait3A_337 = tpu.memref_squeeze %dma_wait3A_336 : memref<1x2x32x128xf32, #tpu.memory_space<vmem>> -> memref<2x32x128xf32, #tpu.memory_space<vmem>>
        %dma_wait3A_338 = arith.constant 0 : i32
        %dma_wait3A_339 = arith.constant 0 : i32
        %dma_wait3A_340 = tpu.memref_slice %arg2[%add3A_323, %dma_wait3A_338, %dma_wait3A_339] : memref<10000x32x128xf32, #tpu.memory_space<hbm>> -> memref<2x32x128xf32, #tpu.memory_space<hbm>>
        tpu.wait_dma2 semaphore(%arg13 : memref<!tpu.dma_semaphore, #tpu.memory_space<semaphore_mem>>) src(%dma_wait3A_340 : memref<2x32x128xf32, #tpu.memory_space<hbm>>) dst(%dma_wait3A_337 : memref<2x32x128xf32, #tpu.memory_space<vmem>>)
        %add3A_341 = arith.constant 6 : i32
        %add3A_342 = arith.addi %min3A_284, %add3A_341 : i32
        %dma_wait3A_343 = arith.constant 1 : i32
        %dma_wait3A_344 = arith.constant 6 : i32
        %dma_wait3A_345 = arith.constant 0 : i32
        %dma_wait3A_346 = arith.constant 0 : i32
        %dma_wait3A_347 = tpu.memref_slice %arg7[%dma_wait3A_343, %dma_wait3A_344, %dma_wait3A_345, %dma_wait3A_346] : memref<2x8x32x128xf32, #tpu.memory_space<vmem>> -> memref<1x2x32x128xf32, #tpu.memory_space<vmem>>
        %dma_wait3A_348 = tpu.memref_squeeze %dma_wait3A_347 : memref<1x2x32x128xf32, #tpu.memory_space<vmem>> -> memref<2x32x128xf32, #tpu.memory_space<vmem>>
        %dma_wait3A_349 = arith.constant 0 : i32
        %dma_wait3A_350 = arith.constant 0 : i32
        %dma_wait3A_351 = tpu.memref_slice %arg2[%add3A_342, %dma_wait3A_349, %dma_wait3A_350] : memref<10000x32x128xf32, #tpu.memory_space<hbm>> -> memref<2x32x128xf32, #tpu.memory_space<hbm>>
        %dma_wait3A_352 = arith.constant 6 : i32
        %dma_wait3A_353 = arith.constant 0 : i32
        %dma_wait3A_354 = arith.constant 0 : i32
        %dma_wait3A_355 = tpu.memref_slice %arg7[%dma_wait3A_343, %dma_wait3A_352, %dma_wait3A_353, %dma_wait3A_354] : memref<2x8x32x128xf32, #tpu.memory_space<vmem>> -> memref<1x2x32x128xf32, #tpu.memory_space<vmem>>
        %dma_wait3A_356 = tpu.memref_squeeze %dma_wait3A_355 : memref<1x2x32x128xf32, #tpu.memory_space<vmem>> -> memref<2x32x128xf32, #tpu.memory_space<vmem>>
        %dma_wait3A_357 = arith.constant 0 : i32
        %dma_wait3A_358 = arith.constant 0 : i32
        %dma_wait3A_359 = tpu.memref_slice %arg2[%add3A_342, %dma_wait3A_357, %dma_wait3A_358] : memref<10000x32x128xf32, #tpu.memory_space<hbm>> -> memref<2x32x128xf32, #tpu.memory_space<hbm>>
        tpu.wait_dma2 semaphore(%arg13 : memref<!tpu.dma_semaphore, #tpu.memory_space<semaphore_mem>>) src(%dma_wait3A_359 : memref<2x32x128xf32, #tpu.memory_space<hbm>>) dst(%dma_wait3A_356 : memref<2x32x128xf32, #tpu.memory_space<vmem>>)
        %dma_wait3A_360 = arith.constant 1 : i32
        %dma_wait3A_361 = arith.constant 0 : i32
        %dma_wait3A_362 = arith.constant 0 : i32
        %dma_wait3A_363 = arith.constant 0 : i32
        %dma_wait3A_364 = tpu.memref_slice %arg8[%dma_wait3A_360, %dma_wait3A_361, %dma_wait3A_362, %dma_wait3A_363] : memref<2x8x1x128xf32, #tpu.memory_space<vmem>> -> memref<1x8x1x128xf32, #tpu.memory_space<vmem>>
        %dma_wait3A_365 = tpu.memref_squeeze %dma_wait3A_364 : memref<1x8x1x128xf32, #tpu.memory_space<vmem>> -> memref<8x1x128xf32, #tpu.memory_space<vmem>>
        %dma_wait3A_366 = arith.constant 0 : i32
        %dma_wait3A_367 = arith.constant 0 : i32
        %dma_wait3A_368 = tpu.memref_slice %arg3[%min3A_284, %dma_wait3A_366, %dma_wait3A_367] : memref<10000x1x128xf32, #tpu.memory_space<hbm>> -> memref<8x1x128xf32, #tpu.memory_space<hbm>>
        %dma_wait3A_369 = arith.constant 0 : i32
        %dma_wait3A_370 = arith.constant 0 : i32
        %dma_wait3A_371 = arith.constant 0 : i32
        %dma_wait3A_372 = tpu.memref_slice %arg8[%dma_wait3A_360, %dma_wait3A_369, %dma_wait3A_370, %dma_wait3A_371] : memref<2x8x1x128xf32, #tpu.memory_space<vmem>> -> memref<1x8x1x128xf32, #tpu.memory_space<vmem>>
        %dma_wait3A_373 = tpu.memref_squeeze %dma_wait3A_372 : memref<1x8x1x128xf32, #tpu.memory_space<vmem>> -> memref<8x1x128xf32, #tpu.memory_space<vmem>>
        %dma_wait3A_374 = arith.constant 0 : i32
        %dma_wait3A_375 = arith.constant 0 : i32
        %dma_wait3A_376 = tpu.memref_slice %arg3[%min3A_284, %dma_wait3A_374, %dma_wait3A_375] : memref<10000x1x128xf32, #tpu.memory_space<hbm>> -> memref<8x1x128xf32, #tpu.memory_space<hbm>>
        tpu.wait_dma2 semaphore(%arg15 : memref<!tpu.dma_semaphore, #tpu.memory_space<semaphore_mem>>) src(%dma_wait3A_376 : memref<8x1x128xf32, #tpu.memory_space<hbm>>) dst(%dma_wait3A_373 : memref<8x1x128xf32, #tpu.memory_space<vmem>>)
        %ge3A = arith.constant 2 : i32
        %ge3A_377 = arith.cmpi sge, %add3A_272, %ge3A : i32
        %convert_element_type3A_378 = arith.extui %ge3A_377 : i1 to i32
        %cond3A_379 = arith.constant 0 : i32
        %cond3A_380 = arith.cmpi ne, %convert_element_type3A_378, %cond3A_379 : i32
        scf.if %cond3A_380 {
          %dma_wait3A_408 = arith.constant 1 : i32
          %dma_wait3A_409 = arith.constant 0 : i32
          %dma_wait3A_410 = arith.constant 0 : i32
          %dma_wait3A_411 = arith.constant 0 : i32
          %dma_wait3A_412 = tpu.memref_slice %arg11[%dma_wait3A_408, %dma_wait3A_409, %dma_wait3A_410, %dma_wait3A_411] : memref<2x8x1x128xf32, #tpu.memory_space<vmem>> -> memref<1x8x1x128xf32, #tpu.memory_space<vmem>>
          %dma_wait3A_413 = tpu.memref_squeeze %dma_wait3A_412 : memref<1x8x1x128xf32, #tpu.memory_space<vmem>> -> memref<8x1x128xf32, #tpu.memory_space<vmem>>
          %dma_wait3A_414 = arith.constant 0 : i32
          %dma_wait3A_415 = arith.constant 0 : i32
          %dma_wait3A_416 = tpu.memref_slice %arg5[%mul3A_2, %dma_wait3A_414, %dma_wait3A_415] : memref<10000x1x128xf32, #tpu.memory_space<hbm>> -> memref<8x1x128xf32, #tpu.memory_space<hbm>>
          %dma_wait3A_417 = arith.constant 0 : i32
          %dma_wait3A_418 = arith.constant 0 : i32
          %dma_wait3A_419 = tpu.memref_slice %arg5[%mul3A_2, %dma_wait3A_417, %dma_wait3A_418] : memref<10000x1x128xf32, #tpu.memory_space<hbm>> -> memref<8x1x128xf32, #tpu.memory_space<hbm>>
          %dma_wait3A_420 = arith.constant 0 : i32
          %dma_wait3A_421 = arith.constant 0 : i32
          %dma_wait3A_422 = arith.constant 0 : i32
          %dma_wait3A_423 = tpu.memref_slice %arg11[%dma_wait3A_408, %dma_wait3A_420, %dma_wait3A_421, %dma_wait3A_422] : memref<2x8x1x128xf32, #tpu.memory_space<vmem>> -> memref<1x8x1x128xf32, #tpu.memory_space<vmem>>
          %dma_wait3A_424 = tpu.memref_squeeze %dma_wait3A_423 : memref<1x8x1x128xf32, #tpu.memory_space<vmem>> -> memref<8x1x128xf32, #tpu.memory_space<vmem>>
          tpu.wait_dma2 semaphore(%arg17 : memref<!tpu.dma_semaphore, #tpu.memory_space<semaphore_mem>>) src(%dma_wait3A_424 : memref<8x1x128xf32, #tpu.memory_space<vmem>>) dst(%dma_wait3A_419 : memref<8x1x128xf32, #tpu.memory_space<hbm>>)
        } else {
        }
        %scan3A = arith.constant 0 : i32
        %scan3A_381 = arith.constant 8 : i32
        %scan3A_382 = arith.addi %scan3A, %scan3A_381 : i32
        %scan3A_383 = arith.constant 1 : i32
        scf.for %scan3A_408 = %scan3A to %scan3A_382 step %scan3A_383  : i32 {
          %mul3A_409 = arith.constant 1 : i32
          %mul3A_410 = arith.muli %scan3A_408, %mul3A_409 : i32
          %add3A_411 = arith.constant 0 : i32
          %add3A_412 = arith.addi %add3A_411, %mul3A_410 : i32
          %scan3A_413 = arith.constant 0 : i32
          %scan3A_414 = arith.constant 32 : i32
          %scan3A_415 = arith.addi %scan3A_413, %scan3A_414 : i32
          %scan3A_416 = arith.constant 4 : i32
          scf.for %scan3A_737 = %scan3A_413 to %scan3A_415 step %scan3A_416  : i32 {
            %mul3A_738 = arith.constant 1 : i32
            %mul3A_739 = arith.muli %scan3A_737, %mul3A_738 : i32
            %add3A_740 = arith.constant 0 : i32
            %add3A_741 = arith.addi %add3A_740, %mul3A_739 : i32
            %get3A_742 = arith.constant 1 : i32
            %get3A_743 = arith.index_cast %get3A_742 : i32 to index
            %get3A_744 = arith.index_cast %add3A_412 : i32 to index
            %get3A_745 = arith.index_cast %add3A_741 : i32 to index
            %get3A_746 = arith.constant 0 : index
            %get3A_747 = tpu.vector_load %arg7[%get3A_743, %get3A_744, %get3A_745, %get3A_746] {strides = array<i32>} : memref<2x8x32x128xf32, #tpu.memory_space<vmem>>, vector<16xf32>,
            %mul3A_748 = arith.mulf %get3A_747, %get3A_13 : vector<16xf32>
            %get3A_749 = arith.constant 1 : i32
            %get3A_750 = arith.index_cast %get3A_749 : i32 to index
            %get3A_751 = arith.index_cast %add3A_412 : i32 to index
            %get3A_752 = arith.index_cast %add3A_741 : i32 to index
            %get3A_753 = arith.constant 16 : index
            %get3A_754 = tpu.vector_load %arg7[%get3A_750, %get3A_751, %get3A_752, %get3A_753] {strides = array<i32>} : memref<2x8x32x128xf32, #tpu.memory_space<vmem>>, vector<16xf32>,
            %mul3A_755 = arith.mulf %get3A_754, %get3A_15 : vector<16xf32>
            %get3A_756 = arith.constant 1 : i32
            %get3A_757 = arith.index_cast %get3A_756 : i32 to index
            %get3A_758 = arith.index_cast %add3A_412 : i32 to index
            %get3A_759 = arith.index_cast %add3A_741 : i32 to index
            %get3A_760 = arith.constant 32 : index
            %get3A_761 = tpu.vector_load %arg7[%get3A_757, %get3A_758, %get3A_759, %get3A_760] {strides = array<i32>} : memref<2x8x32x128xf32, #tpu.memory_space<vmem>>, vector<16xf32>,
            %mul3A_762 = arith.mulf %get3A_761, %get3A_17 : vector<16xf32>
            %add3A_763 = arith.addf %mul3A_748, %mul3A_762 : vector<16xf32>
            %get3A_764 = arith.constant 1 : i32
            %get3A_765 = arith.index_cast %get3A_764 : i32 to index
            %get3A_766 = arith.index_cast %add3A_412 : i32 to index
            %get3A_767 = arith.index_cast %add3A_741 : i32 to index
            %get3A_768 = arith.constant 48 : index
            %get3A_769 = tpu.vector_load %arg7[%get3A_765, %get3A_766, %get3A_767, %get3A_768] {strides = array<i32>} : memref<2x8x32x128xf32, #tpu.memory_space<vmem>>, vector<16xf32>,
            %mul3A_770 = arith.mulf %get3A_769, %get3A_19 : vector<16xf32>
            %add3A_771 = arith.addf %mul3A_755, %mul3A_770 : vector<16xf32>
            %get3A_772 = arith.constant 1 : i32
            %get3A_773 = arith.index_cast %get3A_772 : i32 to index
            %get3A_774 = arith.index_cast %add3A_412 : i32 to index
            %get3A_775 = arith.index_cast %add3A_741 : i32 to index
            %get3A_776 = arith.constant 64 : index
            %get3A_777 = tpu.vector_load %arg7[%get3A_773, %get3A_774, %get3A_775, %get3A_776] {strides = array<i32>} : memref<2x8x32x128xf32, #tpu.memory_space<vmem>>, vector<16xf32>,
            %mul3A_778 = arith.mulf %get3A_777, %get3A_21 : vector<16xf32>
            %add3A_779 = arith.addf %add3A_763, %mul3A_778 : vector<16xf32>
            %get3A_780 = arith.constant 1 : i32
            %get3A_781 = arith.index_cast %get3A_780 : i32 to index
            %get3A_782 = arith.index_cast %add3A_412 : i32 to index
            %get3A_783 = arith.index_cast %add3A_741 : i32 to index
            %get3A_784 = arith.constant 80 : index
            %get3A_785 = tpu.vector_load %arg7[%get3A_781, %get3A_782, %get3A_783, %get3A_784] {strides = array<i32>} : memref<2x8x32x128xf32, #tpu.memory_space<vmem>>, vector<16xf32>,
            %mul3A_786 = arith.mulf %get3A_785, %get3A_23 : vector<16xf32>
            %add3A_787 = arith.addf %add3A_771, %mul3A_786 : vector<16xf32>
            %get3A_788 = arith.constant 1 : i32
            %get3A_789 = arith.index_cast %get3A_788 : i32 to index
            %get3A_790 = arith.index_cast %add3A_412 : i32 to index
            %get3A_791 = arith.index_cast %add3A_741 : i32 to index
            %get3A_792 = arith.constant 96 : index
            %get3A_793 = tpu.vector_load %arg7[%get3A_789, %get3A_790, %get3A_791, %get3A_792] {strides = array<i32>} : memref<2x8x32x128xf32, #tpu.memory_space<vmem>>, vector<16xf32>,
            %mul3A_794 = arith.mulf %get3A_793, %get3A_25 : vector<16xf32>
            %add3A_795 = arith.addf %add3A_779, %mul3A_794 : vector<16xf32>
            %get3A_796 = arith.constant 1 : i32
            %get3A_797 = arith.index_cast %get3A_796 : i32 to index
            %get3A_798 = arith.index_cast %add3A_412 : i32 to index
            %get3A_799 = arith.index_cast %add3A_741 : i32 to index
            %get3A_800 = arith.constant 112 : index
            %get3A_801 = tpu.vector_load %arg7[%get3A_797, %get3A_798, %get3A_799, %get3A_800] {strides = array<i32>} : memref<2x8x32x128xf32, #tpu.memory_space<vmem>>, vector<16xf32>,
            %mul3A_802 = arith.mulf %get3A_801, %get3A_27 : vector<16xf32>
            %add3A_803 = arith.addf %add3A_787, %mul3A_802 : vector<16xf32>
            %add3A_804 = arith.addf %add3A_795, %add3A_803 : vector<16xf32>
            %swap3A_805 = arith.index_cast %add3A_412 : i32 to index
            %swap3A_806 = arith.index_cast %add3A_741 : i32 to index
            %swap3A_807 = arith.constant 0 : index
            %swap3A_808 = tpu.vector_load %arg9[%swap3A_805, %swap3A_806, %swap3A_807] {strides = array<i32>} : memref<8x32x16xf32, #tpu.memory_space<vmem>>, vector<16xf32>,
            tpu.vector_store %arg9[%swap3A_805, %swap3A_806, %swap3A_807], %add3A_804 {strides = array<i32>} : memref<8x32x16xf32, #tpu.memory_space<vmem>>, vector<16xf32>,
            %scan3A_809 = arith.constant 1 : i32
            %scan3A_810 = arith.addi %scan3A_737, %scan3A_809 : i32
            %mul3A_811 = arith.constant 1 : i32
            %mul3A_812 = arith.muli %scan3A_810, %mul3A_811 : i32
            %add3A_813 = arith.constant 0 : i32
            %add3A_814 = arith.addi %add3A_813, %mul3A_812 : i32
            %get3A_815 = arith.constant 1 : i32
            %get3A_816 = arith.index_cast %get3A_815 : i32 to index
            %get3A_817 = arith.index_cast %add3A_412 : i32 to index
            %get3A_818 = arith.index_cast %add3A_814 : i32 to index
            %get3A_819 = arith.constant 0 : index
            %get3A_820 = tpu.vector_load %arg7[%get3A_816, %get3A_817, %get3A_818, %get3A_819] {strides = array<i32>} : memref<2x8x32x128xf32, #tpu.memory_space<vmem>>, vector<16xf32>,
            %mul3A_821 = arith.mulf %get3A_820, %get3A_13 : vector<16xf32>
            %get3A_822 = arith.constant 1 : i32
            %get3A_823 = arith.index_cast %get3A_822 : i32 to index
            %get3A_824 = arith.index_cast %add3A_412 : i32 to index
            %get3A_825 = arith.index_cast %add3A_814 : i32 to index
            %get3A_826 = arith.constant 16 : index
            %get3A_827 = tpu.vector_load %arg7[%get3A_823, %get3A_824, %get3A_825, %get3A_826] {strides = array<i32>} : memref<2x8x32x128xf32, #tpu.memory_space<vmem>>, vector<16xf32>,
            %mul3A_828 = arith.mulf %get3A_827, %get3A_15 : vector<16xf32>
            %get3A_829 = arith.constant 1 : i32
            %get3A_830 = arith.index_cast %get3A_829 : i32 to index
            %get3A_831 = arith.index_cast %add3A_412 : i32 to index
            %get3A_832 = arith.index_cast %add3A_814 : i32 to index
            %get3A_833 = arith.constant 32 : index
            %get3A_834 = tpu.vector_load %arg7[%get3A_830, %get3A_831, %get3A_832, %get3A_833] {strides = array<i32>} : memref<2x8x32x128xf32, #tpu.memory_space<vmem>>, vector<16xf32>,
            %mul3A_835 = arith.mulf %get3A_834, %get3A_17 : vector<16xf32>
            %add3A_836 = arith.addf %mul3A_821, %mul3A_835 : vector<16xf32>
            %get3A_837 = arith.constant 1 : i32
            %get3A_838 = arith.index_cast %get3A_837 : i32 to index
            %get3A_839 = arith.index_cast %add3A_412 : i32 to index
            %get3A_840 = arith.index_cast %add3A_814 : i32 to index
            %get3A_841 = arith.constant 48 : index
            %get3A_842 = tpu.vector_load %arg7[%get3A_838, %get3A_839, %get3A_840, %get3A_841] {strides = array<i32>} : memref<2x8x32x128xf32, #tpu.memory_space<vmem>>, vector<16xf32>,
            %mul3A_843 = arith.mulf %get3A_842, %get3A_19 : vector<16xf32>
            %add3A_844 = arith.addf %mul3A_828, %mul3A_843 : vector<16xf32>
            %get3A_845 = arith.constant 1 : i32
            %get3A_846 = arith.index_cast %get3A_845 : i32 to index
            %get3A_847 = arith.index_cast %add3A_412 : i32 to index
            %get3A_848 = arith.index_cast %add3A_814 : i32 to index
            %get3A_849 = arith.constant 64 : index
            %get3A_850 = tpu.vector_load %arg7[%get3A_846, %get3A_847, %get3A_848, %get3A_849] {strides = array<i32>} : memref<2x8x32x128xf32, #tpu.memory_space<vmem>>, vector<16xf32>,
            %mul3A_851 = arith.mulf %get3A_850, %get3A_21 : vector<16xf32>
            %add3A_852 = arith.addf %add3A_836, %mul3A_851 : vector<16xf32>
            %get3A_853 = arith.constant 1 : i32
            %get3A_854 = arith.index_cast %get3A_853 : i32 to index
            %get3A_855 = arith.index_cast %add3A_412 : i32 to index
            %get3A_856 = arith.index_cast %add3A_814 : i32 to index
            %get3A_857 = arith.constant 80 : index
            %get3A_858 = tpu.vector_load %arg7[%get3A_854, %get3A_855, %get3A_856, %get3A_857] {strides = array<i32>} : memref<2x8x32x128xf32, #tpu.memory_space<vmem>>, vector<16xf32>,
            %mul3A_859 = arith.mulf %get3A_858, %get3A_23 : vector<16xf32>
            %add3A_860 = arith.addf %add3A_844, %mul3A_859 : vector<16xf32>
            %get3A_861 = arith.constant 1 : i32
            %get3A_862 = arith.index_cast %get3A_861 : i32 to index
            %get3A_863 = arith.index_cast %add3A_412 : i32 to index
            %get3A_864 = arith.index_cast %add3A_814 : i32 to index
            %get3A_865 = arith.constant 96 : index
            %get3A_866 = tpu.vector_load %arg7[%get3A_862, %get3A_863, %get3A_864, %get3A_865] {strides = array<i32>} : memref<2x8x32x128xf32, #tpu.memory_space<vmem>>, vector<16xf32>,
            %mul3A_867 = arith.mulf %get3A_866, %get3A_25 : vector<16xf32>
            %add3A_868 = arith.addf %add3A_852, %mul3A_867 : vector<16xf32>
            %get3A_869 = arith.constant 1 : i32
            %get3A_870 = arith.index_cast %get3A_869 : i32 to index
            %get3A_871 = arith.index_cast %add3A_412 : i32 to index
            %get3A_872 = arith.index_cast %add3A_814 : i32 to index
            %get3A_873 = arith.constant 112 : index
            %get3A_874 = tpu.vector_load %arg7[%get3A_870, %get3A_871, %get3A_872, %get3A_873] {strides = array<i32>} : memref<2x8x32x128xf32, #tpu.memory_space<vmem>>, vector<16xf32>,
            %mul3A_875 = arith.mulf %get3A_874, %get3A_27 : vector<16xf32>
            %add3A_876 = arith.addf %add3A_860, %mul3A_875 : vector<16xf32>
            %add3A_877 = arith.addf %add3A_868, %add3A_876 : vector<16xf32>
            %swap3A_878 = arith.index_cast %add3A_412 : i32 to index
            %swap3A_879 = arith.index_cast %add3A_814 : i32 to index
            %swap3A_880 = arith.constant 0 : index
            %swap3A_881 = tpu.vector_load %arg9[%swap3A_878, %swap3A_879, %swap3A_880] {strides = array<i32>} : memref<8x32x16xf32, #tpu.memory_space<vmem>>, vector<16xf32>,
            tpu.vector_store %arg9[%swap3A_878, %swap3A_879, %swap3A_880], %add3A_877 {strides = array<i32>} : memref<8x32x16xf32, #tpu.memory_space<vmem>>, vector<16xf32>,
            %scan3A_882 = arith.constant 2 : i32
            %scan3A_883 = arith.addi %scan3A_737, %scan3A_882 : i32
            %mul3A_884 = arith.constant 1 : i32
            %mul3A_885 = arith.muli %scan3A_883, %mul3A_884 : i32
            %add3A_886 = arith.constant 0 : i32
            %add3A_887 = arith.addi %add3A_886, %mul3A_885 : i32
            %get3A_888 = arith.constant 1 : i32
            %get3A_889 = arith.index_cast %get3A_888 : i32 to index
            %get3A_890 = arith.index_cast %add3A_412 : i32 to index
            %get3A_891 = arith.index_cast %add3A_887 : i32 to index
            %get3A_892 = arith.constant 0 : index
            %get3A_893 = tpu.vector_load %arg7[%get3A_889, %get3A_890, %get3A_891, %get3A_892] {strides = array<i32>} : memref<2x8x32x128xf32, #tpu.memory_space<vmem>>, vector<16xf32>,
            %mul3A_894 = arith.mulf %get3A_893, %get3A_13 : vector<16xf32>
            %get3A_895 = arith.constant 1 : i32
            %get3A_896 = arith.index_cast %get3A_895 : i32 to index
            %get3A_897 = arith.index_cast %add3A_412 : i32 to index
            %get3A_898 = arith.index_cast %add3A_887 : i32 to index
            %get3A_899 = arith.constant 16 : index
            %get3A_900 = tpu.vector_load %arg7[%get3A_896, %get3A_897, %get3A_898, %get3A_899] {strides = array<i32>} : memref<2x8x32x128xf32, #tpu.memory_space<vmem>>, vector<16xf32>,
            %mul3A_901 = arith.mulf %get3A_900, %get3A_15 : vector<16xf32>
            %get3A_902 = arith.constant 1 : i32
            %get3A_903 = arith.index_cast %get3A_902 : i32 to index
            %get3A_904 = arith.index_cast %add3A_412 : i32 to index
            %get3A_905 = arith.index_cast %add3A_887 : i32 to index
            %get3A_906 = arith.constant 32 : index
            %get3A_907 = tpu.vector_load %arg7[%get3A_903, %get3A_904, %get3A_905, %get3A_906] {strides = array<i32>} : memref<2x8x32x128xf32, #tpu.memory_space<vmem>>, vector<16xf32>,
            %mul3A_908 = arith.mulf %get3A_907, %get3A_17 : vector<16xf32>
            %add3A_909 = arith.addf %mul3A_894, %mul3A_908 : vector<16xf32>
            %get3A_910 = arith.constant 1 : i32
            %get3A_911 = arith.index_cast %get3A_910 : i32 to index
            %get3A_912 = arith.index_cast %add3A_412 : i32 to index
            %get3A_913 = arith.index_cast %add3A_887 : i32 to index
            %get3A_914 = arith.constant 48 : index
            %get3A_915 = tpu.vector_load %arg7[%get3A_911, %get3A_912, %get3A_913, %get3A_914] {strides = array<i32>} : memref<2x8x32x128xf32, #tpu.memory_space<vmem>>, vector<16xf32>,
            %mul3A_916 = arith.mulf %get3A_915, %get3A_19 : vector<16xf32>
            %add3A_917 = arith.addf %mul3A_901, %mul3A_916 : vector<16xf32>
            %get3A_918 = arith.constant 1 : i32
            %get3A_919 = arith.index_cast %get3A_918 : i32 to index
            %get3A_920 = arith.index_cast %add3A_412 : i32 to index
            %get3A_921 = arith.index_cast %add3A_887 : i32 to index
            %get3A_922 = arith.constant 64 : index
            %get3A_923 = tpu.vector_load %arg7[%get3A_919, %get3A_920, %get3A_921, %get3A_922] {strides = array<i32>} : memref<2x8x32x128xf32, #tpu.memory_space<vmem>>, vector<16xf32>,
            %mul3A_924 = arith.mulf %get3A_923, %get3A_21 : vector<16xf32>
            %add3A_925 = arith.addf %add3A_909, %mul3A_924 : vector<16xf32>
            %get3A_926 = arith.constant 1 : i32
            %get3A_927 = arith.index_cast %get3A_926 : i32 to index
            %get3A_928 = arith.index_cast %add3A_412 : i32 to index
            %get3A_929 = arith.index_cast %add3A_887 : i32 to index
            %get3A_930 = arith.constant 80 : index
            %get3A_931 = tpu.vector_load %arg7[%get3A_927, %get3A_928, %get3A_929, %get3A_930] {strides = array<i32>} : memref<2x8x32x128xf32, #tpu.memory_space<vmem>>, vector<16xf32>,
            %mul3A_932 = arith.mulf %get3A_931, %get3A_23 : vector<16xf32>
            %add3A_933 = arith.addf %add3A_917, %mul3A_932 : vector<16xf32>
            %get3A_934 = arith.constant 1 : i32
            %get3A_935 = arith.index_cast %get3A_934 : i32 to index
            %get3A_936 = arith.index_cast %add3A_412 : i32 to index
            %get3A_937 = arith.index_cast %add3A_887 : i32 to index
            %get3A_938 = arith.constant 96 : index
            %get3A_939 = tpu.vector_load %arg7[%get3A_935, %get3A_936, %get3A_937, %get3A_938] {strides = array<i32>} : memref<2x8x32x128xf32, #tpu.memory_space<vmem>>, vector<16xf32>,
            %mul3A_940 = arith.mulf %get3A_939, %get3A_25 : vector<16xf32>
            %add3A_941 = arith.addf %add3A_925, %mul3A_940 : vector<16xf32>
            %get3A_942 = arith.constant 1 : i32
            %get3A_943 = arith.index_cast %get3A_942 : i32 to index
            %get3A_944 = arith.index_cast %add3A_412 : i32 to index
            %get3A_945 = arith.index_cast %add3A_887 : i32 to index
            %get3A_946 = arith.constant 112 : index
            %get3A_947 = tpu.vector_load %arg7[%get3A_943, %get3A_944, %get3A_945, %get3A_946] {strides = array<i32>} : memref<2x8x32x128xf32, #tpu.memory_space<vmem>>, vector<16xf32>,
            %mul3A_948 = arith.mulf %get3A_947, %get3A_27 : vector<16xf32>
            %add3A_949 = arith.addf %add3A_933, %mul3A_948 : vector<16xf32>
            %add3A_950 = arith.addf %add3A_941, %add3A_949 : vector<16xf32>
            %swap3A_951 = arith.index_cast %add3A_412 : i32 to index
            %swap3A_952 = arith.index_cast %add3A_887 : i32 to index
            %swap3A_953 = arith.constant 0 : index
            %swap3A_954 = tpu.vector_load %arg9[%swap3A_951, %swap3A_952, %swap3A_953] {strides = array<i32>} : memref<8x32x16xf32, #tpu.memory_space<vmem>>, vector<16xf32>,
            tpu.vector_store %arg9[%swap3A_951, %swap3A_952, %swap3A_953], %add3A_950 {strides = array<i32>} : memref<8x32x16xf32, #tpu.memory_space<vmem>>, vector<16xf32>,
            %scan3A_955 = arith.constant 3 : i32
            %scan3A_956 = arith.addi %scan3A_737, %scan3A_955 : i32
            %mul3A_957 = arith.constant 1 : i32
            %mul3A_958 = arith.muli %scan3A_956, %mul3A_957 : i32
            %add3A_959 = arith.constant 0 : i32
            %add3A_960 = arith.addi %add3A_959, %mul3A_958 : i32
            %get3A_961 = arith.constant 1 : i32
            %get3A_962 = arith.index_cast %get3A_961 : i32 to index
            %get3A_963 = arith.index_cast %add3A_412 : i32 to index
            %get3A_964 = arith.index_cast %add3A_960 : i32 to index
            %get3A_965 = arith.constant 0 : index
            %get3A_966 = tpu.vector_load %arg7[%get3A_962, %get3A_963, %get3A_964, %get3A_965] {strides = array<i32>} : memref<2x8x32x128xf32, #tpu.memory_space<vmem>>, vector<16xf32>,
            %mul3A_967 = arith.mulf %get3A_966, %get3A_13 : vector<16xf32>
            %get3A_968 = arith.constant 1 : i32
            %get3A_969 = arith.index_cast %get3A_968 : i32 to index
            %get3A_970 = arith.index_cast %add3A_412 : i32 to index
            %get3A_971 = arith.index_cast %add3A_960 : i32 to index
            %get3A_972 = arith.constant 16 : index
            %get3A_973 = tpu.vector_load %arg7[%get3A_969, %get3A_970, %get3A_971, %get3A_972] {strides = array<i32>} : memref<2x8x32x128xf32, #tpu.memory_space<vmem>>, vector<16xf32>,
            %mul3A_974 = arith.mulf %get3A_973, %get3A_15 : vector<16xf32>
            %get3A_975 = arith.constant 1 : i32
            %get3A_976 = arith.index_cast %get3A_975 : i32 to index
            %get3A_977 = arith.index_cast %add3A_412 : i32 to index
            %get3A_978 = arith.index_cast %add3A_960 : i32 to index
            %get3A_979 = arith.constant 32 : index
            %get3A_980 = tpu.vector_load %arg7[%get3A_976, %get3A_977, %get3A_978, %get3A_979] {strides = array<i32>} : memref<2x8x32x128xf32, #tpu.memory_space<vmem>>, vector<16xf32>,
            %mul3A_981 = arith.mulf %get3A_980, %get3A_17 : vector<16xf32>
            %add3A_982 = arith.addf %mul3A_967, %mul3A_981 : vector<16xf32>
            %get3A_983 = arith.constant 1 : i32
            %get3A_984 = arith.index_cast %get3A_983 : i32 to index
            %get3A_985 = arith.index_cast %add3A_412 : i32 to index
            %get3A_986 = arith.index_cast %add3A_960 : i32 to index
            %get3A_987 = arith.constant 48 : index
            %get3A_988 = tpu.vector_load %arg7[%get3A_984, %get3A_985, %get3A_986, %get3A_987] {strides = array<i32>} : memref<2x8x32x128xf32, #tpu.memory_space<vmem>>, vector<16xf32>,
            %mul3A_989 = arith.mulf %get3A_988, %get3A_19 : vector<16xf32>
            %add3A_990 = arith.addf %mul3A_974, %mul3A_989 : vector<16xf32>
            %get3A_991 = arith.constant 1 : i32
            %get3A_992 = arith.index_cast %get3A_991 : i32 to index
            %get3A_993 = arith.index_cast %add3A_412 : i32 to index
            %get3A_994 = arith.index_cast %add3A_960 : i32 to index
            %get3A_995 = arith.constant 64 : index
            %get3A_996 = tpu.vector_load %arg7[%get3A_992, %get3A_993, %get3A_994, %get3A_995] {strides = array<i32>} : memref<2x8x32x128xf32, #tpu.memory_space<vmem>>, vector<16xf32>,
            %mul3A_997 = arith.mulf %get3A_996, %get3A_21 : vector<16xf32>
            %add3A_998 = arith.addf %add3A_982, %mul3A_997 : vector<16xf32>
            %get3A_999 = arith.constant 1 : i32
            %get3A_1000 = arith.index_cast %get3A_999 : i32 to index
            %get3A_1001 = arith.index_cast %add3A_412 : i32 to index
            %get3A_1002 = arith.index_cast %add3A_960 : i32 to index
            %get3A_1003 = arith.constant 80 : index
            %get3A_1004 = tpu.vector_load %arg7[%get3A_1000, %get3A_1001, %get3A_1002, %get3A_1003] {strides = array<i32>} : memref<2x8x32x128xf32, #tpu.memory_space<vmem>>, vector<16xf32>,
            %mul3A_1005 = arith.mulf %get3A_1004, %get3A_23 : vector<16xf32>
            %add3A_1006 = arith.addf %add3A_990, %mul3A_1005 : vector<16xf32>
            %get3A_1007 = arith.constant 1 : i32
            %get3A_1008 = arith.index_cast %get3A_1007 : i32 to index
            %get3A_1009 = arith.index_cast %add3A_412 : i32 to index
            %get3A_1010 = arith.index_cast %add3A_960 : i32 to index
            %get3A_1011 = arith.constant 96 : index
            %get3A_1012 = tpu.vector_load %arg7[%get3A_1008, %get3A_1009, %get3A_1010, %get3A_1011] {strides = array<i32>} : memref<2x8x32x128xf32, #tpu.memory_space<vmem>>, vector<16xf32>,
            %mul3A_1013 = arith.mulf %get3A_1012, %get3A_25 : vector<16xf32>
            %add3A_1014 = arith.addf %add3A_998, %mul3A_1013 : vector<16xf32>
            %get3A_1015 = arith.constant 1 : i32
            %get3A_1016 = arith.index_cast %get3A_1015 : i32 to index
            %get3A_1017 = arith.index_cast %add3A_412 : i32 to index
            %get3A_1018 = arith.index_cast %add3A_960 : i32 to index
            %get3A_1019 = arith.constant 112 : index
            %get3A_1020 = tpu.vector_load %arg7[%get3A_1016, %get3A_1017, %get3A_1018, %get3A_1019] {strides = array<i32>} : memref<2x8x32x128xf32, #tpu.memory_space<vmem>>, vector<16xf32>,
            %mul3A_1021 = arith.mulf %get3A_1020, %get3A_27 : vector<16xf32>
            %add3A_1022 = arith.addf %add3A_1006, %mul3A_1021 : vector<16xf32>
            %add3A_1023 = arith.addf %add3A_1014, %add3A_1022 : vector<16xf32>
            %swap3A_1024 = arith.index_cast %add3A_412 : i32 to index
            %swap3A_1025 = arith.index_cast %add3A_960 : i32 to index
            %swap3A_1026 = arith.constant 0 : index
            %swap3A_1027 = tpu.vector_load %arg9[%swap3A_1024, %swap3A_1025, %swap3A_1026] {strides = array<i32>} : memref<8x32x16xf32, #tpu.memory_space<vmem>>, vector<16xf32>,
            tpu.vector_store %arg9[%swap3A_1024, %swap3A_1025, %swap3A_1026], %add3A_1023 {strides = array<i32>} : memref<8x32x16xf32, #tpu.memory_space<vmem>>, vector<16xf32>,
          }
          %scan3A_417 = arith.constant 32 : i32
          %get3A_418 = arith.constant 1 : i32
          %get3A_419 = arith.constant 0 : i32
          %get3A_420 = arith.index_cast %get3A_418 : i32 to index
          %get3A_421 = arith.index_cast %add3A_412 : i32 to index
          %get3A_422 = arith.index_cast %get3A_419 : i32 to index
          %get3A_423 = arith.constant 0 : index
          %get3A_424 = tpu.vector_load %arg8[%get3A_420, %get3A_421, %get3A_422, %get3A_423] {strides = array<i32>} : memref<2x8x1x128xf32, #tpu.memory_space<vmem>>, vector<16xf32>,
          %mul3A_425 = arith.mulf %get3A_424, %get3A_29 : vector<16xf32>
          %get3A_426 = arith.constant 1 : i32
          %get3A_427 = arith.constant 0 : i32
          %get3A_428 = arith.index_cast %get3A_426 : i32 to index
          %get3A_429 = arith.index_cast %add3A_412 : i32 to index
          %get3A_430 = arith.index_cast %get3A_427 : i32 to index
          %get3A_431 = arith.constant 16 : index
          %get3A_432 = tpu.vector_load %arg8[%get3A_428, %get3A_429, %get3A_430, %get3A_431] {strides = array<i32>} : memref<2x8x1x128xf32, #tpu.memory_space<vmem>>, vector<16xf32>,
          %mul3A_433 = arith.mulf %get3A_432, %get3A_31 : vector<16xf32>
          %get3A_434 = arith.constant 1 : i32
          %get3A_435 = arith.constant 0 : i32
          %get3A_436 = arith.index_cast %get3A_434 : i32 to index
          %get3A_437 = arith.index_cast %add3A_412 : i32 to index
          %get3A_438 = arith.index_cast %get3A_435 : i32 to index
          %get3A_439 = arith.constant 32 : index
          %get3A_440 = tpu.vector_load %arg8[%get3A_436, %get3A_437, %get3A_438, %get3A_439] {strides = array<i32>} : memref<2x8x1x128xf32, #tpu.memory_space<vmem>>, vector<16xf32>,
          %mul3A_441 = arith.mulf %get3A_440, %get3A_33 : vector<16xf32>
          %add3A_442 = arith.addf %mul3A_425, %mul3A_441 : vector<16xf32>
          %get3A_443 = arith.constant 1 : i32
          %get3A_444 = arith.constant 0 : i32
          %get3A_445 = arith.index_cast %get3A_443 : i32 to index
          %get3A_446 = arith.index_cast %add3A_412 : i32 to index
          %get3A_447 = arith.index_cast %get3A_444 : i32 to index
          %get3A_448 = arith.constant 48 : index
          %get3A_449 = tpu.vector_load %arg8[%get3A_445, %get3A_446, %get3A_447, %get3A_448] {strides = array<i32>} : memref<2x8x1x128xf32, #tpu.memory_space<vmem>>, vector<16xf32>,
          %mul3A_450 = arith.mulf %get3A_449, %get3A_35 : vector<16xf32>
          %add3A_451 = arith.addf %mul3A_433, %mul3A_450 : vector<16xf32>
          %get3A_452 = arith.constant 1 : i32
          %get3A_453 = arith.constant 0 : i32
          %get3A_454 = arith.index_cast %get3A_452 : i32 to index
          %get3A_455 = arith.index_cast %add3A_412 : i32 to index
          %get3A_456 = arith.index_cast %get3A_453 : i32 to index
          %get3A_457 = arith.constant 64 : index
          %get3A_458 = tpu.vector_load %arg8[%get3A_454, %get3A_455, %get3A_456, %get3A_457] {strides = array<i32>} : memref<2x8x1x128xf32, #tpu.memory_space<vmem>>, vector<16xf32>,
          %mul3A_459 = arith.mulf %get3A_458, %get3A_37 : vector<16xf32>
          %add3A_460 = arith.addf %add3A_442, %mul3A_459 : vector<16xf32>
          %get3A_461 = arith.constant 1 : i32
          %get3A_462 = arith.constant 0 : i32
          %get3A_463 = arith.index_cast %get3A_461 : i32 to index
          %get3A_464 = arith.index_cast %add3A_412 : i32 to index
          %get3A_465 = arith.index_cast %get3A_462 : i32 to index
          %get3A_466 = arith.constant 80 : index
          %get3A_467 = tpu.vector_load %arg8[%get3A_463, %get3A_464, %get3A_465, %get3A_466] {strides = array<i32>} : memref<2x8x1x128xf32, #tpu.memory_space<vmem>>, vector<16xf32>,
          %mul3A_468 = arith.mulf %get3A_467, %get3A_39 : vector<16xf32>
          %add3A_469 = arith.addf %add3A_451, %mul3A_468 : vector<16xf32>
          %get3A_470 = arith.constant 1 : i32
          %get3A_471 = arith.constant 0 : i32
          %get3A_472 = arith.index_cast %get3A_470 : i32 to index
          %get3A_473 = arith.index_cast %add3A_412 : i32 to index
          %get3A_474 = arith.index_cast %get3A_471 : i32 to index
          %get3A_475 = arith.constant 96 : index
          %get3A_476 = tpu.vector_load %arg8[%get3A_472, %get3A_473, %get3A_474, %get3A_475] {strides = array<i32>} : memref<2x8x1x128xf32, #tpu.memory_space<vmem>>, vector<16xf32>,
          %mul3A_477 = arith.mulf %get3A_476, %get3A_41 : vector<16xf32>
          %add3A_478 = arith.addf %add3A_460, %mul3A_477 : vector<16xf32>
          %get3A_479 = arith.constant 1 : i32
          %get3A_480 = arith.constant 0 : i32
          %get3A_481 = arith.index_cast %get3A_479 : i32 to index
          %get3A_482 = arith.index_cast %add3A_412 : i32 to index
          %get3A_483 = arith.index_cast %get3A_480 : i32 to index
          %get3A_484 = arith.constant 112 : index
          %get3A_485 = tpu.vector_load %arg8[%get3A_481, %get3A_482, %get3A_483, %get3A_484] {strides = array<i32>} : memref<2x8x1x128xf32, #tpu.memory_space<vmem>>, vector<16xf32>,
          %mul3A_486 = arith.mulf %get3A_485, %get3A_43 : vector<16xf32>
          %add3A_487 = arith.addf %add3A_469, %mul3A_486 : vector<16xf32>
          %add3A_488 = arith.addf %add3A_478, %add3A_487 : vector<16xf32>
          %reduce_sum3A = arith.constant true
          %reduce_sum3A_489 = vector.broadcast %reduce_sum3A : i1 to vector<16xi1>
          %reduce_sum3A_490 = tpu.scan <sum>, %add3A_488 masked %reduce_sum3A_489 : vector<16xf32>, vector<16xi1> -> vector<16xf32>
          %reduce_sum3A_491 = vector.extract %reduce_sum3A_490[15] : f32 from vector<16xf32>
          %add3A_492 = arith.addf %reduce_sum3A_491, %squeeze3A_47 : f32
          %add3A_493 = arith.addf %add3A_492, %squeeze3A : f32
          %broadcast_in_dim3A = vector.broadcast %add3A_412 : i32 to vector<16xi32>
          %broadcast_in_dim3A_494 = arith.constant 0 : i32
          %broadcast_in_dim3A_495 = vector.broadcast %broadcast_in_dim3A_494 : i32 to vector<16xi32>
          %gather3A = tpu.vector_load_idx %arg9[%broadcast_in_dim3A, %iota3A, %broadcast_in_dim3A_495] : memref<8x32x16xf32, #tpu.memory_space<vmem>>[vector<16xi32>, vector<16xi32>, vector<16xi32>], vector<16xf32>,
          %add3A_496 = arith.constant 16 : i32
          %add3A_497 = vector.broadcast %add3A_496 : i32 to vector<16xi32>
          %add3A_498 = arith.addi %iota3A, %add3A_497 : vector<16xi32>
          %gather3A_499 = tpu.vector_load_idx %arg9[%broadcast_in_dim3A, %add3A_498, %broadcast_in_dim3A_495] : memref<8x32x16xf32, #tpu.memory_space<vmem>>[vector<16xi32>, vector<16xi32>, vector<16xi32>], vector<16xf32>,
          %broadcast_in_dim3A_500 = arith.constant 1 : i32
          %broadcast_in_dim3A_501 = vector.broadcast %broadcast_in_dim3A_500 : i32 to vector<16xi32>
          %gather3A_502 = tpu.vector_load_idx %arg9[%broadcast_in_dim3A, %iota3A, %broadcast_in_dim3A_501] : memref<8x32x16xf32, #tpu.memory_space<vmem>>[vector<16xi32>, vector<16xi32>, vector<16xi32>], vector<16xf32>,
          %add3A_503 = arith.constant 16 : i32
          %add3A_504 = vector.broadcast %add3A_503 : i32 to vector<16xi32>
          %add3A_505 = arith.addi %iota3A, %add3A_504 : vector<16xi32>
          %gather3A_506 = tpu.vector_load_idx %arg9[%broadcast_in_dim3A, %add3A_505, %broadcast_in_dim3A_501] : memref<8x32x16xf32, #tpu.memory_space<vmem>>[vector<16xi32>, vector<16xi32>, vector<16xi32>], vector<16xf32>,
          %broadcast_in_dim3A_507 = arith.constant 2 : i32
          %broadcast_in_dim3A_508 = vector.broadcast %broadcast_in_dim3A_507 : i32 to vector<16xi32>
          %gather3A_509 = tpu.vector_load_idx %arg9[%broadcast_in_dim3A, %iota3A, %broadcast_in_dim3A_508] : memref<8x32x16xf32, #tpu.memory_space<vmem>>[vector<16xi32>, vector<16xi32>, vector<16xi32>], vector<16xf32>,
          %add3A_510 = arith.constant 16 : i32
          %add3A_511 = vector.broadcast %add3A_510 : i32 to vector<16xi32>
          %add3A_512 = arith.addi %iota3A, %add3A_511 : vector<16xi32>
          %gather3A_513 = tpu.vector_load_idx %arg9[%broadcast_in_dim3A, %add3A_512, %broadcast_in_dim3A_508] : memref<8x32x16xf32, #tpu.memory_space<vmem>>[vector<16xi32>, vector<16xi32>, vector<16xi32>], vector<16xf32>,
          %broadcast_in_dim3A_514 = arith.constant 3 : i32
          %broadcast_in_dim3A_515 = vector.broadcast %broadcast_in_dim3A_514 : i32 to vector<16xi32>
          %gather3A_516 = tpu.vector_load_idx %arg9[%broadcast_in_dim3A, %iota3A, %broadcast_in_dim3A_515] : memref<8x32x16xf32, #tpu.memory_space<vmem>>[vector<16xi32>, vector<16xi32>, vector<16xi32>], vector<16xf32>,
          %add3A_517 = arith.constant 16 : i32
          %add3A_518 = vector.broadcast %add3A_517 : i32 to vector<16xi32>
          %add3A_519 = arith.addi %iota3A, %add3A_518 : vector<16xi32>
          %gather3A_520 = tpu.vector_load_idx %arg9[%broadcast_in_dim3A, %add3A_519, %broadcast_in_dim3A_515] : memref<8x32x16xf32, #tpu.memory_space<vmem>>[vector<16xi32>, vector<16xi32>, vector<16xi32>], vector<16xf32>,
          %broadcast_in_dim3A_521 = arith.constant 4 : i32
          %broadcast_in_dim3A_522 = vector.broadcast %broadcast_in_dim3A_521 : i32 to vector<16xi32>
          %gather3A_523 = tpu.vector_load_idx %arg9[%broadcast_in_dim3A, %iota3A, %broadcast_in_dim3A_522] : memref<8x32x16xf32, #tpu.memory_space<vmem>>[vector<16xi32>, vector<16xi32>, vector<16xi32>], vector<16xf32>,
          %add3A_524 = arith.constant 16 : i32
          %add3A_525 = vector.broadcast %add3A_524 : i32 to vector<16xi32>
          %add3A_526 = arith.addi %iota3A, %add3A_525 : vector<16xi32>
          %gather3A_527 = tpu.vector_load_idx %arg9[%broadcast_in_dim3A, %add3A_526, %broadcast_in_dim3A_522] : memref<8x32x16xf32, #tpu.memory_space<vmem>>[vector<16xi32>, vector<16xi32>, vector<16xi32>], vector<16xf32>,
          %add3A_528 = arith.addf %gather3A, %gather3A_523 : vector<16xf32>
          %add3A_529 = arith.addf %gather3A_499, %gather3A_527 : vector<16xf32>
          %broadcast_in_dim3A_530 = arith.constant 5 : i32
          %broadcast_in_dim3A_531 = vector.broadcast %broadcast_in_dim3A_530 : i32 to vector<16xi32>
          %gather3A_532 = tpu.vector_load_idx %arg9[%broadcast_in_dim3A, %iota3A, %broadcast_in_dim3A_531] : memref<8x32x16xf32, #tpu.memory_space<vmem>>[vector<16xi32>, vector<16xi32>, vector<16xi32>], vector<16xf32>,
          %add3A_533 = arith.constant 16 : i32
          %add3A_534 = vector.broadcast %add3A_533 : i32 to vector<16xi32>
          %add3A_535 = arith.addi %iota3A, %add3A_534 : vector<16xi32>
          %gather3A_536 = tpu.vector_load_idx %arg9[%broadcast_in_dim3A, %add3A_535, %broadcast_in_dim3A_531] : memref<8x32x16xf32, #tpu.memory_space<vmem>>[vector<16xi32>, vector<16xi32>, vector<16xi32>], vector<16xf32>,
          %add3A_537 = arith.addf %gather3A_502, %gather3A_532 : vector<16xf32>
          %add3A_538 = arith.addf %gather3A_506, %gather3A_536 : vector<16xf32>
          %broadcast_in_dim3A_539 = arith.constant 6 : i32
          %broadcast_in_dim3A_540 = vector.broadcast %broadcast_in_dim3A_539 : i32 to vector<16xi32>
          %gather3A_541 = tpu.vector_load_idx %arg9[%broadcast_in_dim3A, %iota3A, %broadcast_in_dim3A_540] : memref<8x32x16xf32, #tpu.memory_space<vmem>>[vector<16xi32>, vector<16xi32>, vector<16xi32>], vector<16xf32>,
          %add3A_542 = arith.constant 16 : i32
          %add3A_543 = vector.broadcast %add3A_542 : i32 to vector<16xi32>
          %add3A_544 = arith.addi %iota3A, %add3A_543 : vector<16xi32>
          %gather3A_545 = tpu.vector_load_idx %arg9[%broadcast_in_dim3A, %add3A_544, %broadcast_in_dim3A_540] : memref<8x32x16xf32, #tpu.memory_space<vmem>>[vector<16xi32>, vector<16xi32>, vector<16xi32>], vector<16xf32>,
          %add3A_546 = arith.addf %gather3A_509, %gather3A_541 : vector<16xf32>
          %add3A_547 = arith.addf %gather3A_513, %gather3A_545 : vector<16xf32>
          %broadcast_in_dim3A_548 = arith.constant 7 : i32
          %broadcast_in_dim3A_549 = vector.broadcast %broadcast_in_dim3A_548 : i32 to vector<16xi32>
          %gather3A_550 = tpu.vector_load_idx %arg9[%broadcast_in_dim3A, %iota3A, %broadcast_in_dim3A_549] : memref<8x32x16xf32, #tpu.memory_space<vmem>>[vector<16xi32>, vector<16xi32>, vector<16xi32>], vector<16xf32>,
          %add3A_551 = arith.constant 16 : i32
          %add3A_552 = vector.broadcast %add3A_551 : i32 to vector<16xi32>
          %add3A_553 = arith.addi %iota3A, %add3A_552 : vector<16xi32>
          %gather3A_554 = tpu.vector_load_idx %arg9[%broadcast_in_dim3A, %add3A_553, %broadcast_in_dim3A_549] : memref<8x32x16xf32, #tpu.memory_space<vmem>>[vector<16xi32>, vector<16xi32>, vector<16xi32>], vector<16xf32>,
          %add3A_555 = arith.addf %gather3A_516, %gather3A_550 : vector<16xf32>
          %add3A_556 = arith.addf %gather3A_520, %gather3A_554 : vector<16xf32>
          %broadcast_in_dim3A_557 = arith.constant 8 : i32
          %broadcast_in_dim3A_558 = vector.broadcast %broadcast_in_dim3A_557 : i32 to vector<16xi32>
          %gather3A_559 = tpu.vector_load_idx %arg9[%broadcast_in_dim3A, %iota3A, %broadcast_in_dim3A_558] : memref<8x32x16xf32, #tpu.memory_space<vmem>>[vector<16xi32>, vector<16xi32>, vector<16xi32>], vector<16xf32>,
          %add3A_560 = arith.constant 16 : i32
          %add3A_561 = vector.broadcast %add3A_560 : i32 to vector<16xi32>
          %add3A_562 = arith.addi %iota3A, %add3A_561 : vector<16xi32>
          %gather3A_563 = tpu.vector_load_idx %arg9[%broadcast_in_dim3A, %add3A_562, %broadcast_in_dim3A_558] : memref<8x32x16xf32, #tpu.memory_space<vmem>>[vector<16xi32>, vector<16xi32>, vector<16xi32>], vector<16xf32>,
          %add3A_564 = arith.addf %add3A_528, %gather3A_559 : vector<16xf32>
          %add3A_565 = arith.addf %add3A_529, %gather3A_563 : vector<16xf32>
          %broadcast_in_dim3A_566 = arith.constant 9 : i32
          %broadcast_in_dim3A_567 = vector.broadcast %broadcast_in_dim3A_566 : i32 to vector<16xi32>
          %gather3A_568 = tpu.vector_load_idx %arg9[%broadcast_in_dim3A, %iota3A, %broadcast_in_dim3A_567] : memref<8x32x16xf32, #tpu.memory_space<vmem>>[vector<16xi32>, vector<16xi32>, vector<16xi32>], vector<16xf32>,
          %add3A_569 = arith.constant 16 : i32
          %add3A_570 = vector.broadcast %add3A_569 : i32 to vector<16xi32>
          %add3A_571 = arith.addi %iota3A, %add3A_570 : vector<16xi32>
          %gather3A_572 = tpu.vector_load_idx %arg9[%broadcast_in_dim3A, %add3A_571, %broadcast_in_dim3A_567] : memref<8x32x16xf32, #tpu.memory_space<vmem>>[vector<16xi32>, vector<16xi32>, vector<16xi32>], vector<16xf32>,
          %add3A_573 = arith.addf %add3A_537, %gather3A_568 : vector<16xf32>
          %add3A_574 = arith.addf %add3A_538, %gather3A_572 : vector<16xf32>
          %broadcast_in_dim3A_575 = arith.constant 10 : i32
          %broadcast_in_dim3A_576 = vector.broadcast %broadcast_in_dim3A_575 : i32 to vector<16xi32>
          %gather3A_577 = tpu.vector_load_idx %arg9[%broadcast_in_dim3A, %iota3A, %broadcast_in_dim3A_576] : memref<8x32x16xf32, #tpu.memory_space<vmem>>[vector<16xi32>, vector<16xi32>, vector<16xi32>], vector<16xf32>,
          %add3A_578 = arith.constant 16 : i32
          %add3A_579 = vector.broadcast %add3A_578 : i32 to vector<16xi32>
          %add3A_580 = arith.addi %iota3A, %add3A_579 : vector<16xi32>
          %gather3A_581 = tpu.vector_load_idx %arg9[%broadcast_in_dim3A, %add3A_580, %broadcast_in_dim3A_576] : memref<8x32x16xf32, #tpu.memory_space<vmem>>[vector<16xi32>, vector<16xi32>, vector<16xi32>], vector<16xf32>,
          %add3A_582 = arith.addf %add3A_546, %gather3A_577 : vector<16xf32>
          %add3A_583 = arith.addf %add3A_547, %gather3A_581 : vector<16xf32>
          %broadcast_in_dim3A_584 = arith.constant 11 : i32
          %broadcast_in_dim3A_585 = vector.broadcast %broadcast_in_dim3A_584 : i32 to vector<16xi32>
          %gather3A_586 = tpu.vector_load_idx %arg9[%broadcast_in_dim3A, %iota3A, %broadcast_in_dim3A_585] : memref<8x32x16xf32, #tpu.memory_space<vmem>>[vector<16xi32>, vector<16xi32>, vector<16xi32>], vector<16xf32>,
          %add3A_587 = arith.constant 16 : i32
          %add3A_588 = vector.broadcast %add3A_587 : i32 to vector<16xi32>
          %add3A_589 = arith.addi %iota3A, %add3A_588 : vector<16xi32>
          %gather3A_590 = tpu.vector_load_idx %arg9[%broadcast_in_dim3A, %add3A_589, %broadcast_in_dim3A_585] : memref<8x32x16xf32, #tpu.memory_space<vmem>>[vector<16xi32>, vector<16xi32>, vector<16xi32>], vector<16xf32>,
          %add3A_591 = arith.addf %add3A_555, %gather3A_586 : vector<16xf32>
          %add3A_592 = arith.addf %add3A_556, %gather3A_590 : vector<16xf32>
          %broadcast_in_dim3A_593 = arith.constant 12 : i32
          %broadcast_in_dim3A_594 = vector.broadcast %broadcast_in_dim3A_593 : i32 to vector<16xi32>
          %gather3A_595 = tpu.vector_load_idx %arg9[%broadcast_in_dim3A, %iota3A, %broadcast_in_dim3A_594] : memref<8x32x16xf32, #tpu.memory_space<vmem>>[vector<16xi32>, vector<16xi32>, vector<16xi32>], vector<16xf32>,
          %add3A_596 = arith.constant 16 : i32
          %add3A_597 = vector.broadcast %add3A_596 : i32 to vector<16xi32>
          %add3A_598 = arith.addi %iota3A, %add3A_597 : vector<16xi32>
          %gather3A_599 = tpu.vector_load_idx %arg9[%broadcast_in_dim3A, %add3A_598, %broadcast_in_dim3A_594] : memref<8x32x16xf32, #tpu.memory_space<vmem>>[vector<16xi32>, vector<16xi32>, vector<16xi32>], vector<16xf32>,
          %add3A_600 = arith.addf %add3A_564, %gather3A_595 : vector<16xf32>
          %add3A_601 = arith.addf %add3A_565, %gather3A_599 : vector<16xf32>
          %broadcast_in_dim3A_602 = arith.constant 13 : i32
          %broadcast_in_dim3A_603 = vector.broadcast %broadcast_in_dim3A_602 : i32 to vector<16xi32>
          %gather3A_604 = tpu.vector_load_idx %arg9[%broadcast_in_dim3A, %iota3A, %broadcast_in_dim3A_603] : memref<8x32x16xf32, #tpu.memory_space<vmem>>[vector<16xi32>, vector<16xi32>, vector<16xi32>], vector<16xf32>,
          %add3A_605 = arith.constant 16 : i32
          %add3A_606 = vector.broadcast %add3A_605 : i32 to vector<16xi32>
          %add3A_607 = arith.addi %iota3A, %add3A_606 : vector<16xi32>
          %gather3A_608 = tpu.vector_load_idx %arg9[%broadcast_in_dim3A, %add3A_607, %broadcast_in_dim3A_603] : memref<8x32x16xf32, #tpu.memory_space<vmem>>[vector<16xi32>, vector<16xi32>, vector<16xi32>], vector<16xf32>,
          %add3A_609 = arith.addf %add3A_573, %gather3A_604 : vector<16xf32>
          %add3A_610 = arith.addf %add3A_574, %gather3A_608 : vector<16xf32>
          %broadcast_in_dim3A_611 = arith.constant 14 : i32
          %broadcast_in_dim3A_612 = vector.broadcast %broadcast_in_dim3A_611 : i32 to vector<16xi32>
          %gather3A_613 = tpu.vector_load_idx %arg9[%broadcast_in_dim3A, %iota3A, %broadcast_in_dim3A_612] : memref<8x32x16xf32, #tpu.memory_space<vmem>>[vector<16xi32>, vector<16xi32>, vector<16xi32>], vector<16xf32>,
          %add3A_614 = arith.constant 16 : i32
          %add3A_615 = vector.broadcast %add3A_614 : i32 to vector<16xi32>
          %add3A_616 = arith.addi %iota3A, %add3A_615 : vector<16xi32>
          %gather3A_617 = tpu.vector_load_idx %arg9[%broadcast_in_dim3A, %add3A_616, %broadcast_in_dim3A_612] : memref<8x32x16xf32, #tpu.memory_space<vmem>>[vector<16xi32>, vector<16xi32>, vector<16xi32>], vector<16xf32>,
          %add3A_618 = arith.addf %add3A_582, %gather3A_613 : vector<16xf32>
          %add3A_619 = arith.addf %add3A_583, %gather3A_617 : vector<16xf32>
          %broadcast_in_dim3A_620 = arith.constant 15 : i32
          %broadcast_in_dim3A_621 = vector.broadcast %broadcast_in_dim3A_620 : i32 to vector<16xi32>
          %gather3A_622 = tpu.vector_load_idx %arg9[%broadcast_in_dim3A, %iota3A, %broadcast_in_dim3A_621] : memref<8x32x16xf32, #tpu.memory_space<vmem>>[vector<16xi32>, vector<16xi32>, vector<16xi32>], vector<16xf32>,
          %add3A_623 = arith.constant 16 : i32
          %add3A_624 = vector.broadcast %add3A_623 : i32 to vector<16xi32>
          %add3A_625 = arith.addi %iota3A, %add3A_624 : vector<16xi32>
          %gather3A_626 = tpu.vector_load_idx %arg9[%broadcast_in_dim3A, %add3A_625, %broadcast_in_dim3A_621] : memref<8x32x16xf32, #tpu.memory_space<vmem>>[vector<16xi32>, vector<16xi32>, vector<16xi32>], vector<16xf32>,
          %add3A_627 = arith.addf %add3A_591, %gather3A_622 : vector<16xf32>
          %add3A_628 = arith.addf %add3A_592, %gather3A_626 : vector<16xf32>
          %add3A_629 = arith.addf %add3A_600, %add3A_609 : vector<16xf32>
          %add3A_630 = arith.addf %add3A_618, %add3A_627 : vector<16xf32>
          %add3A_631 = arith.addf %add3A_629, %add3A_630 : vector<16xf32>
          %add3A_632 = vector.broadcast %add3A_493 : f32 to vector<16xf32>
          %add3A_633 = arith.addf %add3A_631, %add3A_632 : vector<16xf32>
          %add3A_634 = arith.addf %add3A_601, %add3A_610 : vector<16xf32>
          %add3A_635 = arith.addf %add3A_619, %add3A_628 : vector<16xf32>
          %add3A_636 = arith.addf %add3A_634, %add3A_635 : vector<16xf32>
          %add3A_637 = vector.broadcast %add3A_493 : f32 to vector<16xf32>
          %add3A_638 = arith.addf %add3A_636, %add3A_637 : vector<16xf32>
          %ge3A_639 = arith.constant 0.000000e+00 : f32
          %ge3A_640 = vector.broadcast %ge3A_639 : f32 to vector<16xf32>
          %ge3A_641 = arith.cmpf oge, %add3A_633, %ge3A_640 : vector<16xf32>
          %mul3A_642 = arith.constant 2.000000e-01 : f32
          %mul3A_643 = vector.broadcast %mul3A_642 : f32 to vector<16xf32>
          %mul3A_644 = arith.mulf %add3A_633, %mul3A_643 : vector<16xf32>
          %select_n3A = arith.select %ge3A_641, %add3A_633, %mul3A_644 : vector<16xi1>, vector<16xf32>
          %ge3A_645 = arith.constant 0.000000e+00 : f32
          %ge3A_646 = vector.broadcast %ge3A_645 : f32 to vector<16xf32>
          %ge3A_647 = arith.cmpf oge, %add3A_638, %ge3A_646 : vector<16xf32>
          %mul3A_648 = arith.constant 2.000000e-01 : f32
          %mul3A_649 = vector.broadcast %mul3A_648 : f32 to vector<16xf32>
          %mul3A_650 = arith.mulf %add3A_638, %mul3A_649 : vector<16xf32>
          %select_n3A_651 = arith.select %ge3A_647, %add3A_638, %mul3A_650 : vector<16xi1>, vector<16xf32>
          %max3A = arith.maximumf %select_n3A, %select_n3A_651 : vector<16xf32>
          %reduce_max3A = arith.constant true
          %reduce_max3A_652 = vector.broadcast %reduce_max3A : i1 to vector<16xi1>
          %reduce_max3A_653 = tpu.scan <max>, %max3A masked %reduce_max3A_652 : vector<16xf32>, vector<16xi1> -> vector<16xf32>
          %reduce_max3A_654 = vector.extract %reduce_max3A_653[15] : f32 from vector<16xf32>
          %sub3A_655 = vector.broadcast %reduce_max3A_654 : f32 to vector<16xf32>
          %sub3A_656 = arith.subf %select_n3A, %sub3A_655 : vector<16xf32>
          %exp3A = math.exp %sub3A_656 : vector<16xf32>
          %sub3A_657 = vector.broadcast %reduce_max3A_654 : f32 to vector<16xf32>
          %sub3A_658 = arith.subf %select_n3A_651, %sub3A_657 : vector<16xf32>
          %exp3A_659 = math.exp %sub3A_658 : vector<16xf32>
          %add3A_660 = arith.addf %exp3A, %exp3A_659 : vector<16xf32>
          %reduce_sum3A_661 = arith.constant true
          %reduce_sum3A_662 = vector.broadcast %reduce_sum3A_661 : i1 to vector<16xi1>
          %reduce_sum3A_663 = tpu.scan <sum>, %add3A_660 masked %reduce_sum3A_662 : vector<16xf32>, vector<16xi1> -> vector<16xf32>
          %reduce_sum3A_664 = vector.extract %reduce_sum3A_663[15] : f32 from vector<16xf32>
          %broadcast_in_dim3A_665 = vector.broadcast %reduce_sum3A_664 : f32 to vector<16xf32>
          %div3A_666 = arith.divf %exp3A, %broadcast_in_dim3A_665 : vector<16xf32>
          %swap3A = arith.index_cast %add3A_412 : i32 to index
          %swap3A_667 = arith.constant 0 : index
          %swap3A_668 = tpu.vector_load %arg10[%swap3A, %swap3A_667] {strides = array<i32>} : memref<8x32xf32, #tpu.memory_space<vmem>>, vector<16xf32>,
          tpu.vector_store %arg10[%swap3A, %swap3A_667], %div3A_666 {strides = array<i32>} : memref<8x32xf32, #tpu.memory_space<vmem>>, vector<16xf32>,
          %div3A_669 = arith.divf %exp3A_659, %broadcast_in_dim3A_665 : vector<16xf32>
          %swap3A_670 = arith.index_cast %add3A_412 : i32 to index
          %swap3A_671 = arith.constant 16 : index
          %swap3A_672 = tpu.vector_load %arg10[%swap3A_670, %swap3A_671] {strides = array<i32>} : memref<8x32xf32, #tpu.memory_space<vmem>>, vector<16xf32>,
          tpu.vector_store %arg10[%swap3A_670, %swap3A_671], %div3A_669 {strides = array<i32>} : memref<8x32xf32, #tpu.memory_space<vmem>>, vector<16xf32>,
          %broadcast_in_dim3A_673 = arith.constant 0.000000e+00 : f32
          %broadcast_in_dim3A_674 = vector.broadcast %broadcast_in_dim3A_673 : f32 to vector<16xf32>
          %scan3A_675 = arith.constant 0 : i32
          %scan3A_676 = arith.constant 32 : i32
          %scan3A_677 = arith.addi %scan3A_675, %scan3A_676 : i32
          %scan3A_678 = arith.constant 4 : i32
          %scan3A_679:8 = scf.for %scan3A_737 = %scan3A_675 to %scan3A_677 step %scan3A_678 iter_args(%scan3A_738 = %broadcast_in_dim3A_674, %scan3A_739 = %broadcast_in_dim3A_674, %scan3A_740 = %broadcast_in_dim3A_674, %scan3A_741 = %broadcast_in_dim3A_674, %scan3A_742 = %broadcast_in_dim3A_674, %scan3A_743 = %broadcast_in_dim3A_674, %scan3A_744 = %broadcast_in_dim3A_674, %scan3A_745 = %broadcast_in_dim3A_674) -> (vector<16xf32>, vector<16xf32>, vector<16xf32>, vector<16xf32>, vector<16xf32>, vector<16xf32>, vector<16xf32>, vector<16xf32>)  : i32 {
            %broadcast_in_dim3A_746 = vector.broadcast %scan3A_737 : i32 to vector<16xi32>
            %gather3A_747 = tpu.vector_load_idx %arg10[%broadcast_in_dim3A, %broadcast_in_dim3A_746] : memref<8x32xf32, #tpu.memory_space<vmem>>[vector<16xi32>, vector<16xi32>], vector<16xf32>,
            %get3A_748 = arith.constant 1 : i32
            %get3A_749 = arith.index_cast %get3A_748 : i32 to index
            %get3A_750 = arith.index_cast %add3A_412 : i32 to index
            %get3A_751 = arith.index_cast %scan3A_737 : i32 to index
            %get3A_752 = arith.constant 0 : index
            %get3A_753 = tpu.vector_load %arg7[%get3A_749, %get3A_750, %get3A_751, %get3A_752] {strides = array<i32>} : memref<2x8x32x128xf32, #tpu.memory_space<vmem>>, vector<16xf32>,
            %mul3A_754 = arith.mulf %gather3A_747, %get3A_753 : vector<16xf32>
            %add3A_755 = arith.addf %scan3A_738, %mul3A_754 : vector<16xf32>
            %get3A_756 = arith.constant 1 : i32
            %get3A_757 = arith.index_cast %get3A_756 : i32 to index
            %get3A_758 = arith.index_cast %add3A_412 : i32 to index
            %get3A_759 = arith.index_cast %scan3A_737 : i32 to index
            %get3A_760 = arith.constant 16 : index
            %get3A_761 = tpu.vector_load %arg7[%get3A_757, %get3A_758, %get3A_759, %get3A_760] {strides = array<i32>} : memref<2x8x32x128xf32, #tpu.memory_space<vmem>>, vector<16xf32>,
            %mul3A_762 = arith.mulf %gather3A_747, %get3A_761 : vector<16xf32>
            %add3A_763 = arith.addf %scan3A_739, %mul3A_762 : vector<16xf32>
            %get3A_764 = arith.constant 1 : i32
            %get3A_765 = arith.index_cast %get3A_764 : i32 to index
            %get3A_766 = arith.index_cast %add3A_412 : i32 to index
            %get3A_767 = arith.index_cast %scan3A_737 : i32 to index
            %get3A_768 = arith.constant 32 : index
            %get3A_769 = tpu.vector_load %arg7[%get3A_765, %get3A_766, %get3A_767, %get3A_768] {strides = array<i32>} : memref<2x8x32x128xf32, #tpu.memory_space<vmem>>, vector<16xf32>,
            %mul3A_770 = arith.mulf %gather3A_747, %get3A_769 : vector<16xf32>
            %add3A_771 = arith.addf %scan3A_740, %mul3A_770 : vector<16xf32>
            %get3A_772 = arith.constant 1 : i32
            %get3A_773 = arith.index_cast %get3A_772 : i32 to index
            %get3A_774 = arith.index_cast %add3A_412 : i32 to index
            %get3A_775 = arith.index_cast %scan3A_737 : i32 to index
            %get3A_776 = arith.constant 48 : index
            %get3A_777 = tpu.vector_load %arg7[%get3A_773, %get3A_774, %get3A_775, %get3A_776] {strides = array<i32>} : memref<2x8x32x128xf32, #tpu.memory_space<vmem>>, vector<16xf32>,
            %mul3A_778 = arith.mulf %gather3A_747, %get3A_777 : vector<16xf32>
            %add3A_779 = arith.addf %scan3A_741, %mul3A_778 : vector<16xf32>
            %get3A_780 = arith.constant 1 : i32
            %get3A_781 = arith.index_cast %get3A_780 : i32 to index
            %get3A_782 = arith.index_cast %add3A_412 : i32 to index
            %get3A_783 = arith.index_cast %scan3A_737 : i32 to index
            %get3A_784 = arith.constant 64 : index
            %get3A_785 = tpu.vector_load %arg7[%get3A_781, %get3A_782, %get3A_783, %get3A_784] {strides = array<i32>} : memref<2x8x32x128xf32, #tpu.memory_space<vmem>>, vector<16xf32>,
            %mul3A_786 = arith.mulf %gather3A_747, %get3A_785 : vector<16xf32>
            %add3A_787 = arith.addf %scan3A_742, %mul3A_786 : vector<16xf32>
            %get3A_788 = arith.constant 1 : i32
            %get3A_789 = arith.index_cast %get3A_788 : i32 to index
            %get3A_790 = arith.index_cast %add3A_412 : i32 to index
            %get3A_791 = arith.index_cast %scan3A_737 : i32 to index
            %get3A_792 = arith.constant 80 : index
            %get3A_793 = tpu.vector_load %arg7[%get3A_789, %get3A_790, %get3A_791, %get3A_792] {strides = array<i32>} : memref<2x8x32x128xf32, #tpu.memory_space<vmem>>, vector<16xf32>,
            %mul3A_794 = arith.mulf %gather3A_747, %get3A_793 : vector<16xf32>
            %add3A_795 = arith.addf %scan3A_743, %mul3A_794 : vector<16xf32>
            %get3A_796 = arith.constant 1 : i32
            %get3A_797 = arith.index_cast %get3A_796 : i32 to index
            %get3A_798 = arith.index_cast %add3A_412 : i32 to index
            %get3A_799 = arith.index_cast %scan3A_737 : i32 to index
            %get3A_800 = arith.constant 96 : index
            %get3A_801 = tpu.vector_load %arg7[%get3A_797, %get3A_798, %get3A_799, %get3A_800] {strides = array<i32>} : memref<2x8x32x128xf32, #tpu.memory_space<vmem>>, vector<16xf32>,
            %mul3A_802 = arith.mulf %gather3A_747, %get3A_801 : vector<16xf32>
            %add3A_803 = arith.addf %scan3A_744, %mul3A_802 : vector<16xf32>
            %get3A_804 = arith.constant 1 : i32
            %get3A_805 = arith.index_cast %get3A_804 : i32 to index
            %get3A_806 = arith.index_cast %add3A_412 : i32 to index
            %get3A_807 = arith.index_cast %scan3A_737 : i32 to index
            %get3A_808 = arith.constant 112 : index
            %get3A_809 = tpu.vector_load %arg7[%get3A_805, %get3A_806, %get3A_807, %get3A_808] {strides = array<i32>} : memref<2x8x32x128xf32, #tpu.memory_space<vmem>>, vector<16xf32>,
            %mul3A_810 = arith.mulf %gather3A_747, %get3A_809 : vector<16xf32>
            %add3A_811 = arith.addf %scan3A_745, %mul3A_810 : vector<16xf32>
            %scan3A_812 = arith.constant 1 : i32
            %scan3A_813 = arith.addi %scan3A_737, %scan3A_812 : i32
            %broadcast_in_dim3A_814 = vector.broadcast %scan3A_813 : i32 to vector<16xi32>
            %gather3A_815 = tpu.vector_load_idx %arg10[%broadcast_in_dim3A, %broadcast_in_dim3A_814] : memref<8x32xf32, #tpu.memory_space<vmem>>[vector<16xi32>, vector<16xi32>], vector<16xf32>,
            %get3A_816 = arith.constant 1 : i32
            %get3A_817 = arith.index_cast %get3A_816 : i32 to index
            %get3A_818 = arith.index_cast %add3A_412 : i32 to index
            %get3A_819 = arith.index_cast %scan3A_813 : i32 to index
            %get3A_820 = arith.constant 0 : index
            %get3A_821 = tpu.vector_load %arg7[%get3A_817, %get3A_818, %get3A_819, %get3A_820] {strides = array<i32>} : memref<2x8x32x128xf32, #tpu.memory_space<vmem>>, vector<16xf32>,
            %mul3A_822 = arith.mulf %gather3A_815, %get3A_821 : vector<16xf32>
            %add3A_823 = arith.addf %add3A_755, %mul3A_822 : vector<16xf32>
            %get3A_824 = arith.constant 1 : i32
            %get3A_825 = arith.index_cast %get3A_824 : i32 to index
            %get3A_826 = arith.index_cast %add3A_412 : i32 to index
            %get3A_827 = arith.index_cast %scan3A_813 : i32 to index
            %get3A_828 = arith.constant 16 : index
            %get3A_829 = tpu.vector_load %arg7[%get3A_825, %get3A_826, %get3A_827, %get3A_828] {strides = array<i32>} : memref<2x8x32x128xf32, #tpu.memory_space<vmem>>, vector<16xf32>,
            %mul3A_830 = arith.mulf %gather3A_815, %get3A_829 : vector<16xf32>
            %add3A_831 = arith.addf %add3A_763, %mul3A_830 : vector<16xf32>
            %get3A_832 = arith.constant 1 : i32
            %get3A_833 = arith.index_cast %get3A_832 : i32 to index
            %get3A_834 = arith.index_cast %add3A_412 : i32 to index
            %get3A_835 = arith.index_cast %scan3A_813 : i32 to index
            %get3A_836 = arith.constant 32 : index
            %get3A_837 = tpu.vector_load %arg7[%get3A_833, %get3A_834, %get3A_835, %get3A_836] {strides = array<i32>} : memref<2x8x32x128xf32, #tpu.memory_space<vmem>>, vector<16xf32>,
            %mul3A_838 = arith.mulf %gather3A_815, %get3A_837 : vector<16xf32>
            %add3A_839 = arith.addf %add3A_771, %mul3A_838 : vector<16xf32>
            %get3A_840 = arith.constant 1 : i32
            %get3A_841 = arith.index_cast %get3A_840 : i32 to index
            %get3A_842 = arith.index_cast %add3A_412 : i32 to index
            %get3A_843 = arith.index_cast %scan3A_813 : i32 to index
            %get3A_844 = arith.constant 48 : index
            %get3A_845 = tpu.vector_load %arg7[%get3A_841, %get3A_842, %get3A_843, %get3A_844] {strides = array<i32>} : memref<2x8x32x128xf32, #tpu.memory_space<vmem>>, vector<16xf32>,
            %mul3A_846 = arith.mulf %gather3A_815, %get3A_845 : vector<16xf32>
            %add3A_847 = arith.addf %add3A_779, %mul3A_846 : vector<16xf32>
            %get3A_848 = arith.constant 1 : i32
            %get3A_849 = arith.index_cast %get3A_848 : i32 to index
            %get3A_850 = arith.index_cast %add3A_412 : i32 to index
            %get3A_851 = arith.index_cast %scan3A_813 : i32 to index
            %get3A_852 = arith.constant 64 : index
            %get3A_853 = tpu.vector_load %arg7[%get3A_849, %get3A_850, %get3A_851, %get3A_852] {strides = array<i32>} : memref<2x8x32x128xf32, #tpu.memory_space<vmem>>, vector<16xf32>,
            %mul3A_854 = arith.mulf %gather3A_815, %get3A_853 : vector<16xf32>
            %add3A_855 = arith.addf %add3A_787, %mul3A_854 : vector<16xf32>
            %get3A_856 = arith.constant 1 : i32
            %get3A_857 = arith.index_cast %get3A_856 : i32 to index
            %get3A_858 = arith.index_cast %add3A_412 : i32 to index
            %get3A_859 = arith.index_cast %scan3A_813 : i32 to index
            %get3A_860 = arith.constant 80 : index
            %get3A_861 = tpu.vector_load %arg7[%get3A_857, %get3A_858, %get3A_859, %get3A_860] {strides = array<i32>} : memref<2x8x32x128xf32, #tpu.memory_space<vmem>>, vector<16xf32>,
            %mul3A_862 = arith.mulf %gather3A_815, %get3A_861 : vector<16xf32>
            %add3A_863 = arith.addf %add3A_795, %mul3A_862 : vector<16xf32>
            %get3A_864 = arith.constant 1 : i32
            %get3A_865 = arith.index_cast %get3A_864 : i32 to index
            %get3A_866 = arith.index_cast %add3A_412 : i32 to index
            %get3A_867 = arith.index_cast %scan3A_813 : i32 to index
            %get3A_868 = arith.constant 96 : index
            %get3A_869 = tpu.vector_load %arg7[%get3A_865, %get3A_866, %get3A_867, %get3A_868] {strides = array<i32>} : memref<2x8x32x128xf32, #tpu.memory_space<vmem>>, vector<16xf32>,
            %mul3A_870 = arith.mulf %gather3A_815, %get3A_869 : vector<16xf32>
            %add3A_871 = arith.addf %add3A_803, %mul3A_870 : vector<16xf32>
            %get3A_872 = arith.constant 1 : i32
            %get3A_873 = arith.index_cast %get3A_872 : i32 to index
            %get3A_874 = arith.index_cast %add3A_412 : i32 to index
            %get3A_875 = arith.index_cast %scan3A_813 : i32 to index
            %get3A_876 = arith.constant 112 : index
            %get3A_877 = tpu.vector_load %arg7[%get3A_873, %get3A_874, %get3A_875, %get3A_876] {strides = array<i32>} : memref<2x8x32x128xf32, #tpu.memory_space<vmem>>, vector<16xf32>,
            %mul3A_878 = arith.mulf %gather3A_815, %get3A_877 : vector<16xf32>
            %add3A_879 = arith.addf %add3A_811, %mul3A_878 : vector<16xf32>
            %scan3A_880 = arith.constant 2 : i32
            %scan3A_881 = arith.addi %scan3A_737, %scan3A_880 : i32
            %broadcast_in_dim3A_882 = vector.broadcast %scan3A_881 : i32 to vector<16xi32>
            %gather3A_883 = tpu.vector_load_idx %arg10[%broadcast_in_dim3A, %broadcast_in_dim3A_882] : memref<8x32xf32, #tpu.memory_space<vmem>>[vector<16xi32>, vector<16xi32>], vector<16xf32>,
            %get3A_884 = arith.constant 1 : i32
            %get3A_885 = arith.index_cast %get3A_884 : i32 to index
            %get3A_886 = arith.index_cast %add3A_412 : i32 to index
            %get3A_887 = arith.index_cast %scan3A_881 : i32 to index
            %get3A_888 = arith.constant 0 : index
            %get3A_889 = tpu.vector_load %arg7[%get3A_885, %get3A_886, %get3A_887, %get3A_888] {strides = array<i32>} : memref<2x8x32x128xf32, #tpu.memory_space<vmem>>, vector<16xf32>,
            %mul3A_890 = arith.mulf %gather3A_883, %get3A_889 : vector<16xf32>
            %add3A_891 = arith.addf %add3A_823, %mul3A_890 : vector<16xf32>
            %get3A_892 = arith.constant 1 : i32
            %get3A_893 = arith.index_cast %get3A_892 : i32 to index
            %get3A_894 = arith.index_cast %add3A_412 : i32 to index
            %get3A_895 = arith.index_cast %scan3A_881 : i32 to index
            %get3A_896 = arith.constant 16 : index
            %get3A_897 = tpu.vector_load %arg7[%get3A_893, %get3A_894, %get3A_895, %get3A_896] {strides = array<i32>} : memref<2x8x32x128xf32, #tpu.memory_space<vmem>>, vector<16xf32>,
            %mul3A_898 = arith.mulf %gather3A_883, %get3A_897 : vector<16xf32>
            %add3A_899 = arith.addf %add3A_831, %mul3A_898 : vector<16xf32>
            %get3A_900 = arith.constant 1 : i32
            %get3A_901 = arith.index_cast %get3A_900 : i32 to index
            %get3A_902 = arith.index_cast %add3A_412 : i32 to index
            %get3A_903 = arith.index_cast %scan3A_881 : i32 to index
            %get3A_904 = arith.constant 32 : index
            %get3A_905 = tpu.vector_load %arg7[%get3A_901, %get3A_902, %get3A_903, %get3A_904] {strides = array<i32>} : memref<2x8x32x128xf32, #tpu.memory_space<vmem>>, vector<16xf32>,
            %mul3A_906 = arith.mulf %gather3A_883, %get3A_905 : vector<16xf32>
            %add3A_907 = arith.addf %add3A_839, %mul3A_906 : vector<16xf32>
            %get3A_908 = arith.constant 1 : i32
            %get3A_909 = arith.index_cast %get3A_908 : i32 to index
            %get3A_910 = arith.index_cast %add3A_412 : i32 to index
            %get3A_911 = arith.index_cast %scan3A_881 : i32 to index
            %get3A_912 = arith.constant 48 : index
            %get3A_913 = tpu.vector_load %arg7[%get3A_909, %get3A_910, %get3A_911, %get3A_912] {strides = array<i32>} : memref<2x8x32x128xf32, #tpu.memory_space<vmem>>, vector<16xf32>,
            %mul3A_914 = arith.mulf %gather3A_883, %get3A_913 : vector<16xf32>
            %add3A_915 = arith.addf %add3A_847, %mul3A_914 : vector<16xf32>
            %get3A_916 = arith.constant 1 : i32
            %get3A_917 = arith.index_cast %get3A_916 : i32 to index
            %get3A_918 = arith.index_cast %add3A_412 : i32 to index
            %get3A_919 = arith.index_cast %scan3A_881 : i32 to index
            %get3A_920 = arith.constant 64 : index
            %get3A_921 = tpu.vector_load %arg7[%get3A_917, %get3A_918, %get3A_919, %get3A_920] {strides = array<i32>} : memref<2x8x32x128xf32, #tpu.memory_space<vmem>>, vector<16xf32>,
            %mul3A_922 = arith.mulf %gather3A_883, %get3A_921 : vector<16xf32>
            %add3A_923 = arith.addf %add3A_855, %mul3A_922 : vector<16xf32>
            %get3A_924 = arith.constant 1 : i32
            %get3A_925 = arith.index_cast %get3A_924 : i32 to index
            %get3A_926 = arith.index_cast %add3A_412 : i32 to index
            %get3A_927 = arith.index_cast %scan3A_881 : i32 to index
            %get3A_928 = arith.constant 80 : index
            %get3A_929 = tpu.vector_load %arg7[%get3A_925, %get3A_926, %get3A_927, %get3A_928] {strides = array<i32>} : memref<2x8x32x128xf32, #tpu.memory_space<vmem>>, vector<16xf32>,
            %mul3A_930 = arith.mulf %gather3A_883, %get3A_929 : vector<16xf32>
            %add3A_931 = arith.addf %add3A_863, %mul3A_930 : vector<16xf32>
            %get3A_932 = arith.constant 1 : i32
            %get3A_933 = arith.index_cast %get3A_932 : i32 to index
            %get3A_934 = arith.index_cast %add3A_412 : i32 to index
            %get3A_935 = arith.index_cast %scan3A_881 : i32 to index
            %get3A_936 = arith.constant 96 : index
            %get3A_937 = tpu.vector_load %arg7[%get3A_933, %get3A_934, %get3A_935, %get3A_936] {strides = array<i32>} : memref<2x8x32x128xf32, #tpu.memory_space<vmem>>, vector<16xf32>,
            %mul3A_938 = arith.mulf %gather3A_883, %get3A_937 : vector<16xf32>
            %add3A_939 = arith.addf %add3A_871, %mul3A_938 : vector<16xf32>
            %get3A_940 = arith.constant 1 : i32
            %get3A_941 = arith.index_cast %get3A_940 : i32 to index
            %get3A_942 = arith.index_cast %add3A_412 : i32 to index
            %get3A_943 = arith.index_cast %scan3A_881 : i32 to index
            %get3A_944 = arith.constant 112 : index
            %get3A_945 = tpu.vector_load %arg7[%get3A_941, %get3A_942, %get3A_943, %get3A_944] {strides = array<i32>} : memref<2x8x32x128xf32, #tpu.memory_space<vmem>>, vector<16xf32>,
            %mul3A_946 = arith.mulf %gather3A_883, %get3A_945 : vector<16xf32>
            %add3A_947 = arith.addf %add3A_879, %mul3A_946 : vector<16xf32>
            %scan3A_948 = arith.constant 3 : i32
            %scan3A_949 = arith.addi %scan3A_737, %scan3A_948 : i32
            %broadcast_in_dim3A_950 = vector.broadcast %scan3A_949 : i32 to vector<16xi32>
            %gather3A_951 = tpu.vector_load_idx %arg10[%broadcast_in_dim3A, %broadcast_in_dim3A_950] : memref<8x32xf32, #tpu.memory_space<vmem>>[vector<16xi32>, vector<16xi32>], vector<16xf32>,
            %get3A_952 = arith.constant 1 : i32
            %get3A_953 = arith.index_cast %get3A_952 : i32 to index
            %get3A_954 = arith.index_cast %add3A_412 : i32 to index
            %get3A_955 = arith.index_cast %scan3A_949 : i32 to index
            %get3A_956 = arith.constant 0 : index
            %get3A_957 = tpu.vector_load %arg7[%get3A_953, %get3A_954, %get3A_955, %get3A_956] {strides = array<i32>} : memref<2x8x32x128xf32, #tpu.memory_space<vmem>>, vector<16xf32>,
            %mul3A_958 = arith.mulf %gather3A_951, %get3A_957 : vector<16xf32>
            %add3A_959 = arith.addf %add3A_891, %mul3A_958 : vector<16xf32>
            %get3A_960 = arith.constant 1 : i32
            %get3A_961 = arith.index_cast %get3A_960 : i32 to index
            %get3A_962 = arith.index_cast %add3A_412 : i32 to index
            %get3A_963 = arith.index_cast %scan3A_949 : i32 to index
            %get3A_964 = arith.constant 16 : index
            %get3A_965 = tpu.vector_load %arg7[%get3A_961, %get3A_962, %get3A_963, %get3A_964] {strides = array<i32>} : memref<2x8x32x128xf32, #tpu.memory_space<vmem>>, vector<16xf32>,
            %mul3A_966 = arith.mulf %gather3A_951, %get3A_965 : vector<16xf32>
            %add3A_967 = arith.addf %add3A_899, %mul3A_966 : vector<16xf32>
            %get3A_968 = arith.constant 1 : i32
            %get3A_969 = arith.index_cast %get3A_968 : i32 to index
            %get3A_970 = arith.index_cast %add3A_412 : i32 to index
            %get3A_971 = arith.index_cast %scan3A_949 : i32 to index
            %get3A_972 = arith.constant 32 : index
            %get3A_973 = tpu.vector_load %arg7[%get3A_969, %get3A_970, %get3A_971, %get3A_972] {strides = array<i32>} : memref<2x8x32x128xf32, #tpu.memory_space<vmem>>, vector<16xf32>,
            %mul3A_974 = arith.mulf %gather3A_951, %get3A_973 : vector<16xf32>
            %add3A_975 = arith.addf %add3A_907, %mul3A_974 : vector<16xf32>
            %get3A_976 = arith.constant 1 : i32
            %get3A_977 = arith.index_cast %get3A_976 : i32 to index
            %get3A_978 = arith.index_cast %add3A_412 : i32 to index
            %get3A_979 = arith.index_cast %scan3A_949 : i32 to index
            %get3A_980 = arith.constant 48 : index
            %get3A_981 = tpu.vector_load %arg7[%get3A_977, %get3A_978, %get3A_979, %get3A_980] {strides = array<i32>} : memref<2x8x32x128xf32, #tpu.memory_space<vmem>>, vector<16xf32>,
            %mul3A_982 = arith.mulf %gather3A_951, %get3A_981 : vector<16xf32>
            %add3A_983 = arith.addf %add3A_915, %mul3A_982 : vector<16xf32>
            %get3A_984 = arith.constant 1 : i32
            %get3A_985 = arith.index_cast %get3A_984 : i32 to index
            %get3A_986 = arith.index_cast %add3A_412 : i32 to index
            %get3A_987 = arith.index_cast %scan3A_949 : i32 to index
            %get3A_988 = arith.constant 64 : index
            %get3A_989 = tpu.vector_load %arg7[%get3A_985, %get3A_986, %get3A_987, %get3A_988] {strides = array<i32>} : memref<2x8x32x128xf32, #tpu.memory_space<vmem>>, vector<16xf32>,
            %mul3A_990 = arith.mulf %gather3A_951, %get3A_989 : vector<16xf32>
            %add3A_991 = arith.addf %add3A_923, %mul3A_990 : vector<16xf32>
            %get3A_992 = arith.constant 1 : i32
            %get3A_993 = arith.index_cast %get3A_992 : i32 to index
            %get3A_994 = arith.index_cast %add3A_412 : i32 to index
            %get3A_995 = arith.index_cast %scan3A_949 : i32 to index
            %get3A_996 = arith.constant 80 : index
            %get3A_997 = tpu.vector_load %arg7[%get3A_993, %get3A_994, %get3A_995, %get3A_996] {strides = array<i32>} : memref<2x8x32x128xf32, #tpu.memory_space<vmem>>, vector<16xf32>,
            %mul3A_998 = arith.mulf %gather3A_951, %get3A_997 : vector<16xf32>
            %add3A_999 = arith.addf %add3A_931, %mul3A_998 : vector<16xf32>
            %get3A_1000 = arith.constant 1 : i32
            %get3A_1001 = arith.index_cast %get3A_1000 : i32 to index
            %get3A_1002 = arith.index_cast %add3A_412 : i32 to index
            %get3A_1003 = arith.index_cast %scan3A_949 : i32 to index
            %get3A_1004 = arith.constant 96 : index
            %get3A_1005 = tpu.vector_load %arg7[%get3A_1001, %get3A_1002, %get3A_1003, %get3A_1004] {strides = array<i32>} : memref<2x8x32x128xf32, #tpu.memory_space<vmem>>, vector<16xf32>,
            %mul3A_1006 = arith.mulf %gather3A_951, %get3A_1005 : vector<16xf32>
            %add3A_1007 = arith.addf %add3A_939, %mul3A_1006 : vector<16xf32>
            %get3A_1008 = arith.constant 1 : i32
            %get3A_1009 = arith.index_cast %get3A_1008 : i32 to index
            %get3A_1010 = arith.index_cast %add3A_412 : i32 to index
            %get3A_1011 = arith.index_cast %scan3A_949 : i32 to index
            %get3A_1012 = arith.constant 112 : index
            %get3A_1013 = tpu.vector_load %arg7[%get3A_1009, %get3A_1010, %get3A_1011, %get3A_1012] {strides = array<i32>} : memref<2x8x32x128xf32, #tpu.memory_space<vmem>>, vector<16xf32>,
            %mul3A_1014 = arith.mulf %gather3A_951, %get3A_1013 : vector<16xf32>
            %add3A_1015 = arith.addf %add3A_947, %mul3A_1014 : vector<16xf32>
            scf.yield %add3A_959, %add3A_967, %add3A_975, %add3A_983, %add3A_991, %add3A_999, %add3A_1007, %add3A_1015 : vector<16xf32>, vector<16xf32>, vector<16xf32>, vector<16xf32>, vector<16xf32>, vector<16xf32>, vector<16xf32>, vector<16xf32>
          }
          %scan3A_680 = arith.constant 32 : i32
          %swap3A_681 = arith.constant 1 : i32
          %swap3A_682 = arith.constant 0 : i32
          %swap3A_683 = arith.index_cast %swap3A_681 : i32 to index
          %swap3A_684 = arith.index_cast %add3A_412 : i32 to index
          %swap3A_685 = arith.index_cast %swap3A_682 : i32 to index
          %swap3A_686 = arith.constant 0 : index
          %swap3A_687 = tpu.vector_load %arg11[%swap3A_683, %swap3A_684, %swap3A_685, %swap3A_686] {strides = array<i32>} : memref<2x8x1x128xf32, #tpu.memory_space<vmem>>, vector<16xf32>,
          tpu.vector_store %arg11[%swap3A_683, %swap3A_684, %swap3A_685, %swap3A_686], %scan3A_679#0 {strides = array<i32>} : memref<2x8x1x128xf32, #tpu.memory_space<vmem>>, vector<16xf32>,
          %swap3A_688 = arith.constant 1 : i32
          %swap3A_689 = arith.constant 0 : i32
          %swap3A_690 = arith.index_cast %swap3A_688 : i32 to index
          %swap3A_691 = arith.index_cast %add3A_412 : i32 to index
          %swap3A_692 = arith.index_cast %swap3A_689 : i32 to index
          %swap3A_693 = arith.constant 16 : index
          %swap3A_694 = tpu.vector_load %arg11[%swap3A_690, %swap3A_691, %swap3A_692, %swap3A_693] {strides = array<i32>} : memref<2x8x1x128xf32, #tpu.memory_space<vmem>>, vector<16xf32>,
          tpu.vector_store %arg11[%swap3A_690, %swap3A_691, %swap3A_692, %swap3A_693], %scan3A_679#1 {strides = array<i32>} : memref<2x8x1x128xf32, #tpu.memory_space<vmem>>, vector<16xf32>,
          %swap3A_695 = arith.constant 1 : i32
          %swap3A_696 = arith.constant 0 : i32
          %swap3A_697 = arith.index_cast %swap3A_695 : i32 to index
          %swap3A_698 = arith.index_cast %add3A_412 : i32 to index
          %swap3A_699 = arith.index_cast %swap3A_696 : i32 to index
          %swap3A_700 = arith.constant 32 : index
          %swap3A_701 = tpu.vector_load %arg11[%swap3A_697, %swap3A_698, %swap3A_699, %swap3A_700] {strides = array<i32>} : memref<2x8x1x128xf32, #tpu.memory_space<vmem>>, vector<16xf32>,
          tpu.vector_store %arg11[%swap3A_697, %swap3A_698, %swap3A_699, %swap3A_700], %scan3A_679#2 {strides = array<i32>} : memref<2x8x1x128xf32, #tpu.memory_space<vmem>>, vector<16xf32>,
          %swap3A_702 = arith.constant 1 : i32
          %swap3A_703 = arith.constant 0 : i32
          %swap3A_704 = arith.index_cast %swap3A_702 : i32 to index
          %swap3A_705 = arith.index_cast %add3A_412 : i32 to index
          %swap3A_706 = arith.index_cast %swap3A_703 : i32 to index
          %swap3A_707 = arith.constant 48 : index
          %swap3A_708 = tpu.vector_load %arg11[%swap3A_704, %swap3A_705, %swap3A_706, %swap3A_707] {strides = array<i32>} : memref<2x8x1x128xf32, #tpu.memory_space<vmem>>, vector<16xf32>,
          tpu.vector_store %arg11[%swap3A_704, %swap3A_705, %swap3A_706, %swap3A_707], %scan3A_679#3 {strides = array<i32>} : memref<2x8x1x128xf32, #tpu.memory_space<vmem>>, vector<16xf32>,
          %swap3A_709 = arith.constant 1 : i32
          %swap3A_710 = arith.constant 0 : i32
          %swap3A_711 = arith.index_cast %swap3A_709 : i32 to index
          %swap3A_712 = arith.index_cast %add3A_412 : i32 to index
          %swap3A_713 = arith.index_cast %swap3A_710 : i32 to index
          %swap3A_714 = arith.constant 64 : index
          %swap3A_715 = tpu.vector_load %arg11[%swap3A_711, %swap3A_712, %swap3A_713, %swap3A_714] {strides = array<i32>} : memref<2x8x1x128xf32, #tpu.memory_space<vmem>>, vector<16xf32>,
          tpu.vector_store %arg11[%swap3A_711, %swap3A_712, %swap3A_713, %swap3A_714], %scan3A_679#4 {strides = array<i32>} : memref<2x8x1x128xf32, #tpu.memory_space<vmem>>, vector<16xf32>,
          %swap3A_716 = arith.constant 1 : i32
          %swap3A_717 = arith.constant 0 : i32
          %swap3A_718 = arith.index_cast %swap3A_716 : i32 to index
          %swap3A_719 = arith.index_cast %add3A_412 : i32 to index
          %swap3A_720 = arith.index_cast %swap3A_717 : i32 to index
          %swap3A_721 = arith.constant 80 : index
          %swap3A_722 = tpu.vector_load %arg11[%swap3A_718, %swap3A_719, %swap3A_720, %swap3A_721] {strides = array<i32>} : memref<2x8x1x128xf32, #tpu.memory_space<vmem>>, vector<16xf32>,
          tpu.vector_store %arg11[%swap3A_718, %swap3A_719, %swap3A_720, %swap3A_721], %scan3A_679#5 {strides = array<i32>} : memref<2x8x1x128xf32, #tpu.memory_space<vmem>>, vector<16xf32>,
          %swap3A_723 = arith.constant 1 : i32
          %swap3A_724 = arith.constant 0 : i32
          %swap3A_725 = arith.index_cast %swap3A_723 : i32 to index
          %swap3A_726 = arith.index_cast %add3A_412 : i32 to index
          %swap3A_727 = arith.index_cast %swap3A_724 : i32 to index
          %swap3A_728 = arith.constant 96 : index
          %swap3A_729 = tpu.vector_load %arg11[%swap3A_725, %swap3A_726, %swap3A_727, %swap3A_728] {strides = array<i32>} : memref<2x8x1x128xf32, #tpu.memory_space<vmem>>, vector<16xf32>,
          tpu.vector_store %arg11[%swap3A_725, %swap3A_726, %swap3A_727, %swap3A_728], %scan3A_679#6 {strides = array<i32>} : memref<2x8x1x128xf32, #tpu.memory_space<vmem>>, vector<16xf32>,
          %swap3A_730 = arith.constant 1 : i32
          %swap3A_731 = arith.constant 0 : i32
          %swap3A_732 = arith.index_cast %swap3A_730 : i32 to index
          %swap3A_733 = arith.index_cast %add3A_412 : i32 to index
          %swap3A_734 = arith.index_cast %swap3A_731 : i32 to index
          %swap3A_735 = arith.constant 112 : index
          %swap3A_736 = tpu.vector_load %arg11[%swap3A_732, %swap3A_733, %swap3A_734, %swap3A_735] {strides = array<i32>} : memref<2x8x1x128xf32, #tpu.memory_space<vmem>>, vector<16xf32>,
          tpu.vector_store %arg11[%swap3A_732, %swap3A_733, %swap3A_734, %swap3A_735], %scan3A_679#7 {strides = array<i32>} : memref<2x8x1x128xf32, #tpu.memory_space<vmem>>, vector<16xf32>,
        }
        %scan3A_384 = arith.constant 8 : i32
        %add3A_385 = arith.constant 2 : i32
        %add3A_386 = arith.addi %add3A_272, %add3A_385 : i32
        %lt3A_387 = arith.cmpi slt, %add3A_386, %shift_right_arithmetic3A_9 : i32
        %convert_element_type3A_388 = arith.extui %lt3A_387 : i1 to i32
        %cond3A_389 = arith.constant 0 : i32
        %cond3A_390 = arith.cmpi ne, %convert_element_type3A_388, %cond3A_389 : i32
        scf.if %cond3A_390 {
          %add3A_408 = arith.constant 2 : i32
          %add3A_409 = arith.addi %add3A_272, %add3A_408 : i32
          %mul3A_410 = arith.constant 8 : i32
          %mul3A_411 = arith.muli %add3A_409, %mul3A_410 : i32
          %add3A_412 = arith.addi %mul3A_2, %mul3A_411 : i32
          %min3A_413 = arith.minsi %add3A_412, %sub3A_12 : i32
          %add3A_414 = arith.constant 0 : i32
          %add3A_415 = arith.addi %min3A_413, %add3A_414 : i32
          %dma_start3A_416 = arith.constant 1 : i32
          %dma_start3A_417 = arith.constant 0 : i32
          %dma_start3A_418 = arith.constant 0 : i32
          %dma_start3A_419 = arith.constant 0 : i32
          %dma_start3A_420 = tpu.memref_slice %arg7[%dma_start3A_416, %dma_start3A_417, %dma_start3A_418, %dma_start3A_419] : memref<2x8x32x128xf32, #tpu.memory_space<vmem>> -> memref<1x2x32x128xf32, #tpu.memory_space<vmem>>
          %dma_start3A_421 = tpu.memref_squeeze %dma_start3A_420 : memref<1x2x32x128xf32, #tpu.memory_space<vmem>> -> memref<2x32x128xf32, #tpu.memory_space<vmem>>
          %dma_start3A_422 = arith.constant 0 : i32
          %dma_start3A_423 = arith.constant 0 : i32
          %dma_start3A_424 = tpu.memref_slice %arg2[%add3A_415, %dma_start3A_422, %dma_start3A_423] : memref<10000x32x128xf32, #tpu.memory_space<hbm>> -> memref<2x32x128xf32, #tpu.memory_space<hbm>>
          %dma_start3A_425 = arith.constant 0 : i32
          %dma_start3A_426 = arith.constant 0 : i32
          %dma_start3A_427 = arith.constant 0 : i32
          %dma_start3A_428 = tpu.memref_slice %arg7[%dma_start3A_416, %dma_start3A_425, %dma_start3A_426, %dma_start3A_427] : memref<2x8x32x128xf32, #tpu.memory_space<vmem>> -> memref<1x2x32x128xf32, #tpu.memory_space<vmem>>
          %dma_start3A_429 = tpu.memref_squeeze %dma_start3A_428 : memref<1x2x32x128xf32, #tpu.memory_space<vmem>> -> memref<2x32x128xf32, #tpu.memory_space<vmem>>
          %dma_start3A_430 = arith.constant 0 : i32
          %dma_start3A_431 = arith.constant 0 : i32
          %dma_start3A_432 = tpu.memref_slice %arg2[%add3A_415, %dma_start3A_430, %dma_start3A_431] : memref<10000x32x128xf32, #tpu.memory_space<hbm>> -> memref<2x32x128xf32, #tpu.memory_space<hbm>>
          tpu.enqueue_dma source(%dma_start3A_432 : memref<2x32x128xf32, #tpu.memory_space<hbm>>) target(%dma_start3A_429 : memref<2x32x128xf32, #tpu.memory_space<vmem>>) target_semaphore(%arg13 : memref<!tpu.dma_semaphore, #tpu.memory_space<semaphore_mem>>)
          %add3A_433 = arith.constant 2 : i32
          %add3A_434 = arith.addi %min3A_413, %add3A_433 : i32
          %dma_start3A_435 = arith.constant 1 : i32
          %dma_start3A_436 = arith.constant 2 : i32
          %dma_start3A_437 = arith.constant 0 : i32
          %dma_start3A_438 = arith.constant 0 : i32
          %dma_start3A_439 = tpu.memref_slice %arg7[%dma_start3A_435, %dma_start3A_436, %dma_start3A_437, %dma_start3A_438] : memref<2x8x32x128xf32, #tpu.memory_space<vmem>> -> memref<1x2x32x128xf32, #tpu.memory_space<vmem>>
          %dma_start3A_440 = tpu.memref_squeeze %dma_start3A_439 : memref<1x2x32x128xf32, #tpu.memory_space<vmem>> -> memref<2x32x128xf32, #tpu.memory_space<vmem>>
          %dma_start3A_441 = arith.constant 0 : i32
          %dma_start3A_442 = arith.constant 0 : i32
          %dma_start3A_443 = tpu.memref_slice %arg2[%add3A_434, %dma_start3A_441, %dma_start3A_442] : memref<10000x32x128xf32, #tpu.memory_space<hbm>> -> memref<2x32x128xf32, #tpu.memory_space<hbm>>
          %dma_start3A_444 = arith.constant 2 : i32
          %dma_start3A_445 = arith.constant 0 : i32
          %dma_start3A_446 = arith.constant 0 : i32
          %dma_start3A_447 = tpu.memref_slice %arg7[%dma_start3A_435, %dma_start3A_444, %dma_start3A_445, %dma_start3A_446] : memref<2x8x32x128xf32, #tpu.memory_space<vmem>> -> memref<1x2x32x128xf32, #tpu.memory_space<vmem>>
          %dma_start3A_448 = tpu.memref_squeeze %dma_start3A_447 : memref<1x2x32x128xf32, #tpu.memory_space<vmem>> -> memref<2x32x128xf32, #tpu.memory_space<vmem>>
          %dma_start3A_449 = arith.constant 0 : i32
          %dma_start3A_450 = arith.constant 0 : i32
          %dma_start3A_451 = tpu.memref_slice %arg2[%add3A_434, %dma_start3A_449, %dma_start3A_450] : memref<10000x32x128xf32, #tpu.memory_space<hbm>> -> memref<2x32x128xf32, #tpu.memory_space<hbm>>
          tpu.enqueue_dma source(%dma_start3A_451 : memref<2x32x128xf32, #tpu.memory_space<hbm>>) target(%dma_start3A_448 : memref<2x32x128xf32, #tpu.memory_space<vmem>>) target_semaphore(%arg13 : memref<!tpu.dma_semaphore, #tpu.memory_space<semaphore_mem>>)
          %add3A_452 = arith.constant 4 : i32
          %add3A_453 = arith.addi %min3A_413, %add3A_452 : i32
          %dma_start3A_454 = arith.constant 1 : i32
          %dma_start3A_455 = arith.constant 4 : i32
          %dma_start3A_456 = arith.constant 0 : i32
          %dma_start3A_457 = arith.constant 0 : i32
          %dma_start3A_458 = tpu.memref_slice %arg7[%dma_start3A_454, %dma_start3A_455, %dma_start3A_456, %dma_start3A_457] : memref<2x8x32x128xf32, #tpu.memory_space<vmem>> -> memref<1x2x32x128xf32, #tpu.memory_space<vmem>>
          %dma_start3A_459 = tpu.memref_squeeze %dma_start3A_458 : memref<1x2x32x128xf32, #tpu.memory_space<vmem>> -> memref<2x32x128xf32, #tpu.memory_space<vmem>>
          %dma_start3A_460 = arith.constant 0 : i32
          %dma_start3A_461 = arith.constant 0 : i32
          %dma_start3A_462 = tpu.memref_slice %arg2[%add3A_453, %dma_start3A_460, %dma_start3A_461] : memref<10000x32x128xf32, #tpu.memory_space<hbm>> -> memref<2x32x128xf32, #tpu.memory_space<hbm>>
          %dma_start3A_463 = arith.constant 4 : i32
          %dma_start3A_464 = arith.constant 0 : i32
          %dma_start3A_465 = arith.constant 0 : i32
          %dma_start3A_466 = tpu.memref_slice %arg7[%dma_start3A_454, %dma_start3A_463, %dma_start3A_464, %dma_start3A_465] : memref<2x8x32x128xf32, #tpu.memory_space<vmem>> -> memref<1x2x32x128xf32, #tpu.memory_space<vmem>>
          %dma_start3A_467 = tpu.memref_squeeze %dma_start3A_466 : memref<1x2x32x128xf32, #tpu.memory_space<vmem>> -> memref<2x32x128xf32, #tpu.memory_space<vmem>>
          %dma_start3A_468 = arith.constant 0 : i32
          %dma_start3A_469 = arith.constant 0 : i32
          %dma_start3A_470 = tpu.memref_slice %arg2[%add3A_453, %dma_start3A_468, %dma_start3A_469] : memref<10000x32x128xf32, #tpu.memory_space<hbm>> -> memref<2x32x128xf32, #tpu.memory_space<hbm>>
          tpu.enqueue_dma source(%dma_start3A_470 : memref<2x32x128xf32, #tpu.memory_space<hbm>>) target(%dma_start3A_467 : memref<2x32x128xf32, #tpu.memory_space<vmem>>) target_semaphore(%arg13 : memref<!tpu.dma_semaphore, #tpu.memory_space<semaphore_mem>>)
          %add3A_471 = arith.constant 6 : i32
          %add3A_472 = arith.addi %min3A_413, %add3A_471 : i32
          %dma_start3A_473 = arith.constant 1 : i32
          %dma_start3A_474 = arith.constant 6 : i32
          %dma_start3A_475 = arith.constant 0 : i32
          %dma_start3A_476 = arith.constant 0 : i32
          %dma_start3A_477 = tpu.memref_slice %arg7[%dma_start3A_473, %dma_start3A_474, %dma_start3A_475, %dma_start3A_476] : memref<2x8x32x128xf32, #tpu.memory_space<vmem>> -> memref<1x2x32x128xf32, #tpu.memory_space<vmem>>
          %dma_start3A_478 = tpu.memref_squeeze %dma_start3A_477 : memref<1x2x32x128xf32, #tpu.memory_space<vmem>> -> memref<2x32x128xf32, #tpu.memory_space<vmem>>
          %dma_start3A_479 = arith.constant 0 : i32
          %dma_start3A_480 = arith.constant 0 : i32
          %dma_start3A_481 = tpu.memref_slice %arg2[%add3A_472, %dma_start3A_479, %dma_start3A_480] : memref<10000x32x128xf32, #tpu.memory_space<hbm>> -> memref<2x32x128xf32, #tpu.memory_space<hbm>>
          %dma_start3A_482 = arith.constant 6 : i32
          %dma_start3A_483 = arith.constant 0 : i32
          %dma_start3A_484 = arith.constant 0 : i32
          %dma_start3A_485 = tpu.memref_slice %arg7[%dma_start3A_473, %dma_start3A_482, %dma_start3A_483, %dma_start3A_484] : memref<2x8x32x128xf32, #tpu.memory_space<vmem>> -> memref<1x2x32x128xf32, #tpu.memory_space<vmem>>
          %dma_start3A_486 = tpu.memref_squeeze %dma_start3A_485 : memref<1x2x32x128xf32, #tpu.memory_space<vmem>> -> memref<2x32x128xf32, #tpu.memory_space<vmem>>
          %dma_start3A_487 = arith.constant 0 : i32
          %dma_start3A_488 = arith.constant 0 : i32
          %dma_start3A_489 = tpu.memref_slice %arg2[%add3A_472, %dma_start3A_487, %dma_start3A_488] : memref<10000x32x128xf32, #tpu.memory_space<hbm>> -> memref<2x32x128xf32, #tpu.memory_space<hbm>>
          tpu.enqueue_dma source(%dma_start3A_489 : memref<2x32x128xf32, #tpu.memory_space<hbm>>) target(%dma_start3A_486 : memref<2x32x128xf32, #tpu.memory_space<vmem>>) target_semaphore(%arg13 : memref<!tpu.dma_semaphore, #tpu.memory_space<semaphore_mem>>)
          %dma_start3A_490 = arith.constant 1 : i32
          %dma_start3A_491 = arith.constant 0 : i32
          %dma_start3A_492 = arith.constant 0 : i32
          %dma_start3A_493 = arith.constant 0 : i32
          %dma_start3A_494 = tpu.memref_slice %arg8[%dma_start3A_490, %dma_start3A_491, %dma_start3A_492, %dma_start3A_493] : memref<2x8x1x128xf32, #tpu.memory_space<vmem>> -> memref<1x8x1x128xf32, #tpu.memory_space<vmem>>
          %dma_start3A_495 = tpu.memref_squeeze %dma_start3A_494 : memref<1x8x1x128xf32, #tpu.memory_space<vmem>> -> memref<8x1x128xf32, #tpu.memory_space<vmem>>
          %dma_start3A_496 = arith.constant 0 : i32
          %dma_start3A_497 = arith.constant 0 : i32
          %dma_start3A_498 = tpu.memref_slice %arg3[%min3A_413, %dma_start3A_496, %dma_start3A_497] : memref<10000x1x128xf32, #tpu.memory_space<hbm>> -> memref<8x1x128xf32, #tpu.memory_space<hbm>>
          %dma_start3A_499 = arith.constant 0 : i32
          %dma_start3A_500 = arith.constant 0 : i32
          %dma_start3A_501 = arith.constant 0 : i32
          %dma_start3A_502 = tpu.memref_slice %arg8[%dma_start3A_490, %dma_start3A_499, %dma_start3A_500, %dma_start3A_501] : memref<2x8x1x128xf32, #tpu.memory_space<vmem>> -> memref<1x8x1x128xf32, #tpu.memory_space<vmem>>
          %dma_start3A_503 = tpu.memref_squeeze %dma_start3A_502 : memref<1x8x1x128xf32, #tpu.memory_space<vmem>> -> memref<8x1x128xf32, #tpu.memory_space<vmem>>
          %dma_start3A_504 = arith.constant 0 : i32
          %dma_start3A_505 = arith.constant 0 : i32
          %dma_start3A_506 = tpu.memref_slice %arg3[%min3A_413, %dma_start3A_504, %dma_start3A_505] : memref<10000x1x128xf32, #tpu.memory_space<hbm>> -> memref<8x1x128xf32, #tpu.memory_space<hbm>>
          tpu.enqueue_dma source(%dma_start3A_506 : memref<8x1x128xf32, #tpu.memory_space<hbm>>) target(%dma_start3A_503 : memref<8x1x128xf32, #tpu.memory_space<vmem>>) target_semaphore(%arg15 : memref<!tpu.dma_semaphore, #tpu.memory_space<semaphore_mem>>)
        } else {
        }
        %dma_start3A_391 = arith.constant 1 : i32
        %dma_start3A_392 = arith.constant 0 : i32
        %dma_start3A_393 = arith.constant 0 : i32
        %dma_start3A_394 = arith.constant 0 : i32
        %dma_start3A_395 = tpu.memref_slice %arg11[%dma_start3A_391, %dma_start3A_392, %dma_start3A_393, %dma_start3A_394] : memref<2x8x1x128xf32, #tpu.memory_space<vmem>> -> memref<1x8x1x128xf32, #tpu.memory_space<vmem>>
        %dma_start3A_396 = tpu.memref_squeeze %dma_start3A_395 : memref<1x8x1x128xf32, #tpu.memory_space<vmem>> -> memref<8x1x128xf32, #tpu.memory_space<vmem>>
        %dma_start3A_397 = arith.constant 0 : i32
        %dma_start3A_398 = arith.constant 0 : i32
        %dma_start3A_399 = tpu.memref_slice %arg5[%min3A_280, %dma_start3A_397, %dma_start3A_398] : memref<10000x1x128xf32, #tpu.memory_space<hbm>> -> memref<8x1x128xf32, #tpu.memory_space<hbm>>
        %dma_start3A_400 = arith.constant 0 : i32
        %dma_start3A_401 = arith.constant 0 : i32
        %dma_start3A_402 = tpu.memref_slice %arg5[%min3A_280, %dma_start3A_400, %dma_start3A_401] : memref<10000x1x128xf32, #tpu.memory_space<hbm>> -> memref<8x1x128xf32, #tpu.memory_space<hbm>>
        %dma_start3A_403 = arith.constant 0 : i32
        %dma_start3A_404 = arith.constant 0 : i32
        %dma_start3A_405 = arith.constant 0 : i32
        %dma_start3A_406 = tpu.memref_slice %arg11[%dma_start3A_391, %dma_start3A_403, %dma_start3A_404, %dma_start3A_405] : memref<2x8x1x128xf32, #tpu.memory_space<vmem>> -> memref<1x8x1x128xf32, #tpu.memory_space<vmem>>
        %dma_start3A_407 = tpu.memref_squeeze %dma_start3A_406 : memref<1x8x1x128xf32, #tpu.memory_space<vmem>> -> memref<8x1x128xf32, #tpu.memory_space<vmem>>
        tpu.enqueue_dma source(%dma_start3A_407 : memref<8x1x128xf32, #tpu.memory_space<vmem>>) target(%dma_start3A_402 : memref<8x1x128xf32, #tpu.memory_space<hbm>>) target_semaphore(%arg17 : memref<!tpu.dma_semaphore, #tpu.memory_space<semaphore_mem>>)
      } else {
      }
    }
    %while3A_255 = arith.constant 1 : i32
    scf.for %while3A_263 = %while3A_253 to %while3A_249 step %while3A_255  : i32 {
      %mul3A_264 = arith.muli %while3A_263, %while3A : i32
      %add3A_265 = arith.addi %while3A_246, %mul3A_264 : i32
      %add3A_266 = arith.constant 0 : i32
      %add3A_267 = arith.addi %add3A_265, %add3A_266 : i32
      %lt3A = arith.cmpi slt, %add3A_267, %shift_right_arithmetic3A_9 : i32
      %convert_element_type3A_268 = arith.extui %lt3A : i1 to i32
      %cond3A_269 = arith.constant 0 : i32
      %cond3A_270 = arith.cmpi ne, %convert_element_type3A_268, %cond3A_269 : i32
      scf.if %cond3A_270 {
        %mul3A_277 = arith.constant 8 : i32
        %mul3A_278 = arith.muli %add3A_267, %mul3A_277 : i32
        %add3A_279 = arith.addi %mul3A_2, %mul3A_278 : i32
        %min3A_280 = arith.minsi %add3A_279, %sub3A_12 : i32
        %mul3A_281 = arith.constant 8 : i32
        %mul3A_282 = arith.muli %add3A_267, %mul3A_281 : i32
        %add3A_283 = arith.addi %mul3A_2, %mul3A_282 : i32
        %min3A_284 = arith.minsi %add3A_283, %sub3A_12 : i32
        %add3A_285 = arith.constant 0 : i32
        %add3A_286 = arith.addi %min3A_284, %add3A_285 : i32
        %dma_wait3A = arith.constant 0 : i32
        %dma_wait3A_287 = arith.constant 0 : i32
        %dma_wait3A_288 = arith.constant 0 : i32
        %dma_wait3A_289 = arith.constant 0 : i32
        %dma_wait3A_290 = tpu.memref_slice %arg7[%dma_wait3A, %dma_wait3A_287, %dma_wait3A_288, %dma_wait3A_289] : memref<2x8x32x128xf32, #tpu.memory_space<vmem>> -> memref<1x2x32x128xf32, #tpu.memory_space<vmem>>
        %dma_wait3A_291 = tpu.memref_squeeze %dma_wait3A_290 : memref<1x2x32x128xf32, #tpu.memory_space<vmem>> -> memref<2x32x128xf32, #tpu.memory_space<vmem>>
        %dma_wait3A_292 = arith.constant 0 : i32
        %dma_wait3A_293 = arith.constant 0 : i32
        %dma_wait3A_294 = tpu.memref_slice %arg2[%add3A_286, %dma_wait3A_292, %dma_wait3A_293] : memref<10000x32x128xf32, #tpu.memory_space<hbm>> -> memref<2x32x128xf32, #tpu.memory_space<hbm>>
        %dma_wait3A_295 = arith.constant 0 : i32
        %dma_wait3A_296 = arith.constant 0 : i32
        %dma_wait3A_297 = arith.constant 0 : i32
        %dma_wait3A_298 = tpu.memref_slice %arg7[%dma_wait3A, %dma_wait3A_295, %dma_wait3A_296, %dma_wait3A_297] : memref<2x8x32x128xf32, #tpu.memory_space<vmem>> -> memref<1x2x32x128xf32, #tpu.memory_space<vmem>>
        %dma_wait3A_299 = tpu.memref_squeeze %dma_wait3A_298 : memref<1x2x32x128xf32, #tpu.memory_space<vmem>> -> memref<2x32x128xf32, #tpu.memory_space<vmem>>
        %dma_wait3A_300 = arith.constant 0 : i32
        %dma_wait3A_301 = arith.constant 0 : i32
        %dma_wait3A_302 = tpu.memref_slice %arg2[%add3A_286, %dma_wait3A_300, %dma_wait3A_301] : memref<10000x32x128xf32, #tpu.memory_space<hbm>> -> memref<2x32x128xf32, #tpu.memory_space<hbm>>
        tpu.wait_dma2 semaphore(%arg12 : memref<!tpu.dma_semaphore, #tpu.memory_space<semaphore_mem>>) src(%dma_wait3A_302 : memref<2x32x128xf32, #tpu.memory_space<hbm>>) dst(%dma_wait3A_299 : memref<2x32x128xf32, #tpu.memory_space<vmem>>)
        %add3A_303 = arith.constant 2 : i32
        %add3A_304 = arith.addi %min3A_284, %add3A_303 : i32
        %dma_wait3A_305 = arith.constant 0 : i32
        %dma_wait3A_306 = arith.constant 2 : i32
        %dma_wait3A_307 = arith.constant 0 : i32
        %dma_wait3A_308 = arith.constant 0 : i32
        %dma_wait3A_309 = tpu.memref_slice %arg7[%dma_wait3A_305, %dma_wait3A_306, %dma_wait3A_307, %dma_wait3A_308] : memref<2x8x32x128xf32, #tpu.memory_space<vmem>> -> memref<1x2x32x128xf32, #tpu.memory_space<vmem>>
        %dma_wait3A_310 = tpu.memref_squeeze %dma_wait3A_309 : memref<1x2x32x128xf32, #tpu.memory_space<vmem>> -> memref<2x32x128xf32, #tpu.memory_space<vmem>>
        %dma_wait3A_311 = arith.constant 0 : i32
        %dma_wait3A_312 = arith.constant 0 : i32
        %dma_wait3A_313 = tpu.memref_slice %arg2[%add3A_304, %dma_wait3A_311, %dma_wait3A_312] : memref<10000x32x128xf32, #tpu.memory_space<hbm>> -> memref<2x32x128xf32, #tpu.memory_space<hbm>>
        %dma_wait3A_314 = arith.constant 2 : i32
        %dma_wait3A_315 = arith.constant 0 : i32
        %dma_wait3A_316 = arith.constant 0 : i32
        %dma_wait3A_317 = tpu.memref_slice %arg7[%dma_wait3A_305, %dma_wait3A_314, %dma_wait3A_315, %dma_wait3A_316] : memref<2x8x32x128xf32, #tpu.memory_space<vmem>> -> memref<1x2x32x128xf32, #tpu.memory_space<vmem>>
        %dma_wait3A_318 = tpu.memref_squeeze %dma_wait3A_317 : memref<1x2x32x128xf32, #tpu.memory_space<vmem>> -> memref<2x32x128xf32, #tpu.memory_space<vmem>>
        %dma_wait3A_319 = arith.constant 0 : i32
        %dma_wait3A_320 = arith.constant 0 : i32
        %dma_wait3A_321 = tpu.memref_slice %arg2[%add3A_304, %dma_wait3A_319, %dma_wait3A_320] : memref<10000x32x128xf32, #tpu.memory_space<hbm>> -> memref<2x32x128xf32, #tpu.memory_space<hbm>>
        tpu.wait_dma2 semaphore(%arg12 : memref<!tpu.dma_semaphore, #tpu.memory_space<semaphore_mem>>) src(%dma_wait3A_321 : memref<2x32x128xf32, #tpu.memory_space<hbm>>) dst(%dma_wait3A_318 : memref<2x32x128xf32, #tpu.memory_space<vmem>>)
        %add3A_322 = arith.constant 4 : i32
        %add3A_323 = arith.addi %min3A_284, %add3A_322 : i32
        %dma_wait3A_324 = arith.constant 0 : i32
        %dma_wait3A_325 = arith.constant 4 : i32
        %dma_wait3A_326 = arith.constant 0 : i32
        %dma_wait3A_327 = arith.constant 0 : i32
        %dma_wait3A_328 = tpu.memref_slice %arg7[%dma_wait3A_324, %dma_wait3A_325, %dma_wait3A_326, %dma_wait3A_327] : memref<2x8x32x128xf32, #tpu.memory_space<vmem>> -> memref<1x2x32x128xf32, #tpu.memory_space<vmem>>
        %dma_wait3A_329 = tpu.memref_squeeze %dma_wait3A_328 : memref<1x2x32x128xf32, #tpu.memory_space<vmem>> -> memref<2x32x128xf32, #tpu.memory_space<vmem>>
        %dma_wait3A_330 = arith.constant 0 : i32
        %dma_wait3A_331 = arith.constant 0 : i32
        %dma_wait3A_332 = tpu.memref_slice %arg2[%add3A_323, %dma_wait3A_330, %dma_wait3A_331] : memref<10000x32x128xf32, #tpu.memory_space<hbm>> -> memref<2x32x128xf32, #tpu.memory_space<hbm>>
        %dma_wait3A_333 = arith.constant 4 : i32
        %dma_wait3A_334 = arith.constant 0 : i32
        %dma_wait3A_335 = arith.constant 0 : i32
        %dma_wait3A_336 = tpu.memref_slice %arg7[%dma_wait3A_324, %dma_wait3A_333, %dma_wait3A_334, %dma_wait3A_335] : memref<2x8x32x128xf32, #tpu.memory_space<vmem>> -> memref<1x2x32x128xf32, #tpu.memory_space<vmem>>
        %dma_wait3A_337 = tpu.memref_squeeze %dma_wait3A_336 : memref<1x2x32x128xf32, #tpu.memory_space<vmem>> -> memref<2x32x128xf32, #tpu.memory_space<vmem>>
        %dma_wait3A_338 = arith.constant 0 : i32
        %dma_wait3A_339 = arith.constant 0 : i32
        %dma_wait3A_340 = tpu.memref_slice %arg2[%add3A_323, %dma_wait3A_338, %dma_wait3A_339] : memref<10000x32x128xf32, #tpu.memory_space<hbm>> -> memref<2x32x128xf32, #tpu.memory_space<hbm>>
        tpu.wait_dma2 semaphore(%arg12 : memref<!tpu.dma_semaphore, #tpu.memory_space<semaphore_mem>>) src(%dma_wait3A_340 : memref<2x32x128xf32, #tpu.memory_space<hbm>>) dst(%dma_wait3A_337 : memref<2x32x128xf32, #tpu.memory_space<vmem>>)
        %add3A_341 = arith.constant 6 : i32
        %add3A_342 = arith.addi %min3A_284, %add3A_341 : i32
        %dma_wait3A_343 = arith.constant 0 : i32
        %dma_wait3A_344 = arith.constant 6 : i32
        %dma_wait3A_345 = arith.constant 0 : i32
        %dma_wait3A_346 = arith.constant 0 : i32
        %dma_wait3A_347 = tpu.memref_slice %arg7[%dma_wait3A_343, %dma_wait3A_344, %dma_wait3A_345, %dma_wait3A_346] : memref<2x8x32x128xf32, #tpu.memory_space<vmem>> -> memref<1x2x32x128xf32, #tpu.memory_space<vmem>>
        %dma_wait3A_348 = tpu.memref_squeeze %dma_wait3A_347 : memref<1x2x32x128xf32, #tpu.memory_space<vmem>> -> memref<2x32x128xf32, #tpu.memory_space<vmem>>
        %dma_wait3A_349 = arith.constant 0 : i32
        %dma_wait3A_350 = arith.constant 0 : i32
        %dma_wait3A_351 = tpu.memref_slice %arg2[%add3A_342, %dma_wait3A_349, %dma_wait3A_350] : memref<10000x32x128xf32, #tpu.memory_space<hbm>> -> memref<2x32x128xf32, #tpu.memory_space<hbm>>
        %dma_wait3A_352 = arith.constant 6 : i32
        %dma_wait3A_353 = arith.constant 0 : i32
        %dma_wait3A_354 = arith.constant 0 : i32
        %dma_wait3A_355 = tpu.memref_slice %arg7[%dma_wait3A_343, %dma_wait3A_352, %dma_wait3A_353, %dma_wait3A_354] : memref<2x8x32x128xf32, #tpu.memory_space<vmem>> -> memref<1x2x32x128xf32, #tpu.memory_space<vmem>>
        %dma_wait3A_356 = tpu.memref_squeeze %dma_wait3A_355 : memref<1x2x32x128xf32, #tpu.memory_space<vmem>> -> memref<2x32x128xf32, #tpu.memory_space<vmem>>
        %dma_wait3A_357 = arith.constant 0 : i32
        %dma_wait3A_358 = arith.constant 0 : i32
        %dma_wait3A_359 = tpu.memref_slice %arg2[%add3A_342, %dma_wait3A_357, %dma_wait3A_358] : memref<10000x32x128xf32, #tpu.memory_space<hbm>> -> memref<2x32x128xf32, #tpu.memory_space<hbm>>
        tpu.wait_dma2 semaphore(%arg12 : memref<!tpu.dma_semaphore, #tpu.memory_space<semaphore_mem>>) src(%dma_wait3A_359 : memref<2x32x128xf32, #tpu.memory_space<hbm>>) dst(%dma_wait3A_356 : memref<2x32x128xf32, #tpu.memory_space<vmem>>)
        %dma_wait3A_360 = arith.constant 0 : i32
        %dma_wait3A_361 = arith.constant 0 : i32
        %dma_wait3A_362 = arith.constant 0 : i32
        %dma_wait3A_363 = arith.constant 0 : i32
        %dma_wait3A_364 = tpu.memref_slice %arg8[%dma_wait3A_360, %dma_wait3A_361, %dma_wait3A_362, %dma_wait3A_363] : memref<2x8x1x128xf32, #tpu.memory_space<vmem>> -> memref<1x8x1x128xf32, #tpu.memory_space<vmem>>
        %dma_wait3A_365 = tpu.memref_squeeze %dma_wait3A_364 : memref<1x8x1x128xf32, #tpu.memory_space<vmem>> -> memref<8x1x128xf32, #tpu.memory_space<vmem>>
        %dma_wait3A_366 = arith.constant 0 : i32
        %dma_wait3A_367 = arith.constant 0 : i32
        %dma_wait3A_368 = tpu.memref_slice %arg3[%min3A_284, %dma_wait3A_366, %dma_wait3A_367] : memref<10000x1x128xf32, #tpu.memory_space<hbm>> -> memref<8x1x128xf32, #tpu.memory_space<hbm>>
        %dma_wait3A_369 = arith.constant 0 : i32
        %dma_wait3A_370 = arith.constant 0 : i32
        %dma_wait3A_371 = arith.constant 0 : i32
        %dma_wait3A_372 = tpu.memref_slice %arg8[%dma_wait3A_360, %dma_wait3A_369, %dma_wait3A_370, %dma_wait3A_371] : memref<2x8x1x128xf32, #tpu.memory_space<vmem>> -> memref<1x8x1x128xf32, #tpu.memory_space<vmem>>
        %dma_wait3A_373 = tpu.memref_squeeze %dma_wait3A_372 : memref<1x8x1x128xf32, #tpu.memory_space<vmem>> -> memref<8x1x128xf32, #tpu.memory_space<vmem>>
        %dma_wait3A_374 = arith.constant 0 : i32
        %dma_wait3A_375 = arith.constant 0 : i32
        %dma_wait3A_376 = tpu.memref_slice %arg3[%min3A_284, %dma_wait3A_374, %dma_wait3A_375] : memref<10000x1x128xf32, #tpu.memory_space<hbm>> -> memref<8x1x128xf32, #tpu.memory_space<hbm>>
        tpu.wait_dma2 semaphore(%arg14 : memref<!tpu.dma_semaphore, #tpu.memory_space<semaphore_mem>>) src(%dma_wait3A_376 : memref<8x1x128xf32, #tpu.memory_space<hbm>>) dst(%dma_wait3A_373 : memref<8x1x128xf32, #tpu.memory_space<vmem>>)
        %ge3A = arith.constant 2 : i32
        %ge3A_377 = arith.cmpi sge, %add3A_267, %ge3A : i32
        %convert_element_type3A_378 = arith.extui %ge3A_377 : i1 to i32
        %cond3A_379 = arith.constant 0 : i32
        %cond3A_380 = arith.cmpi ne, %convert_element_type3A_378, %cond3A_379 : i32
        scf.if %cond3A_380 {
          %dma_wait3A_408 = arith.constant 0 : i32
          %dma_wait3A_409 = arith.constant 0 : i32
          %dma_wait3A_410 = arith.constant 0 : i32
          %dma_wait3A_411 = arith.constant 0 : i32
          %dma_wait3A_412 = tpu.memref_slice %arg11[%dma_wait3A_408, %dma_wait3A_409, %dma_wait3A_410, %dma_wait3A_411] : memref<2x8x1x128xf32, #tpu.memory_space<vmem>> -> memref<1x8x1x128xf32, #tpu.memory_space<vmem>>
          %dma_wait3A_413 = tpu.memref_squeeze %dma_wait3A_412 : memref<1x8x1x128xf32, #tpu.memory_space<vmem>> -> memref<8x1x128xf32, #tpu.memory_space<vmem>>
          %dma_wait3A_414 = arith.constant 0 : i32
          %dma_wait3A_415 = arith.constant 0 : i32
          %dma_wait3A_416 = tpu.memref_slice %arg5[%mul3A_2, %dma_wait3A_414, %dma_wait3A_415] : memref<10000x1x128xf32, #tpu.memory_space<hbm>> -> memref<8x1x128xf32, #tpu.memory_space<hbm>>
          %dma_wait3A_417 = arith.constant 0 : i32
          %dma_wait3A_418 = arith.constant 0 : i32
          %dma_wait3A_419 = tpu.memref_slice %arg5[%mul3A_2, %dma_wait3A_417, %dma_wait3A_418] : memref<10000x1x128xf32, #tpu.memory_space<hbm>> -> memref<8x1x128xf32, #tpu.memory_space<hbm>>
          %dma_wait3A_420 = arith.constant 0 : i32
          %dma_wait3A_421 = arith.constant 0 : i32
          %dma_wait3A_422 = arith.constant 0 : i32
          %dma_wait3A_423 = tpu.memref_slice %arg11[%dma_wait3A_408, %dma_wait3A_420, %dma_wait3A_421, %dma_wait3A_422] : memref<2x8x1x128xf32, #tpu.memory_space<vmem>> -> memref<1x8x1x128xf32, #tpu.memory_space<vmem>>
          %dma_wait3A_424 = tpu.memref_squeeze %dma_wait3A_423 : memref<1x8x1x128xf32, #tpu.memory_space<vmem>> -> memref<8x1x128xf32, #tpu.memory_space<vmem>>
          tpu.wait_dma2 semaphore(%arg16 : memref<!tpu.dma_semaphore, #tpu.memory_space<semaphore_mem>>) src(%dma_wait3A_424 : memref<8x1x128xf32, #tpu.memory_space<vmem>>) dst(%dma_wait3A_419 : memref<8x1x128xf32, #tpu.memory_space<hbm>>)
        } else {
        }
        %scan3A = arith.constant 0 : i32
        %scan3A_381 = arith.constant 8 : i32
        %scan3A_382 = arith.addi %scan3A, %scan3A_381 : i32
        %scan3A_383 = arith.constant 1 : i32
        scf.for %scan3A_408 = %scan3A to %scan3A_382 step %scan3A_383  : i32 {
          %mul3A_409 = arith.constant 1 : i32
          %mul3A_410 = arith.muli %scan3A_408, %mul3A_409 : i32
          %add3A_411 = arith.constant 0 : i32
          %add3A_412 = arith.addi %add3A_411, %mul3A_410 : i32
          %scan3A_413 = arith.constant 0 : i32
          %scan3A_414 = arith.constant 32 : i32
          %scan3A_415 = arith.addi %scan3A_413, %scan3A_414 : i32
          %scan3A_416 = arith.constant 4 : i32
          scf.for %scan3A_737 = %scan3A_413 to %scan3A_415 step %scan3A_416  : i32 {
            %mul3A_738 = arith.constant 1 : i32
            %mul3A_739 = arith.muli %scan3A_737, %mul3A_738 : i32
            %add3A_740 = arith.constant 0 : i32
            %add3A_741 = arith.addi %add3A_740, %mul3A_739 : i32
            %get3A_742 = arith.constant 0 : i32
            %get3A_743 = arith.index_cast %get3A_742 : i32 to index
            %get3A_744 = arith.index_cast %add3A_412 : i32 to index
            %get3A_745 = arith.index_cast %add3A_741 : i32 to index
            %get3A_746 = arith.constant 0 : index
            %get3A_747 = tpu.vector_load %arg7[%get3A_743, %get3A_744, %get3A_745, %get3A_746] {strides = array<i32>} : memref<2x8x32x128xf32, #tpu.memory_space<vmem>>, vector<16xf32>,
            %mul3A_748 = arith.mulf %get3A_747, %get3A_13 : vector<16xf32>
            %get3A_749 = arith.constant 0 : i32
            %get3A_750 = arith.index_cast %get3A_749 : i32 to index
            %get3A_751 = arith.index_cast %add3A_412 : i32 to index
            %get3A_752 = arith.index_cast %add3A_741 : i32 to index
            %get3A_753 = arith.constant 16 : index
            %get3A_754 = tpu.vector_load %arg7[%get3A_750, %get3A_751, %get3A_752, %get3A_753] {strides = array<i32>} : memref<2x8x32x128xf32, #tpu.memory_space<vmem>>, vector<16xf32>,
            %mul3A_755 = arith.mulf %get3A_754, %get3A_15 : vector<16xf32>
            %get3A_756 = arith.constant 0 : i32
            %get3A_757 = arith.index_cast %get3A_756 : i32 to index
            %get3A_758 = arith.index_cast %add3A_412 : i32 to index
            %get3A_759 = arith.index_cast %add3A_741 : i32 to index
            %get3A_760 = arith.constant 32 : index
            %get3A_761 = tpu.vector_load %arg7[%get3A_757, %get3A_758, %get3A_759, %get3A_760] {strides = array<i32>} : memref<2x8x32x128xf32, #tpu.memory_space<vmem>>, vector<16xf32>,
            %mul3A_762 = arith.mulf %get3A_761, %get3A_17 : vector<16xf32>
            %add3A_763 = arith.addf %mul3A_748, %mul3A_762 : vector<16xf32>
            %get3A_764 = arith.constant 0 : i32
            %get3A_765 = arith.index_cast %get3A_764 : i32 to index
            %get3A_766 = arith.index_cast %add3A_412 : i32 to index
            %get3A_767 = arith.index_cast %add3A_741 : i32 to index
            %get3A_768 = arith.constant 48 : index
            %get3A_769 = tpu.vector_load %arg7[%get3A_765, %get3A_766, %get3A_767, %get3A_768] {strides = array<i32>} : memref<2x8x32x128xf32, #tpu.memory_space<vmem>>, vector<16xf32>,
            %mul3A_770 = arith.mulf %get3A_769, %get3A_19 : vector<16xf32>
            %add3A_771 = arith.addf %mul3A_755, %mul3A_770 : vector<16xf32>
            %get3A_772 = arith.constant 0 : i32
            %get3A_773 = arith.index_cast %get3A_772 : i32 to index
            %get3A_774 = arith.index_cast %add3A_412 : i32 to index
            %get3A_775 = arith.index_cast %add3A_741 : i32 to index
            %get3A_776 = arith.constant 64 : index
            %get3A_777 = tpu.vector_load %arg7[%get3A_773, %get3A_774, %get3A_775, %get3A_776] {strides = array<i32>} : memref<2x8x32x128xf32, #tpu.memory_space<vmem>>, vector<16xf32>,
            %mul3A_778 = arith.mulf %get3A_777, %get3A_21 : vector<16xf32>
            %add3A_779 = arith.addf %add3A_763, %mul3A_778 : vector<16xf32>
            %get3A_780 = arith.constant 0 : i32
            %get3A_781 = arith.index_cast %get3A_780 : i32 to index
            %get3A_782 = arith.index_cast %add3A_412 : i32 to index
            %get3A_783 = arith.index_cast %add3A_741 : i32 to index
            %get3A_784 = arith.constant 80 : index
            %get3A_785 = tpu.vector_load %arg7[%get3A_781, %get3A_782, %get3A_783, %get3A_784] {strides = array<i32>} : memref<2x8x32x128xf32, #tpu.memory_space<vmem>>, vector<16xf32>,
            %mul3A_786 = arith.mulf %get3A_785, %get3A_23 : vector<16xf32>
            %add3A_787 = arith.addf %add3A_771, %mul3A_786 : vector<16xf32>
            %get3A_788 = arith.constant 0 : i32
            %get3A_789 = arith.index_cast %get3A_788 : i32 to index
            %get3A_790 = arith.index_cast %add3A_412 : i32 to index
            %get3A_791 = arith.index_cast %add3A_741 : i32 to index
            %get3A_792 = arith.constant 96 : index
            %get3A_793 = tpu.vector_load %arg7[%get3A_789, %get3A_790, %get3A_791, %get3A_792] {strides = array<i32>} : memref<2x8x32x128xf32, #tpu.memory_space<vmem>>, vector<16xf32>,
            %mul3A_794 = arith.mulf %get3A_793, %get3A_25 : vector<16xf32>
            %add3A_795 = arith.addf %add3A_779, %mul3A_794 : vector<16xf32>
            %get3A_796 = arith.constant 0 : i32
            %get3A_797 = arith.index_cast %get3A_796 : i32 to index
            %get3A_798 = arith.index_cast %add3A_412 : i32 to index
            %get3A_799 = arith.index_cast %add3A_741 : i32 to index
            %get3A_800 = arith.constant 112 : index
            %get3A_801 = tpu.vector_load %arg7[%get3A_797, %get3A_798, %get3A_799, %get3A_800] {strides = array<i32>} : memref<2x8x32x128xf32, #tpu.memory_space<vmem>>, vector<16xf32>,
            %mul3A_802 = arith.mulf %get3A_801, %get3A_27 : vector<16xf32>
            %add3A_803 = arith.addf %add3A_787, %mul3A_802 : vector<16xf32>
            %add3A_804 = arith.addf %add3A_795, %add3A_803 : vector<16xf32>
            %swap3A_805 = arith.index_cast %add3A_412 : i32 to index
            %swap3A_806 = arith.index_cast %add3A_741 : i32 to index
            %swap3A_807 = arith.constant 0 : index
            %swap3A_808 = tpu.vector_load %arg9[%swap3A_805, %swap3A_806, %swap3A_807] {strides = array<i32>} : memref<8x32x16xf32, #tpu.memory_space<vmem>>, vector<16xf32>,
            tpu.vector_store %arg9[%swap3A_805, %swap3A_806, %swap3A_807], %add3A_804 {strides = array<i32>} : memref<8x32x16xf32, #tpu.memory_space<vmem>>, vector<16xf32>,
            %scan3A_809 = arith.constant 1 : i32
            %scan3A_810 = arith.addi %scan3A_737, %scan3A_809 : i32
            %mul3A_811 = arith.constant 1 : i32
            %mul3A_812 = arith.muli %scan3A_810, %mul3A_811 : i32
            %add3A_813 = arith.constant 0 : i32
            %add3A_814 = arith.addi %add3A_813, %mul3A_812 : i32
            %get3A_815 = arith.constant 0 : i32
            %get3A_816 = arith.index_cast %get3A_815 : i32 to index
            %get3A_817 = arith.index_cast %add3A_412 : i32 to index
            %get3A_818 = arith.index_cast %add3A_814 : i32 to index
            %get3A_819 = arith.constant 0 : index
            %get3A_820 = tpu.vector_load %arg7[%get3A_816, %get3A_817, %get3A_818, %get3A_819] {strides = array<i32>} : memref<2x8x32x128xf32, #tpu.memory_space<vmem>>, vector<16xf32>,
            %mul3A_821 = arith.mulf %get3A_820, %get3A_13 : vector<16xf32>
            %get3A_822 = arith.constant 0 : i32
            %get3A_823 = arith.index_cast %get3A_822 : i32 to index
            %get3A_824 = arith.index_cast %add3A_412 : i32 to index
            %get3A_825 = arith.index_cast %add3A_814 : i32 to index
            %get3A_826 = arith.constant 16 : index
            %get3A_827 = tpu.vector_load %arg7[%get3A_823, %get3A_824, %get3A_825, %get3A_826] {strides = array<i32>} : memref<2x8x32x128xf32, #tpu.memory_space<vmem>>, vector<16xf32>,
            %mul3A_828 = arith.mulf %get3A_827, %get3A_15 : vector<16xf32>
            %get3A_829 = arith.constant 0 : i32
            %get3A_830 = arith.index_cast %get3A_829 : i32 to index
            %get3A_831 = arith.index_cast %add3A_412 : i32 to index
            %get3A_832 = arith.index_cast %add3A_814 : i32 to index
            %get3A_833 = arith.constant 32 : index
            %get3A_834 = tpu.vector_load %arg7[%get3A_830, %get3A_831, %get3A_832, %get3A_833] {strides = array<i32>} : memref<2x8x32x128xf32, #tpu.memory_space<vmem>>, vector<16xf32>,
            %mul3A_835 = arith.mulf %get3A_834, %get3A_17 : vector<16xf32>
            %add3A_836 = arith.addf %mul3A_821, %mul3A_835 : vector<16xf32>
            %get3A_837 = arith.constant 0 : i32
            %get3A_838 = arith.index_cast %get3A_837 : i32 to index
            %get3A_839 = arith.index_cast %add3A_412 : i32 to index
            %get3A_840 = arith.index_cast %add3A_814 : i32 to index
            %get3A_841 = arith.constant 48 : index
            %get3A_842 = tpu.vector_load %arg7[%get3A_838, %get3A_839, %get3A_840, %get3A_841] {strides = array<i32>} : memref<2x8x32x128xf32, #tpu.memory_space<vmem>>, vector<16xf32>,
            %mul3A_843 = arith.mulf %get3A_842, %get3A_19 : vector<16xf32>
            %add3A_844 = arith.addf %mul3A_828, %mul3A_843 : vector<16xf32>
            %get3A_845 = arith.constant 0 : i32
            %get3A_846 = arith.index_cast %get3A_845 : i32 to index
            %get3A_847 = arith.index_cast %add3A_412 : i32 to index
            %get3A_848 = arith.index_cast %add3A_814 : i32 to index
            %get3A_849 = arith.constant 64 : index
            %get3A_850 = tpu.vector_load %arg7[%get3A_846, %get3A_847, %get3A_848, %get3A_849] {strides = array<i32>} : memref<2x8x32x128xf32, #tpu.memory_space<vmem>>, vector<16xf32>,
            %mul3A_851 = arith.mulf %get3A_850, %get3A_21 : vector<16xf32>
            %add3A_852 = arith.addf %add3A_836, %mul3A_851 : vector<16xf32>
            %get3A_853 = arith.constant 0 : i32
            %get3A_854 = arith.index_cast %get3A_853 : i32 to index
            %get3A_855 = arith.index_cast %add3A_412 : i32 to index
            %get3A_856 = arith.index_cast %add3A_814 : i32 to index
            %get3A_857 = arith.constant 80 : index
            %get3A_858 = tpu.vector_load %arg7[%get3A_854, %get3A_855, %get3A_856, %get3A_857] {strides = array<i32>} : memref<2x8x32x128xf32, #tpu.memory_space<vmem>>, vector<16xf32>,
            %mul3A_859 = arith.mulf %get3A_858, %get3A_23 : vector<16xf32>
            %add3A_860 = arith.addf %add3A_844, %mul3A_859 : vector<16xf32>
            %get3A_861 = arith.constant 0 : i32
            %get3A_862 = arith.index_cast %get3A_861 : i32 to index
            %get3A_863 = arith.index_cast %add3A_412 : i32 to index
            %get3A_864 = arith.index_cast %add3A_814 : i32 to index
            %get3A_865 = arith.constant 96 : index
            %get3A_866 = tpu.vector_load %arg7[%get3A_862, %get3A_863, %get3A_864, %get3A_865] {strides = array<i32>} : memref<2x8x32x128xf32, #tpu.memory_space<vmem>>, vector<16xf32>,
            %mul3A_867 = arith.mulf %get3A_866, %get3A_25 : vector<16xf32>
            %add3A_868 = arith.addf %add3A_852, %mul3A_867 : vector<16xf32>
            %get3A_869 = arith.constant 0 : i32
            %get3A_870 = arith.index_cast %get3A_869 : i32 to index
            %get3A_871 = arith.index_cast %add3A_412 : i32 to index
            %get3A_872 = arith.index_cast %add3A_814 : i32 to index
            %get3A_873 = arith.constant 112 : index
            %get3A_874 = tpu.vector_load %arg7[%get3A_870, %get3A_871, %get3A_872, %get3A_873] {strides = array<i32>} : memref<2x8x32x128xf32, #tpu.memory_space<vmem>>, vector<16xf32>,
            %mul3A_875 = arith.mulf %get3A_874, %get3A_27 : vector<16xf32>
            %add3A_876 = arith.addf %add3A_860, %mul3A_875 : vector<16xf32>
            %add3A_877 = arith.addf %add3A_868, %add3A_876 : vector<16xf32>
            %swap3A_878 = arith.index_cast %add3A_412 : i32 to index
            %swap3A_879 = arith.index_cast %add3A_814 : i32 to index
            %swap3A_880 = arith.constant 0 : index
            %swap3A_881 = tpu.vector_load %arg9[%swap3A_878, %swap3A_879, %swap3A_880] {strides = array<i32>} : memref<8x32x16xf32, #tpu.memory_space<vmem>>, vector<16xf32>,
            tpu.vector_store %arg9[%swap3A_878, %swap3A_879, %swap3A_880], %add3A_877 {strides = array<i32>} : memref<8x32x16xf32, #tpu.memory_space<vmem>>, vector<16xf32>,
            %scan3A_882 = arith.constant 2 : i32
            %scan3A_883 = arith.addi %scan3A_737, %scan3A_882 : i32
            %mul3A_884 = arith.constant 1 : i32
            %mul3A_885 = arith.muli %scan3A_883, %mul3A_884 : i32
            %add3A_886 = arith.constant 0 : i32
            %add3A_887 = arith.addi %add3A_886, %mul3A_885 : i32
            %get3A_888 = arith.constant 0 : i32
            %get3A_889 = arith.index_cast %get3A_888 : i32 to index
            %get3A_890 = arith.index_cast %add3A_412 : i32 to index
            %get3A_891 = arith.index_cast %add3A_887 : i32 to index
            %get3A_892 = arith.constant 0 : index
            %get3A_893 = tpu.vector_load %arg7[%get3A_889, %get3A_890, %get3A_891, %get3A_892] {strides = array<i32>} : memref<2x8x32x128xf32, #tpu.memory_space<vmem>>, vector<16xf32>,
            %mul3A_894 = arith.mulf %get3A_893, %get3A_13 : vector<16xf32>
            %get3A_895 = arith.constant 0 : i32
            %get3A_896 = arith.index_cast %get3A_895 : i32 to index
            %get3A_897 = arith.index_cast %add3A_412 : i32 to index
            %get3A_898 = arith.index_cast %add3A_887 : i32 to index
            %get3A_899 = arith.constant 16 : index
            %get3A_900 = tpu.vector_load %arg7[%get3A_896, %get3A_897, %get3A_898, %get3A_899] {strides = array<i32>} : memref<2x8x32x128xf32, #tpu.memory_space<vmem>>, vector<16xf32>,
            %mul3A_901 = arith.mulf %get3A_900, %get3A_15 : vector<16xf32>
            %get3A_902 = arith.constant 0 : i32
            %get3A_903 = arith.index_cast %get3A_902 : i32 to index
            %get3A_904 = arith.index_cast %add3A_412 : i32 to index
            %get3A_905 = arith.index_cast %add3A_887 : i32 to index
            %get3A_906 = arith.constant 32 : index
            %get3A_907 = tpu.vector_load %arg7[%get3A_903, %get3A_904, %get3A_905, %get3A_906] {strides = array<i32>} : memref<2x8x32x128xf32, #tpu.memory_space<vmem>>, vector<16xf32>,
            %mul3A_908 = arith.mulf %get3A_907, %get3A_17 : vector<16xf32>
            %add3A_909 = arith.addf %mul3A_894, %mul3A_908 : vector<16xf32>
            %get3A_910 = arith.constant 0 : i32
            %get3A_911 = arith.index_cast %get3A_910 : i32 to index
            %get3A_912 = arith.index_cast %add3A_412 : i32 to index
            %get3A_913 = arith.index_cast %add3A_887 : i32 to index
            %get3A_914 = arith.constant 48 : index
            %get3A_915 = tpu.vector_load %arg7[%get3A_911, %get3A_912, %get3A_913, %get3A_914] {strides = array<i32>} : memref<2x8x32x128xf32, #tpu.memory_space<vmem>>, vector<16xf32>,
            %mul3A_916 = arith.mulf %get3A_915, %get3A_19 : vector<16xf32>
            %add3A_917 = arith.addf %mul3A_901, %mul3A_916 : vector<16xf32>
            %get3A_918 = arith.constant 0 : i32
            %get3A_919 = arith.index_cast %get3A_918 : i32 to index
            %get3A_920 = arith.index_cast %add3A_412 : i32 to index
            %get3A_921 = arith.index_cast %add3A_887 : i32 to index
            %get3A_922 = arith.constant 64 : index
            %get3A_923 = tpu.vector_load %arg7[%get3A_919, %get3A_920, %get3A_921, %get3A_922] {strides = array<i32>} : memref<2x8x32x128xf32, #tpu.memory_space<vmem>>, vector<16xf32>,
            %mul3A_924 = arith.mulf %get3A_923, %get3A_21 : vector<16xf32>
            %add3A_925 = arith.addf %add3A_909, %mul3A_924 : vector<16xf32>
            %get3A_926 = arith.constant 0 : i32
            %get3A_927 = arith.index_cast %get3A_926 : i32 to index
            %get3A_928 = arith.index_cast %add3A_412 : i32 to index
            %get3A_929 = arith.index_cast %add3A_887 : i32 to index
            %get3A_930 = arith.constant 80 : index
            %get3A_931 = tpu.vector_load %arg7[%get3A_927, %get3A_928, %get3A_929, %get3A_930] {strides = array<i32>} : memref<2x8x32x128xf32, #tpu.memory_space<vmem>>, vector<16xf32>,
            %mul3A_932 = arith.mulf %get3A_931, %get3A_23 : vector<16xf32>
            %add3A_933 = arith.addf %add3A_917, %mul3A_932 : vector<16xf32>
            %get3A_934 = arith.constant 0 : i32
            %get3A_935 = arith.index_cast %get3A_934 : i32 to index
            %get3A_936 = arith.index_cast %add3A_412 : i32 to index
            %get3A_937 = arith.index_cast %add3A_887 : i32 to index
            %get3A_938 = arith.constant 96 : index
            %get3A_939 = tpu.vector_load %arg7[%get3A_935, %get3A_936, %get3A_937, %get3A_938] {strides = array<i32>} : memref<2x8x32x128xf32, #tpu.memory_space<vmem>>, vector<16xf32>,
            %mul3A_940 = arith.mulf %get3A_939, %get3A_25 : vector<16xf32>
            %add3A_941 = arith.addf %add3A_925, %mul3A_940 : vector<16xf32>
            %get3A_942 = arith.constant 0 : i32
            %get3A_943 = arith.index_cast %get3A_942 : i32 to index
            %get3A_944 = arith.index_cast %add3A_412 : i32 to index
            %get3A_945 = arith.index_cast %add3A_887 : i32 to index
            %get3A_946 = arith.constant 112 : index
            %get3A_947 = tpu.vector_load %arg7[%get3A_943, %get3A_944, %get3A_945, %get3A_946] {strides = array<i32>} : memref<2x8x32x128xf32, #tpu.memory_space<vmem>>, vector<16xf32>,
            %mul3A_948 = arith.mulf %get3A_947, %get3A_27 : vector<16xf32>
            %add3A_949 = arith.addf %add3A_933, %mul3A_948 : vector<16xf32>
            %add3A_950 = arith.addf %add3A_941, %add3A_949 : vector<16xf32>
            %swap3A_951 = arith.index_cast %add3A_412 : i32 to index
            %swap3A_952 = arith.index_cast %add3A_887 : i32 to index
            %swap3A_953 = arith.constant 0 : index
            %swap3A_954 = tpu.vector_load %arg9[%swap3A_951, %swap3A_952, %swap3A_953] {strides = array<i32>} : memref<8x32x16xf32, #tpu.memory_space<vmem>>, vector<16xf32>,
            tpu.vector_store %arg9[%swap3A_951, %swap3A_952, %swap3A_953], %add3A_950 {strides = array<i32>} : memref<8x32x16xf32, #tpu.memory_space<vmem>>, vector<16xf32>,
            %scan3A_955 = arith.constant 3 : i32
            %scan3A_956 = arith.addi %scan3A_737, %scan3A_955 : i32
            %mul3A_957 = arith.constant 1 : i32
            %mul3A_958 = arith.muli %scan3A_956, %mul3A_957 : i32
            %add3A_959 = arith.constant 0 : i32
            %add3A_960 = arith.addi %add3A_959, %mul3A_958 : i32
            %get3A_961 = arith.constant 0 : i32
            %get3A_962 = arith.index_cast %get3A_961 : i32 to index
            %get3A_963 = arith.index_cast %add3A_412 : i32 to index
            %get3A_964 = arith.index_cast %add3A_960 : i32 to index
            %get3A_965 = arith.constant 0 : index
            %get3A_966 = tpu.vector_load %arg7[%get3A_962, %get3A_963, %get3A_964, %get3A_965] {strides = array<i32>} : memref<2x8x32x128xf32, #tpu.memory_space<vmem>>, vector<16xf32>,
            %mul3A_967 = arith.mulf %get3A_966, %get3A_13 : vector<16xf32>
            %get3A_968 = arith.constant 0 : i32
            %get3A_969 = arith.index_cast %get3A_968 : i32 to index
            %get3A_970 = arith.index_cast %add3A_412 : i32 to index
            %get3A_971 = arith.index_cast %add3A_960 : i32 to index
            %get3A_972 = arith.constant 16 : index
            %get3A_973 = tpu.vector_load %arg7[%get3A_969, %get3A_970, %get3A_971, %get3A_972] {strides = array<i32>} : memref<2x8x32x128xf32, #tpu.memory_space<vmem>>, vector<16xf32>,
            %mul3A_974 = arith.mulf %get3A_973, %get3A_15 : vector<16xf32>
            %get3A_975 = arith.constant 0 : i32
            %get3A_976 = arith.index_cast %get3A_975 : i32 to index
            %get3A_977 = arith.index_cast %add3A_412 : i32 to index
            %get3A_978 = arith.index_cast %add3A_960 : i32 to index
            %get3A_979 = arith.constant 32 : index
            %get3A_980 = tpu.vector_load %arg7[%get3A_976, %get3A_977, %get3A_978, %get3A_979] {strides = array<i32>} : memref<2x8x32x128xf32, #tpu.memory_space<vmem>>, vector<16xf32>,
            %mul3A_981 = arith.mulf %get3A_980, %get3A_17 : vector<16xf32>
            %add3A_982 = arith.addf %mul3A_967, %mul3A_981 : vector<16xf32>
            %get3A_983 = arith.constant 0 : i32
            %get3A_984 = arith.index_cast %get3A_983 : i32 to index
            %get3A_985 = arith.index_cast %add3A_412 : i32 to index
            %get3A_986 = arith.index_cast %add3A_960 : i32 to index
            %get3A_987 = arith.constant 48 : index
            %get3A_988 = tpu.vector_load %arg7[%get3A_984, %get3A_985, %get3A_986, %get3A_987] {strides = array<i32>} : memref<2x8x32x128xf32, #tpu.memory_space<vmem>>, vector<16xf32>,
            %mul3A_989 = arith.mulf %get3A_988, %get3A_19 : vector<16xf32>
            %add3A_990 = arith.addf %mul3A_974, %mul3A_989 : vector<16xf32>
            %get3A_991 = arith.constant 0 : i32
            %get3A_992 = arith.index_cast %get3A_991 : i32 to index
            %get3A_993 = arith.index_cast %add3A_412 : i32 to index
            %get3A_994 = arith.index_cast %add3A_960 : i32 to index
            %get3A_995 = arith.constant 64 : index
            %get3A_996 = tpu.vector_load %arg7[%get3A_992, %get3A_993, %get3A_994, %get3A_995] {strides = array<i32>} : memref<2x8x32x128xf32, #tpu.memory_space<vmem>>, vector<16xf32>,
            %mul3A_997 = arith.mulf %get3A_996, %get3A_21 : vector<16xf32>
            %add3A_998 = arith.addf %add3A_982, %mul3A_997 : vector<16xf32>
            %get3A_999 = arith.constant 0 : i32
            %get3A_1000 = arith.index_cast %get3A_999 : i32 to index
            %get3A_1001 = arith.index_cast %add3A_412 : i32 to index
            %get3A_1002 = arith.index_cast %add3A_960 : i32 to index
            %get3A_1003 = arith.constant 80 : index
            %get3A_1004 = tpu.vector_load %arg7[%get3A_1000, %get3A_1001, %get3A_1002, %get3A_1003] {strides = array<i32>} : memref<2x8x32x128xf32, #tpu.memory_space<vmem>>, vector<16xf32>,
            %mul3A_1005 = arith.mulf %get3A_1004, %get3A_23 : vector<16xf32>
            %add3A_1006 = arith.addf %add3A_990, %mul3A_1005 : vector<16xf32>
            %get3A_1007 = arith.constant 0 : i32
            %get3A_1008 = arith.index_cast %get3A_1007 : i32 to index
            %get3A_1009 = arith.index_cast %add3A_412 : i32 to index
            %get3A_1010 = arith.index_cast %add3A_960 : i32 to index
            %get3A_1011 = arith.constant 96 : index
            %get3A_1012 = tpu.vector_load %arg7[%get3A_1008, %get3A_1009, %get3A_1010, %get3A_1011] {strides = array<i32>} : memref<2x8x32x128xf32, #tpu.memory_space<vmem>>, vector<16xf32>,
            %mul3A_1013 = arith.mulf %get3A_1012, %get3A_25 : vector<16xf32>
            %add3A_1014 = arith.addf %add3A_998, %mul3A_1013 : vector<16xf32>
            %get3A_1015 = arith.constant 0 : i32
            %get3A_1016 = arith.index_cast %get3A_1015 : i32 to index
            %get3A_1017 = arith.index_cast %add3A_412 : i32 to index
            %get3A_1018 = arith.index_cast %add3A_960 : i32 to index
            %get3A_1019 = arith.constant 112 : index
            %get3A_1020 = tpu.vector_load %arg7[%get3A_1016, %get3A_1017, %get3A_1018, %get3A_1019] {strides = array<i32>} : memref<2x8x32x128xf32, #tpu.memory_space<vmem>>, vector<16xf32>,
            %mul3A_1021 = arith.mulf %get3A_1020, %get3A_27 : vector<16xf32>
            %add3A_1022 = arith.addf %add3A_1006, %mul3A_1021 : vector<16xf32>
            %add3A_1023 = arith.addf %add3A_1014, %add3A_1022 : vector<16xf32>
            %swap3A_1024 = arith.index_cast %add3A_412 : i32 to index
            %swap3A_1025 = arith.index_cast %add3A_960 : i32 to index
            %swap3A_1026 = arith.constant 0 : index
            %swap3A_1027 = tpu.vector_load %arg9[%swap3A_1024, %swap3A_1025, %swap3A_1026] {strides = array<i32>} : memref<8x32x16xf32, #tpu.memory_space<vmem>>, vector<16xf32>,
            tpu.vector_store %arg9[%swap3A_1024, %swap3A_1025, %swap3A_1026], %add3A_1023 {strides = array<i32>} : memref<8x32x16xf32, #tpu.memory_space<vmem>>, vector<16xf32>,
          }
          %scan3A_417 = arith.constant 32 : i32
          %get3A_418 = arith.constant 0 : i32
          %get3A_419 = arith.constant 0 : i32
          %get3A_420 = arith.index_cast %get3A_418 : i32 to index
          %get3A_421 = arith.index_cast %add3A_412 : i32 to index
          %get3A_422 = arith.index_cast %get3A_419 : i32 to index
          %get3A_423 = arith.constant 0 : index
          %get3A_424 = tpu.vector_load %arg8[%get3A_420, %get3A_421, %get3A_422, %get3A_423] {strides = array<i32>} : memref<2x8x1x128xf32, #tpu.memory_space<vmem>>, vector<16xf32>,
          %mul3A_425 = arith.mulf %get3A_424, %get3A_29 : vector<16xf32>
          %get3A_426 = arith.constant 0 : i32
          %get3A_427 = arith.constant 0 : i32
          %get3A_428 = arith.index_cast %get3A_426 : i32 to index
          %get3A_429 = arith.index_cast %add3A_412 : i32 to index
          %get3A_430 = arith.index_cast %get3A_427 : i32 to index
          %get3A_431 = arith.constant 16 : index
          %get3A_432 = tpu.vector_load %arg8[%get3A_428, %get3A_429, %get3A_430, %get3A_431] {strides = array<i32>} : memref<2x8x1x128xf32, #tpu.memory_space<vmem>>, vector<16xf32>,
          %mul3A_433 = arith.mulf %get3A_432, %get3A_31 : vector<16xf32>
          %get3A_434 = arith.constant 0 : i32
          %get3A_435 = arith.constant 0 : i32
          %get3A_436 = arith.index_cast %get3A_434 : i32 to index
          %get3A_437 = arith.index_cast %add3A_412 : i32 to index
          %get3A_438 = arith.index_cast %get3A_435 : i32 to index
          %get3A_439 = arith.constant 32 : index
          %get3A_440 = tpu.vector_load %arg8[%get3A_436, %get3A_437, %get3A_438, %get3A_439] {strides = array<i32>} : memref<2x8x1x128xf32, #tpu.memory_space<vmem>>, vector<16xf32>,
          %mul3A_441 = arith.mulf %get3A_440, %get3A_33 : vector<16xf32>
          %add3A_442 = arith.addf %mul3A_425, %mul3A_441 : vector<16xf32>
          %get3A_443 = arith.constant 0 : i32
          %get3A_444 = arith.constant 0 : i32
          %get3A_445 = arith.index_cast %get3A_443 : i32 to index
          %get3A_446 = arith.index_cast %add3A_412 : i32 to index
          %get3A_447 = arith.index_cast %get3A_444 : i32 to index
          %get3A_448 = arith.constant 48 : index
          %get3A_449 = tpu.vector_load %arg8[%get3A_445, %get3A_446, %get3A_447, %get3A_448] {strides = array<i32>} : memref<2x8x1x128xf32, #tpu.memory_space<vmem>>, vector<16xf32>,
          %mul3A_450 = arith.mulf %get3A_449, %get3A_35 : vector<16xf32>
          %add3A_451 = arith.addf %mul3A_433, %mul3A_450 : vector<16xf32>
          %get3A_452 = arith.constant 0 : i32
          %get3A_453 = arith.constant 0 : i32
          %get3A_454 = arith.index_cast %get3A_452 : i32 to index
          %get3A_455 = arith.index_cast %add3A_412 : i32 to index
          %get3A_456 = arith.index_cast %get3A_453 : i32 to index
          %get3A_457 = arith.constant 64 : index
          %get3A_458 = tpu.vector_load %arg8[%get3A_454, %get3A_455, %get3A_456, %get3A_457] {strides = array<i32>} : memref<2x8x1x128xf32, #tpu.memory_space<vmem>>, vector<16xf32>,
          %mul3A_459 = arith.mulf %get3A_458, %get3A_37 : vector<16xf32>
          %add3A_460 = arith.addf %add3A_442, %mul3A_459 : vector<16xf32>
          %get3A_461 = arith.constant 0 : i32
          %get3A_462 = arith.constant 0 : i32
          %get3A_463 = arith.index_cast %get3A_461 : i32 to index
          %get3A_464 = arith.index_cast %add3A_412 : i32 to index
          %get3A_465 = arith.index_cast %get3A_462 : i32 to index
          %get3A_466 = arith.constant 80 : index
          %get3A_467 = tpu.vector_load %arg8[%get3A_463, %get3A_464, %get3A_465, %get3A_466] {strides = array<i32>} : memref<2x8x1x128xf32, #tpu.memory_space<vmem>>, vector<16xf32>,
          %mul3A_468 = arith.mulf %get3A_467, %get3A_39 : vector<16xf32>
          %add3A_469 = arith.addf %add3A_451, %mul3A_468 : vector<16xf32>
          %get3A_470 = arith.constant 0 : i32
          %get3A_471 = arith.constant 0 : i32
          %get3A_472 = arith.index_cast %get3A_470 : i32 to index
          %get3A_473 = arith.index_cast %add3A_412 : i32 to index
          %get3A_474 = arith.index_cast %get3A_471 : i32 to index
          %get3A_475 = arith.constant 96 : index
          %get3A_476 = tpu.vector_load %arg8[%get3A_472, %get3A_473, %get3A_474, %get3A_475] {strides = array<i32>} : memref<2x8x1x128xf32, #tpu.memory_space<vmem>>, vector<16xf32>,
          %mul3A_477 = arith.mulf %get3A_476, %get3A_41 : vector<16xf32>
          %add3A_478 = arith.addf %add3A_460, %mul3A_477 : vector<16xf32>
          %get3A_479 = arith.constant 0 : i32
          %get3A_480 = arith.constant 0 : i32
          %get3A_481 = arith.index_cast %get3A_479 : i32 to index
          %get3A_482 = arith.index_cast %add3A_412 : i32 to index
          %get3A_483 = arith.index_cast %get3A_480 : i32 to index
          %get3A_484 = arith.constant 112 : index
          %get3A_485 = tpu.vector_load %arg8[%get3A_481, %get3A_482, %get3A_483, %get3A_484] {strides = array<i32>} : memref<2x8x1x128xf32, #tpu.memory_space<vmem>>, vector<16xf32>,
          %mul3A_486 = arith.mulf %get3A_485, %get3A_43 : vector<16xf32>
          %add3A_487 = arith.addf %add3A_469, %mul3A_486 : vector<16xf32>
          %add3A_488 = arith.addf %add3A_478, %add3A_487 : vector<16xf32>
          %reduce_sum3A = arith.constant true
          %reduce_sum3A_489 = vector.broadcast %reduce_sum3A : i1 to vector<16xi1>
          %reduce_sum3A_490 = tpu.scan <sum>, %add3A_488 masked %reduce_sum3A_489 : vector<16xf32>, vector<16xi1> -> vector<16xf32>
          %reduce_sum3A_491 = vector.extract %reduce_sum3A_490[15] : f32 from vector<16xf32>
          %add3A_492 = arith.addf %reduce_sum3A_491, %squeeze3A_47 : f32
          %add3A_493 = arith.addf %add3A_492, %squeeze3A : f32
          %broadcast_in_dim3A = vector.broadcast %add3A_412 : i32 to vector<16xi32>
          %broadcast_in_dim3A_494 = arith.constant 0 : i32
          %broadcast_in_dim3A_495 = vector.broadcast %broadcast_in_dim3A_494 : i32 to vector<16xi32>
          %gather3A = tpu.vector_load_idx %arg9[%broadcast_in_dim3A, %iota3A, %broadcast_in_dim3A_495] : memref<8x32x16xf32, #tpu.memory_space<vmem>>[vector<16xi32>, vector<16xi32>, vector<16xi32>], vector<16xf32>,
          %add3A_496 = arith.constant 16 : i32
          %add3A_497 = vector.broadcast %add3A_496 : i32 to vector<16xi32>
          %add3A_498 = arith.addi %iota3A, %add3A_497 : vector<16xi32>
          %gather3A_499 = tpu.vector_load_idx %arg9[%broadcast_in_dim3A, %add3A_498, %broadcast_in_dim3A_495] : memref<8x32x16xf32, #tpu.memory_space<vmem>>[vector<16xi32>, vector<16xi32>, vector<16xi32>], vector<16xf32>,
          %broadcast_in_dim3A_500 = arith.constant 1 : i32
          %broadcast_in_dim3A_501 = vector.broadcast %broadcast_in_dim3A_500 : i32 to vector<16xi32>
          %gather3A_502 = tpu.vector_load_idx %arg9[%broadcast_in_dim3A, %iota3A, %broadcast_in_dim3A_501] : memref<8x32x16xf32, #tpu.memory_space<vmem>>[vector<16xi32>, vector<16xi32>, vector<16xi32>], vector<16xf32>,
          %add3A_503 = arith.constant 16 : i32
          %add3A_504 = vector.broadcast %add3A_503 : i32 to vector<16xi32>
          %add3A_505 = arith.addi %iota3A, %add3A_504 : vector<16xi32>
          %gather3A_506 = tpu.vector_load_idx %arg9[%broadcast_in_dim3A, %add3A_505, %broadcast_in_dim3A_501] : memref<8x32x16xf32, #tpu.memory_space<vmem>>[vector<16xi32>, vector<16xi32>, vector<16xi32>], vector<16xf32>,
          %broadcast_in_dim3A_507 = arith.constant 2 : i32
          %broadcast_in_dim3A_508 = vector.broadcast %broadcast_in_dim3A_507 : i32 to vector<16xi32>
          %gather3A_509 = tpu.vector_load_idx %arg9[%broadcast_in_dim3A, %iota3A, %broadcast_in_dim3A_508] : memref<8x32x16xf32, #tpu.memory_space<vmem>>[vector<16xi32>, vector<16xi32>, vector<16xi32>], vector<16xf32>,
          %add3A_510 = arith.constant 16 : i32
          %add3A_511 = vector.broadcast %add3A_510 : i32 to vector<16xi32>
          %add3A_512 = arith.addi %iota3A, %add3A_511 : vector<16xi32>
          %gather3A_513 = tpu.vector_load_idx %arg9[%broadcast_in_dim3A, %add3A_512, %broadcast_in_dim3A_508] : memref<8x32x16xf32, #tpu.memory_space<vmem>>[vector<16xi32>, vector<16xi32>, vector<16xi32>], vector<16xf32>,
          %broadcast_in_dim3A_514 = arith.constant 3 : i32
          %broadcast_in_dim3A_515 = vector.broadcast %broadcast_in_dim3A_514 : i32 to vector<16xi32>
          %gather3A_516 = tpu.vector_load_idx %arg9[%broadcast_in_dim3A, %iota3A, %broadcast_in_dim3A_515] : memref<8x32x16xf32, #tpu.memory_space<vmem>>[vector<16xi32>, vector<16xi32>, vector<16xi32>], vector<16xf32>,
          %add3A_517 = arith.constant 16 : i32
          %add3A_518 = vector.broadcast %add3A_517 : i32 to vector<16xi32>
          %add3A_519 = arith.addi %iota3A, %add3A_518 : vector<16xi32>
          %gather3A_520 = tpu.vector_load_idx %arg9[%broadcast_in_dim3A, %add3A_519, %broadcast_in_dim3A_515] : memref<8x32x16xf32, #tpu.memory_space<vmem>>[vector<16xi32>, vector<16xi32>, vector<16xi32>], vector<16xf32>,
          %broadcast_in_dim3A_521 = arith.constant 4 : i32
          %broadcast_in_dim3A_522 = vector.broadcast %broadcast_in_dim3A_521 : i32 to vector<16xi32>
          %gather3A_523 = tpu.vector_load_idx %arg9[%broadcast_in_dim3A, %iota3A, %broadcast_in_dim3A_522] : memref<8x32x16xf32, #tpu.memory_space<vmem>>[vector<16xi32>, vector<16xi32>, vector<16xi32>], vector<16xf32>,
          %add3A_524 = arith.constant 16 : i32
          %add3A_525 = vector.broadcast %add3A_524 : i32 to vector<16xi32>
          %add3A_526 = arith.addi %iota3A, %add3A_525 : vector<16xi32>
          %gather3A_527 = tpu.vector_load_idx %arg9[%broadcast_in_dim3A, %add3A_526, %broadcast_in_dim3A_522] : memref<8x32x16xf32, #tpu.memory_space<vmem>>[vector<16xi32>, vector<16xi32>, vector<16xi32>], vector<16xf32>,
          %add3A_528 = arith.addf %gather3A, %gather3A_523 : vector<16xf32>
          %add3A_529 = arith.addf %gather3A_499, %gather3A_527 : vector<16xf32>
          %broadcast_in_dim3A_530 = arith.constant 5 : i32
          %broadcast_in_dim3A_531 = vector.broadcast %broadcast_in_dim3A_530 : i32 to vector<16xi32>
          %gather3A_532 = tpu.vector_load_idx %arg9[%broadcast_in_dim3A, %iota3A, %broadcast_in_dim3A_531] : memref<8x32x16xf32, #tpu.memory_space<vmem>>[vector<16xi32>, vector<16xi32>, vector<16xi32>], vector<16xf32>,
          %add3A_533 = arith.constant 16 : i32
          %add3A_534 = vector.broadcast %add3A_533 : i32 to vector<16xi32>
          %add3A_535 = arith.addi %iota3A, %add3A_534 : vector<16xi32>
          %gather3A_536 = tpu.vector_load_idx %arg9[%broadcast_in_dim3A, %add3A_535, %broadcast_in_dim3A_531] : memref<8x32x16xf32, #tpu.memory_space<vmem>>[vector<16xi32>, vector<16xi32>, vector<16xi32>], vector<16xf32>,
          %add3A_537 = arith.addf %gather3A_502, %gather3A_532 : vector<16xf32>
          %add3A_538 = arith.addf %gather3A_506, %gather3A_536 : vector<16xf32>
          %broadcast_in_dim3A_539 = arith.constant 6 : i32
          %broadcast_in_dim3A_540 = vector.broadcast %broadcast_in_dim3A_539 : i32 to vector<16xi32>
          %gather3A_541 = tpu.vector_load_idx %arg9[%broadcast_in_dim3A, %iota3A, %broadcast_in_dim3A_540] : memref<8x32x16xf32, #tpu.memory_space<vmem>>[vector<16xi32>, vector<16xi32>, vector<16xi32>], vector<16xf32>,
          %add3A_542 = arith.constant 16 : i32
          %add3A_543 = vector.broadcast %add3A_542 : i32 to vector<16xi32>
          %add3A_544 = arith.addi %iota3A, %add3A_543 : vector<16xi32>
          %gather3A_545 = tpu.vector_load_idx %arg9[%broadcast_in_dim3A, %add3A_544, %broadcast_in_dim3A_540] : memref<8x32x16xf32, #tpu.memory_space<vmem>>[vector<16xi32>, vector<16xi32>, vector<16xi32>], vector<16xf32>,
          %add3A_546 = arith.addf %gather3A_509, %gather3A_541 : vector<16xf32>
          %add3A_547 = arith.addf %gather3A_513, %gather3A_545 : vector<16xf32>
          %broadcast_in_dim3A_548 = arith.constant 7 : i32
          %broadcast_in_dim3A_549 = vector.broadcast %broadcast_in_dim3A_548 : i32 to vector<16xi32>
          %gather3A_550 = tpu.vector_load_idx %arg9[%broadcast_in_dim3A, %iota3A, %broadcast_in_dim3A_549] : memref<8x32x16xf32, #tpu.memory_space<vmem>>[vector<16xi32>, vector<16xi32>, vector<16xi32>], vector<16xf32>,
          %add3A_551 = arith.constant 16 : i32
          %add3A_552 = vector.broadcast %add3A_551 : i32 to vector<16xi32>
          %add3A_553 = arith.addi %iota3A, %add3A_552 : vector<16xi32>
          %gather3A_554 = tpu.vector_load_idx %arg9[%broadcast_in_dim3A, %add3A_553, %broadcast_in_dim3A_549] : memref<8x32x16xf32, #tpu.memory_space<vmem>>[vector<16xi32>, vector<16xi32>, vector<16xi32>], vector<16xf32>,
          %add3A_555 = arith.addf %gather3A_516, %gather3A_550 : vector<16xf32>
          %add3A_556 = arith.addf %gather3A_520, %gather3A_554 : vector<16xf32>
          %broadcast_in_dim3A_557 = arith.constant 8 : i32
          %broadcast_in_dim3A_558 = vector.broadcast %broadcast_in_dim3A_557 : i32 to vector<16xi32>
          %gather3A_559 = tpu.vector_load_idx %arg9[%broadcast_in_dim3A, %iota3A, %broadcast_in_dim3A_558] : memref<8x32x16xf32, #tpu.memory_space<vmem>>[vector<16xi32>, vector<16xi32>, vector<16xi32>], vector<16xf32>,
          %add3A_560 = arith.constant 16 : i32
          %add3A_561 = vector.broadcast %add3A_560 : i32 to vector<16xi32>
          %add3A_562 = arith.addi %iota3A, %add3A_561 : vector<16xi32>
          %gather3A_563 = tpu.vector_load_idx %arg9[%broadcast_in_dim3A, %add3A_562, %broadcast_in_dim3A_558] : memref<8x32x16xf32, #tpu.memory_space<vmem>>[vector<16xi32>, vector<16xi32>, vector<16xi32>], vector<16xf32>,
          %add3A_564 = arith.addf %add3A_528, %gather3A_559 : vector<16xf32>
          %add3A_565 = arith.addf %add3A_529, %gather3A_563 : vector<16xf32>
          %broadcast_in_dim3A_566 = arith.constant 9 : i32
          %broadcast_in_dim3A_567 = vector.broadcast %broadcast_in_dim3A_566 : i32 to vector<16xi32>
          %gather3A_568 = tpu.vector_load_idx %arg9[%broadcast_in_dim3A, %iota3A, %broadcast_in_dim3A_567] : memref<8x32x16xf32, #tpu.memory_space<vmem>>[vector<16xi32>, vector<16xi32>, vector<16xi32>], vector<16xf32>,
          %add3A_569 = arith.constant 16 : i32
          %add3A_570 = vector.broadcast %add3A_569 : i32 to vector<16xi32>
          %add3A_571 = arith.addi %iota3A, %add3A_570 : vector<16xi32>
          %gather3A_572 = tpu.vector_load_idx %arg9[%broadcast_in_dim3A, %add3A_571, %broadcast_in_dim3A_567] : memref<8x32x16xf32, #tpu.memory_space<vmem>>[vector<16xi32>, vector<16xi32>, vector<16xi32>], vector<16xf32>,
          %add3A_573 = arith.addf %add3A_537, %gather3A_568 : vector<16xf32>
          %add3A_574 = arith.addf %add3A_538, %gather3A_572 : vector<16xf32>
          %broadcast_in_dim3A_575 = arith.constant 10 : i32
          %broadcast_in_dim3A_576 = vector.broadcast %broadcast_in_dim3A_575 : i32 to vector<16xi32>
          %gather3A_577 = tpu.vector_load_idx %arg9[%broadcast_in_dim3A, %iota3A, %broadcast_in_dim3A_576] : memref<8x32x16xf32, #tpu.memory_space<vmem>>[vector<16xi32>, vector<16xi32>, vector<16xi32>], vector<16xf32>,
          %add3A_578 = arith.constant 16 : i32
          %add3A_579 = vector.broadcast %add3A_578 : i32 to vector<16xi32>
          %add3A_580 = arith.addi %iota3A, %add3A_579 : vector<16xi32>
          %gather3A_581 = tpu.vector_load_idx %arg9[%broadcast_in_dim3A, %add3A_580, %broadcast_in_dim3A_576] : memref<8x32x16xf32, #tpu.memory_space<vmem>>[vector<16xi32>, vector<16xi32>, vector<16xi32>], vector<16xf32>,
          %add3A_582 = arith.addf %add3A_546, %gather3A_577 : vector<16xf32>
          %add3A_583 = arith.addf %add3A_547, %gather3A_581 : vector<16xf32>
          %broadcast_in_dim3A_584 = arith.constant 11 : i32
          %broadcast_in_dim3A_585 = vector.broadcast %broadcast_in_dim3A_584 : i32 to vector<16xi32>
          %gather3A_586 = tpu.vector_load_idx %arg9[%broadcast_in_dim3A, %iota3A, %broadcast_in_dim3A_585] : memref<8x32x16xf32, #tpu.memory_space<vmem>>[vector<16xi32>, vector<16xi32>, vector<16xi32>], vector<16xf32>,
          %add3A_587 = arith.constant 16 : i32
          %add3A_588 = vector.broadcast %add3A_587 : i32 to vector<16xi32>
          %add3A_589 = arith.addi %iota3A, %add3A_588 : vector<16xi32>
          %gather3A_590 = tpu.vector_load_idx %arg9[%broadcast_in_dim3A, %add3A_589, %broadcast_in_dim3A_585] : memref<8x32x16xf32, #tpu.memory_space<vmem>>[vector<16xi32>, vector<16xi32>, vector<16xi32>], vector<16xf32>,
          %add3A_591 = arith.addf %add3A_555, %gather3A_586 : vector<16xf32>
          %add3A_592 = arith.addf %add3A_556, %gather3A_590 : vector<16xf32>
          %broadcast_in_dim3A_593 = arith.constant 12 : i32
          %broadcast_in_dim3A_594 = vector.broadcast %broadcast_in_dim3A_593 : i32 to vector<16xi32>
          %gather3A_595 = tpu.vector_load_idx %arg9[%broadcast_in_dim3A, %iota3A, %broadcast_in_dim3A_594] : memref<8x32x16xf32, #tpu.memory_space<vmem>>[vector<16xi32>, vector<16xi32>, vector<16xi32>], vector<16xf32>,
          %add3A_596 = arith.constant 16 : i32
          %add3A_597 = vector.broadcast %add3A_596 : i32 to vector<16xi32>
          %add3A_598 = arith.addi %iota3A, %add3A_597 : vector<16xi32>
          %gather3A_599 = tpu.vector_load_idx %arg9[%broadcast_in_dim3A, %add3A_598, %broadcast_in_dim3A_594] : memref<8x32x16xf32, #tpu.memory_space<vmem>>[vector<16xi32>, vector<16xi32>, vector<16xi32>], vector<16xf32>,
          %add3A_600 = arith.addf %add3A_564, %gather3A_595 : vector<16xf32>
          %add3A_601 = arith.addf %add3A_565, %gather3A_599 : vector<16xf32>
          %broadcast_in_dim3A_602 = arith.constant 13 : i32
          %broadcast_in_dim3A_603 = vector.broadcast %broadcast_in_dim3A_602 : i32 to vector<16xi32>
          %gather3A_604 = tpu.vector_load_idx %arg9[%broadcast_in_dim3A, %iota3A, %broadcast_in_dim3A_603] : memref<8x32x16xf32, #tpu.memory_space<vmem>>[vector<16xi32>, vector<16xi32>, vector<16xi32>], vector<16xf32>,
          %add3A_605 = arith.constant 16 : i32
          %add3A_606 = vector.broadcast %add3A_605 : i32 to vector<16xi32>
          %add3A_607 = arith.addi %iota3A, %add3A_606 : vector<16xi32>
          %gather3A_608 = tpu.vector_load_idx %arg9[%broadcast_in_dim3A, %add3A_607, %broadcast_in_dim3A_603] : memref<8x32x16xf32, #tpu.memory_space<vmem>>[vector<16xi32>, vector<16xi32>, vector<16xi32>], vector<16xf32>,
          %add3A_609 = arith.addf %add3A_573, %gather3A_604 : vector<16xf32>
          %add3A_610 = arith.addf %add3A_574, %gather3A_608 : vector<16xf32>
          %broadcast_in_dim3A_611 = arith.constant 14 : i32
          %broadcast_in_dim3A_612 = vector.broadcast %broadcast_in_dim3A_611 : i32 to vector<16xi32>
          %gather3A_613 = tpu.vector_load_idx %arg9[%broadcast_in_dim3A, %iota3A, %broadcast_in_dim3A_612] : memref<8x32x16xf32, #tpu.memory_space<vmem>>[vector<16xi32>, vector<16xi32>, vector<16xi32>], vector<16xf32>,
          %add3A_614 = arith.constant 16 : i32
          %add3A_615 = vector.broadcast %add3A_614 : i32 to vector<16xi32>
          %add3A_616 = arith.addi %iota3A, %add3A_615 : vector<16xi32>
          %gather3A_617 = tpu.vector_load_idx %arg9[%broadcast_in_dim3A, %add3A_616, %broadcast_in_dim3A_612] : memref<8x32x16xf32, #tpu.memory_space<vmem>>[vector<16xi32>, vector<16xi32>, vector<16xi32>], vector<16xf32>,
          %add3A_618 = arith.addf %add3A_582, %gather3A_613 : vector<16xf32>
          %add3A_619 = arith.addf %add3A_583, %gather3A_617 : vector<16xf32>
          %broadcast_in_dim3A_620 = arith.constant 15 : i32
          %broadcast_in_dim3A_621 = vector.broadcast %broadcast_in_dim3A_620 : i32 to vector<16xi32>
          %gather3A_622 = tpu.vector_load_idx %arg9[%broadcast_in_dim3A, %iota3A, %broadcast_in_dim3A_621] : memref<8x32x16xf32, #tpu.memory_space<vmem>>[vector<16xi32>, vector<16xi32>, vector<16xi32>], vector<16xf32>,
          %add3A_623 = arith.constant 16 : i32
          %add3A_624 = vector.broadcast %add3A_623 : i32 to vector<16xi32>
          %add3A_625 = arith.addi %iota3A, %add3A_624 : vector<16xi32>
          %gather3A_626 = tpu.vector_load_idx %arg9[%broadcast_in_dim3A, %add3A_625, %broadcast_in_dim3A_621] : memref<8x32x16xf32, #tpu.memory_space<vmem>>[vector<16xi32>, vector<16xi32>, vector<16xi32>], vector<16xf32>,
          %add3A_627 = arith.addf %add3A_591, %gather3A_622 : vector<16xf32>
          %add3A_628 = arith.addf %add3A_592, %gather3A_626 : vector<16xf32>
          %add3A_629 = arith.addf %add3A_600, %add3A_609 : vector<16xf32>
          %add3A_630 = arith.addf %add3A_618, %add3A_627 : vector<16xf32>
          %add3A_631 = arith.addf %add3A_629, %add3A_630 : vector<16xf32>
          %add3A_632 = vector.broadcast %add3A_493 : f32 to vector<16xf32>
          %add3A_633 = arith.addf %add3A_631, %add3A_632 : vector<16xf32>
          %add3A_634 = arith.addf %add3A_601, %add3A_610 : vector<16xf32>
          %add3A_635 = arith.addf %add3A_619, %add3A_628 : vector<16xf32>
          %add3A_636 = arith.addf %add3A_634, %add3A_635 : vector<16xf32>
          %add3A_637 = vector.broadcast %add3A_493 : f32 to vector<16xf32>
          %add3A_638 = arith.addf %add3A_636, %add3A_637 : vector<16xf32>
          %ge3A_639 = arith.constant 0.000000e+00 : f32
          %ge3A_640 = vector.broadcast %ge3A_639 : f32 to vector<16xf32>
          %ge3A_641 = arith.cmpf oge, %add3A_633, %ge3A_640 : vector<16xf32>
          %mul3A_642 = arith.constant 2.000000e-01 : f32
          %mul3A_643 = vector.broadcast %mul3A_642 : f32 to vector<16xf32>
          %mul3A_644 = arith.mulf %add3A_633, %mul3A_643 : vector<16xf32>
          %select_n3A = arith.select %ge3A_641, %add3A_633, %mul3A_644 : vector<16xi1>, vector<16xf32>
          %ge3A_645 = arith.constant 0.000000e+00 : f32
          %ge3A_646 = vector.broadcast %ge3A_645 : f32 to vector<16xf32>
          %ge3A_647 = arith.cmpf oge, %add3A_638, %ge3A_646 : vector<16xf32>
          %mul3A_648 = arith.constant 2.000000e-01 : f32
          %mul3A_649 = vector.broadcast %mul3A_648 : f32 to vector<16xf32>
          %mul3A_650 = arith.mulf %add3A_638, %mul3A_649 : vector<16xf32>
          %select_n3A_651 = arith.select %ge3A_647, %add3A_638, %mul3A_650 : vector<16xi1>, vector<16xf32>
          %max3A = arith.maximumf %select_n3A, %select_n3A_651 : vector<16xf32>
          %reduce_max3A = arith.constant true
          %reduce_max3A_652 = vector.broadcast %reduce_max3A : i1 to vector<16xi1>
          %reduce_max3A_653 = tpu.scan <max>, %max3A masked %reduce_max3A_652 : vector<16xf32>, vector<16xi1> -> vector<16xf32>
          %reduce_max3A_654 = vector.extract %reduce_max3A_653[15] : f32 from vector<16xf32>
          %sub3A_655 = vector.broadcast %reduce_max3A_654 : f32 to vector<16xf32>
          %sub3A_656 = arith.subf %select_n3A, %sub3A_655 : vector<16xf32>
          %exp3A = math.exp %sub3A_656 : vector<16xf32>
          %sub3A_657 = vector.broadcast %reduce_max3A_654 : f32 to vector<16xf32>
          %sub3A_658 = arith.subf %select_n3A_651, %sub3A_657 : vector<16xf32>
          %exp3A_659 = math.exp %sub3A_658 : vector<16xf32>
          %add3A_660 = arith.addf %exp3A, %exp3A_659 : vector<16xf32>
          %reduce_sum3A_661 = arith.constant true
          %reduce_sum3A_662 = vector.broadcast %reduce_sum3A_661 : i1 to vector<16xi1>
          %reduce_sum3A_663 = tpu.scan <sum>, %add3A_660 masked %reduce_sum3A_662 : vector<16xf32>, vector<16xi1> -> vector<16xf32>
          %reduce_sum3A_664 = vector.extract %reduce_sum3A_663[15] : f32 from vector<16xf32>
          %broadcast_in_dim3A_665 = vector.broadcast %reduce_sum3A_664 : f32 to vector<16xf32>
          %div3A_666 = arith.divf %exp3A, %broadcast_in_dim3A_665 : vector<16xf32>
          %swap3A = arith.index_cast %add3A_412 : i32 to index
          %swap3A_667 = arith.constant 0 : index
          %swap3A_668 = tpu.vector_load %arg10[%swap3A, %swap3A_667] {strides = array<i32>} : memref<8x32xf32, #tpu.memory_space<vmem>>, vector<16xf32>,
          tpu.vector_store %arg10[%swap3A, %swap3A_667], %div3A_666 {strides = array<i32>} : memref<8x32xf32, #tpu.memory_space<vmem>>, vector<16xf32>,
          %div3A_669 = arith.divf %exp3A_659, %broadcast_in_dim3A_665 : vector<16xf32>
          %swap3A_670 = arith.index_cast %add3A_412 : i32 to index
          %swap3A_671 = arith.constant 16 : index
          %swap3A_672 = tpu.vector_load %arg10[%swap3A_670, %swap3A_671] {strides = array<i32>} : memref<8x32xf32, #tpu.memory_space<vmem>>, vector<16xf32>,
          tpu.vector_store %arg10[%swap3A_670, %swap3A_671], %div3A_669 {strides = array<i32>} : memref<8x32xf32, #tpu.memory_space<vmem>>, vector<16xf32>,
          %broadcast_in_dim3A_673 = arith.constant 0.000000e+00 : f32
          %broadcast_in_dim3A_674 = vector.broadcast %broadcast_in_dim3A_673 : f32 to vector<16xf32>
          %scan3A_675 = arith.constant 0 : i32
          %scan3A_676 = arith.constant 32 : i32
          %scan3A_677 = arith.addi %scan3A_675, %scan3A_676 : i32
          %scan3A_678 = arith.constant 4 : i32
          %scan3A_679:8 = scf.for %scan3A_737 = %scan3A_675 to %scan3A_677 step %scan3A_678 iter_args(%scan3A_738 = %broadcast_in_dim3A_674, %scan3A_739 = %broadcast_in_dim3A_674, %scan3A_740 = %broadcast_in_dim3A_674, %scan3A_741 = %broadcast_in_dim3A_674, %scan3A_742 = %broadcast_in_dim3A_674, %scan3A_743 = %broadcast_in_dim3A_674, %scan3A_744 = %broadcast_in_dim3A_674, %scan3A_745 = %broadcast_in_dim3A_674) -> (vector<16xf32>, vector<16xf32>, vector<16xf32>, vector<16xf32>, vector<16xf32>, vector<16xf32>, vector<16xf32>, vector<16xf32>)  : i32 {
            %broadcast_in_dim3A_746 = vector.broadcast %scan3A_737 : i32 to vector<16xi32>
            %gather3A_747 = tpu.vector_load_idx %arg10[%broadcast_in_dim3A, %broadcast_in_dim3A_746] : memref<8x32xf32, #tpu.memory_space<vmem>>[vector<16xi32>, vector<16xi32>], vector<16xf32>,
            %get3A_748 = arith.constant 0 : i32
            %get3A_749 = arith.index_cast %get3A_748 : i32 to index
            %get3A_750 = arith.index_cast %add3A_412 : i32 to index
            %get3A_751 = arith.index_cast %scan3A_737 : i32 to index
            %get3A_752 = arith.constant 0 : index
            %get3A_753 = tpu.vector_load %arg7[%get3A_749, %get3A_750, %get3A_751, %get3A_752] {strides = array<i32>} : memref<2x8x32x128xf32, #tpu.memory_space<vmem>>, vector<16xf32>,
            %mul3A_754 = arith.mulf %gather3A_747, %get3A_753 : vector<16xf32>
            %add3A_755 = arith.addf %scan3A_738, %mul3A_754 : vector<16xf32>
            %get3A_756 = arith.constant 0 : i32
            %get3A_757 = arith.index_cast %get3A_756 : i32 to index
            %get3A_758 = arith.index_cast %add3A_412 : i32 to index
            %get3A_759 = arith.index_cast %scan3A_737 : i32 to index
            %get3A_760 = arith.constant 16 : index
            %get3A_761 = tpu.vector_load %arg7[%get3A_757, %get3A_758, %get3A_759, %get3A_760] {strides = array<i32>} : memref<2x8x32x128xf32, #tpu.memory_space<vmem>>, vector<16xf32>,
            %mul3A_762 = arith.mulf %gather3A_747, %get3A_761 : vector<16xf32>
            %add3A_763 = arith.addf %scan3A_739, %mul3A_762 : vector<16xf32>
            %get3A_764 = arith.constant 0 : i32
            %get3A_765 = arith.index_cast %get3A_764 : i32 to index
            %get3A_766 = arith.index_cast %add3A_412 : i32 to index
            %get3A_767 = arith.index_cast %scan3A_737 : i32 to index
            %get3A_768 = arith.constant 32 : index
            %get3A_769 = tpu.vector_load %arg7[%get3A_765, %get3A_766, %get3A_767, %get3A_768] {strides = array<i32>} : memref<2x8x32x128xf32, #tpu.memory_space<vmem>>, vector<16xf32>,
            %mul3A_770 = arith.mulf %gather3A_747, %get3A_769 : vector<16xf32>
            %add3A_771 = arith.addf %scan3A_740, %mul3A_770 : vector<16xf32>
            %get3A_772 = arith.constant 0 : i32
            %get3A_773 = arith.index_cast %get3A_772 : i32 to index
            %get3A_774 = arith.index_cast %add3A_412 : i32 to index
            %get3A_775 = arith.index_cast %scan3A_737 : i32 to index
            %get3A_776 = arith.constant 48 : index
            %get3A_777 = tpu.vector_load %arg7[%get3A_773, %get3A_774, %get3A_775, %get3A_776] {strides = array<i32>} : memref<2x8x32x128xf32, #tpu.memory_space<vmem>>, vector<16xf32>,
            %mul3A_778 = arith.mulf %gather3A_747, %get3A_777 : vector<16xf32>
            %add3A_779 = arith.addf %scan3A_741, %mul3A_778 : vector<16xf32>
            %get3A_780 = arith.constant 0 : i32
            %get3A_781 = arith.index_cast %get3A_780 : i32 to index
            %get3A_782 = arith.index_cast %add3A_412 : i32 to index
            %get3A_783 = arith.index_cast %scan3A_737 : i32 to index
            %get3A_784 = arith.constant 64 : index
            %get3A_785 = tpu.vector_load %arg7[%get3A_781, %get3A_782, %get3A_783, %get3A_784] {strides = array<i32>} : memref<2x8x32x128xf32, #tpu.memory_space<vmem>>, vector<16xf32>,
            %mul3A_786 = arith.mulf %gather3A_747, %get3A_785 : vector<16xf32>
            %add3A_787 = arith.addf %scan3A_742, %mul3A_786 : vector<16xf32>
            %get3A_788 = arith.constant 0 : i32
            %get3A_789 = arith.index_cast %get3A_788 : i32 to index
            %get3A_790 = arith.index_cast %add3A_412 : i32 to index
            %get3A_791 = arith.index_cast %scan3A_737 : i32 to index
            %get3A_792 = arith.constant 80 : index
            %get3A_793 = tpu.vector_load %arg7[%get3A_789, %get3A_790, %get3A_791, %get3A_792] {strides = array<i32>} : memref<2x8x32x128xf32, #tpu.memory_space<vmem>>, vector<16xf32>,
            %mul3A_794 = arith.mulf %gather3A_747, %get3A_793 : vector<16xf32>
            %add3A_795 = arith.addf %scan3A_743, %mul3A_794 : vector<16xf32>
            %get3A_796 = arith.constant 0 : i32
            %get3A_797 = arith.index_cast %get3A_796 : i32 to index
            %get3A_798 = arith.index_cast %add3A_412 : i32 to index
            %get3A_799 = arith.index_cast %scan3A_737 : i32 to index
            %get3A_800 = arith.constant 96 : index
            %get3A_801 = tpu.vector_load %arg7[%get3A_797, %get3A_798, %get3A_799, %get3A_800] {strides = array<i32>} : memref<2x8x32x128xf32, #tpu.memory_space<vmem>>, vector<16xf32>,
            %mul3A_802 = arith.mulf %gather3A_747, %get3A_801 : vector<16xf32>
            %add3A_803 = arith.addf %scan3A_744, %mul3A_802 : vector<16xf32>
            %get3A_804 = arith.constant 0 : i32
            %get3A_805 = arith.index_cast %get3A_804 : i32 to index
            %get3A_806 = arith.index_cast %add3A_412 : i32 to index
            %get3A_807 = arith.index_cast %scan3A_737 : i32 to index
            %get3A_808 = arith.constant 112 : index
            %get3A_809 = tpu.vector_load %arg7[%get3A_805, %get3A_806, %get3A_807, %get3A_808] {strides = array<i32>} : memref<2x8x32x128xf32, #tpu.memory_space<vmem>>, vector<16xf32>,
            %mul3A_810 = arith.mulf %gather3A_747, %get3A_809 : vector<16xf32>
            %add3A_811 = arith.addf %scan3A_745, %mul3A_810 : vector<16xf32>
            %scan3A_812 = arith.constant 1 : i32
            %scan3A_813 = arith.addi %scan3A_737, %scan3A_812 : i32
            %broadcast_in_dim3A_814 = vector.broadcast %scan3A_813 : i32 to vector<16xi32>
            %gather3A_815 = tpu.vector_load_idx %arg10[%broadcast_in_dim3A, %broadcast_in_dim3A_814] : memref<8x32xf32, #tpu.memory_space<vmem>>[vector<16xi32>, vector<16xi32>], vector<16xf32>,
            %get3A_816 = arith.constant 0 : i32
            %get3A_817 = arith.index_cast %get3A_816 : i32 to index
            %get3A_818 = arith.index_cast %add3A_412 : i32 to index
            %get3A_819 = arith.index_cast %scan3A_813 : i32 to index
            %get3A_820 = arith.constant 0 : index
            %get3A_821 = tpu.vector_load %arg7[%get3A_817, %get3A_818, %get3A_819, %get3A_820] {strides = array<i32>} : memref<2x8x32x128xf32, #tpu.memory_space<vmem>>, vector<16xf32>,
            %mul3A_822 = arith.mulf %gather3A_815, %get3A_821 : vector<16xf32>
            %add3A_823 = arith.addf %add3A_755, %mul3A_822 : vector<16xf32>
            %get3A_824 = arith.constant 0 : i32
            %get3A_825 = arith.index_cast %get3A_824 : i32 to index
            %get3A_826 = arith.index_cast %add3A_412 : i32 to index
            %get3A_827 = arith.index_cast %scan3A_813 : i32 to index
            %get3A_828 = arith.constant 16 : index
            %get3A_829 = tpu.vector_load %arg7[%get3A_825, %get3A_826, %get3A_827, %get3A_828] {strides = array<i32>} : memref<2x8x32x128xf32, #tpu.memory_space<vmem>>, vector<16xf32>,
            %mul3A_830 = arith.mulf %gather3A_815, %get3A_829 : vector<16xf32>
            %add3A_831 = arith.addf %add3A_763, %mul3A_830 : vector<16xf32>
            %get3A_832 = arith.constant 0 : i32
            %get3A_833 = arith.index_cast %get3A_832 : i32 to index
            %get3A_834 = arith.index_cast %add3A_412 : i32 to index
            %get3A_835 = arith.index_cast %scan3A_813 : i32 to index
            %get3A_836 = arith.constant 32 : index
            %get3A_837 = tpu.vector_load %arg7[%get3A_833, %get3A_834, %get3A_835, %get3A_836] {strides = array<i32>} : memref<2x8x32x128xf32, #tpu.memory_space<vmem>>, vector<16xf32>,
            %mul3A_838 = arith.mulf %gather3A_815, %get3A_837 : vector<16xf32>
            %add3A_839 = arith.addf %add3A_771, %mul3A_838 : vector<16xf32>
            %get3A_840 = arith.constant 0 : i32
            %get3A_841 = arith.index_cast %get3A_840 : i32 to index
            %get3A_842 = arith.index_cast %add3A_412 : i32 to index
            %get3A_843 = arith.index_cast %scan3A_813 : i32 to index
            %get3A_844 = arith.constant 48 : index
            %get3A_845 = tpu.vector_load %arg7[%get3A_841, %get3A_842, %get3A_843, %get3A_844] {strides = array<i32>} : memref<2x8x32x128xf32, #tpu.memory_space<vmem>>, vector<16xf32>,
            %mul3A_846 = arith.mulf %gather3A_815, %get3A_845 : vector<16xf32>
            %add3A_847 = arith.addf %add3A_779, %mul3A_846 : vector<16xf32>
            %get3A_848 = arith.constant 0 : i32
            %get3A_849 = arith.index_cast %get3A_848 : i32 to index
            %get3A_850 = arith.index_cast %add3A_412 : i32 to index
            %get3A_851 = arith.index_cast %scan3A_813 : i32 to index
            %get3A_852 = arith.constant 64 : index
            %get3A_853 = tpu.vector_load %arg7[%get3A_849, %get3A_850, %get3A_851, %get3A_852] {strides = array<i32>} : memref<2x8x32x128xf32, #tpu.memory_space<vmem>>, vector<16xf32>,
            %mul3A_854 = arith.mulf %gather3A_815, %get3A_853 : vector<16xf32>
            %add3A_855 = arith.addf %add3A_787, %mul3A_854 : vector<16xf32>
            %get3A_856 = arith.constant 0 : i32
            %get3A_857 = arith.index_cast %get3A_856 : i32 to index
            %get3A_858 = arith.index_cast %add3A_412 : i32 to index
            %get3A_859 = arith.index_cast %scan3A_813 : i32 to index
            %get3A_860 = arith.constant 80 : index
            %get3A_861 = tpu.vector_load %arg7[%get3A_857, %get3A_858, %get3A_859, %get3A_860] {strides = array<i32>} : memref<2x8x32x128xf32, #tpu.memory_space<vmem>>, vector<16xf32>,
            %mul3A_862 = arith.mulf %gather3A_815, %get3A_861 : vector<16xf32>
            %add3A_863 = arith.addf %add3A_795, %mul3A_862 : vector<16xf32>
            %get3A_864 = arith.constant 0 : i32
            %get3A_865 = arith.index_cast %get3A_864 : i32 to index
            %get3A_866 = arith.index_cast %add3A_412 : i32 to index
            %get3A_867 = arith.index_cast %scan3A_813 : i32 to index
            %get3A_868 = arith.constant 96 : index
            %get3A_869 = tpu.vector_load %arg7[%get3A_865, %get3A_866, %get3A_867, %get3A_868] {strides = array<i32>} : memref<2x8x32x128xf32, #tpu.memory_space<vmem>>, vector<16xf32>,
            %mul3A_870 = arith.mulf %gather3A_815, %get3A_869 : vector<16xf32>
            %add3A_871 = arith.addf %add3A_803, %mul3A_870 : vector<16xf32>
            %get3A_872 = arith.constant 0 : i32
            %get3A_873 = arith.index_cast %get3A_872 : i32 to index
            %get3A_874 = arith.index_cast %add3A_412 : i32 to index
            %get3A_875 = arith.index_cast %scan3A_813 : i32 to index
            %get3A_876 = arith.constant 112 : index
            %get3A_877 = tpu.vector_load %arg7[%get3A_873, %get3A_874, %get3A_875, %get3A_876] {strides = array<i32>} : memref<2x8x32x128xf32, #tpu.memory_space<vmem>>, vector<16xf32>,
            %mul3A_878 = arith.mulf %gather3A_815, %get3A_877 : vector<16xf32>
            %add3A_879 = arith.addf %add3A_811, %mul3A_878 : vector<16xf32>
            %scan3A_880 = arith.constant 2 : i32
            %scan3A_881 = arith.addi %scan3A_737, %scan3A_880 : i32
            %broadcast_in_dim3A_882 = vector.broadcast %scan3A_881 : i32 to vector<16xi32>
            %gather3A_883 = tpu.vector_load_idx %arg10[%broadcast_in_dim3A, %broadcast_in_dim3A_882] : memref<8x32xf32, #tpu.memory_space<vmem>>[vector<16xi32>, vector<16xi32>], vector<16xf32>,
            %get3A_884 = arith.constant 0 : i32
            %get3A_885 = arith.index_cast %get3A_884 : i32 to index
            %get3A_886 = arith.index_cast %add3A_412 : i32 to index
            %get3A_887 = arith.index_cast %scan3A_881 : i32 to index
            %get3A_888 = arith.constant 0 : index
            %get3A_889 = tpu.vector_load %arg7[%get3A_885, %get3A_886, %get3A_887, %get3A_888] {strides = array<i32>} : memref<2x8x32x128xf32, #tpu.memory_space<vmem>>, vector<16xf32>,
            %mul3A_890 = arith.mulf %gather3A_883, %get3A_889 : vector<16xf32>
            %add3A_891 = arith.addf %add3A_823, %mul3A_890 : vector<16xf32>
            %get3A_892 = arith.constant 0 : i32
            %get3A_893 = arith.index_cast %get3A_892 : i32 to index
            %get3A_894 = arith.index_cast %add3A_412 : i32 to index
            %get3A_895 = arith.index_cast %scan3A_881 : i32 to index
            %get3A_896 = arith.constant 16 : index
            %get3A_897 = tpu.vector_load %arg7[%get3A_893, %get3A_894, %get3A_895, %get3A_896] {strides = array<i32>} : memref<2x8x32x128xf32, #tpu.memory_space<vmem>>, vector<16xf32>,
            %mul3A_898 = arith.mulf %gather3A_883, %get3A_897 : vector<16xf32>
            %add3A_899 = arith.addf %add3A_831, %mul3A_898 : vector<16xf32>
            %get3A_900 = arith.constant 0 : i32
            %get3A_901 = arith.index_cast %get3A_900 : i32 to index
            %get3A_902 = arith.index_cast %add3A_412 : i32 to index
            %get3A_903 = arith.index_cast %scan3A_881 : i32 to index
            %get3A_904 = arith.constant 32 : index
            %get3A_905 = tpu.vector_load %arg7[%get3A_901, %get3A_902, %get3A_903, %get3A_904] {strides = array<i32>} : memref<2x8x32x128xf32, #tpu.memory_space<vmem>>, vector<16xf32>,
            %mul3A_906 = arith.mulf %gather3A_883, %get3A_905 : vector<16xf32>
            %add3A_907 = arith.addf %add3A_839, %mul3A_906 : vector<16xf32>
            %get3A_908 = arith.constant 0 : i32
            %get3A_909 = arith.index_cast %get3A_908 : i32 to index
            %get3A_910 = arith.index_cast %add3A_412 : i32 to index
            %get3A_911 = arith.index_cast %scan3A_881 : i32 to index
            %get3A_912 = arith.constant 48 : index
            %get3A_913 = tpu.vector_load %arg7[%get3A_909, %get3A_910, %get3A_911, %get3A_912] {strides = array<i32>} : memref<2x8x32x128xf32, #tpu.memory_space<vmem>>, vector<16xf32>,
            %mul3A_914 = arith.mulf %gather3A_883, %get3A_913 : vector<16xf32>
            %add3A_915 = arith.addf %add3A_847, %mul3A_914 : vector<16xf32>
            %get3A_916 = arith.constant 0 : i32
            %get3A_917 = arith.index_cast %get3A_916 : i32 to index
            %get3A_918 = arith.index_cast %add3A_412 : i32 to index
            %get3A_919 = arith.index_cast %scan3A_881 : i32 to index
            %get3A_920 = arith.constant 64 : index
            %get3A_921 = tpu.vector_load %arg7[%get3A_917, %get3A_918, %get3A_919, %get3A_920] {strides = array<i32>} : memref<2x8x32x128xf32, #tpu.memory_space<vmem>>, vector<16xf32>,
            %mul3A_922 = arith.mulf %gather3A_883, %get3A_921 : vector<16xf32>
            %add3A_923 = arith.addf %add3A_855, %mul3A_922 : vector<16xf32>
            %get3A_924 = arith.constant 0 : i32
            %get3A_925 = arith.index_cast %get3A_924 : i32 to index
            %get3A_926 = arith.index_cast %add3A_412 : i32 to index
            %get3A_927 = arith.index_cast %scan3A_881 : i32 to index
            %get3A_928 = arith.constant 80 : index
            %get3A_929 = tpu.vector_load %arg7[%get3A_925, %get3A_926, %get3A_927, %get3A_928] {strides = array<i32>} : memref<2x8x32x128xf32, #tpu.memory_space<vmem>>, vector<16xf32>,
            %mul3A_930 = arith.mulf %gather3A_883, %get3A_929 : vector<16xf32>
            %add3A_931 = arith.addf %add3A_863, %mul3A_930 : vector<16xf32>
            %get3A_932 = arith.constant 0 : i32
            %get3A_933 = arith.index_cast %get3A_932 : i32 to index
            %get3A_934 = arith.index_cast %add3A_412 : i32 to index
            %get3A_935 = arith.index_cast %scan3A_881 : i32 to index
            %get3A_936 = arith.constant 96 : index
            %get3A_937 = tpu.vector_load %arg7[%get3A_933, %get3A_934, %get3A_935, %get3A_936] {strides = array<i32>} : memref<2x8x32x128xf32, #tpu.memory_space<vmem>>, vector<16xf32>,
            %mul3A_938 = arith.mulf %gather3A_883, %get3A_937 : vector<16xf32>
            %add3A_939 = arith.addf %add3A_871, %mul3A_938 : vector<16xf32>
            %get3A_940 = arith.constant 0 : i32
            %get3A_941 = arith.index_cast %get3A_940 : i32 to index
            %get3A_942 = arith.index_cast %add3A_412 : i32 to index
            %get3A_943 = arith.index_cast %scan3A_881 : i32 to index
            %get3A_944 = arith.constant 112 : index
            %get3A_945 = tpu.vector_load %arg7[%get3A_941, %get3A_942, %get3A_943, %get3A_944] {strides = array<i32>} : memref<2x8x32x128xf32, #tpu.memory_space<vmem>>, vector<16xf32>,
            %mul3A_946 = arith.mulf %gather3A_883, %get3A_945 : vector<16xf32>
            %add3A_947 = arith.addf %add3A_879, %mul3A_946 : vector<16xf32>
            %scan3A_948 = arith.constant 3 : i32
            %scan3A_949 = arith.addi %scan3A_737, %scan3A_948 : i32
            %broadcast_in_dim3A_950 = vector.broadcast %scan3A_949 : i32 to vector<16xi32>
            %gather3A_951 = tpu.vector_load_idx %arg10[%broadcast_in_dim3A, %broadcast_in_dim3A_950] : memref<8x32xf32, #tpu.memory_space<vmem>>[vector<16xi32>, vector<16xi32>], vector<16xf32>,
            %get3A_952 = arith.constant 0 : i32
            %get3A_953 = arith.index_cast %get3A_952 : i32 to index
            %get3A_954 = arith.index_cast %add3A_412 : i32 to index
            %get3A_955 = arith.index_cast %scan3A_949 : i32 to index
            %get3A_956 = arith.constant 0 : index
            %get3A_957 = tpu.vector_load %arg7[%get3A_953, %get3A_954, %get3A_955, %get3A_956] {strides = array<i32>} : memref<2x8x32x128xf32, #tpu.memory_space<vmem>>, vector<16xf32>,
            %mul3A_958 = arith.mulf %gather3A_951, %get3A_957 : vector<16xf32>
            %add3A_959 = arith.addf %add3A_891, %mul3A_958 : vector<16xf32>
            %get3A_960 = arith.constant 0 : i32
            %get3A_961 = arith.index_cast %get3A_960 : i32 to index
            %get3A_962 = arith.index_cast %add3A_412 : i32 to index
            %get3A_963 = arith.index_cast %scan3A_949 : i32 to index
            %get3A_964 = arith.constant 16 : index
            %get3A_965 = tpu.vector_load %arg7[%get3A_961, %get3A_962, %get3A_963, %get3A_964] {strides = array<i32>} : memref<2x8x32x128xf32, #tpu.memory_space<vmem>>, vector<16xf32>,
            %mul3A_966 = arith.mulf %gather3A_951, %get3A_965 : vector<16xf32>
            %add3A_967 = arith.addf %add3A_899, %mul3A_966 : vector<16xf32>
            %get3A_968 = arith.constant 0 : i32
            %get3A_969 = arith.index_cast %get3A_968 : i32 to index
            %get3A_970 = arith.index_cast %add3A_412 : i32 to index
            %get3A_971 = arith.index_cast %scan3A_949 : i32 to index
            %get3A_972 = arith.constant 32 : index
            %get3A_973 = tpu.vector_load %arg7[%get3A_969, %get3A_970, %get3A_971, %get3A_972] {strides = array<i32>} : memref<2x8x32x128xf32, #tpu.memory_space<vmem>>, vector<16xf32>,
            %mul3A_974 = arith.mulf %gather3A_951, %get3A_973 : vector<16xf32>
            %add3A_975 = arith.addf %add3A_907, %mul3A_974 : vector<16xf32>
            %get3A_976 = arith.constant 0 : i32
            %get3A_977 = arith.index_cast %get3A_976 : i32 to index
            %get3A_978 = arith.index_cast %add3A_412 : i32 to index
            %get3A_979 = arith.index_cast %scan3A_949 : i32 to index
            %get3A_980 = arith.constant 48 : index
            %get3A_981 = tpu.vector_load %arg7[%get3A_977, %get3A_978, %get3A_979, %get3A_980] {strides = array<i32>} : memref<2x8x32x128xf32, #tpu.memory_space<vmem>>, vector<16xf32>,
            %mul3A_982 = arith.mulf %gather3A_951, %get3A_981 : vector<16xf32>
            %add3A_983 = arith.addf %add3A_915, %mul3A_982 : vector<16xf32>
            %get3A_984 = arith.constant 0 : i32
            %get3A_985 = arith.index_cast %get3A_984 : i32 to index
            %get3A_986 = arith.index_cast %add3A_412 : i32 to index
            %get3A_987 = arith.index_cast %scan3A_949 : i32 to index
            %get3A_988 = arith.constant 64 : index
            %get3A_989 = tpu.vector_load %arg7[%get3A_985, %get3A_986, %get3A_987, %get3A_988] {strides = array<i32>} : memref<2x8x32x128xf32, #tpu.memory_space<vmem>>, vector<16xf32>,
            %mul3A_990 = arith.mulf %gather3A_951, %get3A_989 : vector<16xf32>
            %add3A_991 = arith.addf %add3A_923, %mul3A_990 : vector<16xf32>
            %get3A_992 = arith.constant 0 : i32
            %get3A_993 = arith.index_cast %get3A_992 : i32 to index
            %get3A_994 = arith.index_cast %add3A_412 : i32 to index
            %get3A_995 = arith.index_cast %scan3A_949 : i32 to index
            %get3A_996 = arith.constant 80 : index
            %get3A_997 = tpu.vector_load %arg7[%get3A_993, %get3A_994, %get3A_995, %get3A_996] {strides = array<i32>} : memref<2x8x32x128xf32, #tpu.memory_space<vmem>>, vector<16xf32>,
            %mul3A_998 = arith.mulf %gather3A_951, %get3A_997 : vector<16xf32>
            %add3A_999 = arith.addf %add3A_931, %mul3A_998 : vector<16xf32>
            %get3A_1000 = arith.constant 0 : i32
            %get3A_1001 = arith.index_cast %get3A_1000 : i32 to index
            %get3A_1002 = arith.index_cast %add3A_412 : i32 to index
            %get3A_1003 = arith.index_cast %scan3A_949 : i32 to index
            %get3A_1004 = arith.constant 96 : index
            %get3A_1005 = tpu.vector_load %arg7[%get3A_1001, %get3A_1002, %get3A_1003, %get3A_1004] {strides = array<i32>} : memref<2x8x32x128xf32, #tpu.memory_space<vmem>>, vector<16xf32>,
            %mul3A_1006 = arith.mulf %gather3A_951, %get3A_1005 : vector<16xf32>
            %add3A_1007 = arith.addf %add3A_939, %mul3A_1006 : vector<16xf32>
            %get3A_1008 = arith.constant 0 : i32
            %get3A_1009 = arith.index_cast %get3A_1008 : i32 to index
            %get3A_1010 = arith.index_cast %add3A_412 : i32 to index
            %get3A_1011 = arith.index_cast %scan3A_949 : i32 to index
            %get3A_1012 = arith.constant 112 : index
            %get3A_1013 = tpu.vector_load %arg7[%get3A_1009, %get3A_1010, %get3A_1011, %get3A_1012] {strides = array<i32>} : memref<2x8x32x128xf32, #tpu.memory_space<vmem>>, vector<16xf32>,
            %mul3A_1014 = arith.mulf %gather3A_951, %get3A_1013 : vector<16xf32>
            %add3A_1015 = arith.addf %add3A_947, %mul3A_1014 : vector<16xf32>
            scf.yield %add3A_959, %add3A_967, %add3A_975, %add3A_983, %add3A_991, %add3A_999, %add3A_1007, %add3A_1015 : vector<16xf32>, vector<16xf32>, vector<16xf32>, vector<16xf32>, vector<16xf32>, vector<16xf32>, vector<16xf32>, vector<16xf32>
          }
          %scan3A_680 = arith.constant 32 : i32
          %swap3A_681 = arith.constant 0 : i32
          %swap3A_682 = arith.constant 0 : i32
          %swap3A_683 = arith.index_cast %swap3A_681 : i32 to index
          %swap3A_684 = arith.index_cast %add3A_412 : i32 to index
          %swap3A_685 = arith.index_cast %swap3A_682 : i32 to index
          %swap3A_686 = arith.constant 0 : index
          %swap3A_687 = tpu.vector_load %arg11[%swap3A_683, %swap3A_684, %swap3A_685, %swap3A_686] {strides = array<i32>} : memref<2x8x1x128xf32, #tpu.memory_space<vmem>>, vector<16xf32>,
          tpu.vector_store %arg11[%swap3A_683, %swap3A_684, %swap3A_685, %swap3A_686], %scan3A_679#0 {strides = array<i32>} : memref<2x8x1x128xf32, #tpu.memory_space<vmem>>, vector<16xf32>,
          %swap3A_688 = arith.constant 0 : i32
          %swap3A_689 = arith.constant 0 : i32
          %swap3A_690 = arith.index_cast %swap3A_688 : i32 to index
          %swap3A_691 = arith.index_cast %add3A_412 : i32 to index
          %swap3A_692 = arith.index_cast %swap3A_689 : i32 to index
          %swap3A_693 = arith.constant 16 : index
          %swap3A_694 = tpu.vector_load %arg11[%swap3A_690, %swap3A_691, %swap3A_692, %swap3A_693] {strides = array<i32>} : memref<2x8x1x128xf32, #tpu.memory_space<vmem>>, vector<16xf32>,
          tpu.vector_store %arg11[%swap3A_690, %swap3A_691, %swap3A_692, %swap3A_693], %scan3A_679#1 {strides = array<i32>} : memref<2x8x1x128xf32, #tpu.memory_space<vmem>>, vector<16xf32>,
          %swap3A_695 = arith.constant 0 : i32
          %swap3A_696 = arith.constant 0 : i32
          %swap3A_697 = arith.index_cast %swap3A_695 : i32 to index
          %swap3A_698 = arith.index_cast %add3A_412 : i32 to index
          %swap3A_699 = arith.index_cast %swap3A_696 : i32 to index
          %swap3A_700 = arith.constant 32 : index
          %swap3A_701 = tpu.vector_load %arg11[%swap3A_697, %swap3A_698, %swap3A_699, %swap3A_700] {strides = array<i32>} : memref<2x8x1x128xf32, #tpu.memory_space<vmem>>, vector<16xf32>,
          tpu.vector_store %arg11[%swap3A_697, %swap3A_698, %swap3A_699, %swap3A_700], %scan3A_679#2 {strides = array<i32>} : memref<2x8x1x128xf32, #tpu.memory_space<vmem>>, vector<16xf32>,
          %swap3A_702 = arith.constant 0 : i32
          %swap3A_703 = arith.constant 0 : i32
          %swap3A_704 = arith.index_cast %swap3A_702 : i32 to index
          %swap3A_705 = arith.index_cast %add3A_412 : i32 to index
          %swap3A_706 = arith.index_cast %swap3A_703 : i32 to index
          %swap3A_707 = arith.constant 48 : index
          %swap3A_708 = tpu.vector_load %arg11[%swap3A_704, %swap3A_705, %swap3A_706, %swap3A_707] {strides = array<i32>} : memref<2x8x1x128xf32, #tpu.memory_space<vmem>>, vector<16xf32>,
          tpu.vector_store %arg11[%swap3A_704, %swap3A_705, %swap3A_706, %swap3A_707], %scan3A_679#3 {strides = array<i32>} : memref<2x8x1x128xf32, #tpu.memory_space<vmem>>, vector<16xf32>,
          %swap3A_709 = arith.constant 0 : i32
          %swap3A_710 = arith.constant 0 : i32
          %swap3A_711 = arith.index_cast %swap3A_709 : i32 to index
          %swap3A_712 = arith.index_cast %add3A_412 : i32 to index
          %swap3A_713 = arith.index_cast %swap3A_710 : i32 to index
          %swap3A_714 = arith.constant 64 : index
          %swap3A_715 = tpu.vector_load %arg11[%swap3A_711, %swap3A_712, %swap3A_713, %swap3A_714] {strides = array<i32>} : memref<2x8x1x128xf32, #tpu.memory_space<vmem>>, vector<16xf32>,
          tpu.vector_store %arg11[%swap3A_711, %swap3A_712, %swap3A_713, %swap3A_714], %scan3A_679#4 {strides = array<i32>} : memref<2x8x1x128xf32, #tpu.memory_space<vmem>>, vector<16xf32>,
          %swap3A_716 = arith.constant 0 : i32
          %swap3A_717 = arith.constant 0 : i32
          %swap3A_718 = arith.index_cast %swap3A_716 : i32 to index
          %swap3A_719 = arith.index_cast %add3A_412 : i32 to index
          %swap3A_720 = arith.index_cast %swap3A_717 : i32 to index
          %swap3A_721 = arith.constant 80 : index
          %swap3A_722 = tpu.vector_load %arg11[%swap3A_718, %swap3A_719, %swap3A_720, %swap3A_721] {strides = array<i32>} : memref<2x8x1x128xf32, #tpu.memory_space<vmem>>, vector<16xf32>,
          tpu.vector_store %arg11[%swap3A_718, %swap3A_719, %swap3A_720, %swap3A_721], %scan3A_679#5 {strides = array<i32>} : memref<2x8x1x128xf32, #tpu.memory_space<vmem>>, vector<16xf32>,
          %swap3A_723 = arith.constant 0 : i32
          %swap3A_724 = arith.constant 0 : i32
          %swap3A_725 = arith.index_cast %swap3A_723 : i32 to index
          %swap3A_726 = arith.index_cast %add3A_412 : i32 to index
          %swap3A_727 = arith.index_cast %swap3A_724 : i32 to index
          %swap3A_728 = arith.constant 96 : index
          %swap3A_729 = tpu.vector_load %arg11[%swap3A_725, %swap3A_726, %swap3A_727, %swap3A_728] {strides = array<i32>} : memref<2x8x1x128xf32, #tpu.memory_space<vmem>>, vector<16xf32>,
          tpu.vector_store %arg11[%swap3A_725, %swap3A_726, %swap3A_727, %swap3A_728], %scan3A_679#6 {strides = array<i32>} : memref<2x8x1x128xf32, #tpu.memory_space<vmem>>, vector<16xf32>,
          %swap3A_730 = arith.constant 0 : i32
          %swap3A_731 = arith.constant 0 : i32
          %swap3A_732 = arith.index_cast %swap3A_730 : i32 to index
          %swap3A_733 = arith.index_cast %add3A_412 : i32 to index
          %swap3A_734 = arith.index_cast %swap3A_731 : i32 to index
          %swap3A_735 = arith.constant 112 : index
          %swap3A_736 = tpu.vector_load %arg11[%swap3A_732, %swap3A_733, %swap3A_734, %swap3A_735] {strides = array<i32>} : memref<2x8x1x128xf32, #tpu.memory_space<vmem>>, vector<16xf32>,
          tpu.vector_store %arg11[%swap3A_732, %swap3A_733, %swap3A_734, %swap3A_735], %scan3A_679#7 {strides = array<i32>} : memref<2x8x1x128xf32, #tpu.memory_space<vmem>>, vector<16xf32>,
        }
        %scan3A_384 = arith.constant 8 : i32
        %add3A_385 = arith.constant 2 : i32
        %add3A_386 = arith.addi %add3A_267, %add3A_385 : i32
        %lt3A_387 = arith.cmpi slt, %add3A_386, %shift_right_arithmetic3A_9 : i32
        %convert_element_type3A_388 = arith.extui %lt3A_387 : i1 to i32
        %cond3A_389 = arith.constant 0 : i32
        %cond3A_390 = arith.cmpi ne, %convert_element_type3A_388, %cond3A_389 : i32
        scf.if %cond3A_390 {
          %add3A_408 = arith.constant 2 : i32
          %add3A_409 = arith.addi %add3A_267, %add3A_408 : i32
          %mul3A_410 = arith.constant 8 : i32
          %mul3A_411 = arith.muli %add3A_409, %mul3A_410 : i32
          %add3A_412 = arith.addi %mul3A_2, %mul3A_411 : i32
          %min3A_413 = arith.minsi %add3A_412, %sub3A_12 : i32
          %add3A_414 = arith.constant 0 : i32
          %add3A_415 = arith.addi %min3A_413, %add3A_414 : i32
          %dma_start3A_416 = arith.constant 0 : i32
          %dma_start3A_417 = arith.constant 0 : i32
          %dma_start3A_418 = arith.constant 0 : i32
          %dma_start3A_419 = arith.constant 0 : i32
          %dma_start3A_420 = tpu.memref_slice %arg7[%dma_start3A_416, %dma_start3A_417, %dma_start3A_418, %dma_start3A_419] : memref<2x8x32x128xf32, #tpu.memory_space<vmem>> -> memref<1x2x32x128xf32, #tpu.memory_space<vmem>>
          %dma_start3A_421 = tpu.memref_squeeze %dma_start3A_420 : memref<1x2x32x128xf32, #tpu.memory_space<vmem>> -> memref<2x32x128xf32, #tpu.memory_space<vmem>>
          %dma_start3A_422 = arith.constant 0 : i32
          %dma_start3A_423 = arith.constant 0 : i32
          %dma_start3A_424 = tpu.memref_slice %arg2[%add3A_415, %dma_start3A_422, %dma_start3A_423] : memref<10000x32x128xf32, #tpu.memory_space<hbm>> -> memref<2x32x128xf32, #tpu.memory_space<hbm>>
          %dma_start3A_425 = arith.constant 0 : i32
          %dma_start3A_426 = arith.constant 0 : i32
          %dma_start3A_427 = arith.constant 0 : i32
          %dma_start3A_428 = tpu.memref_slice %arg7[%dma_start3A_416, %dma_start3A_425, %dma_start3A_426, %dma_start3A_427] : memref<2x8x32x128xf32, #tpu.memory_space<vmem>> -> memref<1x2x32x128xf32, #tpu.memory_space<vmem>>
          %dma_start3A_429 = tpu.memref_squeeze %dma_start3A_428 : memref<1x2x32x128xf32, #tpu.memory_space<vmem>> -> memref<2x32x128xf32, #tpu.memory_space<vmem>>
          %dma_start3A_430 = arith.constant 0 : i32
          %dma_start3A_431 = arith.constant 0 : i32
          %dma_start3A_432 = tpu.memref_slice %arg2[%add3A_415, %dma_start3A_430, %dma_start3A_431] : memref<10000x32x128xf32, #tpu.memory_space<hbm>> -> memref<2x32x128xf32, #tpu.memory_space<hbm>>
          tpu.enqueue_dma source(%dma_start3A_432 : memref<2x32x128xf32, #tpu.memory_space<hbm>>) target(%dma_start3A_429 : memref<2x32x128xf32, #tpu.memory_space<vmem>>) target_semaphore(%arg12 : memref<!tpu.dma_semaphore, #tpu.memory_space<semaphore_mem>>)
          %add3A_433 = arith.constant 2 : i32
          %add3A_434 = arith.addi %min3A_413, %add3A_433 : i32
          %dma_start3A_435 = arith.constant 0 : i32
          %dma_start3A_436 = arith.constant 2 : i32
          %dma_start3A_437 = arith.constant 0 : i32
          %dma_start3A_438 = arith.constant 0 : i32
          %dma_start3A_439 = tpu.memref_slice %arg7[%dma_start3A_435, %dma_start3A_436, %dma_start3A_437, %dma_start3A_438] : memref<2x8x32x128xf32, #tpu.memory_space<vmem>> -> memref<1x2x32x128xf32, #tpu.memory_space<vmem>>
          %dma_start3A_440 = tpu.memref_squeeze %dma_start3A_439 : memref<1x2x32x128xf32, #tpu.memory_space<vmem>> -> memref<2x32x128xf32, #tpu.memory_space<vmem>>
          %dma_start3A_441 = arith.constant 0 : i32
          %dma_start3A_442 = arith.constant 0 : i32
          %dma_start3A_443 = tpu.memref_slice %arg2[%add3A_434, %dma_start3A_441, %dma_start3A_442] : memref<10000x32x128xf32, #tpu.memory_space<hbm>> -> memref<2x32x128xf32, #tpu.memory_space<hbm>>
          %dma_start3A_444 = arith.constant 2 : i32
          %dma_start3A_445 = arith.constant 0 : i32
          %dma_start3A_446 = arith.constant 0 : i32
          %dma_start3A_447 = tpu.memref_slice %arg7[%dma_start3A_435, %dma_start3A_444, %dma_start3A_445, %dma_start3A_446] : memref<2x8x32x128xf32, #tpu.memory_space<vmem>> -> memref<1x2x32x128xf32, #tpu.memory_space<vmem>>
          %dma_start3A_448 = tpu.memref_squeeze %dma_start3A_447 : memref<1x2x32x128xf32, #tpu.memory_space<vmem>> -> memref<2x32x128xf32, #tpu.memory_space<vmem>>
          %dma_start3A_449 = arith.constant 0 : i32
          %dma_start3A_450 = arith.constant 0 : i32
          %dma_start3A_451 = tpu.memref_slice %arg2[%add3A_434, %dma_start3A_449, %dma_start3A_450] : memref<10000x32x128xf32, #tpu.memory_space<hbm>> -> memref<2x32x128xf32, #tpu.memory_space<hbm>>
          tpu.enqueue_dma source(%dma_start3A_451 : memref<2x32x128xf32, #tpu.memory_space<hbm>>) target(%dma_start3A_448 : memref<2x32x128xf32, #tpu.memory_space<vmem>>) target_semaphore(%arg12 : memref<!tpu.dma_semaphore, #tpu.memory_space<semaphore_mem>>)
          %add3A_452 = arith.constant 4 : i32
          %add3A_453 = arith.addi %min3A_413, %add3A_452 : i32
          %dma_start3A_454 = arith.constant 0 : i32
          %dma_start3A_455 = arith.constant 4 : i32
          %dma_start3A_456 = arith.constant 0 : i32
          %dma_start3A_457 = arith.constant 0 : i32
          %dma_start3A_458 = tpu.memref_slice %arg7[%dma_start3A_454, %dma_start3A_455, %dma_start3A_456, %dma_start3A_457] : memref<2x8x32x128xf32, #tpu.memory_space<vmem>> -> memref<1x2x32x128xf32, #tpu.memory_space<vmem>>
          %dma_start3A_459 = tpu.memref_squeeze %dma_start3A_458 : memref<1x2x32x128xf32, #tpu.memory_space<vmem>> -> memref<2x32x128xf32, #tpu.memory_space<vmem>>
          %dma_start3A_460 = arith.constant 0 : i32
          %dma_start3A_461 = arith.constant 0 : i32
          %dma_start3A_462 = tpu.memref_slice %arg2[%add3A_453, %dma_start3A_460, %dma_start3A_461] : memref<10000x32x128xf32, #tpu.memory_space<hbm>> -> memref<2x32x128xf32, #tpu.memory_space<hbm>>
          %dma_start3A_463 = arith.constant 4 : i32
          %dma_start3A_464 = arith.constant 0 : i32
          %dma_start3A_465 = arith.constant 0 : i32
          %dma_start3A_466 = tpu.memref_slice %arg7[%dma_start3A_454, %dma_start3A_463, %dma_start3A_464, %dma_start3A_465] : memref<2x8x32x128xf32, #tpu.memory_space<vmem>> -> memref<1x2x32x128xf32, #tpu.memory_space<vmem>>
          %dma_start3A_467 = tpu.memref_squeeze %dma_start3A_466 : memref<1x2x32x128xf32, #tpu.memory_space<vmem>> -> memref<2x32x128xf32, #tpu.memory_space<vmem>>
          %dma_start3A_468 = arith.constant 0 : i32
          %dma_start3A_469 = arith.constant 0 : i32
          %dma_start3A_470 = tpu.memref_slice %arg2[%add3A_453, %dma_start3A_468, %dma_start3A_469] : memref<10000x32x128xf32, #tpu.memory_space<hbm>> -> memref<2x32x128xf32, #tpu.memory_space<hbm>>
          tpu.enqueue_dma source(%dma_start3A_470 : memref<2x32x128xf32, #tpu.memory_space<hbm>>) target(%dma_start3A_467 : memref<2x32x128xf32, #tpu.memory_space<vmem>>) target_semaphore(%arg12 : memref<!tpu.dma_semaphore, #tpu.memory_space<semaphore_mem>>)
          %add3A_471 = arith.constant 6 : i32
          %add3A_472 = arith.addi %min3A_413, %add3A_471 : i32
          %dma_start3A_473 = arith.constant 0 : i32
          %dma_start3A_474 = arith.constant 6 : i32
          %dma_start3A_475 = arith.constant 0 : i32
          %dma_start3A_476 = arith.constant 0 : i32
          %dma_start3A_477 = tpu.memref_slice %arg7[%dma_start3A_473, %dma_start3A_474, %dma_start3A_475, %dma_start3A_476] : memref<2x8x32x128xf32, #tpu.memory_space<vmem>> -> memref<1x2x32x128xf32, #tpu.memory_space<vmem>>
          %dma_start3A_478 = tpu.memref_squeeze %dma_start3A_477 : memref<1x2x32x128xf32, #tpu.memory_space<vmem>> -> memref<2x32x128xf32, #tpu.memory_space<vmem>>
          %dma_start3A_479 = arith.constant 0 : i32
          %dma_start3A_480 = arith.constant 0 : i32
          %dma_start3A_481 = tpu.memref_slice %arg2[%add3A_472, %dma_start3A_479, %dma_start3A_480] : memref<10000x32x128xf32, #tpu.memory_space<hbm>> -> memref<2x32x128xf32, #tpu.memory_space<hbm>>
          %dma_start3A_482 = arith.constant 6 : i32
          %dma_start3A_483 = arith.constant 0 : i32
          %dma_start3A_484 = arith.constant 0 : i32
          %dma_start3A_485 = tpu.memref_slice %arg7[%dma_start3A_473, %dma_start3A_482, %dma_start3A_483, %dma_start3A_484] : memref<2x8x32x128xf32, #tpu.memory_space<vmem>> -> memref<1x2x32x128xf32, #tpu.memory_space<vmem>>
          %dma_start3A_486 = tpu.memref_squeeze %dma_start3A_485 : memref<1x2x32x128xf32, #tpu.memory_space<vmem>> -> memref<2x32x128xf32, #tpu.memory_space<vmem>>
          %dma_start3A_487 = arith.constant 0 : i32
          %dma_start3A_488 = arith.constant 0 : i32
          %dma_start3A_489 = tpu.memref_slice %arg2[%add3A_472, %dma_start3A_487, %dma_start3A_488] : memref<10000x32x128xf32, #tpu.memory_space<hbm>> -> memref<2x32x128xf32, #tpu.memory_space<hbm>>
          tpu.enqueue_dma source(%dma_start3A_489 : memref<2x32x128xf32, #tpu.memory_space<hbm>>) target(%dma_start3A_486 : memref<2x32x128xf32, #tpu.memory_space<vmem>>) target_semaphore(%arg12 : memref<!tpu.dma_semaphore, #tpu.memory_space<semaphore_mem>>)
          %dma_start3A_490 = arith.constant 0 : i32
          %dma_start3A_491 = arith.constant 0 : i32
          %dma_start3A_492 = arith.constant 0 : i32
          %dma_start3A_493 = arith.constant 0 : i32
          %dma_start3A_494 = tpu.memref_slice %arg8[%dma_start3A_490, %dma_start3A_491, %dma_start3A_492, %dma_start3A_493] : memref<2x8x1x128xf32, #tpu.memory_space<vmem>> -> memref<1x8x1x128xf32, #tpu.memory_space<vmem>>
          %dma_start3A_495 = tpu.memref_squeeze %dma_start3A_494 : memref<1x8x1x128xf32, #tpu.memory_space<vmem>> -> memref<8x1x128xf32, #tpu.memory_space<vmem>>
          %dma_start3A_496 = arith.constant 0 : i32
          %dma_start3A_497 = arith.constant 0 : i32
          %dma_start3A_498 = tpu.memref_slice %arg3[%min3A_413, %dma_start3A_496, %dma_start3A_497] : memref<10000x1x128xf32, #tpu.memory_space<hbm>> -> memref<8x1x128xf32, #tpu.memory_space<hbm>>
          %dma_start3A_499 = arith.constant 0 : i32
          %dma_start3A_500 = arith.constant 0 : i32
          %dma_start3A_501 = arith.constant 0 : i32
          %dma_start3A_502 = tpu.memref_slice %arg8[%dma_start3A_490, %dma_start3A_499, %dma_start3A_500, %dma_start3A_501] : memref<2x8x1x128xf32, #tpu.memory_space<vmem>> -> memref<1x8x1x128xf32, #tpu.memory_space<vmem>>
          %dma_start3A_503 = tpu.memref_squeeze %dma_start3A_502 : memref<1x8x1x128xf32, #tpu.memory_space<vmem>> -> memref<8x1x128xf32, #tpu.memory_space<vmem>>
          %dma_start3A_504 = arith.constant 0 : i32
          %dma_start3A_505 = arith.constant 0 : i32
          %dma_start3A_506 = tpu.memref_slice %arg3[%min3A_413, %dma_start3A_504, %dma_start3A_505] : memref<10000x1x128xf32, #tpu.memory_space<hbm>> -> memref<8x1x128xf32, #tpu.memory_space<hbm>>
          tpu.enqueue_dma source(%dma_start3A_506 : memref<8x1x128xf32, #tpu.memory_space<hbm>>) target(%dma_start3A_503 : memref<8x1x128xf32, #tpu.memory_space<vmem>>) target_semaphore(%arg14 : memref<!tpu.dma_semaphore, #tpu.memory_space<semaphore_mem>>)
        } else {
        }
        %dma_start3A_391 = arith.constant 0 : i32
        %dma_start3A_392 = arith.constant 0 : i32
        %dma_start3A_393 = arith.constant 0 : i32
        %dma_start3A_394 = arith.constant 0 : i32
        %dma_start3A_395 = tpu.memref_slice %arg11[%dma_start3A_391, %dma_start3A_392, %dma_start3A_393, %dma_start3A_394] : memref<2x8x1x128xf32, #tpu.memory_space<vmem>> -> memref<1x8x1x128xf32, #tpu.memory_space<vmem>>
        %dma_start3A_396 = tpu.memref_squeeze %dma_start3A_395 : memref<1x8x1x128xf32, #tpu.memory_space<vmem>> -> memref<8x1x128xf32, #tpu.memory_space<vmem>>
        %dma_start3A_397 = arith.constant 0 : i32
        %dma_start3A_398 = arith.constant 0 : i32
        %dma_start3A_399 = tpu.memref_slice %arg5[%min3A_280, %dma_start3A_397, %dma_start3A_398] : memref<10000x1x128xf32, #tpu.memory_space<hbm>> -> memref<8x1x128xf32, #tpu.memory_space<hbm>>
        %dma_start3A_400 = arith.constant 0 : i32
        %dma_start3A_401 = arith.constant 0 : i32
        %dma_start3A_402 = tpu.memref_slice %arg5[%min3A_280, %dma_start3A_400, %dma_start3A_401] : memref<10000x1x128xf32, #tpu.memory_space<hbm>> -> memref<8x1x128xf32, #tpu.memory_space<hbm>>
        %dma_start3A_403 = arith.constant 0 : i32
        %dma_start3A_404 = arith.constant 0 : i32
        %dma_start3A_405 = arith.constant 0 : i32
        %dma_start3A_406 = tpu.memref_slice %arg11[%dma_start3A_391, %dma_start3A_403, %dma_start3A_404, %dma_start3A_405] : memref<2x8x1x128xf32, #tpu.memory_space<vmem>> -> memref<1x8x1x128xf32, #tpu.memory_space<vmem>>
        %dma_start3A_407 = tpu.memref_squeeze %dma_start3A_406 : memref<1x8x1x128xf32, #tpu.memory_space<vmem>> -> memref<8x1x128xf32, #tpu.memory_space<vmem>>
        tpu.enqueue_dma source(%dma_start3A_407 : memref<8x1x128xf32, #tpu.memory_space<vmem>>) target(%dma_start3A_402 : memref<8x1x128xf32, #tpu.memory_space<hbm>>) target_semaphore(%arg16 : memref<!tpu.dma_semaphore, #tpu.memory_space<semaphore_mem>>)
      } else {
      }
      %add3A_271 = arith.constant 1 : i32
      %add3A_272 = arith.addi %add3A_265, %add3A_271 : i32
      %lt3A_273 = arith.cmpi slt, %add3A_272, %shift_right_arithmetic3A_9 : i32
      %convert_element_type3A_274 = arith.extui %lt3A_273 : i1 to i32
      %cond3A_275 = arith.constant 0 : i32
      %cond3A_276 = arith.cmpi ne, %convert_element_type3A_274, %cond3A_275 : i32
      scf.if %cond3A_276 {
        %mul3A_277 = arith.constant 8 : i32
        %mul3A_278 = arith.muli %add3A_272, %mul3A_277 : i32
        %add3A_279 = arith.addi %mul3A_2, %mul3A_278 : i32
        %min3A_280 = arith.minsi %add3A_279, %sub3A_12 : i32
        %mul3A_281 = arith.constant 8 : i32
        %mul3A_282 = arith.muli %add3A_272, %mul3A_281 : i32
        %add3A_283 = arith.addi %mul3A_2, %mul3A_282 : i32
        %min3A_284 = arith.minsi %add3A_283, %sub3A_12 : i32
        %add3A_285 = arith.constant 0 : i32
        %add3A_286 = arith.addi %min3A_284, %add3A_285 : i32
        %dma_wait3A = arith.constant 1 : i32
        %dma_wait3A_287 = arith.constant 0 : i32
        %dma_wait3A_288 = arith.constant 0 : i32
        %dma_wait3A_289 = arith.constant 0 : i32
        %dma_wait3A_290 = tpu.memref_slice %arg7[%dma_wait3A, %dma_wait3A_287, %dma_wait3A_288, %dma_wait3A_289] : memref<2x8x32x128xf32, #tpu.memory_space<vmem>> -> memref<1x2x32x128xf32, #tpu.memory_space<vmem>>
        %dma_wait3A_291 = tpu.memref_squeeze %dma_wait3A_290 : memref<1x2x32x128xf32, #tpu.memory_space<vmem>> -> memref<2x32x128xf32, #tpu.memory_space<vmem>>
        %dma_wait3A_292 = arith.constant 0 : i32
        %dma_wait3A_293 = arith.constant 0 : i32
        %dma_wait3A_294 = tpu.memref_slice %arg2[%add3A_286, %dma_wait3A_292, %dma_wait3A_293] : memref<10000x32x128xf32, #tpu.memory_space<hbm>> -> memref<2x32x128xf32, #tpu.memory_space<hbm>>
        %dma_wait3A_295 = arith.constant 0 : i32
        %dma_wait3A_296 = arith.constant 0 : i32
        %dma_wait3A_297 = arith.constant 0 : i32
        %dma_wait3A_298 = tpu.memref_slice %arg7[%dma_wait3A, %dma_wait3A_295, %dma_wait3A_296, %dma_wait3A_297] : memref<2x8x32x128xf32, #tpu.memory_space<vmem>> -> memref<1x2x32x128xf32, #tpu.memory_space<vmem>>
        %dma_wait3A_299 = tpu.memref_squeeze %dma_wait3A_298 : memref<1x2x32x128xf32, #tpu.memory_space<vmem>> -> memref<2x32x128xf32, #tpu.memory_space<vmem>>
        %dma_wait3A_300 = arith.constant 0 : i32
        %dma_wait3A_301 = arith.constant 0 : i32
        %dma_wait3A_302 = tpu.memref_slice %arg2[%add3A_286, %dma_wait3A_300, %dma_wait3A_301] : memref<10000x32x128xf32, #tpu.memory_space<hbm>> -> memref<2x32x128xf32, #tpu.memory_space<hbm>>
        tpu.wait_dma2 semaphore(%arg13 : memref<!tpu.dma_semaphore, #tpu.memory_space<semaphore_mem>>) src(%dma_wait3A_302 : memref<2x32x128xf32, #tpu.memory_space<hbm>>) dst(%dma_wait3A_299 : memref<2x32x128xf32, #tpu.memory_space<vmem>>)
        %add3A_303 = arith.constant 2 : i32
        %add3A_304 = arith.addi %min3A_284, %add3A_303 : i32
        %dma_wait3A_305 = arith.constant 1 : i32
        %dma_wait3A_306 = arith.constant 2 : i32
        %dma_wait3A_307 = arith.constant 0 : i32
        %dma_wait3A_308 = arith.constant 0 : i32
        %dma_wait3A_309 = tpu.memref_slice %arg7[%dma_wait3A_305, %dma_wait3A_306, %dma_wait3A_307, %dma_wait3A_308] : memref<2x8x32x128xf32, #tpu.memory_space<vmem>> -> memref<1x2x32x128xf32, #tpu.memory_space<vmem>>
        %dma_wait3A_310 = tpu.memref_squeeze %dma_wait3A_309 : memref<1x2x32x128xf32, #tpu.memory_space<vmem>> -> memref<2x32x128xf32, #tpu.memory_space<vmem>>
        %dma_wait3A_311 = arith.constant 0 : i32
        %dma_wait3A_312 = arith.constant 0 : i32
        %dma_wait3A_313 = tpu.memref_slice %arg2[%add3A_304, %dma_wait3A_311, %dma_wait3A_312] : memref<10000x32x128xf32, #tpu.memory_space<hbm>> -> memref<2x32x128xf32, #tpu.memory_space<hbm>>
        %dma_wait3A_314 = arith.constant 2 : i32
        %dma_wait3A_315 = arith.constant 0 : i32
        %dma_wait3A_316 = arith.constant 0 : i32
        %dma_wait3A_317 = tpu.memref_slice %arg7[%dma_wait3A_305, %dma_wait3A_314, %dma_wait3A_315, %dma_wait3A_316] : memref<2x8x32x128xf32, #tpu.memory_space<vmem>> -> memref<1x2x32x128xf32, #tpu.memory_space<vmem>>
        %dma_wait3A_318 = tpu.memref_squeeze %dma_wait3A_317 : memref<1x2x32x128xf32, #tpu.memory_space<vmem>> -> memref<2x32x128xf32, #tpu.memory_space<vmem>>
        %dma_wait3A_319 = arith.constant 0 : i32
        %dma_wait3A_320 = arith.constant 0 : i32
        %dma_wait3A_321 = tpu.memref_slice %arg2[%add3A_304, %dma_wait3A_319, %dma_wait3A_320] : memref<10000x32x128xf32, #tpu.memory_space<hbm>> -> memref<2x32x128xf32, #tpu.memory_space<hbm>>
        tpu.wait_dma2 semaphore(%arg13 : memref<!tpu.dma_semaphore, #tpu.memory_space<semaphore_mem>>) src(%dma_wait3A_321 : memref<2x32x128xf32, #tpu.memory_space<hbm>>) dst(%dma_wait3A_318 : memref<2x32x128xf32, #tpu.memory_space<vmem>>)
        %add3A_322 = arith.constant 4 : i32
        %add3A_323 = arith.addi %min3A_284, %add3A_322 : i32
        %dma_wait3A_324 = arith.constant 1 : i32
        %dma_wait3A_325 = arith.constant 4 : i32
        %dma_wait3A_326 = arith.constant 0 : i32
        %dma_wait3A_327 = arith.constant 0 : i32
        %dma_wait3A_328 = tpu.memref_slice %arg7[%dma_wait3A_324, %dma_wait3A_325, %dma_wait3A_326, %dma_wait3A_327] : memref<2x8x32x128xf32, #tpu.memory_space<vmem>> -> memref<1x2x32x128xf32, #tpu.memory_space<vmem>>
        %dma_wait3A_329 = tpu.memref_squeeze %dma_wait3A_328 : memref<1x2x32x128xf32, #tpu.memory_space<vmem>> -> memref<2x32x128xf32, #tpu.memory_space<vmem>>
        %dma_wait3A_330 = arith.constant 0 : i32
        %dma_wait3A_331 = arith.constant 0 : i32
        %dma_wait3A_332 = tpu.memref_slice %arg2[%add3A_323, %dma_wait3A_330, %dma_wait3A_331] : memref<10000x32x128xf32, #tpu.memory_space<hbm>> -> memref<2x32x128xf32, #tpu.memory_space<hbm>>
        %dma_wait3A_333 = arith.constant 4 : i32
        %dma_wait3A_334 = arith.constant 0 : i32
        %dma_wait3A_335 = arith.constant 0 : i32
        %dma_wait3A_336 = tpu.memref_slice %arg7[%dma_wait3A_324, %dma_wait3A_333, %dma_wait3A_334, %dma_wait3A_335] : memref<2x8x32x128xf32, #tpu.memory_space<vmem>> -> memref<1x2x32x128xf32, #tpu.memory_space<vmem>>
        %dma_wait3A_337 = tpu.memref_squeeze %dma_wait3A_336 : memref<1x2x32x128xf32, #tpu.memory_space<vmem>> -> memref<2x32x128xf32, #tpu.memory_space<vmem>>
        %dma_wait3A_338 = arith.constant 0 : i32
        %dma_wait3A_339 = arith.constant 0 : i32
        %dma_wait3A_340 = tpu.memref_slice %arg2[%add3A_323, %dma_wait3A_338, %dma_wait3A_339] : memref<10000x32x128xf32, #tpu.memory_space<hbm>> -> memref<2x32x128xf32, #tpu.memory_space<hbm>>
        tpu.wait_dma2 semaphore(%arg13 : memref<!tpu.dma_semaphore, #tpu.memory_space<semaphore_mem>>) src(%dma_wait3A_340 : memref<2x32x128xf32, #tpu.memory_space<hbm>>) dst(%dma_wait3A_337 : memref<2x32x128xf32, #tpu.memory_space<vmem>>)
        %add3A_341 = arith.constant 6 : i32
        %add3A_342 = arith.addi %min3A_284, %add3A_341 : i32
        %dma_wait3A_343 = arith.constant 1 : i32
        %dma_wait3A_344 = arith.constant 6 : i32
        %dma_wait3A_345 = arith.constant 0 : i32
        %dma_wait3A_346 = arith.constant 0 : i32
        %dma_wait3A_347 = tpu.memref_slice %arg7[%dma_wait3A_343, %dma_wait3A_344, %dma_wait3A_345, %dma_wait3A_346] : memref<2x8x32x128xf32, #tpu.memory_space<vmem>> -> memref<1x2x32x128xf32, #tpu.memory_space<vmem>>
        %dma_wait3A_348 = tpu.memref_squeeze %dma_wait3A_347 : memref<1x2x32x128xf32, #tpu.memory_space<vmem>> -> memref<2x32x128xf32, #tpu.memory_space<vmem>>
        %dma_wait3A_349 = arith.constant 0 : i32
        %dma_wait3A_350 = arith.constant 0 : i32
        %dma_wait3A_351 = tpu.memref_slice %arg2[%add3A_342, %dma_wait3A_349, %dma_wait3A_350] : memref<10000x32x128xf32, #tpu.memory_space<hbm>> -> memref<2x32x128xf32, #tpu.memory_space<hbm>>
        %dma_wait3A_352 = arith.constant 6 : i32
        %dma_wait3A_353 = arith.constant 0 : i32
        %dma_wait3A_354 = arith.constant 0 : i32
        %dma_wait3A_355 = tpu.memref_slice %arg7[%dma_wait3A_343, %dma_wait3A_352, %dma_wait3A_353, %dma_wait3A_354] : memref<2x8x32x128xf32, #tpu.memory_space<vmem>> -> memref<1x2x32x128xf32, #tpu.memory_space<vmem>>
        %dma_wait3A_356 = tpu.memref_squeeze %dma_wait3A_355 : memref<1x2x32x128xf32, #tpu.memory_space<vmem>> -> memref<2x32x128xf32, #tpu.memory_space<vmem>>
        %dma_wait3A_357 = arith.constant 0 : i32
        %dma_wait3A_358 = arith.constant 0 : i32
        %dma_wait3A_359 = tpu.memref_slice %arg2[%add3A_342, %dma_wait3A_357, %dma_wait3A_358] : memref<10000x32x128xf32, #tpu.memory_space<hbm>> -> memref<2x32x128xf32, #tpu.memory_space<hbm>>
        tpu.wait_dma2 semaphore(%arg13 : memref<!tpu.dma_semaphore, #tpu.memory_space<semaphore_mem>>) src(%dma_wait3A_359 : memref<2x32x128xf32, #tpu.memory_space<hbm>>) dst(%dma_wait3A_356 : memref<2x32x128xf32, #tpu.memory_space<vmem>>)
        %dma_wait3A_360 = arith.constant 1 : i32
        %dma_wait3A_361 = arith.constant 0 : i32
        %dma_wait3A_362 = arith.constant 0 : i32
        %dma_wait3A_363 = arith.constant 0 : i32
        %dma_wait3A_364 = tpu.memref_slice %arg8[%dma_wait3A_360, %dma_wait3A_361, %dma_wait3A_362, %dma_wait3A_363] : memref<2x8x1x128xf32, #tpu.memory_space<vmem>> -> memref<1x8x1x128xf32, #tpu.memory_space<vmem>>
        %dma_wait3A_365 = tpu.memref_squeeze %dma_wait3A_364 : memref<1x8x1x128xf32, #tpu.memory_space<vmem>> -> memref<8x1x128xf32, #tpu.memory_space<vmem>>
        %dma_wait3A_366 = arith.constant 0 : i32
        %dma_wait3A_367 = arith.constant 0 : i32
        %dma_wait3A_368 = tpu.memref_slice %arg3[%min3A_284, %dma_wait3A_366, %dma_wait3A_367] : memref<10000x1x128xf32, #tpu.memory_space<hbm>> -> memref<8x1x128xf32, #tpu.memory_space<hbm>>
        %dma_wait3A_369 = arith.constant 0 : i32
        %dma_wait3A_370 = arith.constant 0 : i32
        %dma_wait3A_371 = arith.constant 0 : i32
        %dma_wait3A_372 = tpu.memref_slice %arg8[%dma_wait3A_360, %dma_wait3A_369, %dma_wait3A_370, %dma_wait3A_371] : memref<2x8x1x128xf32, #tpu.memory_space<vmem>> -> memref<1x8x1x128xf32, #tpu.memory_space<vmem>>
        %dma_wait3A_373 = tpu.memref_squeeze %dma_wait3A_372 : memref<1x8x1x128xf32, #tpu.memory_space<vmem>> -> memref<8x1x128xf32, #tpu.memory_space<vmem>>
        %dma_wait3A_374 = arith.constant 0 : i32
        %dma_wait3A_375 = arith.constant 0 : i32
        %dma_wait3A_376 = tpu.memref_slice %arg3[%min3A_284, %dma_wait3A_374, %dma_wait3A_375] : memref<10000x1x128xf32, #tpu.memory_space<hbm>> -> memref<8x1x128xf32, #tpu.memory_space<hbm>>
        tpu.wait_dma2 semaphore(%arg15 : memref<!tpu.dma_semaphore, #tpu.memory_space<semaphore_mem>>) src(%dma_wait3A_376 : memref<8x1x128xf32, #tpu.memory_space<hbm>>) dst(%dma_wait3A_373 : memref<8x1x128xf32, #tpu.memory_space<vmem>>)
        %ge3A = arith.constant 2 : i32
        %ge3A_377 = arith.cmpi sge, %add3A_272, %ge3A : i32
        %convert_element_type3A_378 = arith.extui %ge3A_377 : i1 to i32
        %cond3A_379 = arith.constant 0 : i32
        %cond3A_380 = arith.cmpi ne, %convert_element_type3A_378, %cond3A_379 : i32
        scf.if %cond3A_380 {
          %dma_wait3A_408 = arith.constant 1 : i32
          %dma_wait3A_409 = arith.constant 0 : i32
          %dma_wait3A_410 = arith.constant 0 : i32
          %dma_wait3A_411 = arith.constant 0 : i32
          %dma_wait3A_412 = tpu.memref_slice %arg11[%dma_wait3A_408, %dma_wait3A_409, %dma_wait3A_410, %dma_wait3A_411] : memref<2x8x1x128xf32, #tpu.memory_space<vmem>> -> memref<1x8x1x128xf32, #tpu.memory_space<vmem>>
          %dma_wait3A_413 = tpu.memref_squeeze %dma_wait3A_412 : memref<1x8x1x128xf32, #tpu.memory_space<vmem>> -> memref<8x1x128xf32, #tpu.memory_space<vmem>>
          %dma_wait3A_414 = arith.constant 0 : i32
          %dma_wait3A_415 = arith.constant 0 : i32
          %dma_wait3A_416 = tpu.memref_slice %arg5[%mul3A_2, %dma_wait3A_414, %dma_wait3A_415] : memref<10000x1x128xf32, #tpu.memory_space<hbm>> -> memref<8x1x128xf32, #tpu.memory_space<hbm>>
          %dma_wait3A_417 = arith.constant 0 : i32
          %dma_wait3A_418 = arith.constant 0 : i32
          %dma_wait3A_419 = tpu.memref_slice %arg5[%mul3A_2, %dma_wait3A_417, %dma_wait3A_418] : memref<10000x1x128xf32, #tpu.memory_space<hbm>> -> memref<8x1x128xf32, #tpu.memory_space<hbm>>
          %dma_wait3A_420 = arith.constant 0 : i32
          %dma_wait3A_421 = arith.constant 0 : i32
          %dma_wait3A_422 = arith.constant 0 : i32
          %dma_wait3A_423 = tpu.memref_slice %arg11[%dma_wait3A_408, %dma_wait3A_420, %dma_wait3A_421, %dma_wait3A_422] : memref<2x8x1x128xf32, #tpu.memory_space<vmem>> -> memref<1x8x1x128xf32, #tpu.memory_space<vmem>>
          %dma_wait3A_424 = tpu.memref_squeeze %dma_wait3A_423 : memref<1x8x1x128xf32, #tpu.memory_space<vmem>> -> memref<8x1x128xf32, #tpu.memory_space<vmem>>
          tpu.wait_dma2 semaphore(%arg17 : memref<!tpu.dma_semaphore, #tpu.memory_space<semaphore_mem>>) src(%dma_wait3A_424 : memref<8x1x128xf32, #tpu.memory_space<vmem>>) dst(%dma_wait3A_419 : memref<8x1x128xf32, #tpu.memory_space<hbm>>)
        } else {
        }
        %scan3A = arith.constant 0 : i32
        %scan3A_381 = arith.constant 8 : i32
        %scan3A_382 = arith.addi %scan3A, %scan3A_381 : i32
        %scan3A_383 = arith.constant 1 : i32
        scf.for %scan3A_408 = %scan3A to %scan3A_382 step %scan3A_383  : i32 {
          %mul3A_409 = arith.constant 1 : i32
          %mul3A_410 = arith.muli %scan3A_408, %mul3A_409 : i32
          %add3A_411 = arith.constant 0 : i32
          %add3A_412 = arith.addi %add3A_411, %mul3A_410 : i32
          %scan3A_413 = arith.constant 0 : i32
          %scan3A_414 = arith.constant 32 : i32
          %scan3A_415 = arith.addi %scan3A_413, %scan3A_414 : i32
          %scan3A_416 = arith.constant 4 : i32
          scf.for %scan3A_737 = %scan3A_413 to %scan3A_415 step %scan3A_416  : i32 {
            %mul3A_738 = arith.constant 1 : i32
            %mul3A_739 = arith.muli %scan3A_737, %mul3A_738 : i32
            %add3A_740 = arith.constant 0 : i32
            %add3A_741 = arith.addi %add3A_740, %mul3A_739 : i32
            %get3A_742 = arith.constant 1 : i32
            %get3A_743 = arith.index_cast %get3A_742 : i32 to index
            %get3A_744 = arith.index_cast %add3A_412 : i32 to index
            %get3A_745 = arith.index_cast %add3A_741 : i32 to index
            %get3A_746 = arith.constant 0 : index
            %get3A_747 = tpu.vector_load %arg7[%get3A_743, %get3A_744, %get3A_745, %get3A_746] {strides = array<i32>} : memref<2x8x32x128xf32, #tpu.memory_space<vmem>>, vector<16xf32>,
            %mul3A_748 = arith.mulf %get3A_747, %get3A_13 : vector<16xf32>
            %get3A_749 = arith.constant 1 : i32
            %get3A_750 = arith.index_cast %get3A_749 : i32 to index
            %get3A_751 = arith.index_cast %add3A_412 : i32 to index
            %get3A_752 = arith.index_cast %add3A_741 : i32 to index
            %get3A_753 = arith.constant 16 : index
            %get3A_754 = tpu.vector_load %arg7[%get3A_750, %get3A_751, %get3A_752, %get3A_753] {strides = array<i32>} : memref<2x8x32x128xf32, #tpu.memory_space<vmem>>, vector<16xf32>,
            %mul3A_755 = arith.mulf %get3A_754, %get3A_15 : vector<16xf32>
            %get3A_756 = arith.constant 1 : i32
            %get3A_757 = arith.index_cast %get3A_756 : i32 to index
            %get3A_758 = arith.index_cast %add3A_412 : i32 to index
            %get3A_759 = arith.index_cast %add3A_741 : i32 to index
            %get3A_760 = arith.constant 32 : index
            %get3A_761 = tpu.vector_load %arg7[%get3A_757, %get3A_758, %get3A_759, %get3A_760] {strides = array<i32>} : memref<2x8x32x128xf32, #tpu.memory_space<vmem>>, vector<16xf32>,
            %mul3A_762 = arith.mulf %get3A_761, %get3A_17 : vector<16xf32>
            %add3A_763 = arith.addf %mul3A_748, %mul3A_762 : vector<16xf32>
            %get3A_764 = arith.constant 1 : i32
            %get3A_765 = arith.index_cast %get3A_764 : i32 to index
            %get3A_766 = arith.index_cast %add3A_412 : i32 to index
            %get3A_767 = arith.index_cast %add3A_741 : i32 to index
            %get3A_768 = arith.constant 48 : index
            %get3A_769 = tpu.vector_load %arg7[%get3A_765, %get3A_766, %get3A_767, %get3A_768] {strides = array<i32>} : memref<2x8x32x128xf32, #tpu.memory_space<vmem>>, vector<16xf32>,
            %mul3A_770 = arith.mulf %get3A_769, %get3A_19 : vector<16xf32>
            %add3A_771 = arith.addf %mul3A_755, %mul3A_770 : vector<16xf32>
            %get3A_772 = arith.constant 1 : i32
            %get3A_773 = arith.index_cast %get3A_772 : i32 to index
            %get3A_774 = arith.index_cast %add3A_412 : i32 to index
            %get3A_775 = arith.index_cast %add3A_741 : i32 to index
            %get3A_776 = arith.constant 64 : index
            %get3A_777 = tpu.vector_load %arg7[%get3A_773, %get3A_774, %get3A_775, %get3A_776] {strides = array<i32>} : memref<2x8x32x128xf32, #tpu.memory_space<vmem>>, vector<16xf32>,
            %mul3A_778 = arith.mulf %get3A_777, %get3A_21 : vector<16xf32>
            %add3A_779 = arith.addf %add3A_763, %mul3A_778 : vector<16xf32>
            %get3A_780 = arith.constant 1 : i32
            %get3A_781 = arith.index_cast %get3A_780 : i32 to index
            %get3A_782 = arith.index_cast %add3A_412 : i32 to index
            %get3A_783 = arith.index_cast %add3A_741 : i32 to index
            %get3A_784 = arith.constant 80 : index
            %get3A_785 = tpu.vector_load %arg7[%get3A_781, %get3A_782, %get3A_783, %get3A_784] {strides = array<i32>} : memref<2x8x32x128xf32, #tpu.memory_space<vmem>>, vector<16xf32>,
            %mul3A_786 = arith.mulf %get3A_785, %get3A_23 : vector<16xf32>
            %add3A_787 = arith.addf %add3A_771, %mul3A_786 : vector<16xf32>
            %get3A_788 = arith.constant 1 : i32
            %get3A_789 = arith.index_cast %get3A_788 : i32 to index
            %get3A_790 = arith.index_cast %add3A_412 : i32 to index
            %get3A_791 = arith.index_cast %add3A_741 : i32 to index
            %get3A_792 = arith.constant 96 : index
            %get3A_793 = tpu.vector_load %arg7[%get3A_789, %get3A_790, %get3A_791, %get3A_792] {strides = array<i32>} : memref<2x8x32x128xf32, #tpu.memory_space<vmem>>, vector<16xf32>,
            %mul3A_794 = arith.mulf %get3A_793, %get3A_25 : vector<16xf32>
            %add3A_795 = arith.addf %add3A_779, %mul3A_794 : vector<16xf32>
            %get3A_796 = arith.constant 1 : i32
            %get3A_797 = arith.index_cast %get3A_796 : i32 to index
            %get3A_798 = arith.index_cast %add3A_412 : i32 to index
            %get3A_799 = arith.index_cast %add3A_741 : i32 to index
            %get3A_800 = arith.constant 112 : index
            %get3A_801 = tpu.vector_load %arg7[%get3A_797, %get3A_798, %get3A_799, %get3A_800] {strides = array<i32>} : memref<2x8x32x128xf32, #tpu.memory_space<vmem>>, vector<16xf32>,
            %mul3A_802 = arith.mulf %get3A_801, %get3A_27 : vector<16xf32>
            %add3A_803 = arith.addf %add3A_787, %mul3A_802 : vector<16xf32>
            %add3A_804 = arith.addf %add3A_795, %add3A_803 : vector<16xf32>
            %swap3A_805 = arith.index_cast %add3A_412 : i32 to index
            %swap3A_806 = arith.index_cast %add3A_741 : i32 to index
            %swap3A_807 = arith.constant 0 : index
            %swap3A_808 = tpu.vector_load %arg9[%swap3A_805, %swap3A_806, %swap3A_807] {strides = array<i32>} : memref<8x32x16xf32, #tpu.memory_space<vmem>>, vector<16xf32>,
            tpu.vector_store %arg9[%swap3A_805, %swap3A_806, %swap3A_807], %add3A_804 {strides = array<i32>} : memref<8x32x16xf32, #tpu.memory_space<vmem>>, vector<16xf32>,
            %scan3A_809 = arith.constant 1 : i32
            %scan3A_810 = arith.addi %scan3A_737, %scan3A_809 : i32
            %mul3A_811 = arith.constant 1 : i32
            %mul3A_812 = arith.muli %scan3A_810, %mul3A_811 : i32
            %add3A_813 = arith.constant 0 : i32
            %add3A_814 = arith.addi %add3A_813, %mul3A_812 : i32
            %get3A_815 = arith.constant 1 : i32
            %get3A_816 = arith.index_cast %get3A_815 : i32 to index
            %get3A_817 = arith.index_cast %add3A_412 : i32 to index
            %get3A_818 = arith.index_cast %add3A_814 : i32 to index
            %get3A_819 = arith.constant 0 : index
            %get3A_820 = tpu.vector_load %arg7[%get3A_816, %get3A_817, %get3A_818, %get3A_819] {strides = array<i32>} : memref<2x8x32x128xf32, #tpu.memory_space<vmem>>, vector<16xf32>,
            %mul3A_821 = arith.mulf %get3A_820, %get3A_13 : vector<16xf32>
            %get3A_822 = arith.constant 1 : i32
            %get3A_823 = arith.index_cast %get3A_822 : i32 to index
            %get3A_824 = arith.index_cast %add3A_412 : i32 to index
            %get3A_825 = arith.index_cast %add3A_814 : i32 to index
            %get3A_826 = arith.constant 16 : index
            %get3A_827 = tpu.vector_load %arg7[%get3A_823, %get3A_824, %get3A_825, %get3A_826] {strides = array<i32>} : memref<2x8x32x128xf32, #tpu.memory_space<vmem>>, vector<16xf32>,
            %mul3A_828 = arith.mulf %get3A_827, %get3A_15 : vector<16xf32>
            %get3A_829 = arith.constant 1 : i32
            %get3A_830 = arith.index_cast %get3A_829 : i32 to index
            %get3A_831 = arith.index_cast %add3A_412 : i32 to index
            %get3A_832 = arith.index_cast %add3A_814 : i32 to index
            %get3A_833 = arith.constant 32 : index
            %get3A_834 = tpu.vector_load %arg7[%get3A_830, %get3A_831, %get3A_832, %get3A_833] {strides = array<i32>} : memref<2x8x32x128xf32, #tpu.memory_space<vmem>>, vector<16xf32>,
            %mul3A_835 = arith.mulf %get3A_834, %get3A_17 : vector<16xf32>
            %add3A_836 = arith.addf %mul3A_821, %mul3A_835 : vector<16xf32>
            %get3A_837 = arith.constant 1 : i32
            %get3A_838 = arith.index_cast %get3A_837 : i32 to index
            %get3A_839 = arith.index_cast %add3A_412 : i32 to index
            %get3A_840 = arith.index_cast %add3A_814 : i32 to index
            %get3A_841 = arith.constant 48 : index
            %get3A_842 = tpu.vector_load %arg7[%get3A_838, %get3A_839, %get3A_840, %get3A_841] {strides = array<i32>} : memref<2x8x32x128xf32, #tpu.memory_space<vmem>>, vector<16xf32>,
            %mul3A_843 = arith.mulf %get3A_842, %get3A_19 : vector<16xf32>
            %add3A_844 = arith.addf %mul3A_828, %mul3A_843 : vector<16xf32>
            %get3A_845 = arith.constant 1 : i32
            %get3A_846 = arith.index_cast %get3A_845 : i32 to index
            %get3A_847 = arith.index_cast %add3A_412 : i32 to index
            %get3A_848 = arith.index_cast %add3A_814 : i32 to index
            %get3A_849 = arith.constant 64 : index
            %get3A_850 = tpu.vector_load %arg7[%get3A_846, %get3A_847, %get3A_848, %get3A_849] {strides = array<i32>} : memref<2x8x32x128xf32, #tpu.memory_space<vmem>>, vector<16xf32>,
            %mul3A_851 = arith.mulf %get3A_850, %get3A_21 : vector<16xf32>
            %add3A_852 = arith.addf %add3A_836, %mul3A_851 : vector<16xf32>
            %get3A_853 = arith.constant 1 : i32
            %get3A_854 = arith.index_cast %get3A_853 : i32 to index
            %get3A_855 = arith.index_cast %add3A_412 : i32 to index
            %get3A_856 = arith.index_cast %add3A_814 : i32 to index
            %get3A_857 = arith.constant 80 : index
            %get3A_858 = tpu.vector_load %arg7[%get3A_854, %get3A_855, %get3A_856, %get3A_857] {strides = array<i32>} : memref<2x8x32x128xf32, #tpu.memory_space<vmem>>, vector<16xf32>,
            %mul3A_859 = arith.mulf %get3A_858, %get3A_23 : vector<16xf32>
            %add3A_860 = arith.addf %add3A_844, %mul3A_859 : vector<16xf32>
            %get3A_861 = arith.constant 1 : i32
            %get3A_862 = arith.index_cast %get3A_861 : i32 to index
            %get3A_863 = arith.index_cast %add3A_412 : i32 to index
            %get3A_864 = arith.index_cast %add3A_814 : i32 to index
            %get3A_865 = arith.constant 96 : index
            %get3A_866 = tpu.vector_load %arg7[%get3A_862, %get3A_863, %get3A_864, %get3A_865] {strides = array<i32>} : memref<2x8x32x128xf32, #tpu.memory_space<vmem>>, vector<16xf32>,
            %mul3A_867 = arith.mulf %get3A_866, %get3A_25 : vector<16xf32>
            %add3A_868 = arith.addf %add3A_852, %mul3A_867 : vector<16xf32>
            %get3A_869 = arith.constant 1 : i32
            %get3A_870 = arith.index_cast %get3A_869 : i32 to index
            %get3A_871 = arith.index_cast %add3A_412 : i32 to index
            %get3A_872 = arith.index_cast %add3A_814 : i32 to index
            %get3A_873 = arith.constant 112 : index
            %get3A_874 = tpu.vector_load %arg7[%get3A_870, %get3A_871, %get3A_872, %get3A_873] {strides = array<i32>} : memref<2x8x32x128xf32, #tpu.memory_space<vmem>>, vector<16xf32>,
            %mul3A_875 = arith.mulf %get3A_874, %get3A_27 : vector<16xf32>
            %add3A_876 = arith.addf %add3A_860, %mul3A_875 : vector<16xf32>
            %add3A_877 = arith.addf %add3A_868, %add3A_876 : vector<16xf32>
            %swap3A_878 = arith.index_cast %add3A_412 : i32 to index
            %swap3A_879 = arith.index_cast %add3A_814 : i32 to index
            %swap3A_880 = arith.constant 0 : index
            %swap3A_881 = tpu.vector_load %arg9[%swap3A_878, %swap3A_879, %swap3A_880] {strides = array<i32>} : memref<8x32x16xf32, #tpu.memory_space<vmem>>, vector<16xf32>,
            tpu.vector_store %arg9[%swap3A_878, %swap3A_879, %swap3A_880], %add3A_877 {strides = array<i32>} : memref<8x32x16xf32, #tpu.memory_space<vmem>>, vector<16xf32>,
            %scan3A_882 = arith.constant 2 : i32
            %scan3A_883 = arith.addi %scan3A_737, %scan3A_882 : i32
            %mul3A_884 = arith.constant 1 : i32
            %mul3A_885 = arith.muli %scan3A_883, %mul3A_884 : i32
            %add3A_886 = arith.constant 0 : i32
            %add3A_887 = arith.addi %add3A_886, %mul3A_885 : i32
            %get3A_888 = arith.constant 1 : i32
            %get3A_889 = arith.index_cast %get3A_888 : i32 to index
            %get3A_890 = arith.index_cast %add3A_412 : i32 to index
            %get3A_891 = arith.index_cast %add3A_887 : i32 to index
            %get3A_892 = arith.constant 0 : index
            %get3A_893 = tpu.vector_load %arg7[%get3A_889, %get3A_890, %get3A_891, %get3A_892] {strides = array<i32>} : memref<2x8x32x128xf32, #tpu.memory_space<vmem>>, vector<16xf32>,
            %mul3A_894 = arith.mulf %get3A_893, %get3A_13 : vector<16xf32>
            %get3A_895 = arith.constant 1 : i32
            %get3A_896 = arith.index_cast %get3A_895 : i32 to index
            %get3A_897 = arith.index_cast %add3A_412 : i32 to index
            %get3A_898 = arith.index_cast %add3A_887 : i32 to index
            %get3A_899 = arith.constant 16 : index
            %get3A_900 = tpu.vector_load %arg7[%get3A_896, %get3A_897, %get3A_898, %get3A_899] {strides = array<i32>} : memref<2x8x32x128xf32, #tpu.memory_space<vmem>>, vector<16xf32>,
            %mul3A_901 = arith.mulf %get3A_900, %get3A_15 : vector<16xf32>
            %get3A_902 = arith.constant 1 : i32
            %get3A_903 = arith.index_cast %get3A_902 : i32 to index
            %get3A_904 = arith.index_cast %add3A_412 : i32 to index
            %get3A_905 = arith.index_cast %add3A_887 : i32 to index
            %get3A_906 = arith.constant 32 : index
            %get3A_907 = tpu.vector_load %arg7[%get3A_903, %get3A_904, %get3A_905, %get3A_906] {strides = array<i32>} : memref<2x8x32x128xf32, #tpu.memory_space<vmem>>, vector<16xf32>,
            %mul3A_908 = arith.mulf %get3A_907, %get3A_17 : vector<16xf32>
            %add3A_909 = arith.addf %mul3A_894, %mul3A_908 : vector<16xf32>
            %get3A_910 = arith.constant 1 : i32
            %get3A_911 = arith.index_cast %get3A_910 : i32 to index
            %get3A_912 = arith.index_cast %add3A_412 : i32 to index
            %get3A_913 = arith.index_cast %add3A_887 : i32 to index
            %get3A_914 = arith.constant 48 : index
            %get3A_915 = tpu.vector_load %arg7[%get3A_911, %get3A_912, %get3A_913, %get3A_914] {strides = array<i32>} : memref<2x8x32x128xf32, #tpu.memory_space<vmem>>, vector<16xf32>,
            %mul3A_916 = arith.mulf %get3A_915, %get3A_19 : vector<16xf32>
            %add3A_917 = arith.addf %mul3A_901, %mul3A_916 : vector<16xf32>
            %get3A_918 = arith.constant 1 : i32
            %get3A_919 = arith.index_cast %get3A_918 : i32 to index
            %get3A_920 = arith.index_cast %add3A_412 : i32 to index
            %get3A_921 = arith.index_cast %add3A_887 : i32 to index
            %get3A_922 = arith.constant 64 : index
            %get3A_923 = tpu.vector_load %arg7[%get3A_919, %get3A_920, %get3A_921, %get3A_922] {strides = array<i32>} : memref<2x8x32x128xf32, #tpu.memory_space<vmem>>, vector<16xf32>,
            %mul3A_924 = arith.mulf %get3A_923, %get3A_21 : vector<16xf32>
            %add3A_925 = arith.addf %add3A_909, %mul3A_924 : vector<16xf32>
            %get3A_926 = arith.constant 1 : i32
            %get3A_927 = arith.index_cast %get3A_926 : i32 to index
            %get3A_928 = arith.index_cast %add3A_412 : i32 to index
            %get3A_929 = arith.index_cast %add3A_887 : i32 to index
            %get3A_930 = arith.constant 80 : index
            %get3A_931 = tpu.vector_load %arg7[%get3A_927, %get3A_928, %get3A_929, %get3A_930] {strides = array<i32>} : memref<2x8x32x128xf32, #tpu.memory_space<vmem>>, vector<16xf32>,
            %mul3A_932 = arith.mulf %get3A_931, %get3A_23 : vector<16xf32>
            %add3A_933 = arith.addf %add3A_917, %mul3A_932 : vector<16xf32>
            %get3A_934 = arith.constant 1 : i32
            %get3A_935 = arith.index_cast %get3A_934 : i32 to index
            %get3A_936 = arith.index_cast %add3A_412 : i32 to index
            %get3A_937 = arith.index_cast %add3A_887 : i32 to index
            %get3A_938 = arith.constant 96 : index
            %get3A_939 = tpu.vector_load %arg7[%get3A_935, %get3A_936, %get3A_937, %get3A_938] {strides = array<i32>} : memref<2x8x32x128xf32, #tpu.memory_space<vmem>>, vector<16xf32>,
            %mul3A_940 = arith.mulf %get3A_939, %get3A_25 : vector<16xf32>
            %add3A_941 = arith.addf %add3A_925, %mul3A_940 : vector<16xf32>
            %get3A_942 = arith.constant 1 : i32
            %get3A_943 = arith.index_cast %get3A_942 : i32 to index
            %get3A_944 = arith.index_cast %add3A_412 : i32 to index
            %get3A_945 = arith.index_cast %add3A_887 : i32 to index
            %get3A_946 = arith.constant 112 : index
            %get3A_947 = tpu.vector_load %arg7[%get3A_943, %get3A_944, %get3A_945, %get3A_946] {strides = array<i32>} : memref<2x8x32x128xf32, #tpu.memory_space<vmem>>, vector<16xf32>,
            %mul3A_948 = arith.mulf %get3A_947, %get3A_27 : vector<16xf32>
            %add3A_949 = arith.addf %add3A_933, %mul3A_948 : vector<16xf32>
            %add3A_950 = arith.addf %add3A_941, %add3A_949 : vector<16xf32>
            %swap3A_951 = arith.index_cast %add3A_412 : i32 to index
            %swap3A_952 = arith.index_cast %add3A_887 : i32 to index
            %swap3A_953 = arith.constant 0 : index
            %swap3A_954 = tpu.vector_load %arg9[%swap3A_951, %swap3A_952, %swap3A_953] {strides = array<i32>} : memref<8x32x16xf32, #tpu.memory_space<vmem>>, vector<16xf32>,
            tpu.vector_store %arg9[%swap3A_951, %swap3A_952, %swap3A_953], %add3A_950 {strides = array<i32>} : memref<8x32x16xf32, #tpu.memory_space<vmem>>, vector<16xf32>,
            %scan3A_955 = arith.constant 3 : i32
            %scan3A_956 = arith.addi %scan3A_737, %scan3A_955 : i32
            %mul3A_957 = arith.constant 1 : i32
            %mul3A_958 = arith.muli %scan3A_956, %mul3A_957 : i32
            %add3A_959 = arith.constant 0 : i32
            %add3A_960 = arith.addi %add3A_959, %mul3A_958 : i32
            %get3A_961 = arith.constant 1 : i32
            %get3A_962 = arith.index_cast %get3A_961 : i32 to index
            %get3A_963 = arith.index_cast %add3A_412 : i32 to index
            %get3A_964 = arith.index_cast %add3A_960 : i32 to index
            %get3A_965 = arith.constant 0 : index
            %get3A_966 = tpu.vector_load %arg7[%get3A_962, %get3A_963, %get3A_964, %get3A_965] {strides = array<i32>} : memref<2x8x32x128xf32, #tpu.memory_space<vmem>>, vector<16xf32>,
            %mul3A_967 = arith.mulf %get3A_966, %get3A_13 : vector<16xf32>
            %get3A_968 = arith.constant 1 : i32
            %get3A_969 = arith.index_cast %get3A_968 : i32 to index
            %get3A_970 = arith.index_cast %add3A_412 : i32 to index
            %get3A_971 = arith.index_cast %add3A_960 : i32 to index
            %get3A_972 = arith.constant 16 : index
            %get3A_973 = tpu.vector_load %arg7[%get3A_969, %get3A_970, %get3A_971, %get3A_972] {strides = array<i32>} : memref<2x8x32x128xf32, #tpu.memory_space<vmem>>, vector<16xf32>,
            %mul3A_974 = arith.mulf %get3A_973, %get3A_15 : vector<16xf32>
            %get3A_975 = arith.constant 1 : i32
            %get3A_976 = arith.index_cast %get3A_975 : i32 to index
            %get3A_977 = arith.index_cast %add3A_412 : i32 to index
            %get3A_978 = arith.index_cast %add3A_960 : i32 to index
            %get3A_979 = arith.constant 32 : index
            %get3A_980 = tpu.vector_load %arg7[%get3A_976, %get3A_977, %get3A_978, %get3A_979] {strides = array<i32>} : memref<2x8x32x128xf32, #tpu.memory_space<vmem>>, vector<16xf32>,
            %mul3A_981 = arith.mulf %get3A_980, %get3A_17 : vector<16xf32>
            %add3A_982 = arith.addf %mul3A_967, %mul3A_981 : vector<16xf32>
            %get3A_983 = arith.constant 1 : i32
            %get3A_984 = arith.index_cast %get3A_983 : i32 to index
            %get3A_985 = arith.index_cast %add3A_412 : i32 to index
            %get3A_986 = arith.index_cast %add3A_960 : i32 to index
            %get3A_987 = arith.constant 48 : index
            %get3A_988 = tpu.vector_load %arg7[%get3A_984, %get3A_985, %get3A_986, %get3A_987] {strides = array<i32>} : memref<2x8x32x128xf32, #tpu.memory_space<vmem>>, vector<16xf32>,
            %mul3A_989 = arith.mulf %get3A_988, %get3A_19 : vector<16xf32>
            %add3A_990 = arith.addf %mul3A_974, %mul3A_989 : vector<16xf32>
            %get3A_991 = arith.constant 1 : i32
            %get3A_992 = arith.index_cast %get3A_991 : i32 to index
            %get3A_993 = arith.index_cast %add3A_412 : i32 to index
            %get3A_994 = arith.index_cast %add3A_960 : i32 to index
            %get3A_995 = arith.constant 64 : index
            %get3A_996 = tpu.vector_load %arg7[%get3A_992, %get3A_993, %get3A_994, %get3A_995] {strides = array<i32>} : memref<2x8x32x128xf32, #tpu.memory_space<vmem>>, vector<16xf32>,
            %mul3A_997 = arith.mulf %get3A_996, %get3A_21 : vector<16xf32>
            %add3A_998 = arith.addf %add3A_982, %mul3A_997 : vector<16xf32>
            %get3A_999 = arith.constant 1 : i32
            %get3A_1000 = arith.index_cast %get3A_999 : i32 to index
            %get3A_1001 = arith.index_cast %add3A_412 : i32 to index
            %get3A_1002 = arith.index_cast %add3A_960 : i32 to index
            %get3A_1003 = arith.constant 80 : index
            %get3A_1004 = tpu.vector_load %arg7[%get3A_1000, %get3A_1001, %get3A_1002, %get3A_1003] {strides = array<i32>} : memref<2x8x32x128xf32, #tpu.memory_space<vmem>>, vector<16xf32>,
            %mul3A_1005 = arith.mulf %get3A_1004, %get3A_23 : vector<16xf32>
            %add3A_1006 = arith.addf %add3A_990, %mul3A_1005 : vector<16xf32>
            %get3A_1007 = arith.constant 1 : i32
            %get3A_1008 = arith.index_cast %get3A_1007 : i32 to index
            %get3A_1009 = arith.index_cast %add3A_412 : i32 to index
            %get3A_1010 = arith.index_cast %add3A_960 : i32 to index
            %get3A_1011 = arith.constant 96 : index
            %get3A_1012 = tpu.vector_load %arg7[%get3A_1008, %get3A_1009, %get3A_1010, %get3A_1011] {strides = array<i32>} : memref<2x8x32x128xf32, #tpu.memory_space<vmem>>, vector<16xf32>,
            %mul3A_1013 = arith.mulf %get3A_1012, %get3A_25 : vector<16xf32>
            %add3A_1014 = arith.addf %add3A_998, %mul3A_1013 : vector<16xf32>
            %get3A_1015 = arith.constant 1 : i32
            %get3A_1016 = arith.index_cast %get3A_1015 : i32 to index
            %get3A_1017 = arith.index_cast %add3A_412 : i32 to index
            %get3A_1018 = arith.index_cast %add3A_960 : i32 to index
            %get3A_1019 = arith.constant 112 : index
            %get3A_1020 = tpu.vector_load %arg7[%get3A_1016, %get3A_1017, %get3A_1018, %get3A_1019] {strides = array<i32>} : memref<2x8x32x128xf32, #tpu.memory_space<vmem>>, vector<16xf32>,
            %mul3A_1021 = arith.mulf %get3A_1020, %get3A_27 : vector<16xf32>
            %add3A_1022 = arith.addf %add3A_1006, %mul3A_1021 : vector<16xf32>
            %add3A_1023 = arith.addf %add3A_1014, %add3A_1022 : vector<16xf32>
            %swap3A_1024 = arith.index_cast %add3A_412 : i32 to index
            %swap3A_1025 = arith.index_cast %add3A_960 : i32 to index
            %swap3A_1026 = arith.constant 0 : index
            %swap3A_1027 = tpu.vector_load %arg9[%swap3A_1024, %swap3A_1025, %swap3A_1026] {strides = array<i32>} : memref<8x32x16xf32, #tpu.memory_space<vmem>>, vector<16xf32>,
            tpu.vector_store %arg9[%swap3A_1024, %swap3A_1025, %swap3A_1026], %add3A_1023 {strides = array<i32>} : memref<8x32x16xf32, #tpu.memory_space<vmem>>, vector<16xf32>,
          }
          %scan3A_417 = arith.constant 32 : i32
          %get3A_418 = arith.constant 1 : i32
          %get3A_419 = arith.constant 0 : i32
          %get3A_420 = arith.index_cast %get3A_418 : i32 to index
          %get3A_421 = arith.index_cast %add3A_412 : i32 to index
          %get3A_422 = arith.index_cast %get3A_419 : i32 to index
          %get3A_423 = arith.constant 0 : index
          %get3A_424 = tpu.vector_load %arg8[%get3A_420, %get3A_421, %get3A_422, %get3A_423] {strides = array<i32>} : memref<2x8x1x128xf32, #tpu.memory_space<vmem>>, vector<16xf32>,
          %mul3A_425 = arith.mulf %get3A_424, %get3A_29 : vector<16xf32>
          %get3A_426 = arith.constant 1 : i32
          %get3A_427 = arith.constant 0 : i32
          %get3A_428 = arith.index_cast %get3A_426 : i32 to index
          %get3A_429 = arith.index_cast %add3A_412 : i32 to index
          %get3A_430 = arith.index_cast %get3A_427 : i32 to index
          %get3A_431 = arith.constant 16 : index
          %get3A_432 = tpu.vector_load %arg8[%get3A_428, %get3A_429, %get3A_430, %get3A_431] {strides = array<i32>} : memref<2x8x1x128xf32, #tpu.memory_space<vmem>>, vector<16xf32>,
          %mul3A_433 = arith.mulf %get3A_432, %get3A_31 : vector<16xf32>
          %get3A_434 = arith.constant 1 : i32
          %get3A_435 = arith.constant 0 : i32
          %get3A_436 = arith.index_cast %get3A_434 : i32 to index
          %get3A_437 = arith.index_cast %add3A_412 : i32 to index
          %get3A_438 = arith.index_cast %get3A_435 : i32 to index
          %get3A_439 = arith.constant 32 : index
          %get3A_440 = tpu.vector_load %arg8[%get3A_436, %get3A_437, %get3A_438, %get3A_439] {strides = array<i32>} : memref<2x8x1x128xf32, #tpu.memory_space<vmem>>, vector<16xf32>,
          %mul3A_441 = arith.mulf %get3A_440, %get3A_33 : vector<16xf32>
          %add3A_442 = arith.addf %mul3A_425, %mul3A_441 : vector<16xf32>
          %get3A_443 = arith.constant 1 : i32
          %get3A_444 = arith.constant 0 : i32
          %get3A_445 = arith.index_cast %get3A_443 : i32 to index
          %get3A_446 = arith.index_cast %add3A_412 : i32 to index
          %get3A_447 = arith.index_cast %get3A_444 : i32 to index
          %get3A_448 = arith.constant 48 : index
          %get3A_449 = tpu.vector_load %arg8[%get3A_445, %get3A_446, %get3A_447, %get3A_448] {strides = array<i32>} : memref<2x8x1x128xf32, #tpu.memory_space<vmem>>, vector<16xf32>,
          %mul3A_450 = arith.mulf %get3A_449, %get3A_35 : vector<16xf32>
          %add3A_451 = arith.addf %mul3A_433, %mul3A_450 : vector<16xf32>
          %get3A_452 = arith.constant 1 : i32
          %get3A_453 = arith.constant 0 : i32
          %get3A_454 = arith.index_cast %get3A_452 : i32 to index
          %get3A_455 = arith.index_cast %add3A_412 : i32 to index
          %get3A_456 = arith.index_cast %get3A_453 : i32 to index
          %get3A_457 = arith.constant 64 : index
          %get3A_458 = tpu.vector_load %arg8[%get3A_454, %get3A_455, %get3A_456, %get3A_457] {strides = array<i32>} : memref<2x8x1x128xf32, #tpu.memory_space<vmem>>, vector<16xf32>,
          %mul3A_459 = arith.mulf %get3A_458, %get3A_37 : vector<16xf32>
          %add3A_460 = arith.addf %add3A_442, %mul3A_459 : vector<16xf32>
          %get3A_461 = arith.constant 1 : i32
          %get3A_462 = arith.constant 0 : i32
          %get3A_463 = arith.index_cast %get3A_461 : i32 to index
          %get3A_464 = arith.index_cast %add3A_412 : i32 to index
          %get3A_465 = arith.index_cast %get3A_462 : i32 to index
          %get3A_466 = arith.constant 80 : index
          %get3A_467 = tpu.vector_load %arg8[%get3A_463, %get3A_464, %get3A_465, %get3A_466] {strides = array<i32>} : memref<2x8x1x128xf32, #tpu.memory_space<vmem>>, vector<16xf32>,
          %mul3A_468 = arith.mulf %get3A_467, %get3A_39 : vector<16xf32>
          %add3A_469 = arith.addf %add3A_451, %mul3A_468 : vector<16xf32>
          %get3A_470 = arith.constant 1 : i32
          %get3A_471 = arith.constant 0 : i32
          %get3A_472 = arith.index_cast %get3A_470 : i32 to index
          %get3A_473 = arith.index_cast %add3A_412 : i32 to index
          %get3A_474 = arith.index_cast %get3A_471 : i32 to index
          %get3A_475 = arith.constant 96 : index
          %get3A_476 = tpu.vector_load %arg8[%get3A_472, %get3A_473, %get3A_474, %get3A_475] {strides = array<i32>} : memref<2x8x1x128xf32, #tpu.memory_space<vmem>>, vector<16xf32>,
          %mul3A_477 = arith.mulf %get3A_476, %get3A_41 : vector<16xf32>
          %add3A_478 = arith.addf %add3A_460, %mul3A_477 : vector<16xf32>
          %get3A_479 = arith.constant 1 : i32
          %get3A_480 = arith.constant 0 : i32
          %get3A_481 = arith.index_cast %get3A_479 : i32 to index
          %get3A_482 = arith.index_cast %add3A_412 : i32 to index
          %get3A_483 = arith.index_cast %get3A_480 : i32 to index
          %get3A_484 = arith.constant 112 : index
          %get3A_485 = tpu.vector_load %arg8[%get3A_481, %get3A_482, %get3A_483, %get3A_484] {strides = array<i32>} : memref<2x8x1x128xf32, #tpu.memory_space<vmem>>, vector<16xf32>,
          %mul3A_486 = arith.mulf %get3A_485, %get3A_43 : vector<16xf32>
          %add3A_487 = arith.addf %add3A_469, %mul3A_486 : vector<16xf32>
          %add3A_488 = arith.addf %add3A_478, %add3A_487 : vector<16xf32>
          %reduce_sum3A = arith.constant true
          %reduce_sum3A_489 = vector.broadcast %reduce_sum3A : i1 to vector<16xi1>
          %reduce_sum3A_490 = tpu.scan <sum>, %add3A_488 masked %reduce_sum3A_489 : vector<16xf32>, vector<16xi1> -> vector<16xf32>
          %reduce_sum3A_491 = vector.extract %reduce_sum3A_490[15] : f32 from vector<16xf32>
          %add3A_492 = arith.addf %reduce_sum3A_491, %squeeze3A_47 : f32
          %add3A_493 = arith.addf %add3A_492, %squeeze3A : f32
          %broadcast_in_dim3A = vector.broadcast %add3A_412 : i32 to vector<16xi32>
          %broadcast_in_dim3A_494 = arith.constant 0 : i32
          %broadcast_in_dim3A_495 = vector.broadcast %broadcast_in_dim3A_494 : i32 to vector<16xi32>
          %gather3A = tpu.vector_load_idx %arg9[%broadcast_in_dim3A, %iota3A, %broadcast_in_dim3A_495] : memref<8x32x16xf32, #tpu.memory_space<vmem>>[vector<16xi32>, vector<16xi32>, vector<16xi32>], vector<16xf32>,
          %add3A_496 = arith.constant 16 : i32
          %add3A_497 = vector.broadcast %add3A_496 : i32 to vector<16xi32>
          %add3A_498 = arith.addi %iota3A, %add3A_497 : vector<16xi32>
          %gather3A_499 = tpu.vector_load_idx %arg9[%broadcast_in_dim3A, %add3A_498, %broadcast_in_dim3A_495] : memref<8x32x16xf32, #tpu.memory_space<vmem>>[vector<16xi32>, vector<16xi32>, vector<16xi32>], vector<16xf32>,
          %broadcast_in_dim3A_500 = arith.constant 1 : i32
          %broadcast_in_dim3A_501 = vector.broadcast %broadcast_in_dim3A_500 : i32 to vector<16xi32>
          %gather3A_502 = tpu.vector_load_idx %arg9[%broadcast_in_dim3A, %iota3A, %broadcast_in_dim3A_501] : memref<8x32x16xf32, #tpu.memory_space<vmem>>[vector<16xi32>, vector<16xi32>, vector<16xi32>], vector<16xf32>,
          %add3A_503 = arith.constant 16 : i32
          %add3A_504 = vector.broadcast %add3A_503 : i32 to vector<16xi32>
          %add3A_505 = arith.addi %iota3A, %add3A_504 : vector<16xi32>
          %gather3A_506 = tpu.vector_load_idx %arg9[%broadcast_in_dim3A, %add3A_505, %broadcast_in_dim3A_501] : memref<8x32x16xf32, #tpu.memory_space<vmem>>[vector<16xi32>, vector<16xi32>, vector<16xi32>], vector<16xf32>,
          %broadcast_in_dim3A_507 = arith.constant 2 : i32
          %broadcast_in_dim3A_508 = vector.broadcast %broadcast_in_dim3A_507 : i32 to vector<16xi32>
          %gather3A_509 = tpu.vector_load_idx %arg9[%broadcast_in_dim3A, %iota3A, %broadcast_in_dim3A_508] : memref<8x32x16xf32, #tpu.memory_space<vmem>>[vector<16xi32>, vector<16xi32>, vector<16xi32>], vector<16xf32>,
          %add3A_510 = arith.constant 16 : i32
          %add3A_511 = vector.broadcast %add3A_510 : i32 to vector<16xi32>
          %add3A_512 = arith.addi %iota3A, %add3A_511 : vector<16xi32>
          %gather3A_513 = tpu.vector_load_idx %arg9[%broadcast_in_dim3A, %add3A_512, %broadcast_in_dim3A_508] : memref<8x32x16xf32, #tpu.memory_space<vmem>>[vector<16xi32>, vector<16xi32>, vector<16xi32>], vector<16xf32>,
          %broadcast_in_dim3A_514 = arith.constant 3 : i32
          %broadcast_in_dim3A_515 = vector.broadcast %broadcast_in_dim3A_514 : i32 to vector<16xi32>
          %gather3A_516 = tpu.vector_load_idx %arg9[%broadcast_in_dim3A, %iota3A, %broadcast_in_dim3A_515] : memref<8x32x16xf32, #tpu.memory_space<vmem>>[vector<16xi32>, vector<16xi32>, vector<16xi32>], vector<16xf32>,
          %add3A_517 = arith.constant 16 : i32
          %add3A_518 = vector.broadcast %add3A_517 : i32 to vector<16xi32>
          %add3A_519 = arith.addi %iota3A, %add3A_518 : vector<16xi32>
          %gather3A_520 = tpu.vector_load_idx %arg9[%broadcast_in_dim3A, %add3A_519, %broadcast_in_dim3A_515] : memref<8x32x16xf32, #tpu.memory_space<vmem>>[vector<16xi32>, vector<16xi32>, vector<16xi32>], vector<16xf32>,
          %broadcast_in_dim3A_521 = arith.constant 4 : i32
          %broadcast_in_dim3A_522 = vector.broadcast %broadcast_in_dim3A_521 : i32 to vector<16xi32>
          %gather3A_523 = tpu.vector_load_idx %arg9[%broadcast_in_dim3A, %iota3A, %broadcast_in_dim3A_522] : memref<8x32x16xf32, #tpu.memory_space<vmem>>[vector<16xi32>, vector<16xi32>, vector<16xi32>], vector<16xf32>,
          %add3A_524 = arith.constant 16 : i32
          %add3A_525 = vector.broadcast %add3A_524 : i32 to vector<16xi32>
          %add3A_526 = arith.addi %iota3A, %add3A_525 : vector<16xi32>
          %gather3A_527 = tpu.vector_load_idx %arg9[%broadcast_in_dim3A, %add3A_526, %broadcast_in_dim3A_522] : memref<8x32x16xf32, #tpu.memory_space<vmem>>[vector<16xi32>, vector<16xi32>, vector<16xi32>], vector<16xf32>,
          %add3A_528 = arith.addf %gather3A, %gather3A_523 : vector<16xf32>
          %add3A_529 = arith.addf %gather3A_499, %gather3A_527 : vector<16xf32>
          %broadcast_in_dim3A_530 = arith.constant 5 : i32
          %broadcast_in_dim3A_531 = vector.broadcast %broadcast_in_dim3A_530 : i32 to vector<16xi32>
          %gather3A_532 = tpu.vector_load_idx %arg9[%broadcast_in_dim3A, %iota3A, %broadcast_in_dim3A_531] : memref<8x32x16xf32, #tpu.memory_space<vmem>>[vector<16xi32>, vector<16xi32>, vector<16xi32>], vector<16xf32>,
          %add3A_533 = arith.constant 16 : i32
          %add3A_534 = vector.broadcast %add3A_533 : i32 to vector<16xi32>
          %add3A_535 = arith.addi %iota3A, %add3A_534 : vector<16xi32>
          %gather3A_536 = tpu.vector_load_idx %arg9[%broadcast_in_dim3A, %add3A_535, %broadcast_in_dim3A_531] : memref<8x32x16xf32, #tpu.memory_space<vmem>>[vector<16xi32>, vector<16xi32>, vector<16xi32>], vector<16xf32>,
          %add3A_537 = arith.addf %gather3A_502, %gather3A_532 : vector<16xf32>
          %add3A_538 = arith.addf %gather3A_506, %gather3A_536 : vector<16xf32>
          %broadcast_in_dim3A_539 = arith.constant 6 : i32
          %broadcast_in_dim3A_540 = vector.broadcast %broadcast_in_dim3A_539 : i32 to vector<16xi32>
          %gather3A_541 = tpu.vector_load_idx %arg9[%broadcast_in_dim3A, %iota3A, %broadcast_in_dim3A_540] : memref<8x32x16xf32, #tpu.memory_space<vmem>>[vector<16xi32>, vector<16xi32>, vector<16xi32>], vector<16xf32>,
          %add3A_542 = arith.constant 16 : i32
          %add3A_543 = vector.broadcast %add3A_542 : i32 to vector<16xi32>
          %add3A_544 = arith.addi %iota3A, %add3A_543 : vector<16xi32>
          %gather3A_545 = tpu.vector_load_idx %arg9[%broadcast_in_dim3A, %add3A_544, %broadcast_in_dim3A_540] : memref<8x32x16xf32, #tpu.memory_space<vmem>>[vector<16xi32>, vector<16xi32>, vector<16xi32>], vector<16xf32>,
          %add3A_546 = arith.addf %gather3A_509, %gather3A_541 : vector<16xf32>
          %add3A_547 = arith.addf %gather3A_513, %gather3A_545 : vector<16xf32>
          %broadcast_in_dim3A_548 = arith.constant 7 : i32
          %broadcast_in_dim3A_549 = vector.broadcast %broadcast_in_dim3A_548 : i32 to vector<16xi32>
          %gather3A_550 = tpu.vector_load_idx %arg9[%broadcast_in_dim3A, %iota3A, %broadcast_in_dim3A_549] : memref<8x32x16xf32, #tpu.memory_space<vmem>>[vector<16xi32>, vector<16xi32>, vector<16xi32>], vector<16xf32>,
          %add3A_551 = arith.constant 16 : i32
          %add3A_552 = vector.broadcast %add3A_551 : i32 to vector<16xi32>
          %add3A_553 = arith.addi %iota3A, %add3A_552 : vector<16xi32>
          %gather3A_554 = tpu.vector_load_idx %arg9[%broadcast_in_dim3A, %add3A_553, %broadcast_in_dim3A_549] : memref<8x32x16xf32, #tpu.memory_space<vmem>>[vector<16xi32>, vector<16xi32>, vector<16xi32>], vector<16xf32>,
          %add3A_555 = arith.addf %gather3A_516, %gather3A_550 : vector<16xf32>
          %add3A_556 = arith.addf %gather3A_520, %gather3A_554 : vector<16xf32>
          %broadcast_in_dim3A_557 = arith.constant 8 : i32
          %broadcast_in_dim3A_558 = vector.broadcast %broadcast_in_dim3A_557 : i32 to vector<16xi32>
          %gather3A_559 = tpu.vector_load_idx %arg9[%broadcast_in_dim3A, %iota3A, %broadcast_in_dim3A_558] : memref<8x32x16xf32, #tpu.memory_space<vmem>>[vector<16xi32>, vector<16xi32>, vector<16xi32>], vector<16xf32>,
          %add3A_560 = arith.constant 16 : i32
          %add3A_561 = vector.broadcast %add3A_560 : i32 to vector<16xi32>
          %add3A_562 = arith.addi %iota3A, %add3A_561 : vector<16xi32>
          %gather3A_563 = tpu.vector_load_idx %arg9[%broadcast_in_dim3A, %add3A_562, %broadcast_in_dim3A_558] : memref<8x32x16xf32, #tpu.memory_space<vmem>>[vector<16xi32>, vector<16xi32>, vector<16xi32>], vector<16xf32>,
          %add3A_564 = arith.addf %add3A_528, %gather3A_559 : vector<16xf32>
          %add3A_565 = arith.addf %add3A_529, %gather3A_563 : vector<16xf32>
          %broadcast_in_dim3A_566 = arith.constant 9 : i32
          %broadcast_in_dim3A_567 = vector.broadcast %broadcast_in_dim3A_566 : i32 to vector<16xi32>
          %gather3A_568 = tpu.vector_load_idx %arg9[%broadcast_in_dim3A, %iota3A, %broadcast_in_dim3A_567] : memref<8x32x16xf32, #tpu.memory_space<vmem>>[vector<16xi32>, vector<16xi32>, vector<16xi32>], vector<16xf32>,
          %add3A_569 = arith.constant 16 : i32
          %add3A_570 = vector.broadcast %add3A_569 : i32 to vector<16xi32>
          %add3A_571 = arith.addi %iota3A, %add3A_570 : vector<16xi32>
          %gather3A_572 = tpu.vector_load_idx %arg9[%broadcast_in_dim3A, %add3A_571, %broadcast_in_dim3A_567] : memref<8x32x16xf32, #tpu.memory_space<vmem>>[vector<16xi32>, vector<16xi32>, vector<16xi32>], vector<16xf32>,
          %add3A_573 = arith.addf %add3A_537, %gather3A_568 : vector<16xf32>
          %add3A_574 = arith.addf %add3A_538, %gather3A_572 : vector<16xf32>
          %broadcast_in_dim3A_575 = arith.constant 10 : i32
          %broadcast_in_dim3A_576 = vector.broadcast %broadcast_in_dim3A_575 : i32 to vector<16xi32>
          %gather3A_577 = tpu.vector_load_idx %arg9[%broadcast_in_dim3A, %iota3A, %broadcast_in_dim3A_576] : memref<8x32x16xf32, #tpu.memory_space<vmem>>[vector<16xi32>, vector<16xi32>, vector<16xi32>], vector<16xf32>,
          %add3A_578 = arith.constant 16 : i32
          %add3A_579 = vector.broadcast %add3A_578 : i32 to vector<16xi32>
          %add3A_580 = arith.addi %iota3A, %add3A_579 : vector<16xi32>
          %gather3A_581 = tpu.vector_load_idx %arg9[%broadcast_in_dim3A, %add3A_580, %broadcast_in_dim3A_576] : memref<8x32x16xf32, #tpu.memory_space<vmem>>[vector<16xi32>, vector<16xi32>, vector<16xi32>], vector<16xf32>,
          %add3A_582 = arith.addf %add3A_546, %gather3A_577 : vector<16xf32>
          %add3A_583 = arith.addf %add3A_547, %gather3A_581 : vector<16xf32>
          %broadcast_in_dim3A_584 = arith.constant 11 : i32
          %broadcast_in_dim3A_585 = vector.broadcast %broadcast_in_dim3A_584 : i32 to vector<16xi32>
          %gather3A_586 = tpu.vector_load_idx %arg9[%broadcast_in_dim3A, %iota3A, %broadcast_in_dim3A_585] : memref<8x32x16xf32, #tpu.memory_space<vmem>>[vector<16xi32>, vector<16xi32>, vector<16xi32>], vector<16xf32>,
          %add3A_587 = arith.constant 16 : i32
          %add3A_588 = vector.broadcast %add3A_587 : i32 to vector<16xi32>
          %add3A_589 = arith.addi %iota3A, %add3A_588 : vector<16xi32>
          %gather3A_590 = tpu.vector_load_idx %arg9[%broadcast_in_dim3A, %add3A_589, %broadcast_in_dim3A_585] : memref<8x32x16xf32, #tpu.memory_space<vmem>>[vector<16xi32>, vector<16xi32>, vector<16xi32>], vector<16xf32>,
          %add3A_591 = arith.addf %add3A_555, %gather3A_586 : vector<16xf32>
          %add3A_592 = arith.addf %add3A_556, %gather3A_590 : vector<16xf32>
          %broadcast_in_dim3A_593 = arith.constant 12 : i32
          %broadcast_in_dim3A_594 = vector.broadcast %broadcast_in_dim3A_593 : i32 to vector<16xi32>
          %gather3A_595 = tpu.vector_load_idx %arg9[%broadcast_in_dim3A, %iota3A, %broadcast_in_dim3A_594] : memref<8x32x16xf32, #tpu.memory_space<vmem>>[vector<16xi32>, vector<16xi32>, vector<16xi32>], vector<16xf32>,
          %add3A_596 = arith.constant 16 : i32
          %add3A_597 = vector.broadcast %add3A_596 : i32 to vector<16xi32>
          %add3A_598 = arith.addi %iota3A, %add3A_597 : vector<16xi32>
          %gather3A_599 = tpu.vector_load_idx %arg9[%broadcast_in_dim3A, %add3A_598, %broadcast_in_dim3A_594] : memref<8x32x16xf32, #tpu.memory_space<vmem>>[vector<16xi32>, vector<16xi32>, vector<16xi32>], vector<16xf32>,
          %add3A_600 = arith.addf %add3A_564, %gather3A_595 : vector<16xf32>
          %add3A_601 = arith.addf %add3A_565, %gather3A_599 : vector<16xf32>
          %broadcast_in_dim3A_602 = arith.constant 13 : i32
          %broadcast_in_dim3A_603 = vector.broadcast %broadcast_in_dim3A_602 : i32 to vector<16xi32>
          %gather3A_604 = tpu.vector_load_idx %arg9[%broadcast_in_dim3A, %iota3A, %broadcast_in_dim3A_603] : memref<8x32x16xf32, #tpu.memory_space<vmem>>[vector<16xi32>, vector<16xi32>, vector<16xi32>], vector<16xf32>,
          %add3A_605 = arith.constant 16 : i32
          %add3A_606 = vector.broadcast %add3A_605 : i32 to vector<16xi32>
          %add3A_607 = arith.addi %iota3A, %add3A_606 : vector<16xi32>
          %gather3A_608 = tpu.vector_load_idx %arg9[%broadcast_in_dim3A, %add3A_607, %broadcast_in_dim3A_603] : memref<8x32x16xf32, #tpu.memory_space<vmem>>[vector<16xi32>, vector<16xi32>, vector<16xi32>], vector<16xf32>,
          %add3A_609 = arith.addf %add3A_573, %gather3A_604 : vector<16xf32>
          %add3A_610 = arith.addf %add3A_574, %gather3A_608 : vector<16xf32>
          %broadcast_in_dim3A_611 = arith.constant 14 : i32
          %broadcast_in_dim3A_612 = vector.broadcast %broadcast_in_dim3A_611 : i32 to vector<16xi32>
          %gather3A_613 = tpu.vector_load_idx %arg9[%broadcast_in_dim3A, %iota3A, %broadcast_in_dim3A_612] : memref<8x32x16xf32, #tpu.memory_space<vmem>>[vector<16xi32>, vector<16xi32>, vector<16xi32>], vector<16xf32>,
          %add3A_614 = arith.constant 16 : i32
          %add3A_615 = vector.broadcast %add3A_614 : i32 to vector<16xi32>
          %add3A_616 = arith.addi %iota3A, %add3A_615 : vector<16xi32>
          %gather3A_617 = tpu.vector_load_idx %arg9[%broadcast_in_dim3A, %add3A_616, %broadcast_in_dim3A_612] : memref<8x32x16xf32, #tpu.memory_space<vmem>>[vector<16xi32>, vector<16xi32>, vector<16xi32>], vector<16xf32>,
          %add3A_618 = arith.addf %add3A_582, %gather3A_613 : vector<16xf32>
          %add3A_619 = arith.addf %add3A_583, %gather3A_617 : vector<16xf32>
          %broadcast_in_dim3A_620 = arith.constant 15 : i32
          %broadcast_in_dim3A_621 = vector.broadcast %broadcast_in_dim3A_620 : i32 to vector<16xi32>
          %gather3A_622 = tpu.vector_load_idx %arg9[%broadcast_in_dim3A, %iota3A, %broadcast_in_dim3A_621] : memref<8x32x16xf32, #tpu.memory_space<vmem>>[vector<16xi32>, vector<16xi32>, vector<16xi32>], vector<16xf32>,
          %add3A_623 = arith.constant 16 : i32
          %add3A_624 = vector.broadcast %add3A_623 : i32 to vector<16xi32>
          %add3A_625 = arith.addi %iota3A, %add3A_624 : vector<16xi32>
          %gather3A_626 = tpu.vector_load_idx %arg9[%broadcast_in_dim3A, %add3A_625, %broadcast_in_dim3A_621] : memref<8x32x16xf32, #tpu.memory_space<vmem>>[vector<16xi32>, vector<16xi32>, vector<16xi32>], vector<16xf32>,
          %add3A_627 = arith.addf %add3A_591, %gather3A_622 : vector<16xf32>
          %add3A_628 = arith.addf %add3A_592, %gather3A_626 : vector<16xf32>
          %add3A_629 = arith.addf %add3A_600, %add3A_609 : vector<16xf32>
          %add3A_630 = arith.addf %add3A_618, %add3A_627 : vector<16xf32>
          %add3A_631 = arith.addf %add3A_629, %add3A_630 : vector<16xf32>
          %add3A_632 = vector.broadcast %add3A_493 : f32 to vector<16xf32>
          %add3A_633 = arith.addf %add3A_631, %add3A_632 : vector<16xf32>
          %add3A_634 = arith.addf %add3A_601, %add3A_610 : vector<16xf32>
          %add3A_635 = arith.addf %add3A_619, %add3A_628 : vector<16xf32>
          %add3A_636 = arith.addf %add3A_634, %add3A_635 : vector<16xf32>
          %add3A_637 = vector.broadcast %add3A_493 : f32 to vector<16xf32>
          %add3A_638 = arith.addf %add3A_636, %add3A_637 : vector<16xf32>
          %ge3A_639 = arith.constant 0.000000e+00 : f32
          %ge3A_640 = vector.broadcast %ge3A_639 : f32 to vector<16xf32>
          %ge3A_641 = arith.cmpf oge, %add3A_633, %ge3A_640 : vector<16xf32>
          %mul3A_642 = arith.constant 2.000000e-01 : f32
          %mul3A_643 = vector.broadcast %mul3A_642 : f32 to vector<16xf32>
          %mul3A_644 = arith.mulf %add3A_633, %mul3A_643 : vector<16xf32>
          %select_n3A = arith.select %ge3A_641, %add3A_633, %mul3A_644 : vector<16xi1>, vector<16xf32>
          %ge3A_645 = arith.constant 0.000000e+00 : f32
          %ge3A_646 = vector.broadcast %ge3A_645 : f32 to vector<16xf32>
          %ge3A_647 = arith.cmpf oge, %add3A_638, %ge3A_646 : vector<16xf32>
          %mul3A_648 = arith.constant 2.000000e-01 : f32
          %mul3A_649 = vector.broadcast %mul3A_648 : f32 to vector<16xf32>
          %mul3A_650 = arith.mulf %add3A_638, %mul3A_649 : vector<16xf32>
          %select_n3A_651 = arith.select %ge3A_647, %add3A_638, %mul3A_650 : vector<16xi1>, vector<16xf32>
          %max3A = arith.maximumf %select_n3A, %select_n3A_651 : vector<16xf32>
          %reduce_max3A = arith.constant true
          %reduce_max3A_652 = vector.broadcast %reduce_max3A : i1 to vector<16xi1>
          %reduce_max3A_653 = tpu.scan <max>, %max3A masked %reduce_max3A_652 : vector<16xf32>, vector<16xi1> -> vector<16xf32>
          %reduce_max3A_654 = vector.extract %reduce_max3A_653[15] : f32 from vector<16xf32>
          %sub3A_655 = vector.broadcast %reduce_max3A_654 : f32 to vector<16xf32>
          %sub3A_656 = arith.subf %select_n3A, %sub3A_655 : vector<16xf32>
          %exp3A = math.exp %sub3A_656 : vector<16xf32>
          %sub3A_657 = vector.broadcast %reduce_max3A_654 : f32 to vector<16xf32>
          %sub3A_658 = arith.subf %select_n3A_651, %sub3A_657 : vector<16xf32>
          %exp3A_659 = math.exp %sub3A_658 : vector<16xf32>
          %add3A_660 = arith.addf %exp3A, %exp3A_659 : vector<16xf32>
          %reduce_sum3A_661 = arith.constant true
          %reduce_sum3A_662 = vector.broadcast %reduce_sum3A_661 : i1 to vector<16xi1>
          %reduce_sum3A_663 = tpu.scan <sum>, %add3A_660 masked %reduce_sum3A_662 : vector<16xf32>, vector<16xi1> -> vector<16xf32>
          %reduce_sum3A_664 = vector.extract %reduce_sum3A_663[15] : f32 from vector<16xf32>
          %broadcast_in_dim3A_665 = vector.broadcast %reduce_sum3A_664 : f32 to vector<16xf32>
          %div3A_666 = arith.divf %exp3A, %broadcast_in_dim3A_665 : vector<16xf32>
          %swap3A = arith.index_cast %add3A_412 : i32 to index
          %swap3A_667 = arith.constant 0 : index
          %swap3A_668 = tpu.vector_load %arg10[%swap3A, %swap3A_667] {strides = array<i32>} : memref<8x32xf32, #tpu.memory_space<vmem>>, vector<16xf32>,
          tpu.vector_store %arg10[%swap3A, %swap3A_667], %div3A_666 {strides = array<i32>} : memref<8x32xf32, #tpu.memory_space<vmem>>, vector<16xf32>,
          %div3A_669 = arith.divf %exp3A_659, %broadcast_in_dim3A_665 : vector<16xf32>
          %swap3A_670 = arith.index_cast %add3A_412 : i32 to index
          %swap3A_671 = arith.constant 16 : index
          %swap3A_672 = tpu.vector_load %arg10[%swap3A_670, %swap3A_671] {strides = array<i32>} : memref<8x32xf32, #tpu.memory_space<vmem>>, vector<16xf32>,
          tpu.vector_store %arg10[%swap3A_670, %swap3A_671], %div3A_669 {strides = array<i32>} : memref<8x32xf32, #tpu.memory_space<vmem>>, vector<16xf32>,
          %broadcast_in_dim3A_673 = arith.constant 0.000000e+00 : f32
          %broadcast_in_dim3A_674 = vector.broadcast %broadcast_in_dim3A_673 : f32 to vector<16xf32>
          %scan3A_675 = arith.constant 0 : i32
          %scan3A_676 = arith.constant 32 : i32
          %scan3A_677 = arith.addi %scan3A_675, %scan3A_676 : i32
          %scan3A_678 = arith.constant 4 : i32
          %scan3A_679:8 = scf.for %scan3A_737 = %scan3A_675 to %scan3A_677 step %scan3A_678 iter_args(%scan3A_738 = %broadcast_in_dim3A_674, %scan3A_739 = %broadcast_in_dim3A_674, %scan3A_740 = %broadcast_in_dim3A_674, %scan3A_741 = %broadcast_in_dim3A_674, %scan3A_742 = %broadcast_in_dim3A_674, %scan3A_743 = %broadcast_in_dim3A_674, %scan3A_744 = %broadcast_in_dim3A_674, %scan3A_745 = %broadcast_in_dim3A_674) -> (vector<16xf32>, vector<16xf32>, vector<16xf32>, vector<16xf32>, vector<16xf32>, vector<16xf32>, vector<16xf32>, vector<16xf32>)  : i32 {
            %broadcast_in_dim3A_746 = vector.broadcast %scan3A_737 : i32 to vector<16xi32>
            %gather3A_747 = tpu.vector_load_idx %arg10[%broadcast_in_dim3A, %broadcast_in_dim3A_746] : memref<8x32xf32, #tpu.memory_space<vmem>>[vector<16xi32>, vector<16xi32>], vector<16xf32>,
            %get3A_748 = arith.constant 1 : i32
            %get3A_749 = arith.index_cast %get3A_748 : i32 to index
            %get3A_750 = arith.index_cast %add3A_412 : i32 to index
            %get3A_751 = arith.index_cast %scan3A_737 : i32 to index
            %get3A_752 = arith.constant 0 : index
            %get3A_753 = tpu.vector_load %arg7[%get3A_749, %get3A_750, %get3A_751, %get3A_752] {strides = array<i32>} : memref<2x8x32x128xf32, #tpu.memory_space<vmem>>, vector<16xf32>,
            %mul3A_754 = arith.mulf %gather3A_747, %get3A_753 : vector<16xf32>
            %add3A_755 = arith.addf %scan3A_738, %mul3A_754 : vector<16xf32>
            %get3A_756 = arith.constant 1 : i32
            %get3A_757 = arith.index_cast %get3A_756 : i32 to index
            %get3A_758 = arith.index_cast %add3A_412 : i32 to index
            %get3A_759 = arith.index_cast %scan3A_737 : i32 to index
            %get3A_760 = arith.constant 16 : index
            %get3A_761 = tpu.vector_load %arg7[%get3A_757, %get3A_758, %get3A_759, %get3A_760] {strides = array<i32>} : memref<2x8x32x128xf32, #tpu.memory_space<vmem>>, vector<16xf32>,
            %mul3A_762 = arith.mulf %gather3A_747, %get3A_761 : vector<16xf32>
            %add3A_763 = arith.addf %scan3A_739, %mul3A_762 : vector<16xf32>
            %get3A_764 = arith.constant 1 : i32
            %get3A_765 = arith.index_cast %get3A_764 : i32 to index
            %get3A_766 = arith.index_cast %add3A_412 : i32 to index
            %get3A_767 = arith.index_cast %scan3A_737 : i32 to index
            %get3A_768 = arith.constant 32 : index
            %get3A_769 = tpu.vector_load %arg7[%get3A_765, %get3A_766, %get3A_767, %get3A_768] {strides = array<i32>} : memref<2x8x32x128xf32, #tpu.memory_space<vmem>>, vector<16xf32>,
            %mul3A_770 = arith.mulf %gather3A_747, %get3A_769 : vector<16xf32>
            %add3A_771 = arith.addf %scan3A_740, %mul3A_770 : vector<16xf32>
            %get3A_772 = arith.constant 1 : i32
            %get3A_773 = arith.index_cast %get3A_772 : i32 to index
            %get3A_774 = arith.index_cast %add3A_412 : i32 to index
            %get3A_775 = arith.index_cast %scan3A_737 : i32 to index
            %get3A_776 = arith.constant 48 : index
            %get3A_777 = tpu.vector_load %arg7[%get3A_773, %get3A_774, %get3A_775, %get3A_776] {strides = array<i32>} : memref<2x8x32x128xf32, #tpu.memory_space<vmem>>, vector<16xf32>,
            %mul3A_778 = arith.mulf %gather3A_747, %get3A_777 : vector<16xf32>
            %add3A_779 = arith.addf %scan3A_741, %mul3A_778 : vector<16xf32>
            %get3A_780 = arith.constant 1 : i32
            %get3A_781 = arith.index_cast %get3A_780 : i32 to index
            %get3A_782 = arith.index_cast %add3A_412 : i32 to index
            %get3A_783 = arith.index_cast %scan3A_737 : i32 to index
            %get3A_784 = arith.constant 64 : index
            %get3A_785 = tpu.vector_load %arg7[%get3A_781, %get3A_782, %get3A_783, %get3A_784] {strides = array<i32>} : memref<2x8x32x128xf32, #tpu.memory_space<vmem>>, vector<16xf32>,
            %mul3A_786 = arith.mulf %gather3A_747, %get3A_785 : vector<16xf32>
            %add3A_787 = arith.addf %scan3A_742, %mul3A_786 : vector<16xf32>
            %get3A_788 = arith.constant 1 : i32
            %get3A_789 = arith.index_cast %get3A_788 : i32 to index
            %get3A_790 = arith.index_cast %add3A_412 : i32 to index
            %get3A_791 = arith.index_cast %scan3A_737 : i32 to index
            %get3A_792 = arith.constant 80 : index
            %get3A_793 = tpu.vector_load %arg7[%get3A_789, %get3A_790, %get3A_791, %get3A_792] {strides = array<i32>} : memref<2x8x32x128xf32, #tpu.memory_space<vmem>>, vector<16xf32>,
            %mul3A_794 = arith.mulf %gather3A_747, %get3A_793 : vector<16xf32>
            %add3A_795 = arith.addf %scan3A_743, %mul3A_794 : vector<16xf32>
            %get3A_796 = arith.constant 1 : i32
            %get3A_797 = arith.index_cast %get3A_796 : i32 to index
            %get3A_798 = arith.index_cast %add3A_412 : i32 to index
            %get3A_799 = arith.index_cast %scan3A_737 : i32 to index
            %get3A_800 = arith.constant 96 : index
            %get3A_801 = tpu.vector_load %arg7[%get3A_797, %get3A_798, %get3A_799, %get3A_800] {strides = array<i32>} : memref<2x8x32x128xf32, #tpu.memory_space<vmem>>, vector<16xf32>,
            %mul3A_802 = arith.mulf %gather3A_747, %get3A_801 : vector<16xf32>
            %add3A_803 = arith.addf %scan3A_744, %mul3A_802 : vector<16xf32>
            %get3A_804 = arith.constant 1 : i32
            %get3A_805 = arith.index_cast %get3A_804 : i32 to index
            %get3A_806 = arith.index_cast %add3A_412 : i32 to index
            %get3A_807 = arith.index_cast %scan3A_737 : i32 to index
            %get3A_808 = arith.constant 112 : index
            %get3A_809 = tpu.vector_load %arg7[%get3A_805, %get3A_806, %get3A_807, %get3A_808] {strides = array<i32>} : memref<2x8x32x128xf32, #tpu.memory_space<vmem>>, vector<16xf32>,
            %mul3A_810 = arith.mulf %gather3A_747, %get3A_809 : vector<16xf32>
            %add3A_811 = arith.addf %scan3A_745, %mul3A_810 : vector<16xf32>
            %scan3A_812 = arith.constant 1 : i32
            %scan3A_813 = arith.addi %scan3A_737, %scan3A_812 : i32
            %broadcast_in_dim3A_814 = vector.broadcast %scan3A_813 : i32 to vector<16xi32>
            %gather3A_815 = tpu.vector_load_idx %arg10[%broadcast_in_dim3A, %broadcast_in_dim3A_814] : memref<8x32xf32, #tpu.memory_space<vmem>>[vector<16xi32>, vector<16xi32>], vector<16xf32>,
            %get3A_816 = arith.constant 1 : i32
            %get3A_817 = arith.index_cast %get3A_816 : i32 to index
            %get3A_818 = arith.index_cast %add3A_412 : i32 to index
            %get3A_819 = arith.index_cast %scan3A_813 : i32 to index
            %get3A_820 = arith.constant 0 : index
            %get3A_821 = tpu.vector_load %arg7[%get3A_817, %get3A_818, %get3A_819, %get3A_820] {strides = array<i32>} : memref<2x8x32x128xf32, #tpu.memory_space<vmem>>, vector<16xf32>,
            %mul3A_822 = arith.mulf %gather3A_815, %get3A_821 : vector<16xf32>
            %add3A_823 = arith.addf %add3A_755, %mul3A_822 : vector<16xf32>
            %get3A_824 = arith.constant 1 : i32
            %get3A_825 = arith.index_cast %get3A_824 : i32 to index
            %get3A_826 = arith.index_cast %add3A_412 : i32 to index
            %get3A_827 = arith.index_cast %scan3A_813 : i32 to index
            %get3A_828 = arith.constant 16 : index
            %get3A_829 = tpu.vector_load %arg7[%get3A_825, %get3A_826, %get3A_827, %get3A_828] {strides = array<i32>} : memref<2x8x32x128xf32, #tpu.memory_space<vmem>>, vector<16xf32>,
            %mul3A_830 = arith.mulf %gather3A_815, %get3A_829 : vector<16xf32>
            %add3A_831 = arith.addf %add3A_763, %mul3A_830 : vector<16xf32>
            %get3A_832 = arith.constant 1 : i32
            %get3A_833 = arith.index_cast %get3A_832 : i32 to index
            %get3A_834 = arith.index_cast %add3A_412 : i32 to index
            %get3A_835 = arith.index_cast %scan3A_813 : i32 to index
            %get3A_836 = arith.constant 32 : index
            %get3A_837 = tpu.vector_load %arg7[%get3A_833, %get3A_834, %get3A_835, %get3A_836] {strides = array<i32>} : memref<2x8x32x128xf32, #tpu.memory_space<vmem>>, vector<16xf32>,
            %mul3A_838 = arith.mulf %gather3A_815, %get3A_837 : vector<16xf32>
            %add3A_839 = arith.addf %add3A_771, %mul3A_838 : vector<16xf32>
            %get3A_840 = arith.constant 1 : i32
            %get3A_841 = arith.index_cast %get3A_840 : i32 to index
            %get3A_842 = arith.index_cast %add3A_412 : i32 to index
            %get3A_843 = arith.index_cast %scan3A_813 : i32 to index
            %get3A_844 = arith.constant 48 : index
            %get3A_845 = tpu.vector_load %arg7[%get3A_841, %get3A_842, %get3A_843, %get3A_844] {strides = array<i32>} : memref<2x8x32x128xf32, #tpu.memory_space<vmem>>, vector<16xf32>,
            %mul3A_846 = arith.mulf %gather3A_815, %get3A_845 : vector<16xf32>
            %add3A_847 = arith.addf %add3A_779, %mul3A_846 : vector<16xf32>
            %get3A_848 = arith.constant 1 : i32
            %get3A_849 = arith.index_cast %get3A_848 : i32 to index
            %get3A_850 = arith.index_cast %add3A_412 : i32 to index
            %get3A_851 = arith.index_cast %scan3A_813 : i32 to index
            %get3A_852 = arith.constant 64 : index
            %get3A_853 = tpu.vector_load %arg7[%get3A_849, %get3A_850, %get3A_851, %get3A_852] {strides = array<i32>} : memref<2x8x32x128xf32, #tpu.memory_space<vmem>>, vector<16xf32>,
            %mul3A_854 = arith.mulf %gather3A_815, %get3A_853 : vector<16xf32>
            %add3A_855 = arith.addf %add3A_787, %mul3A_854 : vector<16xf32>
            %get3A_856 = arith.constant 1 : i32
            %get3A_857 = arith.index_cast %get3A_856 : i32 to index
            %get3A_858 = arith.index_cast %add3A_412 : i32 to index
            %get3A_859 = arith.index_cast %scan3A_813 : i32 to index
            %get3A_860 = arith.constant 80 : index
            %get3A_861 = tpu.vector_load %arg7[%get3A_857, %get3A_858, %get3A_859, %get3A_860] {strides = array<i32>} : memref<2x8x32x128xf32, #tpu.memory_space<vmem>>, vector<16xf32>,
            %mul3A_862 = arith.mulf %gather3A_815, %get3A_861 : vector<16xf32>
            %add3A_863 = arith.addf %add3A_795, %mul3A_862 : vector<16xf32>
            %get3A_864 = arith.constant 1 : i32
            %get3A_865 = arith.index_cast %get3A_864 : i32 to index
            %get3A_866 = arith.index_cast %add3A_412 : i32 to index
            %get3A_867 = arith.index_cast %scan3A_813 : i32 to index
            %get3A_868 = arith.constant 96 : index
            %get3A_869 = tpu.vector_load %arg7[%get3A_865, %get3A_866, %get3A_867, %get3A_868] {strides = array<i32>} : memref<2x8x32x128xf32, #tpu.memory_space<vmem>>, vector<16xf32>,
            %mul3A_870 = arith.mulf %gather3A_815, %get3A_869 : vector<16xf32>
            %add3A_871 = arith.addf %add3A_803, %mul3A_870 : vector<16xf32>
            %get3A_872 = arith.constant 1 : i32
            %get3A_873 = arith.index_cast %get3A_872 : i32 to index
            %get3A_874 = arith.index_cast %add3A_412 : i32 to index
            %get3A_875 = arith.index_cast %scan3A_813 : i32 to index
            %get3A_876 = arith.constant 112 : index
            %get3A_877 = tpu.vector_load %arg7[%get3A_873, %get3A_874, %get3A_875, %get3A_876] {strides = array<i32>} : memref<2x8x32x128xf32, #tpu.memory_space<vmem>>, vector<16xf32>,
            %mul3A_878 = arith.mulf %gather3A_815, %get3A_877 : vector<16xf32>
            %add3A_879 = arith.addf %add3A_811, %mul3A_878 : vector<16xf32>
            %scan3A_880 = arith.constant 2 : i32
            %scan3A_881 = arith.addi %scan3A_737, %scan3A_880 : i32
            %broadcast_in_dim3A_882 = vector.broadcast %scan3A_881 : i32 to vector<16xi32>
            %gather3A_883 = tpu.vector_load_idx %arg10[%broadcast_in_dim3A, %broadcast_in_dim3A_882] : memref<8x32xf32, #tpu.memory_space<vmem>>[vector<16xi32>, vector<16xi32>], vector<16xf32>,
            %get3A_884 = arith.constant 1 : i32
            %get3A_885 = arith.index_cast %get3A_884 : i32 to index
            %get3A_886 = arith.index_cast %add3A_412 : i32 to index
            %get3A_887 = arith.index_cast %scan3A_881 : i32 to index
            %get3A_888 = arith.constant 0 : index
            %get3A_889 = tpu.vector_load %arg7[%get3A_885, %get3A_886, %get3A_887, %get3A_888] {strides = array<i32>} : memref<2x8x32x128xf32, #tpu.memory_space<vmem>>, vector<16xf32>,
            %mul3A_890 = arith.mulf %gather3A_883, %get3A_889 : vector<16xf32>
            %add3A_891 = arith.addf %add3A_823, %mul3A_890 : vector<16xf32>
            %get3A_892 = arith.constant 1 : i32
            %get3A_893 = arith.index_cast %get3A_892 : i32 to index
            %get3A_894 = arith.index_cast %add3A_412 : i32 to index
            %get3A_895 = arith.index_cast %scan3A_881 : i32 to index
            %get3A_896 = arith.constant 16 : index
            %get3A_897 = tpu.vector_load %arg7[%get3A_893, %get3A_894, %get3A_895, %get3A_896] {strides = array<i32>} : memref<2x8x32x128xf32, #tpu.memory_space<vmem>>, vector<16xf32>,
            %mul3A_898 = arith.mulf %gather3A_883, %get3A_897 : vector<16xf32>
            %add3A_899 = arith.addf %add3A_831, %mul3A_898 : vector<16xf32>
            %get3A_900 = arith.constant 1 : i32
            %get3A_901 = arith.index_cast %get3A_900 : i32 to index
            %get3A_902 = arith.index_cast %add3A_412 : i32 to index
            %get3A_903 = arith.index_cast %scan3A_881 : i32 to index
            %get3A_904 = arith.constant 32 : index
            %get3A_905 = tpu.vector_load %arg7[%get3A_901, %get3A_902, %get3A_903, %get3A_904] {strides = array<i32>} : memref<2x8x32x128xf32, #tpu.memory_space<vmem>>, vector<16xf32>,
            %mul3A_906 = arith.mulf %gather3A_883, %get3A_905 : vector<16xf32>
            %add3A_907 = arith.addf %add3A_839, %mul3A_906 : vector<16xf32>
            %get3A_908 = arith.constant 1 : i32
            %get3A_909 = arith.index_cast %get3A_908 : i32 to index
            %get3A_910 = arith.index_cast %add3A_412 : i32 to index
            %get3A_911 = arith.index_cast %scan3A_881 : i32 to index
            %get3A_912 = arith.constant 48 : index
            %get3A_913 = tpu.vector_load %arg7[%get3A_909, %get3A_910, %get3A_911, %get3A_912] {strides = array<i32>} : memref<2x8x32x128xf32, #tpu.memory_space<vmem>>, vector<16xf32>,
            %mul3A_914 = arith.mulf %gather3A_883, %get3A_913 : vector<16xf32>
            %add3A_915 = arith.addf %add3A_847, %mul3A_914 : vector<16xf32>
            %get3A_916 = arith.constant 1 : i32
            %get3A_917 = arith.index_cast %get3A_916 : i32 to index
            %get3A_918 = arith.index_cast %add3A_412 : i32 to index
            %get3A_919 = arith.index_cast %scan3A_881 : i32 to index
            %get3A_920 = arith.constant 64 : index
            %get3A_921 = tpu.vector_load %arg7[%get3A_917, %get3A_918, %get3A_919, %get3A_920] {strides = array<i32>} : memref<2x8x32x128xf32, #tpu.memory_space<vmem>>, vector<16xf32>,
            %mul3A_922 = arith.mulf %gather3A_883, %get3A_921 : vector<16xf32>
            %add3A_923 = arith.addf %add3A_855, %mul3A_922 : vector<16xf32>
            %get3A_924 = arith.constant 1 : i32
            %get3A_925 = arith.index_cast %get3A_924 : i32 to index
            %get3A_926 = arith.index_cast %add3A_412 : i32 to index
            %get3A_927 = arith.index_cast %scan3A_881 : i32 to index
            %get3A_928 = arith.constant 80 : index
            %get3A_929 = tpu.vector_load %arg7[%get3A_925, %get3A_926, %get3A_927, %get3A_928] {strides = array<i32>} : memref<2x8x32x128xf32, #tpu.memory_space<vmem>>, vector<16xf32>,
            %mul3A_930 = arith.mulf %gather3A_883, %get3A_929 : vector<16xf32>
            %add3A_931 = arith.addf %add3A_863, %mul3A_930 : vector<16xf32>
            %get3A_932 = arith.constant 1 : i32
            %get3A_933 = arith.index_cast %get3A_932 : i32 to index
            %get3A_934 = arith.index_cast %add3A_412 : i32 to index
            %get3A_935 = arith.index_cast %scan3A_881 : i32 to index
            %get3A_936 = arith.constant 96 : index
            %get3A_937 = tpu.vector_load %arg7[%get3A_933, %get3A_934, %get3A_935, %get3A_936] {strides = array<i32>} : memref<2x8x32x128xf32, #tpu.memory_space<vmem>>, vector<16xf32>,
            %mul3A_938 = arith.mulf %gather3A_883, %get3A_937 : vector<16xf32>
            %add3A_939 = arith.addf %add3A_871, %mul3A_938 : vector<16xf32>
            %get3A_940 = arith.constant 1 : i32
            %get3A_941 = arith.index_cast %get3A_940 : i32 to index
            %get3A_942 = arith.index_cast %add3A_412 : i32 to index
            %get3A_943 = arith.index_cast %scan3A_881 : i32 to index
            %get3A_944 = arith.constant 112 : index
            %get3A_945 = tpu.vector_load %arg7[%get3A_941, %get3A_942, %get3A_943, %get3A_944] {strides = array<i32>} : memref<2x8x32x128xf32, #tpu.memory_space<vmem>>, vector<16xf32>,
            %mul3A_946 = arith.mulf %gather3A_883, %get3A_945 : vector<16xf32>
            %add3A_947 = arith.addf %add3A_879, %mul3A_946 : vector<16xf32>
            %scan3A_948 = arith.constant 3 : i32
            %scan3A_949 = arith.addi %scan3A_737, %scan3A_948 : i32
            %broadcast_in_dim3A_950 = vector.broadcast %scan3A_949 : i32 to vector<16xi32>
            %gather3A_951 = tpu.vector_load_idx %arg10[%broadcast_in_dim3A, %broadcast_in_dim3A_950] : memref<8x32xf32, #tpu.memory_space<vmem>>[vector<16xi32>, vector<16xi32>], vector<16xf32>,
            %get3A_952 = arith.constant 1 : i32
            %get3A_953 = arith.index_cast %get3A_952 : i32 to index
            %get3A_954 = arith.index_cast %add3A_412 : i32 to index
            %get3A_955 = arith.index_cast %scan3A_949 : i32 to index
            %get3A_956 = arith.constant 0 : index
            %get3A_957 = tpu.vector_load %arg7[%get3A_953, %get3A_954, %get3A_955, %get3A_956] {strides = array<i32>} : memref<2x8x32x128xf32, #tpu.memory_space<vmem>>, vector<16xf32>,
            %mul3A_958 = arith.mulf %gather3A_951, %get3A_957 : vector<16xf32>
            %add3A_959 = arith.addf %add3A_891, %mul3A_958 : vector<16xf32>
            %get3A_960 = arith.constant 1 : i32
            %get3A_961 = arith.index_cast %get3A_960 : i32 to index
            %get3A_962 = arith.index_cast %add3A_412 : i32 to index
            %get3A_963 = arith.index_cast %scan3A_949 : i32 to index
            %get3A_964 = arith.constant 16 : index
            %get3A_965 = tpu.vector_load %arg7[%get3A_961, %get3A_962, %get3A_963, %get3A_964] {strides = array<i32>} : memref<2x8x32x128xf32, #tpu.memory_space<vmem>>, vector<16xf32>,
            %mul3A_966 = arith.mulf %gather3A_951, %get3A_965 : vector<16xf32>
            %add3A_967 = arith.addf %add3A_899, %mul3A_966 : vector<16xf32>
            %get3A_968 = arith.constant 1 : i32
            %get3A_969 = arith.index_cast %get3A_968 : i32 to index
            %get3A_970 = arith.index_cast %add3A_412 : i32 to index
            %get3A_971 = arith.index_cast %scan3A_949 : i32 to index
            %get3A_972 = arith.constant 32 : index
            %get3A_973 = tpu.vector_load %arg7[%get3A_969, %get3A_970, %get3A_971, %get3A_972] {strides = array<i32>} : memref<2x8x32x128xf32, #tpu.memory_space<vmem>>, vector<16xf32>,
            %mul3A_974 = arith.mulf %gather3A_951, %get3A_973 : vector<16xf32>
            %add3A_975 = arith.addf %add3A_907, %mul3A_974 : vector<16xf32>
            %get3A_976 = arith.constant 1 : i32
            %get3A_977 = arith.index_cast %get3A_976 : i32 to index
            %get3A_978 = arith.index_cast %add3A_412 : i32 to index
            %get3A_979 = arith.index_cast %scan3A_949 : i32 to index
            %get3A_980 = arith.constant 48 : index
            %get3A_981 = tpu.vector_load %arg7[%get3A_977, %get3A_978, %get3A_979, %get3A_980] {strides = array<i32>} : memref<2x8x32x128xf32, #tpu.memory_space<vmem>>, vector<16xf32>,
            %mul3A_982 = arith.mulf %gather3A_951, %get3A_981 : vector<16xf32>
            %add3A_983 = arith.addf %add3A_915, %mul3A_982 : vector<16xf32>
            %get3A_984 = arith.constant 1 : i32
            %get3A_985 = arith.index_cast %get3A_984 : i32 to index
            %get3A_986 = arith.index_cast %add3A_412 : i32 to index
            %get3A_987 = arith.index_cast %scan3A_949 : i32 to index
            %get3A_988 = arith.constant 64 : index
            %get3A_989 = tpu.vector_load %arg7[%get3A_985, %get3A_986, %get3A_987, %get3A_988] {strides = array<i32>} : memref<2x8x32x128xf32, #tpu.memory_space<vmem>>, vector<16xf32>,
            %mul3A_990 = arith.mulf %gather3A_951, %get3A_989 : vector<16xf32>
            %add3A_991 = arith.addf %add3A_923, %mul3A_990 : vector<16xf32>
            %get3A_992 = arith.constant 1 : i32
            %get3A_993 = arith.index_cast %get3A_992 : i32 to index
            %get3A_994 = arith.index_cast %add3A_412 : i32 to index
            %get3A_995 = arith.index_cast %scan3A_949 : i32 to index
            %get3A_996 = arith.constant 80 : index
            %get3A_997 = tpu.vector_load %arg7[%get3A_993, %get3A_994, %get3A_995, %get3A_996] {strides = array<i32>} : memref<2x8x32x128xf32, #tpu.memory_space<vmem>>, vector<16xf32>,
            %mul3A_998 = arith.mulf %gather3A_951, %get3A_997 : vector<16xf32>
            %add3A_999 = arith.addf %add3A_931, %mul3A_998 : vector<16xf32>
            %get3A_1000 = arith.constant 1 : i32
            %get3A_1001 = arith.index_cast %get3A_1000 : i32 to index
            %get3A_1002 = arith.index_cast %add3A_412 : i32 to index
            %get3A_1003 = arith.index_cast %scan3A_949 : i32 to index
            %get3A_1004 = arith.constant 96 : index
            %get3A_1005 = tpu.vector_load %arg7[%get3A_1001, %get3A_1002, %get3A_1003, %get3A_1004] {strides = array<i32>} : memref<2x8x32x128xf32, #tpu.memory_space<vmem>>, vector<16xf32>,
            %mul3A_1006 = arith.mulf %gather3A_951, %get3A_1005 : vector<16xf32>
            %add3A_1007 = arith.addf %add3A_939, %mul3A_1006 : vector<16xf32>
            %get3A_1008 = arith.constant 1 : i32
            %get3A_1009 = arith.index_cast %get3A_1008 : i32 to index
            %get3A_1010 = arith.index_cast %add3A_412 : i32 to index
            %get3A_1011 = arith.index_cast %scan3A_949 : i32 to index
            %get3A_1012 = arith.constant 112 : index
            %get3A_1013 = tpu.vector_load %arg7[%get3A_1009, %get3A_1010, %get3A_1011, %get3A_1012] {strides = array<i32>} : memref<2x8x32x128xf32, #tpu.memory_space<vmem>>, vector<16xf32>,
            %mul3A_1014 = arith.mulf %gather3A_951, %get3A_1013 : vector<16xf32>
            %add3A_1015 = arith.addf %add3A_947, %mul3A_1014 : vector<16xf32>
            scf.yield %add3A_959, %add3A_967, %add3A_975, %add3A_983, %add3A_991, %add3A_999, %add3A_1007, %add3A_1015 : vector<16xf32>, vector<16xf32>, vector<16xf32>, vector<16xf32>, vector<16xf32>, vector<16xf32>, vector<16xf32>, vector<16xf32>
          }
          %scan3A_680 = arith.constant 32 : i32
          %swap3A_681 = arith.constant 1 : i32
          %swap3A_682 = arith.constant 0 : i32
          %swap3A_683 = arith.index_cast %swap3A_681 : i32 to index
          %swap3A_684 = arith.index_cast %add3A_412 : i32 to index
          %swap3A_685 = arith.index_cast %swap3A_682 : i32 to index
          %swap3A_686 = arith.constant 0 : index
          %swap3A_687 = tpu.vector_load %arg11[%swap3A_683, %swap3A_684, %swap3A_685, %swap3A_686] {strides = array<i32>} : memref<2x8x1x128xf32, #tpu.memory_space<vmem>>, vector<16xf32>,
          tpu.vector_store %arg11[%swap3A_683, %swap3A_684, %swap3A_685, %swap3A_686], %scan3A_679#0 {strides = array<i32>} : memref<2x8x1x128xf32, #tpu.memory_space<vmem>>, vector<16xf32>,
          %swap3A_688 = arith.constant 1 : i32
          %swap3A_689 = arith.constant 0 : i32
          %swap3A_690 = arith.index_cast %swap3A_688 : i32 to index
          %swap3A_691 = arith.index_cast %add3A_412 : i32 to index
          %swap3A_692 = arith.index_cast %swap3A_689 : i32 to index
          %swap3A_693 = arith.constant 16 : index
          %swap3A_694 = tpu.vector_load %arg11[%swap3A_690, %swap3A_691, %swap3A_692, %swap3A_693] {strides = array<i32>} : memref<2x8x1x128xf32, #tpu.memory_space<vmem>>, vector<16xf32>,
          tpu.vector_store %arg11[%swap3A_690, %swap3A_691, %swap3A_692, %swap3A_693], %scan3A_679#1 {strides = array<i32>} : memref<2x8x1x128xf32, #tpu.memory_space<vmem>>, vector<16xf32>,
          %swap3A_695 = arith.constant 1 : i32
          %swap3A_696 = arith.constant 0 : i32
          %swap3A_697 = arith.index_cast %swap3A_695 : i32 to index
          %swap3A_698 = arith.index_cast %add3A_412 : i32 to index
          %swap3A_699 = arith.index_cast %swap3A_696 : i32 to index
          %swap3A_700 = arith.constant 32 : index
          %swap3A_701 = tpu.vector_load %arg11[%swap3A_697, %swap3A_698, %swap3A_699, %swap3A_700] {strides = array<i32>} : memref<2x8x1x128xf32, #tpu.memory_space<vmem>>, vector<16xf32>,
          tpu.vector_store %arg11[%swap3A_697, %swap3A_698, %swap3A_699, %swap3A_700], %scan3A_679#2 {strides = array<i32>} : memref<2x8x1x128xf32, #tpu.memory_space<vmem>>, vector<16xf32>,
          %swap3A_702 = arith.constant 1 : i32
          %swap3A_703 = arith.constant 0 : i32
          %swap3A_704 = arith.index_cast %swap3A_702 : i32 to index
          %swap3A_705 = arith.index_cast %add3A_412 : i32 to index
          %swap3A_706 = arith.index_cast %swap3A_703 : i32 to index
          %swap3A_707 = arith.constant 48 : index
          %swap3A_708 = tpu.vector_load %arg11[%swap3A_704, %swap3A_705, %swap3A_706, %swap3A_707] {strides = array<i32>} : memref<2x8x1x128xf32, #tpu.memory_space<vmem>>, vector<16xf32>,
          tpu.vector_store %arg11[%swap3A_704, %swap3A_705, %swap3A_706, %swap3A_707], %scan3A_679#3 {strides = array<i32>} : memref<2x8x1x128xf32, #tpu.memory_space<vmem>>, vector<16xf32>,
          %swap3A_709 = arith.constant 1 : i32
          %swap3A_710 = arith.constant 0 : i32
          %swap3A_711 = arith.index_cast %swap3A_709 : i32 to index
          %swap3A_712 = arith.index_cast %add3A_412 : i32 to index
          %swap3A_713 = arith.index_cast %swap3A_710 : i32 to index
          %swap3A_714 = arith.constant 64 : index
          %swap3A_715 = tpu.vector_load %arg11[%swap3A_711, %swap3A_712, %swap3A_713, %swap3A_714] {strides = array<i32>} : memref<2x8x1x128xf32, #tpu.memory_space<vmem>>, vector<16xf32>,
          tpu.vector_store %arg11[%swap3A_711, %swap3A_712, %swap3A_713, %swap3A_714], %scan3A_679#4 {strides = array<i32>} : memref<2x8x1x128xf32, #tpu.memory_space<vmem>>, vector<16xf32>,
          %swap3A_716 = arith.constant 1 : i32
          %swap3A_717 = arith.constant 0 : i32
          %swap3A_718 = arith.index_cast %swap3A_716 : i32 to index
          %swap3A_719 = arith.index_cast %add3A_412 : i32 to index
          %swap3A_720 = arith.index_cast %swap3A_717 : i32 to index
          %swap3A_721 = arith.constant 80 : index
          %swap3A_722 = tpu.vector_load %arg11[%swap3A_718, %swap3A_719, %swap3A_720, %swap3A_721] {strides = array<i32>} : memref<2x8x1x128xf32, #tpu.memory_space<vmem>>, vector<16xf32>,
          tpu.vector_store %arg11[%swap3A_718, %swap3A_719, %swap3A_720, %swap3A_721], %scan3A_679#5 {strides = array<i32>} : memref<2x8x1x128xf32, #tpu.memory_space<vmem>>, vector<16xf32>,
          %swap3A_723 = arith.constant 1 : i32
          %swap3A_724 = arith.constant 0 : i32
          %swap3A_725 = arith.index_cast %swap3A_723 : i32 to index
          %swap3A_726 = arith.index_cast %add3A_412 : i32 to index
          %swap3A_727 = arith.index_cast %swap3A_724 : i32 to index
          %swap3A_728 = arith.constant 96 : index
          %swap3A_729 = tpu.vector_load %arg11[%swap3A_725, %swap3A_726, %swap3A_727, %swap3A_728] {strides = array<i32>} : memref<2x8x1x128xf32, #tpu.memory_space<vmem>>, vector<16xf32>,
          tpu.vector_store %arg11[%swap3A_725, %swap3A_726, %swap3A_727, %swap3A_728], %scan3A_679#6 {strides = array<i32>} : memref<2x8x1x128xf32, #tpu.memory_space<vmem>>, vector<16xf32>,
          %swap3A_730 = arith.constant 1 : i32
          %swap3A_731 = arith.constant 0 : i32
          %swap3A_732 = arith.index_cast %swap3A_730 : i32 to index
          %swap3A_733 = arith.index_cast %add3A_412 : i32 to index
          %swap3A_734 = arith.index_cast %swap3A_731 : i32 to index
          %swap3A_735 = arith.constant 112 : index
          %swap3A_736 = tpu.vector_load %arg11[%swap3A_732, %swap3A_733, %swap3A_734, %swap3A_735] {strides = array<i32>} : memref<2x8x1x128xf32, #tpu.memory_space<vmem>>, vector<16xf32>,
          tpu.vector_store %arg11[%swap3A_732, %swap3A_733, %swap3A_734, %swap3A_735], %scan3A_679#7 {strides = array<i32>} : memref<2x8x1x128xf32, #tpu.memory_space<vmem>>, vector<16xf32>,
        }
        %scan3A_384 = arith.constant 8 : i32
        %add3A_385 = arith.constant 2 : i32
        %add3A_386 = arith.addi %add3A_272, %add3A_385 : i32
        %lt3A_387 = arith.cmpi slt, %add3A_386, %shift_right_arithmetic3A_9 : i32
        %convert_element_type3A_388 = arith.extui %lt3A_387 : i1 to i32
        %cond3A_389 = arith.constant 0 : i32
        %cond3A_390 = arith.cmpi ne, %convert_element_type3A_388, %cond3A_389 : i32
        scf.if %cond3A_390 {
          %add3A_408 = arith.constant 2 : i32
          %add3A_409 = arith.addi %add3A_272, %add3A_408 : i32
          %mul3A_410 = arith.constant 8 : i32
          %mul3A_411 = arith.muli %add3A_409, %mul3A_410 : i32
          %add3A_412 = arith.addi %mul3A_2, %mul3A_411 : i32
          %min3A_413 = arith.minsi %add3A_412, %sub3A_12 : i32
          %add3A_414 = arith.constant 0 : i32
          %add3A_415 = arith.addi %min3A_413, %add3A_414 : i32
          %dma_start3A_416 = arith.constant 1 : i32
          %dma_start3A_417 = arith.constant 0 : i32
          %dma_start3A_418 = arith.constant 0 : i32
          %dma_start3A_419 = arith.constant 0 : i32
          %dma_start3A_420 = tpu.memref_slice %arg7[%dma_start3A_416, %dma_start3A_417, %dma_start3A_418, %dma_start3A_419] : memref<2x8x32x128xf32, #tpu.memory_space<vmem>> -> memref<1x2x32x128xf32, #tpu.memory_space<vmem>>
          %dma_start3A_421 = tpu.memref_squeeze %dma_start3A_420 : memref<1x2x32x128xf32, #tpu.memory_space<vmem>> -> memref<2x32x128xf32, #tpu.memory_space<vmem>>
          %dma_start3A_422 = arith.constant 0 : i32
          %dma_start3A_423 = arith.constant 0 : i32
          %dma_start3A_424 = tpu.memref_slice %arg2[%add3A_415, %dma_start3A_422, %dma_start3A_423] : memref<10000x32x128xf32, #tpu.memory_space<hbm>> -> memref<2x32x128xf32, #tpu.memory_space<hbm>>
          %dma_start3A_425 = arith.constant 0 : i32
          %dma_start3A_426 = arith.constant 0 : i32
          %dma_start3A_427 = arith.constant 0 : i32
          %dma_start3A_428 = tpu.memref_slice %arg7[%dma_start3A_416, %dma_start3A_425, %dma_start3A_426, %dma_start3A_427] : memref<2x8x32x128xf32, #tpu.memory_space<vmem>> -> memref<1x2x32x128xf32, #tpu.memory_space<vmem>>
          %dma_start3A_429 = tpu.memref_squeeze %dma_start3A_428 : memref<1x2x32x128xf32, #tpu.memory_space<vmem>> -> memref<2x32x128xf32, #tpu.memory_space<vmem>>
          %dma_start3A_430 = arith.constant 0 : i32
          %dma_start3A_431 = arith.constant 0 : i32
          %dma_start3A_432 = tpu.memref_slice %arg2[%add3A_415, %dma_start3A_430, %dma_start3A_431] : memref<10000x32x128xf32, #tpu.memory_space<hbm>> -> memref<2x32x128xf32, #tpu.memory_space<hbm>>
          tpu.enqueue_dma source(%dma_start3A_432 : memref<2x32x128xf32, #tpu.memory_space<hbm>>) target(%dma_start3A_429 : memref<2x32x128xf32, #tpu.memory_space<vmem>>) target_semaphore(%arg13 : memref<!tpu.dma_semaphore, #tpu.memory_space<semaphore_mem>>)
          %add3A_433 = arith.constant 2 : i32
          %add3A_434 = arith.addi %min3A_413, %add3A_433 : i32
          %dma_start3A_435 = arith.constant 1 : i32
          %dma_start3A_436 = arith.constant 2 : i32
          %dma_start3A_437 = arith.constant 0 : i32
          %dma_start3A_438 = arith.constant 0 : i32
          %dma_start3A_439 = tpu.memref_slice %arg7[%dma_start3A_435, %dma_start3A_436, %dma_start3A_437, %dma_start3A_438] : memref<2x8x32x128xf32, #tpu.memory_space<vmem>> -> memref<1x2x32x128xf32, #tpu.memory_space<vmem>>
          %dma_start3A_440 = tpu.memref_squeeze %dma_start3A_439 : memref<1x2x32x128xf32, #tpu.memory_space<vmem>> -> memref<2x32x128xf32, #tpu.memory_space<vmem>>
          %dma_start3A_441 = arith.constant 0 : i32
          %dma_start3A_442 = arith.constant 0 : i32
          %dma_start3A_443 = tpu.memref_slice %arg2[%add3A_434, %dma_start3A_441, %dma_start3A_442] : memref<10000x32x128xf32, #tpu.memory_space<hbm>> -> memref<2x32x128xf32, #tpu.memory_space<hbm>>
          %dma_start3A_444 = arith.constant 2 : i32
          %dma_start3A_445 = arith.constant 0 : i32
          %dma_start3A_446 = arith.constant 0 : i32
          %dma_start3A_447 = tpu.memref_slice %arg7[%dma_start3A_435, %dma_start3A_444, %dma_start3A_445, %dma_start3A_446] : memref<2x8x32x128xf32, #tpu.memory_space<vmem>> -> memref<1x2x32x128xf32, #tpu.memory_space<vmem>>
          %dma_start3A_448 = tpu.memref_squeeze %dma_start3A_447 : memref<1x2x32x128xf32, #tpu.memory_space<vmem>> -> memref<2x32x128xf32, #tpu.memory_space<vmem>>
          %dma_start3A_449 = arith.constant 0 : i32
          %dma_start3A_450 = arith.constant 0 : i32
          %dma_start3A_451 = tpu.memref_slice %arg2[%add3A_434, %dma_start3A_449, %dma_start3A_450] : memref<10000x32x128xf32, #tpu.memory_space<hbm>> -> memref<2x32x128xf32, #tpu.memory_space<hbm>>
          tpu.enqueue_dma source(%dma_start3A_451 : memref<2x32x128xf32, #tpu.memory_space<hbm>>) target(%dma_start3A_448 : memref<2x32x128xf32, #tpu.memory_space<vmem>>) target_semaphore(%arg13 : memref<!tpu.dma_semaphore, #tpu.memory_space<semaphore_mem>>)
          %add3A_452 = arith.constant 4 : i32
          %add3A_453 = arith.addi %min3A_413, %add3A_452 : i32
          %dma_start3A_454 = arith.constant 1 : i32
          %dma_start3A_455 = arith.constant 4 : i32
          %dma_start3A_456 = arith.constant 0 : i32
          %dma_start3A_457 = arith.constant 0 : i32
          %dma_start3A_458 = tpu.memref_slice %arg7[%dma_start3A_454, %dma_start3A_455, %dma_start3A_456, %dma_start3A_457] : memref<2x8x32x128xf32, #tpu.memory_space<vmem>> -> memref<1x2x32x128xf32, #tpu.memory_space<vmem>>
          %dma_start3A_459 = tpu.memref_squeeze %dma_start3A_458 : memref<1x2x32x128xf32, #tpu.memory_space<vmem>> -> memref<2x32x128xf32, #tpu.memory_space<vmem>>
          %dma_start3A_460 = arith.constant 0 : i32
          %dma_start3A_461 = arith.constant 0 : i32
          %dma_start3A_462 = tpu.memref_slice %arg2[%add3A_453, %dma_start3A_460, %dma_start3A_461] : memref<10000x32x128xf32, #tpu.memory_space<hbm>> -> memref<2x32x128xf32, #tpu.memory_space<hbm>>
          %dma_start3A_463 = arith.constant 4 : i32
          %dma_start3A_464 = arith.constant 0 : i32
          %dma_start3A_465 = arith.constant 0 : i32
          %dma_start3A_466 = tpu.memref_slice %arg7[%dma_start3A_454, %dma_start3A_463, %dma_start3A_464, %dma_start3A_465] : memref<2x8x32x128xf32, #tpu.memory_space<vmem>> -> memref<1x2x32x128xf32, #tpu.memory_space<vmem>>
          %dma_start3A_467 = tpu.memref_squeeze %dma_start3A_466 : memref<1x2x32x128xf32, #tpu.memory_space<vmem>> -> memref<2x32x128xf32, #tpu.memory_space<vmem>>
          %dma_start3A_468 = arith.constant 0 : i32
          %dma_start3A_469 = arith.constant 0 : i32
          %dma_start3A_470 = tpu.memref_slice %arg2[%add3A_453, %dma_start3A_468, %dma_start3A_469] : memref<10000x32x128xf32, #tpu.memory_space<hbm>> -> memref<2x32x128xf32, #tpu.memory_space<hbm>>
          tpu.enqueue_dma source(%dma_start3A_470 : memref<2x32x128xf32, #tpu.memory_space<hbm>>) target(%dma_start3A_467 : memref<2x32x128xf32, #tpu.memory_space<vmem>>) target_semaphore(%arg13 : memref<!tpu.dma_semaphore, #tpu.memory_space<semaphore_mem>>)
          %add3A_471 = arith.constant 6 : i32
          %add3A_472 = arith.addi %min3A_413, %add3A_471 : i32
          %dma_start3A_473 = arith.constant 1 : i32
          %dma_start3A_474 = arith.constant 6 : i32
          %dma_start3A_475 = arith.constant 0 : i32
          %dma_start3A_476 = arith.constant 0 : i32
          %dma_start3A_477 = tpu.memref_slice %arg7[%dma_start3A_473, %dma_start3A_474, %dma_start3A_475, %dma_start3A_476] : memref<2x8x32x128xf32, #tpu.memory_space<vmem>> -> memref<1x2x32x128xf32, #tpu.memory_space<vmem>>
          %dma_start3A_478 = tpu.memref_squeeze %dma_start3A_477 : memref<1x2x32x128xf32, #tpu.memory_space<vmem>> -> memref<2x32x128xf32, #tpu.memory_space<vmem>>
          %dma_start3A_479 = arith.constant 0 : i32
          %dma_start3A_480 = arith.constant 0 : i32
          %dma_start3A_481 = tpu.memref_slice %arg2[%add3A_472, %dma_start3A_479, %dma_start3A_480] : memref<10000x32x128xf32, #tpu.memory_space<hbm>> -> memref<2x32x128xf32, #tpu.memory_space<hbm>>
          %dma_start3A_482 = arith.constant 6 : i32
          %dma_start3A_483 = arith.constant 0 : i32
          %dma_start3A_484 = arith.constant 0 : i32
          %dma_start3A_485 = tpu.memref_slice %arg7[%dma_start3A_473, %dma_start3A_482, %dma_start3A_483, %dma_start3A_484] : memref<2x8x32x128xf32, #tpu.memory_space<vmem>> -> memref<1x2x32x128xf32, #tpu.memory_space<vmem>>
          %dma_start3A_486 = tpu.memref_squeeze %dma_start3A_485 : memref<1x2x32x128xf32, #tpu.memory_space<vmem>> -> memref<2x32x128xf32, #tpu.memory_space<vmem>>
          %dma_start3A_487 = arith.constant 0 : i32
          %dma_start3A_488 = arith.constant 0 : i32
          %dma_start3A_489 = tpu.memref_slice %arg2[%add3A_472, %dma_start3A_487, %dma_start3A_488] : memref<10000x32x128xf32, #tpu.memory_space<hbm>> -> memref<2x32x128xf32, #tpu.memory_space<hbm>>
          tpu.enqueue_dma source(%dma_start3A_489 : memref<2x32x128xf32, #tpu.memory_space<hbm>>) target(%dma_start3A_486 : memref<2x32x128xf32, #tpu.memory_space<vmem>>) target_semaphore(%arg13 : memref<!tpu.dma_semaphore, #tpu.memory_space<semaphore_mem>>)
          %dma_start3A_490 = arith.constant 1 : i32
          %dma_start3A_491 = arith.constant 0 : i32
          %dma_start3A_492 = arith.constant 0 : i32
          %dma_start3A_493 = arith.constant 0 : i32
          %dma_start3A_494 = tpu.memref_slice %arg8[%dma_start3A_490, %dma_start3A_491, %dma_start3A_492, %dma_start3A_493] : memref<2x8x1x128xf32, #tpu.memory_space<vmem>> -> memref<1x8x1x128xf32, #tpu.memory_space<vmem>>
          %dma_start3A_495 = tpu.memref_squeeze %dma_start3A_494 : memref<1x8x1x128xf32, #tpu.memory_space<vmem>> -> memref<8x1x128xf32, #tpu.memory_space<vmem>>
          %dma_start3A_496 = arith.constant 0 : i32
          %dma_start3A_497 = arith.constant 0 : i32
          %dma_start3A_498 = tpu.memref_slice %arg3[%min3A_413, %dma_start3A_496, %dma_start3A_497] : memref<10000x1x128xf32, #tpu.memory_space<hbm>> -> memref<8x1x128xf32, #tpu.memory_space<hbm>>
          %dma_start3A_499 = arith.constant 0 : i32
          %dma_start3A_500 = arith.constant 0 : i32
          %dma_start3A_501 = arith.constant 0 : i32
          %dma_start3A_502 = tpu.memref_slice %arg8[%dma_start3A_490, %dma_start3A_499, %dma_start3A_500, %dma_start3A_501] : memref<2x8x1x128xf32, #tpu.memory_space<vmem>> -> memref<1x8x1x128xf32, #tpu.memory_space<vmem>>
          %dma_start3A_503 = tpu.memref_squeeze %dma_start3A_502 : memref<1x8x1x128xf32, #tpu.memory_space<vmem>> -> memref<8x1x128xf32, #tpu.memory_space<vmem>>
          %dma_start3A_504 = arith.constant 0 : i32
          %dma_start3A_505 = arith.constant 0 : i32
          %dma_start3A_506 = tpu.memref_slice %arg3[%min3A_413, %dma_start3A_504, %dma_start3A_505] : memref<10000x1x128xf32, #tpu.memory_space<hbm>> -> memref<8x1x128xf32, #tpu.memory_space<hbm>>
          tpu.enqueue_dma source(%dma_start3A_506 : memref<8x1x128xf32, #tpu.memory_space<hbm>>) target(%dma_start3A_503 : memref<8x1x128xf32, #tpu.memory_space<vmem>>) target_semaphore(%arg15 : memref<!tpu.dma_semaphore, #tpu.memory_space<semaphore_mem>>)
        } else {
        }
        %dma_start3A_391 = arith.constant 1 : i32
        %dma_start3A_392 = arith.constant 0 : i32
        %dma_start3A_393 = arith.constant 0 : i32
        %dma_start3A_394 = arith.constant 0 : i32
        %dma_start3A_395 = tpu.memref_slice %arg11[%dma_start3A_391, %dma_start3A_392, %dma_start3A_393, %dma_start3A_394] : memref<2x8x1x128xf32, #tpu.memory_space<vmem>> -> memref<1x8x1x128xf32, #tpu.memory_space<vmem>>
        %dma_start3A_396 = tpu.memref_squeeze %dma_start3A_395 : memref<1x8x1x128xf32, #tpu.memory_space<vmem>> -> memref<8x1x128xf32, #tpu.memory_space<vmem>>
        %dma_start3A_397 = arith.constant 0 : i32
        %dma_start3A_398 = arith.constant 0 : i32
        %dma_start3A_399 = tpu.memref_slice %arg5[%min3A_280, %dma_start3A_397, %dma_start3A_398] : memref<10000x1x128xf32, #tpu.memory_space<hbm>> -> memref<8x1x128xf32, #tpu.memory_space<hbm>>
        %dma_start3A_400 = arith.constant 0 : i32
        %dma_start3A_401 = arith.constant 0 : i32
        %dma_start3A_402 = tpu.memref_slice %arg5[%min3A_280, %dma_start3A_400, %dma_start3A_401] : memref<10000x1x128xf32, #tpu.memory_space<hbm>> -> memref<8x1x128xf32, #tpu.memory_space<hbm>>
        %dma_start3A_403 = arith.constant 0 : i32
        %dma_start3A_404 = arith.constant 0 : i32
        %dma_start3A_405 = arith.constant 0 : i32
        %dma_start3A_406 = tpu.memref_slice %arg11[%dma_start3A_391, %dma_start3A_403, %dma_start3A_404, %dma_start3A_405] : memref<2x8x1x128xf32, #tpu.memory_space<vmem>> -> memref<1x8x1x128xf32, #tpu.memory_space<vmem>>
        %dma_start3A_407 = tpu.memref_squeeze %dma_start3A_406 : memref<1x8x1x128xf32, #tpu.memory_space<vmem>> -> memref<8x1x128xf32, #tpu.memory_space<vmem>>
        tpu.enqueue_dma source(%dma_start3A_407 : memref<8x1x128xf32, #tpu.memory_space<vmem>>) target(%dma_start3A_402 : memref<8x1x128xf32, #tpu.memory_space<hbm>>) target_semaphore(%arg17 : memref<!tpu.dma_semaphore, #tpu.memory_space<semaphore_mem>>)
      } else {
      }
    }
    %gt3A = arith.constant 0 : i32
    %gt3A_256 = arith.cmpi sgt, %shift_right_arithmetic3A_9, %gt3A : i32
    %convert_element_type3A = arith.extui %gt3A_256 : i1 to i32
    %cond3A = arith.constant 0 : i32
    %cond3A_257 = arith.cmpi ne, %convert_element_type3A, %cond3A : i32
    scf.if %cond3A_257 {
      %dma_wait3A = arith.constant 0 : i32
      %dma_wait3A_263 = arith.constant 0 : i32
      %dma_wait3A_264 = arith.constant 0 : i32
      %dma_wait3A_265 = arith.constant 0 : i32
      %dma_wait3A_266 = tpu.memref_slice %arg11[%dma_wait3A, %dma_wait3A_263, %dma_wait3A_264, %dma_wait3A_265] : memref<2x8x1x128xf32, #tpu.memory_space<vmem>> -> memref<1x8x1x128xf32, #tpu.memory_space<vmem>>
      %dma_wait3A_267 = tpu.memref_squeeze %dma_wait3A_266 : memref<1x8x1x128xf32, #tpu.memory_space<vmem>> -> memref<8x1x128xf32, #tpu.memory_space<vmem>>
      %dma_wait3A_268 = arith.constant 0 : i32
      %dma_wait3A_269 = arith.constant 0 : i32
      %dma_wait3A_270 = tpu.memref_slice %arg5[%mul3A_2, %dma_wait3A_268, %dma_wait3A_269] : memref<10000x1x128xf32, #tpu.memory_space<hbm>> -> memref<8x1x128xf32, #tpu.memory_space<hbm>>
      %dma_wait3A_271 = arith.constant 0 : i32
      %dma_wait3A_272 = arith.constant 0 : i32
      %dma_wait3A_273 = tpu.memref_slice %arg5[%mul3A_2, %dma_wait3A_271, %dma_wait3A_272] : memref<10000x1x128xf32, #tpu.memory_space<hbm>> -> memref<8x1x128xf32, #tpu.memory_space<hbm>>
      %dma_wait3A_274 = arith.constant 0 : i32
      %dma_wait3A_275 = arith.constant 0 : i32
      %dma_wait3A_276 = arith.constant 0 : i32
      %dma_wait3A_277 = tpu.memref_slice %arg11[%dma_wait3A, %dma_wait3A_274, %dma_wait3A_275, %dma_wait3A_276] : memref<2x8x1x128xf32, #tpu.memory_space<vmem>> -> memref<1x8x1x128xf32, #tpu.memory_space<vmem>>
      %dma_wait3A_278 = tpu.memref_squeeze %dma_wait3A_277 : memref<1x8x1x128xf32, #tpu.memory_space<vmem>> -> memref<8x1x128xf32, #tpu.memory_space<vmem>>
      tpu.wait_dma2 semaphore(%arg16 : memref<!tpu.dma_semaphore, #tpu.memory_space<semaphore_mem>>) src(%dma_wait3A_278 : memref<8x1x128xf32, #tpu.memory_space<vmem>>) dst(%dma_wait3A_273 : memref<8x1x128xf32, #tpu.memory_space<hbm>>)
    } else {
    }
    %gt3A_258 = arith.constant 1 : i32
    %gt3A_259 = arith.cmpi sgt, %shift_right_arithmetic3A_9, %gt3A_258 : i32
    %convert_element_type3A_260 = arith.extui %gt3A_259 : i1 to i32
    %cond3A_261 = arith.constant 0 : i32
    %cond3A_262 = arith.cmpi ne, %convert_element_type3A_260, %cond3A_261 : i32
    scf.if %cond3A_262 {
      %dma_wait3A = arith.constant 1 : i32
      %dma_wait3A_263 = arith.constant 0 : i32
      %dma_wait3A_264 = arith.constant 0 : i32
      %dma_wait3A_265 = arith.constant 0 : i32
      %dma_wait3A_266 = tpu.memref_slice %arg11[%dma_wait3A, %dma_wait3A_263, %dma_wait3A_264, %dma_wait3A_265] : memref<2x8x1x128xf32, #tpu.memory_space<vmem>> -> memref<1x8x1x128xf32, #tpu.memory_space<vmem>>
      %dma_wait3A_267 = tpu.memref_squeeze %dma_wait3A_266 : memref<1x8x1x128xf32, #tpu.memory_space<vmem>> -> memref<8x1x128xf32, #tpu.memory_space<vmem>>
      %dma_wait3A_268 = arith.constant 0 : i32
      %dma_wait3A_269 = arith.constant 0 : i32
      %dma_wait3A_270 = tpu.memref_slice %arg5[%mul3A_2, %dma_wait3A_268, %dma_wait3A_269] : memref<10000x1x128xf32, #tpu.memory_space<hbm>> -> memref<8x1x128xf32, #tpu.memory_space<hbm>>
      %dma_wait3A_271 = arith.constant 0 : i32
      %dma_wait3A_272 = arith.constant 0 : i32
      %dma_wait3A_273 = tpu.memref_slice %arg5[%mul3A_2, %dma_wait3A_271, %dma_wait3A_272] : memref<10000x1x128xf32, #tpu.memory_space<hbm>> -> memref<8x1x128xf32, #tpu.memory_space<hbm>>
      %dma_wait3A_274 = arith.constant 0 : i32
      %dma_wait3A_275 = arith.constant 0 : i32
      %dma_wait3A_276 = arith.constant 0 : i32
      %dma_wait3A_277 = tpu.memref_slice %arg11[%dma_wait3A, %dma_wait3A_274, %dma_wait3A_275, %dma_wait3A_276] : memref<2x8x1x128xf32, #tpu.memory_space<vmem>> -> memref<1x8x1x128xf32, #tpu.memory_space<vmem>>
      %dma_wait3A_278 = tpu.memref_squeeze %dma_wait3A_277 : memref<1x8x1x128xf32, #tpu.memory_space<vmem>> -> memref<8x1x128xf32, #tpu.memory_space<vmem>>
      tpu.wait_dma2 semaphore(%arg17 : memref<!tpu.dma_semaphore, #tpu.memory_space<semaphore_mem>>) src(%dma_wait3A_278 : memref<8x1x128xf32, #tpu.memory_space<vmem>>) dst(%dma_wait3A_273 : memref<8x1x128xf32, #tpu.memory_space<hbm>>)
    } else {
    }
    return
  }
}

</mosaic_0001>

<sc_bundles>
// kernel: _sc_agg.3.cloned.1.call-start
scs
__scs_entry_jumppad:
0x0: {  	(pc) =	sbr.rel $0x88, $3  }
0x1: {  	(tag) =	ssettag $0x0;
	lr =	simm.s32 $0x1  }
0x2: {  	[smem:$0x3F9E] =	sst lr;
	_ =	strace $0xD0000000  }
0x3: {  	_ = 	snop  }
0x4: {  	_ = 	snop  }
0x5: {  	_ = 	snop  }
0x6: {  	_ = 	snop  }
0x7: {  	_ = 	snop  }
__scs_overlays_trampoline_lowered:
0x8: {  	[smem:$0x3FAD] =	sst s0  }
0x9: {  	[smem:$0x3FAE] =	sst s1  }
0xa: {  	[smem:$0x3FAF] =	sst s2  }
0xb: {  	[smem:$0x3FB0] =	sst s3  }
0xc: {  	[smem:$0x3FB1] =	sst s4  }
0xd: {  	[smem:$0x3FB2] =	sst s5  }
0xe: {  	[smem:$0x3FB3] =	sst s6  }
0xf: {  	[smem:$0x3FB4] =	sst s7  }
0x10: {  	[smem:$0x3FB5] =	sst s8  }
0x11: {  	[smem:$0x3FB6] =	sst s9;
	s0 =	simm.s32 @!p0 $0x0  }
0x12: {  	s1 =	sld [smem:$0x3F9C];
	s0 =	simm.s32 @p0 $0x1  }
0x13: {  	[smem:$0x3FB7] =	sst s0;
	s0 =	simm.s32 @!p1 $0x0  }
0x14: {  	s2 =	sld [smem:$0x3F9B];
	s0 =	simm.s32 @p1 $0x1  }
0x15: {  	[smem:$0x3FB8] =	sst s0;
	s0 =	simm.s32 @!p2 $0x0  }
0x16: {  	s3 =	sld [smem:$0x3FDB];
	s0 =	simm.s32 @p2 $0x1  }
0x17: {  	s4 =	simm.s32 $0x1BF5;
	[smem:$0x3FBA] =	sst s0  }
0x18: {  	s0 =	sld [smem:$0x3F9D];
	_ =	swait.ge [sflag:s4], $0x0  }
0x19: {  	s7 =	sld [smem:$0x3F9E]  }
0x1a: {  	s8 =	sadd.s32 $0xFFFFE003, lr  }
0x1b: {  	s9 =	sadd.s32 $0xFFFFFEF7, lr;
	s5 =	simm.s32 $0xFFFFFFFF;
	p2 =	slt.u32 s8, $0xFFFFF086  }
0x1c: {  	p1 =	slt.u32 s9, $0xF7A;
	s5 =	simm.s32 @!p2 $0x0  }
0x1d: {  	s5 =	simm.s32 @p1 $0x1;
	p0 =	seq.s32 s7, s2  }
0x1e: {  	s7 =	smul.u32 @!p0 $0xF7A, s2;
	p2 =	seq.s32 @!p0 s5, $0x0  }
0x1f: {  	s9 =	smul.u32 $0xF7A, s1;
	s8 =	simm.s32 @!p0 $0x1BF5;
	p2 =	por !p2, p0  }
0x20: {  	[sflag:s8] =	ssyncset.s32 @!p0 $0xFFFFF086;
	s6 =	sadd.s32 @!p0 s3, s7;
	s7 =	simm.s32 @!p0 $0x108  }
0x21: {  	s3 =	sadd.s32 s3, s9;
	s6 =	sadd.s32 @!p0 $0x88, s6;
	s7 =	simm.s32 @p2 $0x1082  }
0x22: {  	[simem:s7], [sflag:s8] =	dma.local @!p0 [hbm:s6], $0xF7A  }
0x23: {  	s9 =	sor.u32 $0xD0000000, s2;
	s6 =	simm.s32 $0x108;
	_ =	swait.ge @!p0 [sflag:s8], $0x0  }
0x24: {  	s3 =	sadd.s32 $0x88, s3;
	s6 =	simm.s32 @!p1 $0x1082;
	[sflag:s4] =	ssyncset.s32 $0xFFFFF086  }
0x25: {  	[simem:s6], [sflag:s4] =	dma.local [hbm:s3], $0xF7A  }
0x26: {  	[smem:$0x3F9E] =	sst s1;
	(tag) =	ssettag s2;
	_ =	strace s9  }
0x27: {  	s1 =	sld [smem:$0x3FAE]  }
0x28: {  	s2 =	sld [smem:$0x3FAF]  }
0x29: {  	s4 =	sld [smem:$0x3FB1]  }
0x2a: {  	p0 =	seq.s32 s5, $0x0;
	s5 =	sld [smem:$0x3FB2]  }
0x2b: {  	s6 =	sld [smem:$0x3FB3]  }
0x2c: {  	s7 =	sld [smem:$0x3FB4]  }
0x2d: {  	s3 =	simm.s32 $0x108;
	s8 =	sld [smem:$0x3FB5]  }
0x2e: {  	s3 =	simm.s32 @!p0 $0x1082;
	s9 =	sld [smem:$0x3FB6]  }
0x2f: {  	lr =	sadd.s32 s0, s3;
	s0 =	sld [smem:$0x3FAD]  }
0x30: {  	s3 =	sld [smem:$0x3FB0]  }
0x31: {  	[smem:$0x3FB9] =	sst s10  }
0x32: {  	s10 =	sld [smem:$0x3FB7];
	_ =	sdelay $0x3  }
0x33: {  	p0 =	seq.s32 s10, $0x1;
	s10 =	sld [smem:$0x3FB9];
	_ =	sdelay $0x3  }
0x34: {  	[smem:$0x3FB9] =	sst s10  }
0x35: {  	s10 =	sld [smem:$0x3FB8];
	_ =	sdelay $0x3  }
0x36: {  	p1 =	seq.s32 s10, $0x1;
	s10 =	sld [smem:$0x3FB9];
	_ =	sdelay $0x3  }
0x37: {  	[smem:$0x3FB9] =	sst s10  }
0x38: {  	s10 =	sld [smem:$0x3FBA]  }
0x39: {  	_ = 	snop;
	(pc) =	sbr.ind lr, $3  }
0x3a: {  	_ = 	snop  }
0x3b: {  	_ = 	snop  }
0x3c: {  	p2 =	seq.s32 s10, $0x1;
	s10 =	sld [smem:$0x3FB9]  }
0x3d: {  	_ =	shalt  }
0x3e: {  	_ =	shalt  }
0x3f: {  	_ =	shalt  }
0x40: {  	_ =	shalt  }
0x41: {  	_ =	shalt  }
0x42: {  	_ =	shalt  }
0x43: {  	_ =	shalt  }
0x44: {  	_ =	shalt  }
0x45: {  	_ =	shalt  }
0x46: {  	_ =	shalt  }
0x47: {  	_ =	shalt  }
0x48: {  	_ =	shalt  }
0x49: {  	_ =	shalt  }
0x4a: {  	_ =	shalt  }
0x4b: {  	_ =	shalt  }
0x4c: {  	_ =	shalt  }
0x4d: {  	_ =	shalt  }
0x4e: {  	_ =	shalt  }
0x4f: {  	_ =	shalt  }
0x50: {  	_ =	shalt  }
0x51: {  	_ =	shalt  }
0x52: {  	_ =	shalt  }
0x53: {  	_ =	shalt  }
0x54: {  	_ =	shalt  }
0x55: {  	_ =	shalt  }
0x56: {  	_ =	shalt  }
0x57: {  	_ =	shalt  }
0x58: {  	_ =	shalt  }
0x59: {  	_ =	shalt  }
0x5a: {  	_ =	shalt  }
0x5b: {  	_ =	shalt  }
0x5c: {  	_ =	shalt  }
0x5d: {  	_ =	shalt  }
0x5e: {  	_ =	shalt  }
0x5f: {  	_ =	shalt  }
0x60: {  	_ =	shalt  }
0x61: {  	_ =	shalt  }
0x62: {  	_ =	shalt  }
0x63: {  	_ =	shalt  }
0x64: {  	_ =	shalt  }
0x65: {  	_ =	shalt  }
0x66: {  	_ =	shalt  }
0x67: {  	_ =	shalt  }
0x68: {  	_ =	shalt  }
0x69: {  	_ =	shalt  }
0x6a: {  	_ =	shalt  }
0x6b: {  	_ =	shalt  }
0x6c: {  	_ =	shalt  }
0x6d: {  	_ =	shalt  }
0x6e: {  	_ =	shalt  }
0x6f: {  	_ =	shalt  }
0x70: {  	_ =	shalt  }
0x71: {  	_ =	shalt  }
0x72: {  	_ =	shalt  }
0x73: {  	_ =	shalt  }
0x74: {  	_ =	shalt  }
0x75: {  	_ =	shalt  }
0x76: {  	_ =	shalt  }
0x77: {  	_ =	shalt  }
0x78: {  	_ =	shalt  }
0x79: {  	_ =	shalt  }
0x7a: {  	_ =	shalt  }
0x7b: {  	_ =	shalt  }
0x7c: {  	_ =	shalt  }
0x7d: {  	_ =	shalt  }
0x7e: {  	_ =	shalt  }
0x7f: {  	_ =	shalt  }
0x80: {  	_ =	shalt  }
0x81: {  	_ =	shalt  }
0x82: {  	_ =	shalt  }
0x83: {  	_ =	shalt  }
0x84: {  	_ =	shalt  }
0x85: {  	_ =	shalt  }
0x86: {  	_ =	shalt  }
0x87: {  	_ =	shalt  }
.Lfunc_end0:
.L_simem_size_0:
called_computation_lowered:
.L_overlay_start_0:
0x88: {  	s2 =	sld [smem:$0x3FD9]  }
0x89: {  	s3 =	sld [smem:$0x3FFE];
	_ =	sdelay $0x1  }
0x8a: {  	s1 =	srdreg.scid  }
0x8b: {  	s0 =	sand.u32 $0x1, s1  }
0x8c: {  	s18 =	sshll.u32 s0, $0xA;
	s2 =	sadd.s32 s3, s2  }
0x8d: {  	s2 =	sadd.s32 s2, s18  }
0x8e: {  	[smem:$0x3FC5] =	sst s2  }
0x8f: {  	_ = 	snop  }
0x90: {  	s2 =	sld [smem:$0x3FC9]  }
0x91: {  	s19 =	sld [smem:$0x3FC8]  }
0x92: {  	s4 =	sld [smem:$0x3FC7]  }
0x93: {  	s5 =	sld [smem:$0x3FD0];
	(tm) =	ssettm $0x1  }
0x94: {  	s6 =	sld [smem:$0x3FFB];
	_ =	sdelay $0x3  }
0x95: {  	_ =	strace s6  }
0x96: {  	s6 =	sld [smem:$0x3FFC];
	_ =	sdelay $0x3  }
0x97: {  	_ =	strace s6  }
0x98: {  	s6 =	sld [smem:$0x3FFD];
	_ =	sdelay $0x3  }
0x99: {  	_ =	strace s6  }
0x9a: {  	_ =	strace $0x8FFFFFFF  }
0x9b: {  	s20 =	sld [smem:$0x3FDB];
	_ =	sdelay $0x1  }
0x9c: {  	s7 =	simm.s32 $_scs_section_size  }
0x9d: {  	s8 =	simm.s32 $_size__tile_overlayer_lowered;
	s9 =	simm.s32 $_tile_overlayer_lowered  }
0x9e: {  	s23 =	simm.s32 $0x1BFF;
	s22 =	sshll.u32 s9, $0x1;
	s6 =	sadd.s32 s7, s20  }
0x9f: {  	s10 =	simm.s32 $0x0;
	s21 =	sshll.u32 s8, $0x1;
	s8 =	sadd.s32 s22, s6  }
0xa0: {  	[timem:s10], [sflag:s23] =	dma.local [hbm:s8], s21  }
0xa1: {  	_ =	swait.ge [sflag:s23], s21  }
0xa2: {  	s7 =	ssub.s32 $0x0, s21;
	[sflag:s23] =	ssyncset.done $0x0  }
0xa3: {  	[sflag:s23] =	ssyncadd.s32 s7;
	_ =	sdelay $0x1  }
0xa4: {  	s24 =	simm.s32 $0x1B8B  }
0xa5: {  	_ =	swait.ge [sflag:s24], $0x1  }
0xa6: {  	[sflag:s24] =	ssyncset.done $0x0  }
0xa7: {  	s25 =	simm.s32 $0x1B8E;
	[sflag:s24] =	ssyncadd.s32 $0xFFFFFFFF  }
0xa8: {  	s26 =	simm.s32 $execute0_lowered;
	[smem:$0x3FD2] =	sst s25  }
0xa9: {  	s7 =	sshll.u32 s26, $0x1;
	_ =	strace $0x80000046;
	[dreg:$0x1] =	wrdreg $0xFFFFFFFF  }
0xaa: {  	s28 =	simm.s32 $_size_execute0_lowered;
	s6 =	sadd.s32 s6, s7;
	[dreg:$0x0] =	wrdreg $0x0  }
0xab: {  	s7 =	sshll.u32 s28, $0x1;
	[dreg:$0x2] =	wrdreg s6  }
0xac: {  	[dreg:$0x3] =	wrdreg s7  }
0xad: {  	[dreg:$0x4] =	wrdreg $0xC0  }
0xae: {  	_ =	task [dreg:s10], $0x5FFFF  }
0xaf: {  	[dreg:$0x1] =	wrdreg $0xFFFFFFFF  }
0xb0: {  	[dreg:$0x0] =	wrdreg $0x60  }
0xb1: {  	[dreg:$0x2] =	wrdreg s2  }
0xb2: {  	[dreg:$0x3] =	wrdreg s19  }
0xb3: {  	[dreg:$0x4] =	wrdreg s4  }
0xb4: {  	[dreg:$0x5] =	wrdreg s5  }
0xb5: {  	[dreg:$0x6] =	wrdreg $0x9  }
0xb6: {  	_ =	task.clear_ibuf [dreg:s10], $0x7FFFF;
	_ =	strace $0x90000046  }
0xb7: {  	s29 =	simm.s32 $0x9;
	_ =	strace $0x80000048  }
0xb8: {  	_ =	swait.ge [sflag:s29], $0x1  }
0xb9: {  	[sflag:s29] =	ssyncadd.s32 $0xFFFFFFFF  }
0xba: {  	_ =	strace $0x90000048  }
0xbb: {  	_ =	sfence  }
0xbc: {  	s30 =	sld [smem:$0x0];
	_ =	sdelay $0x2  }
0xbd: {  	s31 =	sshll.u32 s1, $0xD;
	s1 =	sshrl.u32 s1, $0x2  }
0xbe: {  	s3 =	sand.u32 $0x4000, s31;
	s1 =	sadd.s32 s1, s30  }
0xbf: {  	s0 =	sor.u32 s3, s0;
	s1 =	sshll.u32 s1, $0x11  }
0xc0: {  	s0 =	sor.u32 s1, s0  }
0xc1: {  	s0 =	sadd.s32 $0x8F2B, s0  }
0xc2: {  	[sflag:s0] =	ssyncadd.remote.s32 $0x1  }
0xc3: {  	_ =	sfence.sel $0xFFFF  }
0xc4: {  	[dreg:$0x0] =	wrdreg $0xFFFFFFFF;
	(pc) =	sbr.abs _section_cstart, $3  }
0xc5: {  	[dreg:$0x1] =	wrdreg $0xFFFFFFFF  }
0xc6: {  	_ =	task.clear_ibuf [dreg:s10], $0x2FFFF;
	_ =	strace $0x9FFFFFFF  }
0xc7: {  	(tm) =	ssettm $0x7FFFFFFF  }
tec
execute0_lowered:
.L_overlay_start_1:
0x0: {  	(tag) =	ssettag $0x1  }
0x1: {  	v0 =	vlaneseq.u32  }
0x2: {  	v20 =	vmul.u32 $0x80, v0  }
0x3: {  	s6 =	rddreg [dreg:$0x0];
	s7 =	simm.s32 $0x0  }
0x4: {  	[smem:$0x7FF] =	sst s7;
	v0 =	vor.u32 $0x801, v20  }
0x5: {  	s0 =	srdreg.scid;
	s11 =	rddreg [dreg:$0x1];
	_ =	strace $0x80000047;
	v42 =	vor.u32 $0x2, v20;
	[tilespmem:$0x1FE90] =	vst v0  }
0x6: {  	s3 =	stileid.u32;
	s0 =	sand.u32 $0x1, s0;
	v43 =	vor.u32 $0x802, v20;
	[tilespmem:$0x1FEA0] =	vst v42  }
0x7: {  	s18 =	smul.u32 $0xFFFFFEC7, s3;
	s1 =	sshll.u32 s0, $0x4;
	v44 =	vor.u32 $0x3, v20;
	[tilespmem:$0x1FEB0] =	vst v43  }
0x8: {  	s2 =	ssub.s32 $0x2, s0;
	s0 =	smul.u32 $0xFFFFEC70, s0;
	s1 =	sor.u32 s3, s1;
	v45 =	vor.u32 $0x803, v20;
	[tilespmem:$0x1FEC0] =	vst v44  }
0x9: {  	v46 =	vor.u32 $0x4, v20;
	s4 =	smul.u32 $0x139, s1;
	[tilespmem:$0x1FED0] =	vst v45  }
0xa: {  	s28 =	simm.s32 $0x2;
	s29 =	simm.s32 $0x4;
	s8 =	sshrl.u32 s2, $0x1;
	v47 =	vor.u32 $0x804, v20;
	[tilespmem:$0x1FEE0] =	vst v46  }
0xb: {  	v48 =	vor.u32 $0x5, v20;
	s2 =	ssub.s32 s2, s8;
	s0 =	sadd.s32 s0, s18;
	[tilespmem:$0x1FEF0] =	vst v47;
	s1 =	ssub.s32 $0x2710, s4  }
0xc: {  	v49 =	vor.u32 $0x805, v20;
	[tilespmem:$0x1FF00] =	vst v48;
	s0 =	sadd.s32 $0x2710, s0;
	s31 =	smax.u32 s2, $0x1;
	s1 =	smin.u32 s1, $0x139  }
0xd: {  	v50 =	vor.u32 $0x6, v20;
	[tilespmem:$0x1FF10] =	vst v49;
	s2 =	simm.s32 $0x0;
	s20 =	sadd.s32 $0x8, s4;
	s5 =	sadd.s32 s1, s4  }
0xe: {  	v51 =	vor.u32 $0x806, v20;
	[tilespmem:$0x1FF20] =	vst v50;
	s0 =	smin.u32 s0, $0x139;
	[dreg:$0xf] =	wrdreg s31;
	s16 =	sadd.s32 $0xFFFFFFF8, s5  }
0xf: {  	v52 =	vor.u32 $0x7, v20;
	[tilespmem:$0x1FF30] =	vst v51;
	s0 =	sadd.s32 $0x7, s0;
	s1 =	sadd.s32 $0x7, s1;
	s5 =	smin.u32 s4, s16  }
0x10: {  	v53 =	vor.u32 $0x807, v20;
	[tilespmem:$0x1FF40] =	vst v52;
	s0 =	sshrl.u32 s0, $0x3;
	s9 =	sshrl.u32 s1, $0x3;
	s17 =	sshll.u32 s5, $0x9  }
0x11: {  	v54 =	vor.u32 $0x8, v20;
	[tilespmem:$0x1FF50] =	vst v53;
	s0 =	sadd.s32 $0x1, s0;
	s5 =	sshll.u32 s5, $0x4;
	s19 =	sadd.s32 s6, s17  }
0x12: {  	v55 =	vor.u32 $0x808, v20;
	[tilespmem:$0x1FF60] =	vst v54;
	s1 =	smin.u32 s20, s16;
	s24 =	sadd.s32 s11, s5;
	[dreg:$0x5] =	wrdreg s19  }
0x13: {  	v56 =	vor.u32 $0x9, v20;
	[tilespmem:$0x1FF70] =	vst v55;
	s22 =	sshll.u32 s1, $0x9;
	s10 =	sadd.s32 $0x400, s19;
	[dreg:$0x9] =	wrdreg s24  }
0x14: {  	v57 =	vor.u32 $0x809, v20;
	[tilespmem:$0x1FF80] =	vst v56;
	s1 =	sshll.u32 s1, $0x4;
	s21 =	sadd.s32 $0x800, s19;
	[dreg:$0x6] =	wrdreg s10  }
0x15: {  	v58 =	vor.u32 $0xA, v20;
	[tilespmem:$0x1FF90] =	vst v57;
	s23 =	sand.u32 $0x1FFFFE00, s22;
	s3 =	sadd.s32 $0xC00, s19;
	[dreg:$0x7] =	wrdreg s21  }
0x16: {  	v59 =	vor.u32 $0x80A, v20;
	[tilespmem:$0x1FFA0] =	vst v58;
	s1 =	sand.u32 $0x1FFFFFF0, s1;
	s25 =	sadd.s32 s6, s23;
	[dreg:$0x8] =	wrdreg s3  }
.Ltmp0:
0x17: {  	v60 =	vor.u32 $0xB, v20;
	[tilespmem:$0x1FFB0] =	vst v59;
	s1 =	sadd.s32 s11, s1;
	[dreg:$0xa] =	wrdreg s25;
	(pc) =	sbr.rel .LBB2_1-.Ltmp0, $4  }
0x18: {  	v21 =	vor.u32 $0x800, v20;
	v61 =	vor.u32 $0x80B, v20;
	[tilespmem:$0x1FFC0] =	vst v60;
	s20 =	sshrl.u32 s0, $0x1;
	s26 =	sadd.s32 $0x400, s25;
	[dreg:$0xe] =	wrdreg s1  }
0x19: {  	v22 =	vor.u32 $0x1, v20;
	v62 =	vor.u32 $0xC, v20;
	v63 =	vor.u32 $0x80C, v20;
	[tilespmem:$0x1FFD0] =	vst v61;
	s5 =	simm.s32 $0x1;
	s30 =	sadd.s32 $0x800, s25;
	[dreg:$0xb] =	wrdreg s26  }
0x1a: {  	v26 =	vor.u32 $0xD, v20;
	v27 =	vor.u32 $0x80D, v20;
	v28 =	vor.u32 $0xE, v20;
	[tilespmem:$0x1FFE0] =	vst v62;
	s23 =	simm.s32 $0x3;
	s3 =	sadd.s32 $0xC00, s25;
	[dreg:$0xc] =	wrdreg s30  }
0x1b: {  	v29 =	vor.u32 $0x80E, v20;
	v30 =	vor.u32 $0xF, v20;
	v31 =	vor.u32 $0x80F, v20;
	[tilespmem:$0x1FFF0] =	vst v63;
	s24 =	simm.s32 $0x10980;
	s25 =	simm.s32 $0x18980;
	[dreg:$0xd] =	wrdreg s3  }
.LBB2_19:
0x1c: {  	s0 =	simm.s32 $0x5  }
0x1d: {  	_ =	swait.ge [sflag:s0], $0x400  }
0x1e: {  	[sflag:s0] =	ssyncset.done $0x0  }
0x1f: {  	s1 =	simm.s32 $0x6;
	[sflag:s0] =	ssyncadd.s32 $0xFFFFFC00  }
0x20: {  	_ =	swait.ge [sflag:s1], $0x400  }
0x21: {  	s2 =	rddreg [dreg:$0x10]  }
0x22: {  	s31 =	rddreg [dreg:$0xf];
	s2 =	sadd.s32 $0x1, s2  }
0x23: {  	p0 =	sne.s32 s2, s31  }
.Ltmp1:
0x24: {  	_ = 	snop;
	(pc) =	sbr.rel @!p0 .LBB2_20-.Ltmp1, $3  }
0x25: {  	_ =	sdelay $0x1  }
0x26: {  	[sflag:s1] =	ssyncset.done $0x0  }
0x27: {  	[sflag:s1] =	ssyncadd.s32 $0xFFFFFC00  }
.LBB2_1:
0x28: {  	[dreg:$0x10] =	wrdreg s2  }
0x29: {  	s0 =	rddreg [dreg:$0x2];
	s30 =	simm.s32 $0x7  }
0x2a: {  	[tilespmem:s7], [sflag:$0x7] =	stream.linear.gather [hbm4b:s0+s7], $0x180, $0x38;
	[tilespmem:$0x19580] =	vst v63  }
0x2b: {  	_ =	swait.ge [sflag:s30], $0x180  }
0x2c: {  	[sflag:s30] =	ssyncset.done $0x0  }
0x2d: {  	[sflag:s30] =	ssyncadd.s32 $0xFFFFFE80  }
0x2e: {  	v32 =	vld [tilespmem:$0x0]  }
0x2f: {  	v33 =	vld [tilespmem:$0x10]  }
0x30: {  	v34 =	vld [tilespmem:$0x20]  }
0x31: {  	v35 =	vld [tilespmem:$0x30]  }
0x32: {  	v36 =	vld [tilespmem:$0x40]  }
0x33: {  	v37 =	vld [tilespmem:$0x50]  }
0x34: {  	v38 =	vld [tilespmem:$0x60]  }
0x35: {  	v39 =	vld [tilespmem:$0x70]  }
0x36: {  	v40 =	vld [tilespmem:$0x80]  }
0x37: {  	v41 =	vld [tilespmem:$0x90]  }
0x38: {  	v42 =	vld [tilespmem:$0xA0]  }
0x39: {  	v43 =	vld [tilespmem:$0xB0]  }
0x3a: {  	v44 =	vld [tilespmem:$0xC0]  }
0x3b: {  	v45 =	vld [tilespmem:$0xD0]  }
0x3c: {  	v46 =	vld [tilespmem:$0xE0]  }
0x3d: {  	s1 =	simm.s32 $0x180;
	s31 =	rddreg [dreg:$0x5];
	v47 =	vld [tilespmem:$0xF0]  }
0x3e: {  	v0 =	vld [tilespmem:$0x100];
	[tilespmem:s1], [sflag:$0x1] =	stream.linear.gather [hbm4b:s31+s7], $0x2000, $0x38  }
0x3f: {  	s3 =	simm.s32 $0x2180;
	s2 =	rddreg [dreg:$0x6]  }
0x40: {  	[tilespmem:s3], [sflag:$0x1] =	stream.linear.gather [hbm4b:s2+s7], $0x2000, $0x38;
	[tilespmem:$0x19580] =	vst v63  }
0x41: {  	s8 =	simm.s32 $0x4180;
	s6 =	rddreg [dreg:$0x7]  }
0x42: {  	[tilespmem:s8], [sflag:$0x1] =	stream.linear.gather [hbm4b:s6+s7], $0x2000, $0x38;
	[tilespmem:$0x19580] =	vst v63  }
0x43: {  	s11 =	simm.s32 $0x6180;
	s10 =	rddreg [dreg:$0x8];
	(v2sf) =	vpush v0, $0x0  }
0x44: {  	(v2sf) =	vpush v0, $0x1;
	[tilespmem:s11], [sflag:$0x1] =	stream.linear.gather [hbm4b:s10+s7], $0x2000, $0x38;
	[tilespmem:$0x19580] =	vst v63  }
0x45: {  	s13 =	simm.s32 $0x10180;
	s12 =	rddreg [dreg:$0x9]  }
0x46: {  	[tilespmem:s13], [sflag:$0x3] =	stream.linear.gather [hbm4b:s12+s7], $0x400, $0x38;
	[tilespmem:$0x19580] =	vst v63  }
0x47: {  	s15 =	simm.s32 $0x8180;
	s14 =	rddreg [dreg:$0xa]  }
0x48: {  	[tilespmem:s15], [sflag:$0x2] =	stream.linear.gather [hbm4b:s14+s7], $0x2000, $0x38;
	[tilespmem:$0x19580] =	vst v63  }
0x49: {  	s18 =	simm.s32 $0xA180;
	s17 =	rddreg [dreg:$0xb]  }
0x4a: {  	[tilespmem:s18], [sflag:$0x2] =	stream.linear.gather [hbm4b:s17+s7], $0x2000, $0x38;
	[tilespmem:$0x19580] =	vst v63  }
0x4b: {  	s21 =	simm.s32 $0xC180;
	s19 =	rddreg [dreg:$0xc]  }
0x4c: {  	[tilespmem:s21], [sflag:$0x2] =	stream.linear.gather [hbm4b:s19+s7], $0x2000, $0x38;
	[tilespmem:$0x19580] =	vst v63  }
0x4d: {  	s26 =	simm.s32 $0xE180;
	s22 =	rddreg [dreg:$0xd]  }
0x4e: {  	[tilespmem:s26], [sflag:$0x2] =	stream.linear.gather [hbm4b:s22+s7], $0x2000, $0x38;
	[tilespmem:$0x19580] =	vst v63  }
.Ltmp2:
0x4f: {  	_ = 	snop;
	(pc) =	sbr.rel .LBB2_2-.Ltmp2, $4  }
0x50: {  	s30 =	rddreg [dreg:$0xe];
	s31 =	simm.s32 $0x10580  }
0x51: {  	[tilespmem:s31], [sflag:$0x4] =	stream.linear.gather [hbm4b:s30+s7], $0x400, $0x38;
	[tilespmem:$0x19580] =	vst v63  }
0x52: {  	s11 =	spop (v2sf)  }
0x53: {  	s13 =	simm.s32 $0x0;
	s12 =	spop (v2sf)  }
.LBB2_18:
0x54: {  	s13 =	sadd.s32 $0x1, s13  }
0x55: {  	p0 =	sne.s32 s13, s20  }
.Ltmp3:
0x56: {  	_ = 	snop;
	(pc) =	sbr.rel @!p0 .LBB2_19-.Ltmp3, $1  }
0x57: {  	_ =	sdelay $0x3  }
.LBB2_2:
0x58: {  	s14 =	sshll.u32 s13, $0x1  }
0x59: {  	p0 =	sge.u32 s14, s9  }
.Ltmp4:
0x5a: {  	_ = 	snop;
	(pc) =	sbr.rel @p0 .LBB2_10-.Ltmp4, $1  }
0x5b: {  	_ =	sdelay $0x3  }
0x5c: {  	_ =	swait.ge [sflag:s5], $0x2000  }
0x5d: {  	[sflag:s5] =	ssyncset.done $0x0  }
0x5e: {  	[sflag:s5] =	ssyncadd.s32 $0xFFFFE000  }
0x5f: {  	_ =	swait.ge [sflag:s5], $0x2000  }
0x60: {  	[sflag:s5] =	ssyncset.done $0x0  }
0x61: {  	[sflag:s5] =	ssyncadd.s32 $0xFFFFE000  }
0x62: {  	_ =	swait.ge [sflag:s5], $0x2000  }
0x63: {  	[sflag:s5] =	ssyncset.done $0x0  }
0x64: {  	[sflag:s5] =	ssyncadd.s32 $0xFFFFE000  }
0x65: {  	_ =	swait.ge [sflag:s5], $0x2000  }
0x66: {  	[sflag:s5] =	ssyncset.done $0x0  }
0x67: {  	[sflag:s5] =	ssyncadd.s32 $0xFFFFE000  }
0x68: {  	_ =	swait.ge [sflag:s23], $0x400  }
0x69: {  	p0 =	seq.s32 s13, $0x0;
	s0 =	sshll.u32 s13, $0x4;
	[sflag:s23] =	ssyncset.done $0x0  }
0x6a: {  	s8 =	smov.u32 s16;
	s1 =	simm.s32 @!p0 $0x5;
	[sflag:s23] =	ssyncadd.s32 $0xFFFFFC00  }
0x6b: {  	s17 =	simm.s32 $0x0;
	s0 =	sadd.s32 s4, s0;
	_ =	swait.ge @!p0 [sflag:s1], $0x400  }
0x6c: {  	s18 =	simm.s32 $0x10A80;
	p1 =	slt.s32 s0, s16;
	[sflag:s1] =	ssyncset.done @!p0 $0x0  }
0x6d: {  	s30 =	simm.s32 $0x280;
	s8 =	smov.u32 @p1 s0;
	[sflag:s1] =	ssyncadd.s32 @!p0 $0xFFFFFC00  }
.LBB2_4:
0x6e: {  	v0 =	vld [tilespmem:s30+$0xFFFFFF00]  }
0x6f: {  	v1 =	vld [tilespmem:s30+$0xFFFFFF30]  }
0x70: {  	v2 =	vld [tilespmem:s30+$0xFFFFFF20]  }
0x71: {  	v3 =	vld [tilespmem:s30+$0xFFFFFF10]  }
0x72: {  	v4 =	vld [tilespmem:s30+$0xFFFFFF50]  }
0x73: {  	v5 =	vld [tilespmem:s30+$0xFFFFFF40]  }
0x74: {  	v6 =	vld [tilespmem:s30+$0xFFFFFF70]  }
0x75: {  	v7 =	vld [tilespmem:s30+$0xFFFFFF60];
	v0 =	vmul.f32 v0, v32;
	v2 =	vmul.f32 v2, v34  }
0x76: {  	v3 =	vmul.f32 v3, v33;
	v1 =	vmul.f32 v1, v35  }
0x77: {  	v0 =	vadd.f32 v2, v0  }
0x78: {  	v1 =	vadd.f32 v1, v3;
	v2 =	vmul.f32 v5, v36;
	v3 =	vmul.f32 v4, v37  }
0x79: {  	v4 =	vmul.f32 v6, v39  }
0x7a: {  	v0 =	vadd.f32 v2, v0;
	v1 =	vadd.f32 v3, v1;
	v2 =	vmul.f32 v7, v38;
	_ =	sdelay $0x1  }
0x7b: {  	v0 =	vadd.f32 v2, v0;
	v1 =	vadd.f32 v4, v1;
	_ =	sdelay $0x1  }
0x7c: {  	v0 =	vadd.f32 v1, v0;
	_ =	sdelay $0x1  }
0x7d: {  	[tilespmem:s18+$0xFFFFFF00] =	vst v0  }
0x7e: {  	v0 =	vld [tilespmem:s30+$0xFFFFFFB0]  }
0x7f: {  	v1 =	vld [tilespmem:s30+$0xFFFFFFA0]  }
0x80: {  	v2 =	vld [tilespmem:s30+$0xFFFFFF90]  }
0x81: {  	v3 =	vld [tilespmem:s30+$0xFFFFFF80]  }
0x82: {  	v4 =	vld [tilespmem:s30+$0xFFFFFFD0]  }
0x83: {  	v5 =	vld [tilespmem:s30+$0xFFFFFFC0]  }
0x84: {  	v6 =	vld [tilespmem:s30+$0xFFFFFFF0]  }
0x85: {  	v7 =	vld [tilespmem:s30+$0xFFFFFFE0];
	v2 =	vmul.f32 v2, v33;
	v0 =	vmul.f32 v0, v35  }
0x86: {  	v3 =	vmul.f32 v3, v32;
	v1 =	vmul.f32 v1, v34  }
0x87: {  	v0 =	vadd.f32 v0, v2  }
0x88: {  	v2 =	vmul.f32 v4, v37;
	v1 =	vadd.f32 v1, v3;
	v3 =	vmul.f32 v5, v36  }
0x89: {  	v4 =	vmul.f32 v6, v39  }
0x8a: {  	v0 =	vadd.f32 v2, v0;
	v1 =	vadd.f32 v3, v1;
	v2 =	vmul.f32 v7, v38;
	_ =	sdelay $0x1  }
0x8b: {  	v0 =	vadd.f32 v4, v0;
	v1 =	vadd.f32 v2, v1;
	_ =	sdelay $0x1  }
0x8c: {  	v0 =	vadd.f32 v0, v1;
	_ =	sdelay $0x1  }
0x8d: {  	[tilespmem:s18+$0xFFFFFF80] =	vst v0  }
0x8e: {  	v0 =	vld [tilespmem:s30+$0x20]  }
0x8f: {  	v1 =	vld [tilespmem:s30+$0x30]  }
0x90: {  	v2 =	vld [tilespmem:s30+$0x0]  }
0x91: {  	v3 =	vld [tilespmem:s30+$0x10]  }
0x92: {  	v4 =	vld [tilespmem:s30+$0x40]  }
0x93: {  	v5 =	vld [tilespmem:s30+$0x50]  }
0x94: {  	v6 =	vld [tilespmem:s30+$0x60]  }
0x95: {  	v7 =	vld [tilespmem:s30+$0x70];
	v2 =	vmul.f32 v2, v32;
	v0 =	vmul.f32 v0, v34  }
0x96: {  	v1 =	vmul.f32 v1, v35;
	v3 =	vmul.f32 v3, v33  }
0x97: {  	v0 =	vadd.f32 v0, v2;
	v2 =	vmul.f32 v4, v36  }
0x98: {  	v1 =	vadd.f32 v1, v3;
	v3 =	vmul.f32 v5, v37  }
0x99: {  	v0 =	vadd.f32 v2, v0  }
0x9a: {  	v2 =	vmul.f32 v6, v38;
	v1 =	vadd.f32 v3, v1;
	v3 =	vmul.f32 v7, v39;
	_ =	sdelay $0x1  }
0x9b: {  	v0 =	vadd.f32 v2, v0;
	v1 =	vadd.f32 v3, v1;
	_ =	sdelay $0x1  }
0x9c: {  	v0 =	vadd.f32 v1, v0;
	_ =	sdelay $0x1  }
0x9d: {  	[tilespmem:s18+$0x0] =	vst v0  }
0x9e: {  	v0 =	vld [tilespmem:s30+$0xC0]  }
0x9f: {  	v2 =	vld [tilespmem:s30+$0x90]  }
0xa0: {  	v5 =	vld [tilespmem:s30+$0x80]  }
0xa1: {  	v6 =	vld [tilespmem:s30+$0xB0]  }
0xa2: {  	v4 =	vld [tilespmem:s30+$0xA0]  }
0xa3: {  	v3 =	vld [tilespmem:s30+$0xD0]  }
0xa4: {  	s2 =	simm.s32 $0x0;
	v1 =	vld [tilespmem:s30+$0xF0]  }
0xa5: {  	s10 =	smov.u32 s18;
	s15 =	smov.u32 s30;
	s0 =	smov.u32 s18;
	v7 =	vmul.f32 v2, v33;
	v2 =	vld [tilespmem:s30+$0xE0]  }
.LBB2_5:
0xa6: {  	s2 =	sadd.s32 $0x4, s2;
	v5 =	vmul.f32 v5, v32;
	v6 =	vmul.f32 v6, v35;
	s10 =	sadd.s32 $0x200, s10;
	s15 =	sadd.s32 $0x200, s15  }
0xa7: {  	v0 =	vmul.f32 v0, v36;
	p0 =	slt.u32 s2, $0x1C;
	v4 =	vmul.f32 v4, v34  }
0xa8: {  	v6 =	vadd.f32 v6, v7;
	v3 =	vmul.f32 v3, v37  }
0xa9: {  	v4 =	vadd.f32 v4, v5  }
0xaa: {  	v1 =	vmul.f32 v1, v39;
	v3 =	vadd.f32 v3, v6  }
0xab: {  	v2 =	vmul.f32 v2, v38;
	v0 =	vadd.f32 v0, v4  }
0xac: {  	v1 =	vadd.f32 v1, v3  }
0xad: {  	v0 =	vadd.f32 v2, v0;
	_ =	sdelay $0x1  }
0xae: {  	v0 =	vadd.f32 v1, v0;
	_ =	sdelay $0x1  }
0xaf: {  	[tilespmem:s0+$0x80] =	vst v0;
	s0 =	smov.u32 s10  }
0xb0: {  	v0 =	vld [tilespmem:s15+$0xFFFFFF00]  }
0xb1: {  	v1 =	vld [tilespmem:s15+$0xFFFFFF30]  }
0xb2: {  	v2 =	vld [tilespmem:s15+$0xFFFFFF20]  }
0xb3: {  	v3 =	vld [tilespmem:s15+$0xFFFFFF10]  }
0xb4: {  	v4 =	vld [tilespmem:s15+$0xFFFFFF50]  }
0xb5: {  	v0 =	vmul.f32 v0, v32;
	v5 =	vld [tilespmem:s15+$0xFFFFFF40]  }
0xb6: {  	v6 =	vld [tilespmem:s15+$0xFFFFFF70]  }
0xb7: {  	v2 =	vmul.f32 v2, v34;
	v7 =	vld [tilespmem:s15+$0xFFFFFF60]  }
0xb8: {  	v1 =	vmul.f32 v1, v35;
	v3 =	vmul.f32 v3, v33  }
0xb9: {  	v0 =	vadd.f32 v2, v0  }
0xba: {  	v1 =	vadd.f32 v1, v3;
	v2 =	vmul.f32 v5, v36;
	v3 =	vmul.f32 v4, v37  }
0xbb: {  	v4 =	vmul.f32 v6, v39  }
0xbc: {  	v0 =	vadd.f32 v2, v0;
	v1 =	vadd.f32 v3, v1;
	v2 =	vmul.f32 v7, v38;
	_ =	sdelay $0x1  }
0xbd: {  	v0 =	vadd.f32 v2, v0;
	v1 =	vadd.f32 v4, v1;
	_ =	sdelay $0x1  }
0xbe: {  	v0 =	vadd.f32 v1, v0;
	_ =	sdelay $0x1  }
0xbf: {  	[tilespmem:s10+$0xFFFFFF00] =	vst v0  }
0xc0: {  	v0 =	vld [tilespmem:s15+$0xFFFFFFF0]  }
0xc1: {  	v1 =	vld [tilespmem:s15+$0xFFFFFFB0]  }
0xc2: {  	v2 =	vld [tilespmem:s15+$0xFFFFFFA0]  }
0xc3: {  	v3 =	vld [tilespmem:s15+$0xFFFFFF90]  }
0xc4: {  	v4 =	vld [tilespmem:s15+$0xFFFFFF80]  }
0xc5: {  	v5 =	vld [tilespmem:s15+$0xFFFFFFD0]  }
0xc6: {  	v6 =	vld [tilespmem:s15+$0xFFFFFFC0]  }
0xc7: {  	v0 =	vmul.f32 v0, v39  }
0xc8: {  	v1 =	vmul.f32 v1, v35;
	v3 =	vmul.f32 v3, v33;
	v7 =	vld [tilespmem:s15+$0xFFFFFFE0]  }
0xc9: {  	v2 =	vmul.f32 v2, v34;
	v4 =	vmul.f32 v4, v32  }
0xca: {  	v1 =	vadd.f32 v1, v3;
	v3 =	vmul.f32 v5, v37  }
0xcb: {  	v2 =	vadd.f32 v2, v4;
	v4 =	vmul.f32 v6, v36  }
0xcc: {  	v1 =	vadd.f32 v3, v1  }
0xcd: {  	v2 =	vadd.f32 v4, v2;
	v3 =	vmul.f32 v7, v38  }
0xce: {  	v0 =	vadd.f32 v0, v1  }
0xcf: {  	v1 =	vadd.f32 v3, v2;
	_ =	sdelay $0x1  }
0xd0: {  	v0 =	vadd.f32 v0, v1;
	_ =	sdelay $0x1  }
0xd1: {  	[tilespmem:s10+$0xFFFFFF80] =	vst v0  }
0xd2: {  	v0 =	vld [tilespmem:s15+$0x20]  }
0xd3: {  	v1 =	vld [tilespmem:s15+$0x30]  }
0xd4: {  	v2 =	vld [tilespmem:s15+$0x0]  }
0xd5: {  	v3 =	vld [tilespmem:s15+$0x10]  }
0xd6: {  	v4 =	vld [tilespmem:s15+$0x40]  }
0xd7: {  	v5 =	vld [tilespmem:s15+$0x50]  }
0xd8: {  	v1 =	vmul.f32 v1, v35;
	v6 =	vld [tilespmem:s15+$0x60]  }
0xd9: {  	v0 =	vmul.f32 v0, v34;
	v2 =	vmul.f32 v2, v32;
	v7 =	vld [tilespmem:s15+$0x70]  }
0xda: {  	v3 =	vmul.f32 v3, v33  }
0xdb: {  	v0 =	vadd.f32 v0, v2;
	v2 =	vmul.f32 v4, v36  }
0xdc: {  	v1 =	vadd.f32 v1, v3;
	v3 =	vmul.f32 v5, v37  }
0xdd: {  	v0 =	vadd.f32 v2, v0;
	v2 =	vmul.f32 v6, v38  }
0xde: {  	v1 =	vadd.f32 v3, v1;
	v3 =	vmul.f32 v7, v39  }
0xdf: {  	v0 =	vadd.f32 v2, v0  }
0xe0: {  	v1 =	vadd.f32 v3, v1;
	_ =	sdelay $0x1  }
0xe1: {  	v0 =	vadd.f32 v1, v0;
	_ =	sdelay $0x1  }
0xe2: {  	[tilespmem:s10+$0x0] =	vst v0  }
0xe3: {  	v0 =	vld [tilespmem:s15+$0xC0]  }
0xe4: {  	v1 =	vld [tilespmem:s15+$0x90]  }
0xe5: {  	v5 =	vld [tilespmem:s15+$0x80]  }
.Ltmp5:
0xe6: {  	v6 =	vld [tilespmem:s15+$0xB0];
	(pc) =	sbr.rel @p0 .LBB2_5-.Ltmp5, $4  }
0xe7: {  	v4 =	vld [tilespmem:s15+$0xA0]  }
0xe8: {  	v3 =	vld [tilespmem:s15+$0xD0]  }
0xe9: {  	v7 =	vmul.f32 v1, v33;
	v1 =	vld [tilespmem:s15+$0xF0]  }
0xea: {  	v2 =	vld [tilespmem:s15+$0xE0]  }
0xeb: {  	_ = 	snop  }
0xec: {  	v5 =	vmul.f32 v5, v32;
	v14 =	vld [tilespmem:$0x1FEB0];
	v4 =	vmul.f32 v4, v34;
	_ =	sdelay $0x1  }
0xed: {  	v0 =	vmul.f32 v0, v36;
	v4 =	vadd.f32 v4, v5  }
0xee: {  	v48 =	vmov s17  }
0xef: {  	v0 =	vadd.f32 v0, v4;
	v4 =	vshll.u32 v48, $0xC  }
0xf0: {  	v49 =	vor.u32 v14, v4;
	v14 =	vld [tilespmem:$0x1FEE0];
	_ =	sdelay $0x4  }
0xf1: {  	v50 =	vor.u32 v14, v4;
	v14 =	vld [tilespmem:$0x1FF00];
	_ =	sdelay $0x4  }
0xf2: {  	v61 =	vor.u32 v14, v4;
	v14 =	vld [tilespmem:$0x1FF10];
	_ =	sdelay $0x4  }
0xf3: {  	v51 =	vor.u32 v14, v4;
	v14 =	vld [tilespmem:$0x1FF30];
	_ =	sdelay $0x4  }
0xf4: {  	v6 =	vmul.f32 v6, v35;
	v62 =	vor.u32 v14, v4;
	v14 =	vld [tilespmem:$0x1FF50];
	_ =	sdelay $0x1  }
0xf5: {  	v6 =	vadd.f32 v6, v7;
	v3 =	vmul.f32 v3, v37;
	_ =	sdelay $0x1  }
0xf6: {  	v1 =	vmul.f32 v1, v39;
	v3 =	vadd.f32 v3, v6;
	v2 =	vmul.f32 v2, v38  }
0xf7: {  	v52 =	vor.u32 v14, v4;
	v14 =	vld [tilespmem:$0x1FF60]  }
0xf8: {  	v1 =	vadd.f32 v1, v3;
	v0 =	vadd.f32 v2, v0;
	_ =	sdelay $0x1  }
0xf9: {  	v11 =	vld [tilespmem:$0x1FE90];
	v0 =	vadd.f32 v1, v0  }
0xfa: {  	v13 =	vld [tilespmem:$0x1FEA0]  }
0xfb: {  	s21 =	sshll.u32 s17, $0x7;
	[tilespmem:s0+$0x80] =	vst v0;
	v63 =	vor.u32 v14, v4;
	v14 =	vld [tilespmem:$0x1FF70]  }
0xfc: {  	v0 =	vld [tilespmem:s21+$0x10180]  }
0xfd: {  	v1 =	vld [tilespmem:s21+$0x10190]  }
0xfe: {  	v2 =	vld [tilespmem:s21+$0x101A0]  }
0xff: {  	v3 =	vld [tilespmem:s21+$0x101B0]  }
0x100: {  	v53 =	vor.u32 v14, v4;
	v14 =	vld [tilespmem:$0x1FF80]  }
0x101: {  	v5 =	vor.u32 v20, v4;
	v6 =	vld [tilespmem:s21+$0x101C0]  }
0x102: {  	v11 =	vor.u32 v11, v4;
	v8 =	vld [tilespmem:s21+$0x101D0]  }
0x103: {  	v7 =	vor.u32 v21, v4;
	v10 =	vld [tilespmem:s21+$0x101E0]  }
0x104: {  	v12 =	vld [tilespmem:s21+$0x101F0]  }
0x105: {  	v54 =	vor.u32 v14, v4;
	v14 =	vld [tilespmem:$0x1FF90]  }
0x106: {  	v9 =	vor.u32 v22, v4;
	v5 =	vld.idx.msk [tilespmem:v5+s24+$0x0], $0xffff;
	v0 =	vmul.f32 v0, v40;
	v2 =	vmul.f32 v2, v42  }
0x107: {  	v11 =	vld.idx.msk [tilespmem:v11+s24+$0x0], $0xffff;
	v1 =	vmul.f32 v1, v41;
	v3 =	vmul.f32 v3, v43  }
0x108: {  	v0 =	vadd.f32 v2, v0;
	v2 =	vld.idx.msk [tilespmem:v7+s24+$0x0], $0xffff  }
0x109: {  	v13 =	vor.u32 v13, v4;
	v1 =	vadd.f32 v3, v1;
	v3 =	vld [tilespmem:$0x1FEC0]  }
0x10a: {  	v6 =	vmul.f32 v6, v44;
	v7 =	vmul.f32 v8, v45;
	v55 =	vor.u32 v14, v4;
	v14 =	vld [tilespmem:$0x1FFA0]  }
0x10b: {  	v10 =	vmul.f32 v10, v46;
	v8 =	vld.idx.msk [tilespmem:v9+s24+$0x0], $0xffff  }
0x10c: {  	v12 =	vmul.f32 v12, v47;
	v0 =	vadd.f32 v6, v0;
	v1 =	vadd.f32 v7, v1;
	v7 =	vld [tilespmem:$0x1FEF0]  }
0x10d: {  	v9 =	vld [tilespmem:$0x1FED0]  }
0x10e: {  	v6 =	vld.idx.msk [tilespmem:v13+s24+$0x0], $0xffff;
	v0 =	vadd.f32 v10, v0;
	v1 =	vadd.f32 v12, v1  }
0x10f: {  	v56 =	vor.u32 v14, v4;
	v14 =	vld [tilespmem:$0x1FFB0]  }
0x110: {  	v13 =	vld.idx.msk [tilespmem:v49+s24+$0x0], $0xffff;
	v0 =	vadd.f32 v1, v0  }
0x111: {  	v49 =	vld.idx.msk [tilespmem:v61+s24+$0x0], $0xffff;
	v7 =	vor.u32 v7, v4  }
0x112: {  	v10 =	vld [tilespmem:$0x1FF20];
	(xrf2) =	vadd.scan.msk.f32 $0xffff, v0  }
0x113: {  	v12 =	vld.idx.msk [tilespmem:v50+s24+$0x0], $0xffff;
	v3 =	vor.u32 v3, v4  }
0x114: {  	v57 =	vor.u32 v14, v4;
	v14 =	vld [tilespmem:$0x1FFC0]  }
0x115: {  	v9 =	vor.u32 v9, v4;
	v0 =	vld.idx.msk [tilespmem:v51+s24+$0x0], $0xffff  }
0x116: {  	v1 =	vld.idx.msk [tilespmem:v7+s24+$0x0], $0xffff  }
0x117: {  	v10 =	vor.u32 v10, v4;
	v7 =	vld [tilespmem:$0x1FF40]  }
0x118: {  	v5 =	vadd.f32 v12, v5;
	v12 =	vor.u32 v30, v4;
	v3 =	vld.idx.msk [tilespmem:v3+s24+$0x0], $0xffff  }
0x119: {  	v58 =	vor.u32 v14, v4;
	v14 =	vld [tilespmem:$0x1FFD0]  }
0x11a: {  	v9 =	vld.idx.msk [tilespmem:v9+s24+$0x0], $0xffff  }
0x11b: {  	v50 =	vld.idx.msk [tilespmem:v62+s24+$0x0], $0xffff  }
0x11c: {  	v10 =	vld.idx.msk [tilespmem:v10+s24+$0x0], $0xffff;
	v7 =	vor.u32 v7, v4;
	v62, _, _ =	vpop (xrf2)  }
0x11d: {  	v12 =	vld.idx.msk [tilespmem:v12+s24+$0x0], $0xffff;
	(v2sf) =	vpush v62, $0xF;
	v62 =	vor.u32 v27, v4  }
0x11e: {  	v59 =	vor.u32 v14, v4;
	v14 =	vld [tilespmem:$0x1FFE0]  }
0x11f: {  	v52 =	vld.idx.msk [tilespmem:v52+s24+$0x0], $0xffff  }
0x120: {  	v51 =	vld.idx.msk [tilespmem:v63+s24+$0x0], $0xffff;
	v63 =	vor.u32 v26, v4  }
0x121: {  	v7 =	vld.idx.msk [tilespmem:v7+s24+$0x0], $0xffff  }
0x122: {  	v6 =	vadd.f32 v10, v6;
	v10 =	vadd.f32 v50, v13;
	v13 =	vld.idx.msk [tilespmem:v62+s24+$0x0], $0xffff  }
0x123: {  	v60 =	vor.u32 v14, v4;
	v14 =	vld [tilespmem:$0x1FFF0]  }
0x124: {  	v53 =	vld.idx.msk [tilespmem:v53+s24+$0x0], $0xffff  }
0x125: {  	v0 =	vadd.f32 v0, v11;
	v11 =	vld.idx.msk [tilespmem:v63+s24+$0x0], $0xffff  }
0x126: {  	v54 =	vld.idx.msk [tilespmem:v54+s24+$0x0], $0xffff  }
0x127: {  	v55 =	vld.idx.msk [tilespmem:v55+s24+$0x0], $0xffff  }
0x128: {  	v56 =	vld.idx.msk [tilespmem:v56+s24+$0x0], $0xffff;
	v61 =	vor.u32 v14, v4  }
0x129: {  	v57 =	vld.idx.msk [tilespmem:v57+s24+$0x0], $0xffff;
	v14 =	vor.u32 v28, v4  }
0x12a: {  	v15 =	vor.u32 v29, v4;
	v58 =	vld.idx.msk [tilespmem:v58+s24+$0x0], $0xffff  }
0x12b: {  	v59 =	vld.idx.msk [tilespmem:v59+s24+$0x0], $0xffff;
	v4 =	vor.u32 v31, v4  }
0x12c: {  	v8 =	vadd.f32 v49, v8;
	v1 =	vadd.f32 v1, v2;
	v60 =	vld.idx.msk [tilespmem:v60+s24+$0x0], $0xffff  }
0x12d: {  	v3 =	vadd.f32 v7, v3;
	v7 =	vadd.f32 v52, v9;
	v2 =	vld.idx.msk [tilespmem:v61+s24+$0x0], $0xffff  }
0x12e: {  	v5 =	vadd.f32 v51, v5;
	v0 =	vadd.f32 v55, v0;
	v9 =	vld.idx.msk [tilespmem:v14+s24+$0x0], $0xffff  }
0x12f: {  	v1 =	vadd.f32 v53, v1;
	v8 =	vadd.f32 v54, v8;
	v14 =	vld.idx.msk [tilespmem:v15+s24+$0x0], $0xffff  }
0x130: {  	v0 =	vadd.f32 v13, v0;
	v3 =	vadd.f32 v58, v3;
	v4 =	vld.idx.msk [tilespmem:v4+s24+$0x0], $0xffff  }
0x131: {  	v6 =	vadd.f32 v56, v6;
	v10 =	vadd.f32 v57, v10  }
0x132: {  	v3 =	vadd.f32 v12, v3;
	v7 =	vadd.f32 v59, v7  }
0x133: {  	v5 =	vadd.f32 v60, v5;
	v1 =	vadd.f32 v2, v1  }
0x134: {  	v2 =	vadd.f32 v11, v8;
	v6 =	vadd.f32 v9, v6  }
0x135: {  	v8 =	vadd.f32 v14, v10;
	v4 =	vadd.f32 v4, v7  }
0x136: {  	s10 =	spop (v2sf);
	v2 =	vadd.f32 v2, v5;
	v3 =	vadd.f32 v3, v6  }
0x137: {  	s0 =	sadd.f32 s10, s12;
	v0 =	vadd.f32 v0, v1;
	v1 =	vadd.f32 v4, v8;
	_ =	sdelay $0x1  }
0x138: {  	s0 =	sadd.f32 s0, s11;
	v2 =	vadd.f32 v3, v2;
	v0 =	vadd.f32 v1, v0;
	_ =	sdelay $0x1  }
0x139: {  	v1 =	vadd.f32 s0, v2;
	v0 =	vadd.f32 s0, v0;
	_ =	sdelay $0x1  }
0x13a: {  	v2 =	vmul.f32 $2.000000030e-01, v1;
	v3 =	vmul.f32 $2.000000030e-01, v0  }
0x13b: {  	vm0 =	vge.f32 v1, $0.0e+00;
	vm1 =	vge.f32 v0, $0.0e+00  }
0x13c: {  	v1 =	vsel vm0, v1, v2;
	v0 =	vsel vm1, v0, v3  }
0x13d: {  	v2 =	vmax.f32 v1, v0  }
0x13e: {  	(xrf0) =	vmax.scan.msk.f32 $0xffff, v2;
	_ =	sdelay $0x5  }
0x13f: {  	v2, _, _ =	vpop (xrf0)  }
0x140: {  	v2 =	vbroadcast v2, $0xF;
	_ =	sdelay $0x1  }
0x141: {  	v1 =	vsub.f32 v1, v2  }
0x142: {  	v0 =	vsub.f32 v0, v2  }
0x143: {  	v1 =	vmul.f32 $1.442695020e+00, v1  }
0x144: {  	v0 =	vmul.f32 $1.442695020e+00, v0  }
0x145: {  	(erf) = vpow2.f32 v1  }
0x146: {  	(erf) = vpow2.f32 v0;
	_ =	sdelay $0x7  }
0x147: {  	v0 =	vpop (erf)  }
0x148: {  	v1 =	vpop (erf)  }
0x149: {  	v2 =	vadd.f32 v1, v0;
	_ =	sdelay $0x1  }
0x14a: {  	(xrf2) =	vadd.scan.msk.f32 $0xffff, v2;
	_ =	sdelay $0x9  }
0x14b: {  	v2, _, _ =	vpop (xrf2)  }
0x14c: {  	v2 =	vbroadcast v2, $0xF;
	_ =	sdelay $0x1  }
0x14d: {  	(erf) = vrcp.f32 v2;
	_ =	sdelay $0x8  }
0x14e: {  	v2 =	vpop (erf)  }
0x14f: {  	v0 =	vmul.f32 v2, v0  }
0x150: {  	v1 =	vmul.f32 v2, v1  }
0x151: {  	[tilespmem:s21+$0x18980] =	vst v0  }
0x152: {  	[tilespmem:s21+$0x18990] =	vst v1  }
0x153: {  	v60 =	vld [tilespmem:s30+$0x80]  }
0x154: {  	s15 =	simm.s32 $0x0;
	v61 =	vld [tilespmem:s30+$0x90]  }
0x155: {  	v0 =	vmov s15;
	v62 =	vld [tilespmem:s30+$0xA0]  }
0x156: {  	v1 =	vand.u32 $0x7C, v0;
	v63 =	vld [tilespmem:s30+$0xB0]  }
0x157: {  	v0 =	vld [tilespmem:s30+$0xC0];
	v2 =	vbroadcast v1, $0x0  }
0x158: {  	s19 =	simm.s32 $0x3;
	v49 =	vshll.u32 v48, $0x7;
	v59 =	vld [tilespmem:s30+$0xD0]  }
0x159: {  	v4 =	vmov s19;
	v3 =	vld [tilespmem:s30+$0xFFFFFF00];
	v2 =	vor.u32 v49, v2  }
0x15a: {  	s22 =	simm.s32 $0x2;
	v4 =	vand.u32 $0x7F, v4;
	v5 =	vld [tilespmem:s30+$0xFFFFFF10]  }
0x15b: {  	v6 =	vmov s22;
	v4 =	vbroadcast v4, $0x0;
	v9 =	vld [tilespmem:s30+$0xFFFFFF20]  }
0x15c: {  	v7 =	vand.u32 $0x7E, v6;
	v14 =	vld [tilespmem:s30+$0xFFFFFF30]  }
0x15d: {  	s26 =	simm.s32 $0x1;
	v7 =	vbroadcast v7, $0x0;
	v4 =	vor.u32 v49, v4;
	v8 =	vld [tilespmem:s30+$0xFFFFFF40]  }
0x15e: {  	v6 =	vld.idx.msk [tilespmem:v2+s25+$0x0], $0xffff;
	v2 =	vmov s26  }
0x15f: {  	v15 =	vor.u32 v49, v7;
	v10 =	vld [tilespmem:s30+$0xFFFFFF50];
	v2 =	vand.u32 $0x7D, v2  }
0x160: {  	v11 =	vld [tilespmem:s30+$0xFFFFFF60];
	v2 =	vbroadcast v2, $0x0  }
0x161: {  	v12 =	vld [tilespmem:s30+$0xFFFFFF70]  }
0x162: {  	v48 =	vld.idx.msk [tilespmem:v4+s25+$0x0], $0xffff;
	v13 =	vor.u32 v49, v2  }
0x163: {  	v50 =	vimm.f32 $0.0e+00;
	v52 =	vimm.f32 $0.0e+00;
	v51 =	vimm.f32 $0.0e+00;
	v7 =	vld [tilespmem:s30+$0x10]  }
0x164: {  	s1 =	simm.s32 $0x4;
	s31 =	sor.u32 $0x30, s21;
	s2 =	sor.u32 $0x70, s21;
	v53 =	vimm.f32 $0.0e+00;
	v54 =	vimm.f32 $0.0e+00;
	v56 =	vimm.f32 $0.0e+00;
	v55 =	vld.idx.msk [tilespmem:v15+s25+$0x0], $0xffff  }
0x165: {  	s10 =	sor.u32 $0x50, s21;
	v57 =	vimm.f32 $0.0e+00;
	s22 =	sor.u32 $0x40, s21;
	s19 =	smov.u32 s30;
	v1 =	vld [tilespmem:s30+$0x0];
	v2 =	vmul.f32 v3, v6;
	v3 =	vmul.f32 v5, v6  }
0x166: {  	v58 =	vimm.f32 $0.0e+00;
	s0 =	sor.u32 $0x60, s21;
	s15 =	sor.u32 $0x20, s21;
	s26 =	sor.u32 $0x10, s21;
	v4 =	vmul.f32 v9, v6;
	v5 =	vmul.f32 v14, v6;
	v9 =	vld [tilespmem:s30+$0xFFFFFF80]  }
.LBB2_7:
0x167: {  	p0 =	slt.u32 s1, $0x1C;
	v8 =	vmul.f32 v8, v6;
	v10 =	vmul.f32 v10, v6;
	v13 =	vld.idx.msk [tilespmem:v13+s25+$0x0], $0xffff  }
0x168: {  	v11 =	vmul.f32 v11, v6;
	v6 =	vmul.f32 v12, v6;
	v12 =	vld [tilespmem:s19+$0xFFFFFF90]  }
0x169: {  	v15 =	vmul.f32 v60, v48;
	v60 =	vmul.f32 v61, v48;
	v14 =	vld [tilespmem:s19+$0xFFFFFFA0]  }
0x16a: {  	v62 =	vmul.f32 v62, v48;
	v63 =	vmul.f32 v63, v48;
	v61 =	vld [tilespmem:s19+$0xFFFFFFB0]  }
0x16b: {  	v17 =	vmul.f32 v0, v48;
	v18 =	vmul.f32 v59, v48;
	v16 =	vld [tilespmem:s19+$0x20]  }
0x16c: {  	v0 =	vmov s1;
	v1 =	vmul.f32 v1, v55;
	v7 =	vmul.f32 v7, v55;
	v59 =	vld [tilespmem:s19+$0x30]  }
0x16d: {  	v19 =	vand.u32 $0x7C, v0;
	v0 =	vmul.f32 v9, v13;
	v9 =	vmul.f32 v12, v13;
	v12 =	vld [tilespmem:s19+$0x40]  }
0x16e: {  	v2 =	vadd.f32 v2, v54;
	v3 =	vadd.f32 v3, v56;
	v14 =	vmul.f32 v14, v13;
	v54 =	vld [tilespmem:s19+$0x50]  }
0x16f: {  	v4 =	vadd.f32 v4, v57;
	v5 =	vadd.f32 v5, v58;
	v56 =	vmul.f32 v61, v13;
	v57 =	vld [tilespmem:s19+$0xFFFFFFC0]  }
0x170: {  	v0 =	vadd.f32 v0, v2;
	v2 =	vadd.f32 v9, v3;
	v3 =	vld [tilespmem:s19+$0xFFFFFFD0];
	v9 =	vmul.f32 v16, v55  }
0x171: {  	v4 =	vadd.f32 v14, v4;
	v5 =	vadd.f32 v56, v5;
	v14 =	vld [tilespmem:s19+$0xFFFFFFE0];
	v16 =	vmul.f32 v59, v55  }
0x172: {  	v0 =	vadd.f32 v1, v0;
	v1 =	vadd.f32 v7, v2;
	v59 =	vld [tilespmem:s19+$0xFFFFFFF0];
	v2 =	vmul.f32 v12, v55  }
0x173: {  	v4 =	vadd.f32 v9, v4;
	v5 =	vadd.f32 v16, v5;
	v7 =	vmul.f32 v54, v55;
	v9 =	vld [tilespmem:s19+$0x60]  }
0x174: {  	v54 =	vadd.f32 v15, v0;
	v56 =	vadd.f32 v60, v1;
	v12 =	vmul.f32 v57, v13;
	v16 =	vld [tilespmem:s19+$0x70]  }
0x175: {  	v57 =	vadd.f32 v62, v4;
	v0 =	vmul.f32 v3, v13;
	v58 =	vadd.f32 v63, v5;
	v1 =	vld [tilespmem:s19+$0xE0]  }
0x176: {  	v4 =	vadd.f32 v10, v53;
	v3 =	vadd.f32 v8, v52;
	v5 =	vmul.f32 v14, v13;
	v8 =	vld [tilespmem:s19+$0xF0];
	s19 =	sadd.s32 $0x200, s19  }
0x177: {  	v6 =	vadd.f32 v6, v50;
	v10 =	vadd.f32 v11, v51;
	v60 =	vld [tilespmem:s19+$0x80];
	v11 =	vmul.f32 v59, v13  }
0x178: {  	v3 =	vadd.f32 v12, v3;
	v0 =	vadd.f32 v0, v4;
	v61 =	vld [tilespmem:s19+$0x90];
	v4 =	vmul.f32 v9, v55  }
0x179: {  	v5 =	vadd.f32 v5, v10;
	v62 =	vld [tilespmem:s19+$0xA0];
	v6 =	vadd.f32 v11, v6;
	v9 =	vmul.f32 v16, v55  }
0x17a: {  	v2 =	vadd.f32 v2, v3;
	v3 =	vadd.f32 v7, v0;
	v63 =	vld [tilespmem:s19+$0xB0];
	v7 =	vmul.f32 v1, v48  }
0x17b: {  	v4 =	vadd.f32 v4, v5;
	v0 =	vld [tilespmem:s19+$0xC0];
	v5 =	vadd.f32 v9, v6;
	v6 =	vmul.f32 v8, v48  }
0x17c: {  	v8 =	vbroadcast v19, $0x0;
	v52 =	vadd.f32 v17, v2;
	v53 =	vadd.f32 v18, v3;
	v59 =	vld [tilespmem:s19+$0xD0]  }
0x17d: {  	s6 =	sadd.s32 $0x3, s1;
	v51 =	vadd.f32 v7, v4;
	v1 =	vld [tilespmem:s19+$0x0];
	v50 =	vadd.f32 v6, v5  }
0x17e: {  	v4 =	vmov s6;
	v2 =	vor.u32 v49, v8;
	v3 =	vld [tilespmem:s19+$0xFFFFFF00]  }
0x17f: {  	v4 =	vand.u32 $0x7F, v4;
	v5 =	vld [tilespmem:s19+$0xFFFFFF10]  }
0x180: {  	s6 =	sadd.s32 $0x2, s1;
	v4 =	vbroadcast v4, $0x0;
	v14 =	vld [tilespmem:s19+$0xFFFFFF20]  }
0x181: {  	s3 =	sadd.s32 $0x1, s1;
	v6 =	vmov s6;
	v15 =	vld [tilespmem:s19+$0xFFFFFF30]  }
0x182: {  	v7 =	vmov s3;
	v9 =	vand.u32 $0x7E, v6;
	v4 =	vor.u32 v49, v4;
	v8 =	vld [tilespmem:s19+$0xFFFFFF40]  }
0x183: {  	v6 =	vld.idx.msk [tilespmem:v2+s25+$0x0], $0xffff;
	v2 =	vand.u32 $0x7D, v7;
	v7 =	vbroadcast v9, $0x0  }
0x184: {  	v10 =	vld [tilespmem:s19+$0xFFFFFF50];
	v2 =	vbroadcast v2, $0x0  }
0x185: {  	v11 =	vld [tilespmem:s19+$0xFFFFFF60];
	v16 =	vor.u32 v49, v7  }
.Ltmp6:
0x186: {  	v12 =	vld [tilespmem:s19+$0xFFFFFF70];
	v13 =	vor.u32 v49, v2;
	(pc) =	sbr.rel @p0 .LBB2_7-.Ltmp6, $4  }
0x187: {  	v48 =	vld.idx.msk [tilespmem:v4+s25+$0x0], $0xffff  }
0x188: {  	v7 =	vld [tilespmem:s19+$0x10]  }
0x189: {  	v2 =	vmul.f32 v3, v6;
	v3 =	vmul.f32 v5, v6;
	v9 =	vld [tilespmem:s19+$0xFFFFFF80]  }
0x18a: {  	s1 =	sadd.s32 $0x4, s1;
	v4 =	vmul.f32 v14, v6;
	v5 =	vmul.f32 v15, v6;
	v55 =	vld.idx.msk [tilespmem:v16+s25+$0x0], $0xffff  }
0x18b: {  	_ =	sdelay $0x3  }
0x18c: {  	v13 =	vld.idx.msk [tilespmem:v13+s25+$0x0], $0xffff  }
0x18d: {  	v8 =	vmul.f32 v8, v6;
	v10 =	vmul.f32 v10, v6;
	v14 =	vld [tilespmem:s19+$0xFFFFFF90]  }
0x18e: {  	v11 =	vmul.f32 v11, v6;
	v6 =	vmul.f32 v12, v6;
	v12 =	vld [tilespmem:s19+$0xFFFFFFA0]  }
0x18f: {  	v17 =	vld [tilespmem:s19+$0xFFFFFFB0];
	v2 =	vadd.f32 v2, v54;
	v15 =	vmul.f32 v60, v48;
	v16 =	vmul.f32 v61, v48  }
0x190: {  	v49 =	vld [tilespmem:s19+$0x20];
	v3 =	vadd.f32 v3, v56;
	v18 =	vmul.f32 v62, v48;
	v19 =	vmul.f32 v63, v48  }
0x191: {  	v0 =	vmul.f32 v0, v48;
	v60 =	vld [tilespmem:s19+$0x30];
	v4 =	vadd.f32 v4, v57;
	v5 =	vadd.f32 v5, v58  }
0x192: {  	v54 =	vld [tilespmem:s19+$0x50];
	v8 =	vadd.f32 v8, v52;
	v10 =	vadd.f32 v10, v53;
	v1 =	vmul.f32 v1, v55  }
0x193: {  	v61 =	vld [tilespmem:s19+$0x40];
	v11 =	vadd.f32 v11, v51;
	v7 =	vmul.f32 v7, v55;
	v14 =	vmul.f32 v14, v13  }
0x194: {  	v56 =	vld [tilespmem:s19+$0xFFFFFFC0];
	v6 =	vadd.f32 v6, v50;
	v9 =	vmul.f32 v9, v13;
	v12 =	vmul.f32 v12, v13  }
0x195: {  	v17 =	vmul.f32 v17, v13;
	v62 =	vmul.f32 v49, v55;
	v3 =	vadd.f32 v14, v3;
	v14 =	vld [tilespmem:s19+$0xFFFFFFD0]  }
0x196: {  	v49 =	vld [tilespmem:s19+$0xFFFFFFE0];
	v63 =	vmul.f32 v60, v55;
	v2 =	vadd.f32 v9, v2;
	v4 =	vadd.f32 v12, v4  }
0x197: {  	v58 =	vld [tilespmem:s19+$0xFFFFFFF0];
	v60 =	vmul.f32 v54, v55;
	v5 =	vadd.f32 v17, v5;
	v17 =	vmul.f32 v59, v48  }
0x198: {  	v59 =	vmul.f32 v61, v55;
	v61 =	vld [tilespmem:s19+$0x60];
	v1 =	vadd.f32 v1, v2;
	v4 =	vadd.f32 v62, v4  }
0x199: {  	v57 =	vadd.f32 v7, v3;
	v5 =	vadd.f32 v63, v5;
	v62 =	vmul.f32 v56, v13;
	v63 =	vld [tilespmem:s19+$0x70]  }
0x19a: {  	v1 =	vadd.f32 v15, v1;
	v4 =	vadd.f32 v18, v4;
	v18 =	vld [tilespmem:s19+$0xE0];
	v14 =	vmul.f32 v14, v13  }
0x19b: {  	v54 =	vld [tilespmem:s19+$0xF0];
	v5 =	vadd.f32 v19, v5;
	v19 =	vmul.f32 v49, v13;
	v8 =	vadd.f32 v62, v8  }
0x19c: {  	v3 =	vmul.f32 v58, v13;
	v2 =	vadd.f32 v16, v57;
	v10 =	vadd.f32 v14, v10  }
0x19d: {  	v12 =	vmul.f32 v61, v55;
	v11 =	vadd.f32 v19, v11;
	v7 =	vadd.f32 v59, v8;
	[tilespmem:s21+$0x18D80] =	vst v1  }
0x19e: {  	s17 =	sadd.s32 $0x1, s17;
	v56 =	vadd.f32 v3, v6;
	v57 =	vmul.f32 v63, v55;
	[tilespmem:s26+$0x18D80] =	vst v2;
	v58 =	vadd.f32 v60, v10  }
0x19f: {  	p0 =	sne.s32 s17, $0x8;
	v0 =	vadd.f32 v0, v7;
	[tilespmem:s15+$0x18D80] =	vst v4;
	v59 =	vmul.f32 v18, v48;
	v60 =	vadd.f32 v12, v11  }
.Ltmp7:
0x1a0: {  	v61 =	vmul.f32 v54, v48;
	v1 =	vadd.f32 v57, v56;
	[tilespmem:s31+$0x18D80] =	vst v5;
	v62 =	vadd.f32 v17, v58;
	(pc) =	sbr.rel @p0 .LBB2_4-.Ltmp7, $4  }
0x1a1: {  	[tilespmem:s22+$0x18D80] =	vst v0;
	v2 =	vadd.f32 v59, v60  }
0x1a2: {  	v63 =	vadd.f32 v61, v1;
	[tilespmem:s10+$0x18D80] =	vst v62  }
0x1a3: {  	[tilespmem:s0+$0x18D80] =	vst v2  }
0x1a4: {  	s18 =	sadd.s32 $0x1000, s18;
	s30 =	sadd.s32 $0x1000, s30;
	[tilespmem:s2+$0x18D80] =	vst v63  }
0x1a5: {  	s0 =	sadd.s32 $0x2, s14  }
0x1a6: {  	p0 =	sge.u32 s0, s9  }
0x1a7: {  	s0 =	sshll.u32 @!p0 s0, $0x3  }
0x1a8: {  	s0 =	sadd.s32 @!p0 s4, s0  }
0x1a9: {  	p1 =	slt.s32 @!p0 s0, s16  }
0x1aa: {  	p1 =	por !p1, p0  }
0x1ab: {  	s0 =	smov.u32 @p1 s16  }
0x1ac: {  	s1 =	sshll.u32 @!p0 s0, $0x9  }
0x1ad: {  	s2 =	rddreg [dreg:$0x0];
	s1 =	sand.u32 @!p0 $0x1FFFFE00, s1  }
0x1ae: {  	s3 =	simm.s32 @!p0 $0x180;
	s1 =	sadd.s32 @!p0 s2, s1;
	s2 =	simm.s32 @!p0 $0x0  }
0x1af: {  	[tilespmem:s3], [sflag:$0x1] =	stream.linear.gather @!p0 [hbm4b:s1+s2], $0x2000, $0x38;
	[tilespmem:$0x19580] =	vst v63  }
0x1b0: {  	s6 =	simm.s32 @!p0 $0x2180;
	s3 =	sadd.s32 @!p0 $0x400, s1  }
0x1b1: {  	[tilespmem:s6], [sflag:$0x1] =	stream.linear.gather @!p0 [hbm4b:s3+s2], $0x2000, $0x38;
	[tilespmem:$0x19580] =	vst v63  }
0x1b2: {  	s3 =	sadd.s32 @!p0 $0x800, s1;
	s6 =	simm.s32 @!p0 $0x4180  }
0x1b3: {  	[tilespmem:s6], [sflag:$0x1] =	stream.linear.gather @!p0 [hbm4b:s3+s2], $0x2000, $0x38;
	[tilespmem:$0x19580] =	vst v63  }
0x1b4: {  	s0 =	sshll.u32 @!p0 s0, $0x4;
	s1 =	sadd.s32 @!p0 $0xC00, s1;
	s3 =	simm.s32 @!p0 $0x6180  }
0x1b5: {  	[tilespmem:s3], [sflag:$0x1] =	stream.linear.gather @!p0 [hbm4b:s1+s2], $0x2000, $0x38;
	[tilespmem:$0x19580] =	vst v63  }
0x1b6: {  	s0 =	sand.u32 @!p0 $0x1FFFFFF0, s0;
	s1 =	rddreg [dreg:$0x1]  }
0x1b7: {  	s26 =	sshll.u32 s8, $0x4;
	s0 =	sadd.s32 @!p0 s1, s0;
	s1 =	simm.s32 @!p0 $0x10180  }
0x1b8: {  	[tilespmem:s1], [sflag:$0x3] =	stream.linear.gather @!p0 [hbm4b:s0+s2], $0x400, $0x38;
	[tilespmem:$0x19580] =	vst v63  }
0x1b9: {  	s30 =	rddreg [dreg:$0x3];
	s0 =	sand.u32 $0x1FFFFFF0, s26  }
0x1ba: {  	s31 =	simm.s32 $0x18D80;
	s0 =	sadd.s32 s30, s0  }
0x1bb: {  	[hbm4b:s0+s7] =	stream.linear.scatter [tilespmem:s31], [sflag:$0x5], $0x400, $0x38;
	[tilespmem:$0x19580] =	vst v63  }
.LBB2_10:
0x1bc: {  	s0 =	sor.u32 $0x1, s14  }
0x1bd: {  	p0 =	sge.u32 s0, s9  }
.Ltmp8:
0x1be: {  	_ = 	snop;
	(pc) =	sbr.rel @p0 .LBB2_18-.Ltmp8, $1  }
0x1bf: {  	_ =	sdelay $0x3  }
0x1c0: {  	_ =	swait.ge [sflag:s28], $0x2000  }
0x1c1: {  	[sflag:s28] =	ssyncset.done $0x0  }
0x1c2: {  	[sflag:s28] =	ssyncadd.s32 $0xFFFFE000  }
0x1c3: {  	_ =	swait.ge [sflag:s28], $0x2000  }
0x1c4: {  	[sflag:s28] =	ssyncset.done $0x0  }
0x1c5: {  	[sflag:s28] =	ssyncadd.s32 $0xFFFFE000  }
0x1c6: {  	_ =	swait.ge [sflag:s28], $0x2000  }
0x1c7: {  	[sflag:s28] =	ssyncset.done $0x0  }
0x1c8: {  	[sflag:s28] =	ssyncadd.s32 $0xFFFFE000  }
0x1c9: {  	_ =	swait.ge [sflag:s28], $0x2000  }
0x1ca: {  	[sflag:s28] =	ssyncset.done $0x0  }
0x1cb: {  	[sflag:s28] =	ssyncadd.s32 $0xFFFFE000  }
0x1cc: {  	_ =	swait.ge [sflag:s29], $0x400  }
0x1cd: {  	p0 =	seq.s32 s13, $0x0;
	s0 =	sshll.u32 s0, $0x3;
	[sflag:s29] =	ssyncset.done $0x0  }
0x1ce: {  	s8 =	smov.u32 s16;
	s1 =	simm.s32 @!p0 $0x6;
	[sflag:s29] =	ssyncadd.s32 $0xFFFFFC00  }
0x1cf: {  	s17 =	simm.s32 $0x0;
	s0 =	sadd.s32 s4, s0;
	_ =	swait.ge @!p0 [sflag:s1], $0x400  }
0x1d0: {  	s18 =	simm.s32 $0x8370;
	p1 =	slt.s32 s0, s16;
	[sflag:s1] =	ssyncset.done @!p0 $0x0  }
0x1d1: {  	s19 =	simm.s32 $0x0;
	s8 =	smov.u32 @p1 s0;
	[sflag:s1] =	ssyncadd.s32 @!p0 $0xFFFFFC00  }
.LBB2_12:
0x1d2: {  	s0 =	sshra.s32 s17, $0x2  }
0x1d3: {  	v0 =	vld [tilespmem:s0+$0x8300]  }
0x1d4: {  	v1 =	vld [tilespmem:s0+$0x8310]  }
0x1d5: {  	v2 =	vld [tilespmem:s0+$0x8320]  }
0x1d6: {  	v3 =	vld [tilespmem:s0+$0x8330]  }
0x1d7: {  	v4 =	vld [tilespmem:s0+$0x8340]  }
0x1d8: {  	v5 =	vld [tilespmem:s0+$0x8350]  }
0x1d9: {  	v6 =	vld [tilespmem:s0+$0x8360]  }
0x1da: {  	v7 =	vld [tilespmem:s0+$0x8370]  }
0x1db: {  	v8 =	vld [tilespmem:s0+$0x8180]  }
0x1dc: {  	v9 =	vld [tilespmem:s0+$0x8190]  }
0x1dd: {  	v10 =	vld [tilespmem:s0+$0x81A0];
	v0 =	vmul.f32 v0, v32;
	v1 =	vmul.f32 v1, v33  }
0x1de: {  	v11 =	vld [tilespmem:s0+$0x82A0];
	v2 =	vmul.f32 v2, v34;
	v3 =	vmul.f32 v3, v35  }
0x1df: {  	v12 =	vld [tilespmem:s0+$0x81C0];
	v4 =	vmul.f32 v4, v36  }
0x1e0: {  	v13 =	vld [tilespmem:s0+$0x81D0];
	v0 =	vadd.f32 v2, v0;
	v1 =	vadd.f32 v3, v1;
	v2 =	vmul.f32 v5, v37  }
0x1e1: {  	v3 =	vld [tilespmem:s0+$0x81B0];
	v5 =	vmul.f32 v6, v38  }
0x1e2: {  	v6 =	vld [tilespmem:s0+$0x8200];
	v0 =	vadd.f32 v4, v0;
	v1 =	vadd.f32 v2, v1;
	v2 =	vmul.f32 v7, v39  }
0x1e3: {  	v4 =	vld [tilespmem:s0+$0x8210]  }
0x1e4: {  	v7 =	vld [tilespmem:s0+$0x8220];
	v0 =	vadd.f32 v5, v0;
	v1 =	vadd.f32 v2, v1  }
0x1e5: {  	v2 =	vld [tilespmem:s0+$0x8230]  }
0x1e6: {  	v5 =	vld [tilespmem:s0+$0x8280];
	v0 =	vadd.f32 v1, v0  }
0x1e7: {  	v8 =	vmul.f32 v8, v32;
	v1 =	vld [tilespmem:s0+$0x8290]  }
0x1e8: {  	v9 =	vmul.f32 v9, v33;
	v10 =	vmul.f32 v10, v34;
	[tilespmem:s0+$0x10B00] =	vst v0;
	v0 =	vld [tilespmem:s0+$0x82B0]  }
0x1e9: {  	v14 =	vld [tilespmem:s0+$0x8240];
	v3 =	vmul.f32 v3, v35;
	v6 =	vmul.f32 v6, v32  }
0x1ea: {  	v8 =	vadd.f32 v10, v8;
	v10 =	vld [tilespmem:s0+$0x8250];
	v4 =	vmul.f32 v4, v33;
	v7 =	vmul.f32 v7, v34  }
0x1eb: {  	v16 =	vld [tilespmem:s0+$0x82C0];
	v15 =	vadd.f32 v3, v9;
	v2 =	vmul.f32 v2, v35;
	v3 =	vmul.f32 v5, v32  }
0x1ec: {  	v17 =	vadd.f32 v7, v6;
	v5 =	vmul.f32 v1, v33;
	v1 =	vmul.f32 v11, v34;
	v11 =	vld [tilespmem:s0+$0x82D0]  }
0x1ed: {  	v6 =	vld [tilespmem:s0+$0x81E0];
	v18 =	vadd.f32 v2, v4;
	v2 =	vmul.f32 v12, v36;
	v0 =	vmul.f32 v0, v35  }
0x1ee: {  	v7 =	vld [tilespmem:s0+$0x81F0];
	v4 =	vmul.f32 v13, v37;
	v12 =	vmul.f32 v14, v36  }
0x1ef: {  	v9 =	vld [tilespmem:s0+$0x8260];
	v1 =	vadd.f32 v1, v3;
	v5 =	vadd.f32 v0, v5;
	v0 =	vmul.f32 v10, v37  }
0x1f0: {  	v3 =	vadd.f32 v2, v8;
	v2 =	vadd.f32 v12, v17;
	v8 =	vld [tilespmem:s0+$0x8270];
	v12 =	vmul.f32 v16, v36  }
0x1f1: {  	s1 =	simm.s32 $0x0;
	s2 =	sadd.s32 $0x800, s17;
	v4 =	vadd.f32 v4, v15;
	v10 =	vld [tilespmem:s0+$0x82E0];
	v11 =	vmul.f32 v11, v37;
	v0 =	vadd.f32 v0, v18  }
.LBB2_13:
0x1f2: {  	s3 =	sshra.s32 s2, $0x2;
	v6 =	vmul.f32 v6, v38;
	v1 =	vadd.f32 v12, v1;
	v12 =	vld [tilespmem:s0+$0x82F0]  }
0x1f3: {  	v13 =	vld [tilespmem:s3+$0x8300];
	v7 =	vmul.f32 v7, v39;
	v5 =	vadd.f32 v11, v5  }
0x1f4: {  	v11 =	vld [tilespmem:s3+$0x8310];
	v3 =	vadd.f32 v6, v3;
	v6 =	vmul.f32 v9, v38  }
0x1f5: {  	s1 =	sadd.s32 $0x4, s1;
	v9 =	vld [tilespmem:s3+$0x8320];
	v4 =	vadd.f32 v7, v4;
	v7 =	vmul.f32 v8, v39  }
0x1f6: {  	p0 =	slt.u32 s1, $0x1C;
	v8 =	vld [tilespmem:s3+$0x8330];
	v2 =	vadd.f32 v6, v2;
	v6 =	vmul.f32 v10, v38  }
0x1f7: {  	v10 =	vld [tilespmem:s3+$0x8340];
	v3 =	vadd.f32 v4, v3;
	v0 =	vadd.f32 v7, v0;
	v4 =	vmul.f32 v12, v39  }
0x1f8: {  	v7 =	vld [tilespmem:s3+$0x8350];
	v1 =	vadd.f32 v6, v1  }
0x1f9: {  	v6 =	vld [tilespmem:s3+$0x8360];
	[tilespmem:s0+$0x10980] =	vst v3;
	v0 =	vadd.f32 v0, v2;
	v2 =	vadd.f32 v4, v5  }
0x1fa: {  	v3 =	vmul.f32 v13, v32;
	v4 =	vmul.f32 v11, v33;
	v5 =	vld [tilespmem:s3+$0x8370]  }
0x1fb: {  	v9 =	vmul.f32 v9, v34;
	v11 =	vld [tilespmem:s3+$0x8180];
	v8 =	vmul.f32 v8, v35;
	[tilespmem:s0+$0x10A00] =	vst v0;
	v0 =	vadd.f32 v2, v1  }
0x1fc: {  	v1 =	vld [tilespmem:s3+$0x8190];
	v2 =	vmul.f32 v10, v36  }
0x1fd: {  	v3 =	vadd.f32 v9, v3;
	v10 =	vld [tilespmem:s3+$0x81A0];
	v4 =	vadd.f32 v8, v4;
	v7 =	vmul.f32 v7, v37;
	[tilespmem:s0+$0x10A80] =	vst v0;
	s0 =	smov.u32 s3  }
0x1fe: {  	v0 =	vld [tilespmem:s0+$0x81B0];
	v6 =	vmul.f32 v6, v38  }
0x1ff: {  	v2 =	vadd.f32 v2, v3;
	v8 =	vld [tilespmem:s0+$0x8200];
	v3 =	vadd.f32 v7, v4;
	v4 =	vmul.f32 v5, v39  }
0x200: {  	v5 =	vmul.f32 v11, v32;
	v7 =	vld [tilespmem:s0+$0x8210]  }
0x201: {  	v2 =	vadd.f32 v6, v2;
	v1 =	vmul.f32 v1, v33;
	v9 =	vld [tilespmem:s0+$0x8220];
	v3 =	vadd.f32 v4, v3  }
0x202: {  	v4 =	vmul.f32 v10, v34;
	v6 =	vld [tilespmem:s0+$0x8230]  }
0x203: {  	v0 =	vmul.f32 v0, v35;
	v10 =	vld [tilespmem:s0+$0x8280];
	v2 =	vadd.f32 v3, v2  }
0x204: {  	v3 =	vadd.f32 v4, v5;
	v4 =	vmul.f32 v8, v32;
	v5 =	vld [tilespmem:s0+$0x8290]  }
0x205: {  	v0 =	vadd.f32 v0, v1;
	v1 =	vmul.f32 v7, v33;
	v7 =	vld [tilespmem:s0+$0x82A0];
	[tilespmem:s0+$0x10B00] =	vst v2  }
0x206: {  	v2 =	vmul.f32 v9, v34;
	v8 =	vld [tilespmem:s0+$0x82B0]  }
0x207: {  	v9 =	vld [tilespmem:s0+$0x81C0];
	v6 =	vmul.f32 v6, v35  }
0x208: {  	v11 =	vld [tilespmem:s0+$0x81D0];
	v2 =	vadd.f32 v2, v4;
	v4 =	vmul.f32 v10, v32  }
0x209: {  	v10 =	vadd.f32 v6, v1;
	v12 =	vld [tilespmem:s0+$0x8240];
	v5 =	vmul.f32 v5, v33  }
0x20a: {  	v13 =	vld [tilespmem:s0+$0x8250];
	v1 =	vmul.f32 v7, v34  }
0x20b: {  	v7 =	vmul.f32 v8, v35;
	v14 =	vld [tilespmem:s0+$0x82C0]  }
0x20c: {  	v8 =	vmul.f32 v9, v36;
	v1 =	vadd.f32 v1, v4;
	v15 =	vld [tilespmem:s0+$0x82D0]  }
.Ltmp9:
0x20d: {  	v4 =	vmul.f32 v11, v37;
	v6 =	vld [tilespmem:s0+$0x81E0];
	v5 =	vadd.f32 v7, v5;
	(pc) =	sbr.rel @p0 .LBB2_13-.Ltmp9, $4  }
0x20e: {  	v3 =	vadd.f32 v8, v3;
	v7 =	vld [tilespmem:s0+$0x81F0];
	v8 =	vmul.f32 v12, v36  }
0x20f: {  	v4 =	vadd.f32 v4, v0;
	v0 =	vmul.f32 v13, v37;
	v9 =	vld [tilespmem:s0+$0x8260]  }
0x210: {  	v2 =	vadd.f32 v8, v2;
	v8 =	vld [tilespmem:s0+$0x8270];
	v12 =	vmul.f32 v14, v36  }
0x211: {  	s2 =	sadd.s32 $0x800, s2;
	v0 =	vadd.f32 v0, v10;
	v11 =	vmul.f32 v15, v37;
	v10 =	vld [tilespmem:s0+$0x82E0]  }
0x212: {  	v13 =	vld [tilespmem:s0+$0x82F0];
	_ =	sdelay $0x1  }
0x213: {  	v6 =	vmul.f32 v6, v38;
	v14 =	vld [tilespmem:$0x1FEB0];
	v7 =	vmul.f32 v7, v39  }
0x214: {  	v1 =	vadd.f32 v12, v1;
	v15 =	vld [tilespmem:$0x1FEE0];
	v5 =	vadd.f32 v11, v5;
	v9 =	vmul.f32 v9, v38  }
0x215: {  	v16 =	vld [tilespmem:$0x1FF10];
	v3 =	vadd.f32 v6, v3;
	v4 =	vadd.f32 v7, v4;
	v6 =	vmul.f32 v8, v39  }
0x216: {  	v17 =	vld [tilespmem:$0x1FF50];
	v2 =	vadd.f32 v9, v2;
	v7 =	vmul.f32 v10, v38;
	v8 =	vmul.f32 v13, v39  }
0x217: {  	v62 =	vld [tilespmem:$0x1FF60];
	v3 =	vadd.f32 v4, v3;
	v0 =	vadd.f32 v6, v0  }
0x218: {  	v18 =	vld [tilespmem:$0x1FF70];
	v1 =	vadd.f32 v7, v1;
	v4 =	vadd.f32 v8, v5  }
0x219: {  	v19 =	vld [tilespmem:$0x1FF80];
	v0 =	vadd.f32 v0, v2  }
0x21a: {  	v48 =	vmov s19;
	v11 =	vld [tilespmem:$0x1FE90];
	[tilespmem:s0+$0x10980] =	vst v3;
	v1 =	vadd.f32 v4, v1  }
0x21b: {  	v13 =	vld [tilespmem:$0x1FEA0];
	[tilespmem:s0+$0x10A00] =	vst v0;
	v4 =	vshll.u32 v48, $0xC  }
0x21c: {  	s22 =	sshll.u32 s19, $0x7;
	v23 =	vmov v20;
	v5 =	vor.u32 v20, v4;
	v20 =	vld [tilespmem:$0x1FF90];
	[tilespmem:s0+$0x10A80] =	vst v1  }
0x21d: {  	v0 =	vld [tilespmem:s22+$0x10580]  }
0x21e: {  	v1 =	vld [tilespmem:s22+$0x10590]  }
0x21f: {  	v2 =	vld [tilespmem:s22+$0x105A0]  }
0x220: {  	v3 =	vld [tilespmem:s22+$0x105B0]  }
0x221: {  	v11 =	vor.u32 v11, v4;
	v6 =	vld [tilespmem:s22+$0x105C0]  }
0x222: {  	v17 =	vor.u32 v17, v4;
	v8 =	vld [tilespmem:s22+$0x105D0]  }
0x223: {  	v10 =	vld [tilespmem:s22+$0x105E0]  }
0x224: {  	v18 =	vor.u32 v18, v4;
	v12 =	vld [tilespmem:s22+$0x105F0]  }
0x225: {  	v19 =	vor.u32 v19, v4;
	v5 =	vld.idx.msk [tilespmem:v5+s24+$0x0], $0xffff  }
0x226: {  	v7 =	vor.u32 v21, v4;
	v11 =	vld.idx.msk [tilespmem:v11+s24+$0x0], $0xffff  }
0x227: {  	v17 =	vld.idx.msk [tilespmem:v17+s24+$0x0], $0xffff  }
0x228: {  	v9 =	vor.u32 v22, v4;
	v49 =	vor.u32 v20, v4;
	v20 =	vld [tilespmem:$0x1FFA0]  }
0x229: {  	v18 =	vld.idx.msk [tilespmem:v18+s24+$0x0], $0xffff;
	v0 =	vmul.f32 v0, v40;
	v2 =	vmul.f32 v2, v42  }
0x22a: {  	v19 =	vld.idx.msk [tilespmem:v19+s24+$0x0], $0xffff;
	v1 =	vmul.f32 v1, v41;
	v3 =	vmul.f32 v3, v43  }
0x22b: {  	v0 =	vadd.f32 v2, v0;
	v2 =	vld.idx.msk [tilespmem:v7+s24+$0x0], $0xffff  }
0x22c: {  	v13 =	vor.u32 v13, v4;
	v1 =	vadd.f32 v3, v1;
	v3 =	vld [tilespmem:$0x1FEC0]  }
0x22d: {  	v7 =	vmul.f32 v8, v45;
	v8 =	vld.idx.msk [tilespmem:v9+s24+$0x0], $0xffff  }
0x22e: {  	v14 =	vor.u32 v14, v4;
	v9 =	vld [tilespmem:$0x1FED0]  }
0x22f: {  	v6 =	vmul.f32 v6, v44;
	v50 =	vor.u32 v20, v4;
	v20 =	vld [tilespmem:$0x1FFB0]  }
0x230: {  	v49 =	vld.idx.msk [tilespmem:v49+s24+$0x0], $0xffff  }
0x231: {  	v15 =	vor.u32 v15, v4;
	v0 =	vadd.f32 v6, v0;
	v6 =	vld.idx.msk [tilespmem:v13+s24+$0x0], $0xffff  }
0x232: {  	v1 =	vadd.f32 v7, v1;
	v7 =	vld [tilespmem:$0x1FEF0]  }
0x233: {  	v10 =	vmul.f32 v10, v46;
	v13 =	vld.idx.msk [tilespmem:v14+s24+$0x0], $0xffff  }
0x234: {  	v12 =	vmul.f32 v12, v47;
	v14 =	vld [tilespmem:$0x1FF00]  }
0x235: {  	v16 =	vor.u32 v16, v4;
	v0 =	vadd.f32 v10, v0;
	v10 =	vld [tilespmem:$0x1FF20]  }
0x236: {  	v1 =	vadd.f32 v12, v1;
	v12 =	vld.idx.msk [tilespmem:v15+s24+$0x0], $0xffff;
	v3 =	vor.u32 v3, v4  }
0x237: {  	v51 =	vor.u32 v20, v4;
	v20 =	vld [tilespmem:$0x1FFC0]  }
0x238: {  	v15 =	vld [tilespmem:$0x1FF30];
	v9 =	vor.u32 v9, v4;
	v0 =	vadd.f32 v1, v0  }
0x239: {  	v50 =	vld.idx.msk [tilespmem:v50+s24+$0x0], $0xffff  }
0x23a: {  	v7 =	vor.u32 v7, v4;
	(xrf2) =	vadd.scan.msk.f32 $0xffff, v0;
	v0 =	vld.idx.msk [tilespmem:v16+s24+$0x0], $0xffff  }
0x23b: {  	v3 =	vld.idx.msk [tilespmem:v3+s24+$0x0], $0xffff  }
0x23c: {  	v52 =	vor.u32 v20, v4;
	v20 =	vld [tilespmem:$0x1FFD0]  }
0x23d: {  	v14 =	vor.u32 v14, v4;
	v9 =	vld.idx.msk [tilespmem:v9+s24+$0x0], $0xffff  }
0x23e: {  	v16 =	vor.u32 v62, v4;
	v51 =	vld.idx.msk [tilespmem:v51+s24+$0x0], $0xffff  }
0x23f: {  	v57 =	vor.u32 v26, v4;
	v1 =	vld.idx.msk [tilespmem:v7+s24+$0x0], $0xffff  }
0x240: {  	v10 =	vor.u32 v10, v4;
	v7 =	vld [tilespmem:$0x1FF40]  }
0x241: {  	v53 =	vor.u32 v20, v4;
	v20 =	vld [tilespmem:$0x1FFE0]  }
0x242: {  	v15 =	vor.u32 v15, v4;
	v14 =	vld.idx.msk [tilespmem:v14+s24+$0x0], $0xffff  }
0x243: {  	v5 =	vadd.f32 v12, v5;
	v12 =	vor.u32 v30, v4;
	v16 =	vld.idx.msk [tilespmem:v16+s24+$0x0], $0xffff  }
0x244: {  	v0 =	vadd.f32 v0, v11;
	v11 =	vld.idx.msk [tilespmem:v57+s24+$0x0], $0xffff  }
0x245: {  	v10 =	vld.idx.msk [tilespmem:v10+s24+$0x0], $0xffff;
	v7 =	vor.u32 v7, v4  }
0x246: {  	v59 =	vor.u32 v29, v4;
	v54 =	vor.u32 v20, v4;
	v20 =	vld [tilespmem:$0x1FFF0]  }
0x247: {  	v63 =	vor.u32 v27, v4;
	v15 =	vld.idx.msk [tilespmem:v15+s24+$0x0], $0xffff;
	v56, _, _ =	vpop (xrf2)  }
0x248: {  	v12 =	vld.idx.msk [tilespmem:v12+s24+$0x0], $0xffff;
	(v2sf) =	vpush v56, $0xF  }
0x249: {  	v52 =	vld.idx.msk [tilespmem:v52+s24+$0x0], $0xffff  }
0x24a: {  	v58 =	vor.u32 v28, v4;
	v7 =	vld.idx.msk [tilespmem:v7+s24+$0x0], $0xffff  }
0x24b: {  	v8 =	vadd.f32 v14, v8;
	v14 =	vld.idx.msk [tilespmem:v59+s24+$0x0], $0xffff;
	v55 =	vor.u32 v20, v4  }
0x24c: {  	v6 =	vadd.f32 v10, v6;
	v10 =	vadd.f32 v15, v13;
	v13 =	vld.idx.msk [tilespmem:v63+s24+$0x0], $0xffff;
	v4 =	vor.u32 v31, v4  }
0x24d: {  	v0 =	vadd.f32 v49, v0;
	v53 =	vld.idx.msk [tilespmem:v53+s24+$0x0], $0xffff  }
0x24e: {  	v1 =	vadd.f32 v1, v2;
	v5 =	vadd.f32 v16, v5;
	v54 =	vld.idx.msk [tilespmem:v54+s24+$0x0], $0xffff  }
0x24f: {  	v3 =	vadd.f32 v7, v3;
	v7 =	vadd.f32 v17, v9;
	v9 =	vld.idx.msk [tilespmem:v58+s24+$0x0], $0xffff  }
0x250: {  	v1 =	vadd.f32 v18, v1;
	v8 =	vadd.f32 v19, v8;
	v2 =	vld.idx.msk [tilespmem:v55+s24+$0x0], $0xffff  }
0x251: {  	v6 =	vadd.f32 v50, v6;
	v10 =	vadd.f32 v51, v10;
	v4 =	vld.idx.msk [tilespmem:v4+s24+$0x0], $0xffff  }
0x252: {  	v0 =	vadd.f32 v13, v0;
	v3 =	vadd.f32 v52, v3  }
0x253: {  	v7 =	vadd.f32 v53, v7;
	v5 =	vadd.f32 v54, v5  }
0x254: {  	v3 =	vadd.f32 v12, v3;
	v6 =	vadd.f32 v9, v6  }
0x255: {  	v1 =	vadd.f32 v2, v1;
	v2 =	vadd.f32 v11, v8  }
0x256: {  	v8 =	vadd.f32 v14, v10;
	v4 =	vadd.f32 v4, v7  }
0x257: {  	s6 =	spop (v2sf);
	v3 =	vadd.f32 v3, v6;
	v2 =	vadd.f32 v2, v5  }
0x258: {  	s0 =	sadd.f32 s6, s12;
	v0 =	vadd.f32 v0, v1;
	v1 =	vadd.f32 v4, v8;
	_ =	sdelay $0x1  }
0x259: {  	s0 =	sadd.f32 s0, s11;
	v2 =	vadd.f32 v3, v2;
	v0 =	vadd.f32 v1, v0;
	_ =	sdelay $0x1  }
0x25a: {  	v1 =	vadd.f32 s0, v2;
	v0 =	vadd.f32 s0, v0;
	_ =	sdelay $0x1  }
0x25b: {  	v2 =	vmul.f32 $2.000000030e-01, v1;
	v3 =	vmul.f32 $2.000000030e-01, v0  }
0x25c: {  	vm0 =	vge.f32 v1, $0.0e+00;
	vm1 =	vge.f32 v0, $0.0e+00  }
0x25d: {  	v1 =	vsel vm0, v1, v2;
	v0 =	vsel vm1, v0, v3  }
0x25e: {  	v2 =	vmax.f32 v1, v0  }
0x25f: {  	(xrf0) =	vmax.scan.msk.f32 $0xffff, v2;
	_ =	sdelay $0x5  }
0x260: {  	v2, _, _ =	vpop (xrf0)  }
0x261: {  	v2 =	vbroadcast v2, $0xF;
	_ =	sdelay $0x1  }
0x262: {  	v1 =	vsub.f32 v1, v2  }
0x263: {  	v0 =	vsub.f32 v0, v2  }
0x264: {  	v1 =	vmul.f32 $1.442695020e+00, v1  }
0x265: {  	v0 =	vmul.f32 $1.442695020e+00, v0  }
0x266: {  	(erf) = vpow2.f32 v1  }
0x267: {  	(erf) = vpow2.f32 v0;
	_ =	sdelay $0x7  }
0x268: {  	v0 =	vpop (erf)  }
0x269: {  	v1 =	vpop (erf)  }
0x26a: {  	v2 =	vadd.f32 v1, v0;
	_ =	sdelay $0x1  }
0x26b: {  	(xrf2) =	vadd.scan.msk.f32 $0xffff, v2;
	_ =	sdelay $0x9  }
0x26c: {  	v2, _, _ =	vpop (xrf2)  }
0x26d: {  	v2 =	vbroadcast v2, $0xF;
	_ =	sdelay $0x1  }
0x26e: {  	(erf) = vrcp.f32 v2;
	_ =	sdelay $0x8  }
0x26f: {  	v2 =	vpop (erf)  }
0x270: {  	v0 =	vmul.f32 v2, v0  }
0x271: {  	v1 =	vmul.f32 v2, v1  }
0x272: {  	[tilespmem:s22+$0x18980] =	vst v0  }
0x273: {  	[tilespmem:s22+$0x18990] =	vst v1  }
0x274: {  	v60 =	vld [tilespmem:s18+$0xFFFFFF90]  }
0x275: {  	s10 =	simm.s32 $0x0;
	v61 =	vld [tilespmem:s18+$0xFFFFFFA0]  }
0x276: {  	v0 =	vmov s10;
	v62 =	vld [tilespmem:s18+$0xFFFFFFB0]  }
0x277: {  	v1 =	vand.u32 $0x7C, v0;
	v63 =	vld [tilespmem:s18+$0xFFFFFFC0]  }
0x278: {  	v0 =	vld [tilespmem:s18+$0xFFFFFFD0];
	v2 =	vbroadcast v1, $0x0  }
0x279: {  	s15 =	simm.s32 $0x3;
	v49 =	vshll.u32 v48, $0x7;
	v57 =	vld [tilespmem:s18+$0xFFFFFFE0]  }
0x27a: {  	v4 =	vmov s15;
	v3 =	vld [tilespmem:s18+$0xFFFFFE10];
	v2 =	vor.u32 v49, v2  }
0x27b: {  	s21 =	simm.s32 $0x2;
	v4 =	vand.u32 $0x7F, v4;
	v5 =	vld [tilespmem:s18+$0xFFFFFE20]  }
0x27c: {  	v6 =	vmov s21;
	v4 =	vbroadcast v4, $0x0;
	v9 =	vld [tilespmem:s18+$0xFFFFFE30]  }
0x27d: {  	v8 =	vand.u32 $0x7E, v6;
	v14 =	vld [tilespmem:s18+$0xFFFFFE40]  }
0x27e: {  	s26 =	simm.s32 $0x1;
	v8 =	vbroadcast v8, $0x0;
	v4 =	vor.u32 v49, v4;
	v7 =	vld [tilespmem:s18+$0xFFFFFE50]  }
0x27f: {  	v6 =	vld.idx.msk [tilespmem:v2+s25+$0x0], $0xffff;
	v2 =	vmov s26  }
0x280: {  	v15 =	vor.u32 v49, v8;
	v10 =	vld [tilespmem:s18+$0xFFFFFE60];
	v2 =	vand.u32 $0x7D, v2  }
0x281: {  	v11 =	vld [tilespmem:s18+$0xFFFFFE70];
	v2 =	vbroadcast v2, $0x0  }
0x282: {  	v12 =	vld [tilespmem:s18+$0xFFFFFE80]  }
0x283: {  	v48 =	vld.idx.msk [tilespmem:v4+s25+$0x0], $0xffff;
	v13 =	vor.u32 v49, v2  }
0x284: {  	s1 =	simm.s32 $0x4;
	v59 =	vimm.f32 $0.0e+00;
	v56 =	vimm.f32 $0.0e+00;
	v51 =	vimm.f32 $0.0e+00;
	v8 =	vld [tilespmem:s18+$0xFFFFFF20]  }
0x285: {  	s30 =	smov.u32 s18;
	s31 =	sor.u32 $0x400, s22;
	s2 =	sor.u32 $0x430, s22;
	v50 =	vimm.f32 $0.0e+00;
	v58 =	vimm.f32 $0.0e+00;
	v52 =	vimm.f32 $0.0e+00;
	v55 =	vld.idx.msk [tilespmem:v15+s25+$0x0], $0xffff  }
0x286: {  	v53 =	vimm.f32 $0.0e+00;
	s21 =	sor.u32 $0x440, s22;
	s15 =	sor.u32 $0x420, s22;
	s0 =	sor.u32 $0x460, s22;
	v1 =	vld [tilespmem:s18+$0xFFFFFF10];
	v2 =	vmul.f32 v3, v6;
	v3 =	vmul.f32 v5, v6  }
0x287: {  	v24 =	vmovc v21;
	v25 =	vmovc v22;
	v54 =	vimm.f32 $0.0e+00;
	s10 =	sor.u32 $0x450, s22;
	s26 =	sor.u32 $0x410, s22;
	s22 =	sor.u32 $0x470, s22;
	v4 =	vmul.f32 v9, v6;
	v5 =	vmul.f32 v14, v6;
	v9 =	vld [tilespmem:s18+$0xFFFFFE90]  }
.LBB2_15:
0x288: {  	p0 =	slt.u32 s1, $0x1C;
	v7 =	vmul.f32 v7, v6;
	v10 =	vmul.f32 v10, v6;
	v13 =	vld.idx.msk [tilespmem:v13+s25+$0x0], $0xffff  }
0x289: {  	v11 =	vmul.f32 v11, v6;
	v6 =	vmul.f32 v12, v6;
	v12 =	vld [tilespmem:s30+$0xFFFFFEA0]  }
0x28a: {  	v15 =	vmul.f32 v60, v48;
	v16 =	vmul.f32 v61, v48;
	v14 =	vld [tilespmem:s30+$0xFFFFFEB0]  }
0x28b: {  	v18 =	vmul.f32 v62, v48;
	v19 =	vmul.f32 v63, v48;
	v17 =	vld [tilespmem:s30+$0xFFFFFEC0]  }
0x28c: {  	v20 =	vmul.f32 v0, v48;
	v21 =	vmul.f32 v57, v48;
	v60 =	vld [tilespmem:s30+$0xFFFFFF30]  }
0x28d: {  	v0 =	vmov s1;
	v1 =	vmul.f32 v1, v55;
	v8 =	vmul.f32 v8, v55;
	v57 =	vld [tilespmem:s30+$0xFFFFFF40]  }
0x28e: {  	v22 =	vand.u32 $0x7C, v0;
	v0 =	vmul.f32 v9, v13;
	v9 =	vmul.f32 v12, v13;
	v12 =	vld [tilespmem:s30+$0xFFFFFF50]  }
0x28f: {  	v2 =	vadd.f32 v2, v54;
	v3 =	vadd.f32 v3, v56;
	v14 =	vmul.f32 v14, v13;
	v54 =	vld [tilespmem:s30+$0xFFFFFF60]  }
0x290: {  	v4 =	vadd.f32 v4, v58;
	v5 =	vadd.f32 v5, v59;
	v17 =	vmul.f32 v17, v13;
	v56 =	vld [tilespmem:s30+$0xFFFFFED0]  }
0x291: {  	v0 =	vadd.f32 v0, v2;
	v2 =	vadd.f32 v9, v3;
	v3 =	vld [tilespmem:s30+$0xFFFFFEE0];
	v9 =	vmul.f32 v60, v55  }
0x292: {  	v4 =	vadd.f32 v14, v4;
	v5 =	vadd.f32 v17, v5;
	v14 =	vld [tilespmem:s30+$0xFFFFFEF0];
	v17 =	vmul.f32 v57, v55  }
0x293: {  	v0 =	vadd.f32 v1, v0;
	v1 =	vadd.f32 v8, v2;
	v57 =	vld [tilespmem:s30+$0xFFFFFF00];
	v2 =	vmul.f32 v12, v55  }
0x294: {  	v4 =	vadd.f32 v9, v4;
	v5 =	vadd.f32 v17, v5;
	v8 =	vmul.f32 v54, v55;
	v9 =	vld [tilespmem:s30+$0xFFFFFF70]  }
0x295: {  	v54 =	vadd.f32 v15, v0;
	v12 =	vmul.f32 v56, v13;
	v17 =	vld [tilespmem:s30+$0xFFFFFF80];
	v56 =	vadd.f32 v16, v1  }
0x296: {  	v58 =	vadd.f32 v18, v4;
	v0 =	vmul.f32 v3, v13;
	v59 =	vadd.f32 v19, v5;
	v1 =	vld [tilespmem:s30+$0xFFFFFFF0]  }
0x297: {  	v4 =	vadd.f32 v10, v53;
	v3 =	vadd.f32 v7, v52;
	v5 =	vmul.f32 v14, v13;
	v7 =	vld [tilespmem:s30+$0x0];
	s30 =	sadd.s32 $0x200, s30  }
0x298: {  	v6 =	vadd.f32 v6, v50;
	v10 =	vadd.f32 v11, v51;
	v60 =	vld [tilespmem:s30+$0xFFFFFF90];
	v11 =	vmul.f32 v57, v13  }
0x299: {  	v3 =	vadd.f32 v12, v3;
	v0 =	vadd.f32 v0, v4;
	v61 =	vld [tilespmem:s30+$0xFFFFFFA0];
	v4 =	vmul.f32 v9, v55  }
0x29a: {  	v5 =	vadd.f32 v5, v10;
	v62 =	vld [tilespmem:s30+$0xFFFFFFB0];
	v6 =	vadd.f32 v11, v6;
	v9 =	vmul.f32 v17, v55  }
0x29b: {  	v2 =	vadd.f32 v2, v3;
	v3 =	vadd.f32 v8, v0;
	v63 =	vld [tilespmem:s30+$0xFFFFFFC0];
	v8 =	vmul.f32 v1, v48  }
0x29c: {  	v4 =	vadd.f32 v4, v5;
	v0 =	vld [tilespmem:s30+$0xFFFFFFD0];
	v5 =	vadd.f32 v9, v6;
	v6 =	vmul.f32 v7, v48  }
0x29d: {  	v7 =	vbroadcast v22, $0x0;
	v52 =	vadd.f32 v20, v2;
	v53 =	vadd.f32 v21, v3;
	v57 =	vld [tilespmem:s30+$0xFFFFFFE0]  }
0x29e: {  	s3 =	sadd.s32 $0x3, s1;
	v51 =	vadd.f32 v8, v4;
	v1 =	vld [tilespmem:s30+$0xFFFFFF10];
	v50 =	vadd.f32 v6, v5  }
0x29f: {  	v4 =	vmov s3;
	v2 =	vor.u32 v49, v7;
	v3 =	vld [tilespmem:s30+$0xFFFFFE10]  }
0x2a0: {  	v4 =	vand.u32 $0x7F, v4;
	v5 =	vld [tilespmem:s30+$0xFFFFFE20]  }
0x2a1: {  	s3 =	sadd.s32 $0x2, s1;
	v4 =	vbroadcast v4, $0x0;
	v14 =	vld [tilespmem:s30+$0xFFFFFE30]  }
0x2a2: {  	s6 =	sadd.s32 $0x1, s1;
	v6 =	vmov s3;
	v15 =	vld [tilespmem:s30+$0xFFFFFE40]  }
0x2a3: {  	v8 =	vmov s6;
	v9 =	vand.u32 $0x7E, v6;
	v4 =	vor.u32 v49, v4;
	v7 =	vld [tilespmem:s30+$0xFFFFFE50]  }
0x2a4: {  	v6 =	vld.idx.msk [tilespmem:v2+s25+$0x0], $0xffff;
	v2 =	vand.u32 $0x7D, v8;
	v8 =	vbroadcast v9, $0x0  }
0x2a5: {  	v10 =	vld [tilespmem:s30+$0xFFFFFE60];
	v2 =	vbroadcast v2, $0x0  }
0x2a6: {  	v11 =	vld [tilespmem:s30+$0xFFFFFE70];
	v16 =	vor.u32 v49, v8  }
.Ltmp10:
0x2a7: {  	v12 =	vld [tilespmem:s30+$0xFFFFFE80];
	v13 =	vor.u32 v49, v2;
	(pc) =	sbr.rel @p0 .LBB2_15-.Ltmp10, $4  }
0x2a8: {  	v48 =	vld.idx.msk [tilespmem:v4+s25+$0x0], $0xffff  }
0x2a9: {  	v8 =	vld [tilespmem:s30+$0xFFFFFF20]  }
0x2aa: {  	v2 =	vmul.f32 v3, v6;
	v3 =	vmul.f32 v5, v6;
	v9 =	vld [tilespmem:s30+$0xFFFFFE90]  }
0x2ab: {  	s1 =	sadd.s32 $0x4, s1;
	v4 =	vmul.f32 v14, v6;
	v5 =	vmul.f32 v15, v6;
	v55 =	vld.idx.msk [tilespmem:v16+s25+$0x0], $0xffff  }
0x2ac: {  	_ =	sdelay $0x3  }
0x2ad: {  	v13 =	vld.idx.msk [tilespmem:v13+s25+$0x0], $0xffff  }
0x2ae: {  	v7 =	vmul.f32 v7, v6;
	v10 =	vmul.f32 v10, v6;
	v14 =	vld [tilespmem:s30+$0xFFFFFEA0]  }
0x2af: {  	v11 =	vmul.f32 v11, v6;
	v6 =	vmul.f32 v12, v6;
	v49 =	vld [tilespmem:s30+$0xFFFFFEB0]  }
0x2b0: {  	v17 =	vld [tilespmem:s30+$0xFFFFFEC0];
	v2 =	vadd.f32 v2, v54;
	v15 =	vmul.f32 v60, v48;
	v16 =	vmul.f32 v61, v48  }
0x2b1: {  	v20 =	vld [tilespmem:s30+$0xFFFFFF30];
	v3 =	vadd.f32 v3, v56;
	v18 =	vmul.f32 v62, v48;
	v19 =	vmul.f32 v63, v48  }
0x2b2: {  	v21 =	vld [tilespmem:s30+$0xFFFFFF40];
	v0 =	vmul.f32 v0, v48;
	v4 =	vadd.f32 v4, v58;
	v5 =	vadd.f32 v5, v59  }
0x2b3: {  	v22 =	vld [tilespmem:s30+$0xFFFFFF50];
	v7 =	vadd.f32 v7, v52;
	v10 =	vadd.f32 v10, v53;
	v1 =	vmul.f32 v1, v55  }
0x2b4: {  	v54 =	vld [tilespmem:s30+$0xFFFFFED0];
	v11 =	vadd.f32 v11, v51;
	v8 =	vmul.f32 v8, v55;
	v9 =	vmul.f32 v9, v13  }
0x2b5: {  	v6 =	vadd.f32 v6, v50;
	v14 =	vmul.f32 v14, v13;
	v12 =	vmul.f32 v49, v13;
	v49 =	vld [tilespmem:s30+$0xFFFFFF60]  }
0x2b6: {  	v56 =	vld [tilespmem:s30+$0xFFFFFEE0];
	v17 =	vmul.f32 v17, v13;
	v63 =	vmul.f32 v20, v55;
	v2 =	vadd.f32 v9, v2  }
0x2b7: {  	v58 =	vmul.f32 v21, v55;
	v20 =	vld [tilespmem:s30+$0xFFFFFEF0];
	v3 =	vadd.f32 v14, v3;
	v4 =	vadd.f32 v12, v4  }
0x2b8: {  	v60 =	vld [tilespmem:s30+$0xFFFFFF00];
	v61 =	vmul.f32 v22, v55;
	v5 =	vadd.f32 v17, v5;
	v1 =	vadd.f32 v1, v2  }
0x2b9: {  	v17 =	vmul.f32 v57, v48;
	v59 =	vadd.f32 v8, v3;
	v4 =	vadd.f32 v63, v4;
	v63 =	vld [tilespmem:s30+$0xFFFFFF70]  }
0x2ba: {  	v5 =	vadd.f32 v58, v5;
	v62 =	vmul.f32 v49, v55;
	v49 =	vmul.f32 v54, v13;
	v54 =	vld [tilespmem:s30+$0xFFFFFF80]  }
0x2bb: {  	v14 =	vmul.f32 v56, v13;
	v1 =	vadd.f32 v15, v1;
	v4 =	vadd.f32 v18, v4;
	v18 =	vld [tilespmem:s30+$0xFFFFFFF0]  }
0x2bc: {  	v5 =	vadd.f32 v19, v5;
	v19 =	vmul.f32 v20, v13;
	v20 =	vld [tilespmem:s30+$0x0];
	v7 =	vadd.f32 v49, v7  }
0x2bd: {  	v3 =	vmul.f32 v60, v13;
	v10 =	vadd.f32 v14, v10;
	v2 =	vadd.f32 v16, v59  }
0x2be: {  	v11 =	vadd.f32 v19, v11;
	[tilespmem:s31+$0x18D80] =	vst v1;
	v12 =	vmul.f32 v63, v55;
	v7 =	vadd.f32 v61, v7  }
0x2bf: {  	s19 =	sadd.s32 $0x1, s19;
	v56 =	vadd.f32 v3, v6;
	v58 =	vadd.f32 v62, v10;
	[tilespmem:s26+$0x18D80] =	vst v2;
	v57 =	vmul.f32 v54, v55  }
0x2c0: {  	p0 =	sne.s32 s19, $0x8;
	[tilespmem:s15+$0x18D80] =	vst v4;
	v59 =	vmul.f32 v18, v48;
	v60 =	vadd.f32 v12, v11;
	v0 =	vadd.f32 v0, v7  }
.Ltmp11:
0x2c1: {  	v62 =	vadd.f32 v17, v58;
	v61 =	vmul.f32 v20, v48;
	[tilespmem:s2+$0x18D80] =	vst v5;
	v1 =	vadd.f32 v57, v56;
	(pc) =	sbr.rel @p0 .LBB2_12-.Ltmp11, $4  }
0x2c2: {  	v2 =	vadd.f32 v59, v60;
	[tilespmem:s21+$0x18D80] =	vst v0  }
0x2c3: {  	v63 =	vadd.f32 v61, v1;
	[tilespmem:s10+$0x18D80] =	vst v62  }
0x2c4: {  	[tilespmem:s0+$0x18D80] =	vst v2  }
0x2c5: {  	s17 =	sadd.s32 $0x4000, s17;
	s18 =	sadd.s32 $0x1000, s18;
	v21 =	vmov v24;
	v22 =	vmov v25;
	v20 =	vmov v23;
	[tilespmem:s22+$0x18D80] =	vst v63  }
0x2c6: {  	s0 =	sadd.s32 $0x3, s14  }
0x2c7: {  	p0 =	sge.u32 s0, s9  }
0x2c8: {  	s0 =	sshll.u32 @!p0 s0, $0x3  }
0x2c9: {  	s0 =	sadd.s32 @!p0 s4, s0  }
0x2ca: {  	p1 =	slt.s32 @!p0 s0, s16  }
0x2cb: {  	p1 =	por !p1, p0  }
0x2cc: {  	s0 =	smov.u32 @p1 s16  }
0x2cd: {  	s1 =	sshll.u32 @!p0 s0, $0x9  }
0x2ce: {  	s2 =	rddreg [dreg:$0x0];
	s1 =	sand.u32 @!p0 $0x1FFFFE00, s1  }
0x2cf: {  	s3 =	simm.s32 @!p0 $0x8180;
	s1 =	sadd.s32 @!p0 s2, s1;
	s2 =	simm.s32 @!p0 $0x0  }
0x2d0: {  	[tilespmem:s3], [sflag:$0x2] =	stream.linear.gather @!p0 [hbm4b:s1+s2], $0x2000, $0x38;
	[tilespmem:$0x19580] =	vst v63  }
0x2d1: {  	s6 =	simm.s32 @!p0 $0xA180;
	s3 =	sadd.s32 @!p0 $0x400, s1  }
0x2d2: {  	[tilespmem:s6], [sflag:$0x2] =	stream.linear.gather @!p0 [hbm4b:s3+s2], $0x2000, $0x38;
	[tilespmem:$0x19580] =	vst v63  }
0x2d3: {  	s3 =	sadd.s32 @!p0 $0x800, s1;
	s6 =	simm.s32 @!p0 $0xC180  }
0x2d4: {  	[tilespmem:s6], [sflag:$0x2] =	stream.linear.gather @!p0 [hbm4b:s3+s2], $0x2000, $0x38;
	[tilespmem:$0x19580] =	vst v63  }
0x2d5: {  	s0 =	sshll.u32 @!p0 s0, $0x4;
	s1 =	sadd.s32 @!p0 $0xC00, s1;
	s3 =	simm.s32 @!p0 $0xE180  }
0x2d6: {  	[tilespmem:s3], [sflag:$0x2] =	stream.linear.gather @!p0 [hbm4b:s1+s2], $0x2000, $0x38;
	[tilespmem:$0x19580] =	vst v63  }
0x2d7: {  	s26 =	sshll.u32 s8, $0x4;
	s0 =	sand.u32 @!p0 $0x1FFFFFF0, s0;
	s1 =	rddreg [dreg:$0x1]  }
.Ltmp12:
0x2d8: {  	s0 =	sadd.s32 @!p0 s1, s0;
	s1 =	simm.s32 @!p0 $0x10580;
	(pc) =	sbr.rel .LBB2_18-.Ltmp12, $4  }
0x2d9: {  	[tilespmem:s1], [sflag:$0x4] =	stream.linear.gather @!p0 [hbm4b:s0+s2], $0x400, $0x38;
	[tilespmem:$0x19580] =	vst v63  }
0x2da: {  	s30 =	rddreg [dreg:$0x3];
	s0 =	sand.u32 $0x1FFFFFF0, s26  }
0x2db: {  	s31 =	simm.s32 $0x19180;
	s0 =	sadd.s32 s30, s0  }
0x2dc: {  	[hbm4b:s0+s7] =	stream.linear.scatter [tilespmem:s31], [sflag:$0x6], $0x400, $0x38;
	[tilespmem:$0x19580] =	vst v63  }
.LBB2_20:
0x2dd: {  	_ =	sfence.sel $0x180000  }
0x2de: {  	[bflag:$0x0] =	sbarrier.arrive $0xFFFF  }
0x2df: {  	_ =	strace $0x90000047  }
0x2e0: {  	s0 =	stileid.u32;
	[bflag:$0x2] =	sbarrier.arrive $0xFFFF  }
0x2e1: {  	p0 =	sne.s32 s0, $0x0;
	s0 =	rddreg [dreg:$0x4]  }
0x2e2: {  	s0 =	sadd.s32 @!p0 $0x100000, s0  }
0x2e3: {  	[sflag:s0] =	ssyncadd.tile.s32 @!p0 $0x1;
	_ =	shalt  }
.Lfunc_end2:
_tile_overlayer_lowered:
.L_overlay_start_2:
0x2e4: {  	(tag) =	ssettag $0x2  }
0x2e5: {  	s0 =	rddreg [dreg:$0x0];
	s2 =	stileid.u32  }
0x2e6: {  	s1 =	rddreg [dreg:$0x1];
	p0 =	sne.s32 s2, $0x0  }
0x2e7: {  	s3 =	rddreg [dreg:$0x2];
	[bflag:$0x3] =	sbarrier.arrive $0xFFFF;
	s2 =	simm.s32 @!p0 $0x1C07  }
0x2e8: {  	[timem:s3], [sflag:s2] =	dma.local @!p0 [hbm:s0], s1  }
0x2e9: {  	s0 =	simm.s32 @!p0 $0x7  }
0x2ea: {  	_ =	swait.ge @!p0 [sflag:s0], s1  }
0x2eb: {  	s1 =	ssub.s32 @!p0 $0x0, s1;
	[sflag:s0] =	ssyncset.done @!p0 $0x0  }
0x2ec: {  	[sflag:s0] =	ssyncadd.s32 @!p0 s1  }
0x2ed: {  	[bflag:$0x3] =	sbarrier.arrive $0xFFFF  }
0x2ee: {  	_ =	shalt  }

</sc_bundles>
